<compile_context>
chip_gen: v7x
topology: tpu7x:2x2x1
jax: 0.10.2.dev20260603
libtpu: 0.0.44.dev20260713+nightly
codegen_flags: <defaults>
</compile_context>

<pallas_src>
import functools

import jax
import jax.numpy as jnp
from jax import lax
from jax.experimental import pallas as pl
from jax.experimental.pallas import tpu as pltpu
from jax.experimental.pallas import tpu_sc as plsc

_GRID = 128
_NSH = 9
_N = 1048576

_NC = 2
_NS = 16
_NW = _NC * _NS
_PW = _N // _NW
_C = 256
_G = _PW // _C
_TOTAL_CHUNKS = _N // _C
_SLICE = 128
_NSLICE = (_C * 8) // _SLICE

_SH0 = 0.28209479177387814
_SH1 = 0.4886025119029199
_SH4 = 1.0925484305920792
_SH6 = 0.31539156525252005
_SH8 = 0.5462742152960396

_CORNER_OFF = [dx * _GRID * _GRID + dy * _GRID + dz
               for dx in (0, 1) for dy in (0, 1) for dz in (0, 1)]


def _sc_body(table, inp, par, out, par_v, in_v, out_v,
             aux0, aux1, idx0, idx1, rows0, rows1, sem0, sem1):
    wid = lax.axis_index("s") * _NC + lax.axis_index("c")
    pltpu.sync_copy(par, par_v)

    iota = lax.iota(jnp.int32, 16)
    kvecs = [jnp.full((16,), k, jnp.int32) for k in range(_NSH)]
    scale = [par_v[pl.ds(d * 16, 16)] for d in range(3)]
    shift = [par_v[pl.ds((3 + d) * 16, 16)] for d in range(3)]

    def load_in(g):
        pltpu.sync_copy(inp.at[pl.ds((wid * _G + g) * 6 * _C, 6 * _C)], in_v)

    def pass1(aux, idx):
        def grp(i, carry):
            s16 = pl.ds(i * 16, 16)
            p = [in_v[pl.ds(d * _C + i * 16, 16)] for d in range(3)]
            nx, ny, nz = (in_v[pl.ds((3 + d) * _C + i * 16, 16)]
                          for d in range(3))
            ii = []
            for d in range(3):
                pos = jnp.clip(p[d] * scale[d] + shift[d], 0.0, float(_GRID - 1))
                i0 = jnp.minimum(pos.astype(jnp.int32), _GRID - 2)
                aux[d, s16] = pos - i0.astype(jnp.float32)
                ii.append(i0)
            base = (ii[0] * _GRID + ii[1]) * _GRID + ii[2]
            aux[3, s16] = -_SH1 * ny
            aux[4, s16] = _SH1 * nz
            aux[5, s16] = -_SH1 * nx
            aux[6, s16] = _SH4 * (nx * ny)
            aux[7, s16] = -_SH4 * (ny * nz)
            aux[8, s16] = _SH6 * (2.0 * nz * nz - nx * nx - ny * ny)
            aux[9, s16] = -_SH4 * (nx * nz)
            aux[10, s16] = _SH8 * (nx * nx - ny * ny)
            ibase = i * 16
            for c in range(8):
                idx[pl.ds(c * _C + ibase, 16)] = base + _CORNER_OFF[c]
            return carry
        lax.fori_loop(0, _C // 16, grp, 0)

    def fire(idx, rows, sem):
        for j in range(_NSLICE):
            pltpu.async_copy(table.at[idx.at[pl.ds(j * _SLICE, _SLICE)]],
                             rows.at[pl.ds(j * _SLICE, _SLICE)], sem)

    def drain(idx, rows, sem):
        for j in range(_NSLICE):
            pltpu.make_async_copy(table.at[idx.at[pl.ds(j * _SLICE, _SLICE)]],
                                  rows.at[pl.ds(j * _SLICE, _SLICE)], sem).wait()

    def pass2(aux, rows, g):
        def grp(i, carry):
            s16 = pl.ds(i * 16, 16)
            fx, fy, fz = aux[0, s16], aux[1, s16], aux[2, s16]
            wx = [1.0 - fx, fx]
            wy = [1.0 - fy, fy]
            wz = [1.0 - fz, fz]
            sh = [None] + [aux[3 + j, s16] for j in range(8)]
            ibase = i * 16
            acc = None
            for c in range(8):
                dx, dy, dz = c >> 2, (c >> 1) & 1, c & 1
                d0 = iota + (c * _C + ibase)
                dot = _SH0 * plsc.load_gather(rows, [d0, kvecs[0]])
                for k in range(1, _NSH):
                    dot = dot + sh[k] * plsc.load_gather(rows, [d0, kvecs[k]])
                w = wx[dx] * wy[dy] * wz[dz]
                acc = w * dot if acc is None else acc + w * dot
            out_v[s16] = jnp.maximum(acc, 0.0)
            return carry
        lax.fori_loop(0, _C // 16, grp, 0)
        pltpu.sync_copy(out_v, out.at[pl.ds(wid * _PW + g * _C, _C)])

    load_in(0)
    pass1(aux0, idx0)
    fire(idx0, rows0, sem0)

    def outer(t, carry):
        g = t * 2
        load_in(g + 1)
        pass1(aux1, idx1)
        fire(idx1, rows1, sem1)
        drain(idx0, rows0, sem0)
        pass2(aux0, rows0, g)

        @pl.when(g + 2 < _G)
        def _():
            load_in(g + 2)
            pass1(aux0, idx0)
            fire(idx0, rows0, sem0)
        drain(idx1, rows1, sem1)
        pass2(aux1, rows1, g + 1)
        return carry

    lax.fori_loop(0, _G // 2, outer, 0)


@functools.partial(jax.jit, static_argnums=())
def _sc_call(table, inp, par):
    mesh = plsc.VectorSubcoreMesh(core_axis_name="c", subcore_axis_name="s",
                                  num_cores=_NC, num_subcores=_NS)
    f = pl.kernel(
        _sc_body,
        out_type=jax.ShapeDtypeStruct((_N,), jnp.float32),
        mesh=mesh,
        compiler_params=pltpu.CompilerParams(needs_layout_passes=False,
                                             use_tc_tiling_on_sc=False),
        scratch_types=[
            pltpu.VMEM((96,), jnp.float32),
            pltpu.VMEM((6 * _C,), jnp.float32),
            pltpu.VMEM((_C,), jnp.float32),
            pltpu.VMEM((11, _C), jnp.float32),
            pltpu.VMEM((11, _C), jnp.float32),
            pltpu.VMEM((_C * 8,), jnp.int32),
            pltpu.VMEM((_C * 8,), jnp.int32),
            pltpu.VMEM((_C * 8, _NSH), jnp.float32),
            pltpu.VMEM((_C * 8, _NSH), jnp.float32),
            pltpu.SemaphoreType.DMA,
            pltpu.SemaphoreType.DMA,
        ],
    )
    return f(table, inp, par)


def kernel(points, normals, coefficients, aabb):
    table = coefficients.reshape(_GRID * _GRID * _GRID, _NSH)
    cols = [points[:, d].reshape(_TOTAL_CHUNKS, _C) for d in range(3)]
    cols += [normals[:, d].reshape(_TOTAL_CHUNKS, _C) for d in range(3)]
    inp = jnp.stack(cols, axis=1).reshape(-1)
    scale = (_GRID - 1) / (aabb[3:] - aabb[:3])
    shift = -aabb[:3] * scale
    par = jnp.broadcast_to(jnp.concatenate([scale, shift])[:, None], (6, 16))
    par = par.astype(jnp.float32).reshape(-1)
    out = _sc_call(table, inp, par)
    return out.reshape(_N, 1)

# --- scband reference (transcript-rebuilt; emitter-appended) ---
"""Pipeline reference for scband-irradiance-volumes-16149077033154 (READ-ONLY COPY).

The authoritative reference and input builder live on the scoring server;
editing this copy changes nothing except your own understanding.
"""

import jax, jax.numpy as jnp
import numpy as np

GRID_RES = 128
DEGREE = 3
CHANNEL = 1
N_POINTS = 1048576


def components_from_spherical_harmonics(degree, directions):
    x = directions[..., 0]
    y = directions[..., 1]
    z = directions[..., 2]
    xx = x * x
    yy = y * y
    zz = z * z
    xy = x * y
    yz = y * z
    xz = x * z
    comps = [jnp.full(directions.shape[:-1], 0.28209479177387814, dtype=directions.dtype)]
    if degree > 1:
        comps.append(-0.4886025119029199 * y)
        comps.append(0.4886025119029199 * z)
        comps.append(-0.4886025119029199 * x)
    if degree > 2:
        comps.append(1.0925484305920792 * xy)
        comps.append(-1.0925484305920792 * yz)
        comps.append(0.31539156525252005 * (2.0 * zz - xx - yy))
        comps.append(-1.0925484305920792 * xz)
        comps.append(0.5462742152960396 * (xx - yy))
    if degree > 3:
        comps.append(-0.5900435899266435 * y * (3 * xx - yy))
        comps.append(2.890611442640554 * xy * z)
        comps.append(-0.4570457994644658 * y * (4 * zz - xx - yy))
        comps.append(0.3731763325901154 * z * (2 * zz - 3 * xx - 3 * yy))
        comps.append(-0.4570457994644658 * x * (4 * zz - xx - yy))
        comps.append(1.445305721320277 * z * (xx - yy))
        comps.append(-0.5900435899266435 * x * (xx - 3 * yy))
    return jnp.stack(comps, axis=-1)


def trilinear_interpolate_coefficients(coefficients, aabb, points):
    # coefficients: [res, res, res, n_sh, channel]; points: [N, 3]
    res = coefficients.shape[0]
    aabb_min = aabb[:3]
    aabb_max = aabb[3:]
    pos = (points - aabb_min) / (aabb_max - aabb_min) * (res - 1)
    pos = jnp.clip(pos, 0.0, float(res - 1))
    i0 = jnp.floor(pos).astype(jnp.int32)
    i0 = jnp.clip(i0, 0, res - 2)
    frac = pos - i0.astype(pos.dtype)
    i1 = i0 + 1
    x0, y0, z0 = i0[:, 0], i0[:, 1], i0[:, 2]
    x1, y1, z1 = i1[:, 0], i1[:, 1], i1[:, 2]
    fx = frac[:, 0][:, None, None]
    fy = frac[:, 1][:, None, None]
    fz = frac[:, 2][:, None, None]
    c000 = coefficients[x0, y0, z0]
    c001 = coefficients[x0, y0, z1]
    c010 = coefficients[x0, y1, z0]
    c011 = coefficients[x0, y1, z1]
    c100 = coefficients[x1, y0, z0]
    c101 = coefficients[x1, y0, z1]
    c110 = coefficients[x1, y1, z0]
    c111 = coefficients[x1, y1, z1]
    c00 = c000 * (1.0 - fz) + c001 * fz
    c01 = c010 * (1.0 - fz) + c011 * fz
    c10 = c100 * (1.0 - fz) + c101 * fz
    c11 = c110 * (1.0 - fz) + c111 * fz
    c0 = c00 * (1.0 - fy) + c01 * fy
    c1 = c10 * (1.0 - fy) + c11 * fy
    return c0 * (1.0 - fx) + c1 * fx  # [N, n_sh, channel]


def setup_inputs(seed: int = 0):
    key = jax.random.key(seed)
    k1, k2, k3 = jax.random.split(key, 3)
    points = jax.random.uniform(k1, (N_POINTS, 3), dtype=jnp.float32)  # inside aabb [-1,1]^3
    normals = jax.random.normal(k2, (N_POINTS, 3), dtype=jnp.float32)
    coefficients = jax.random.normal(k3, (GRID_RES, GRID_RES, GRID_RES, DEGREE ** 2, CHANNEL), dtype=jnp.float32) * 0.1
    aabb = jnp.array([-1.0, -1.0, -1.0, 1.0, 1.0, 1.0], dtype=jnp.float32)
    return {"points": points, "normals": normals, "coefficients": coefficients, "aabb": aabb}


def reference(points, normals, coefficients, aabb):
    components = components_from_spherical_harmonics(DEGREE, normals)  # [N, 9]
    irradiance_coefficients = trilinear_interpolate_coefficients(coefficients, aabb, points)  # [N, 9, 1]
    irradiance_map = jnp.sum(irradiance_coefficients * components[..., None], axis=1)  # [N, 1]
    irradiance_map = jnp.maximum(irradiance_map, 0.0)
    return irradiance_map

if __name__ == "__main__":
    import jax
    _d = setup_inputs()
    print(jax.jit(kernel)(*tuple(_d.values())))

</pallas_src>

<mosaic_0001>
#map = affine_map<(d0, d1) -> (0, 0)>
#map1 = affine_map<(d0, d1) -> (0)>
module attributes {stable_mosaic.version = 14 : i64} {
  func.func @_sc_body(%arg0: i32, %arg1: i32, %arg2: memref<2097152x9xf32, #tpu.memory_space<hbm>>, %arg3: memref<6291456xf32, #tpu.memory_space<hbm>>, %arg4: memref<96xf32, #tpu.memory_space<hbm>>, %arg5: memref<1048576xf32, #tpu.memory_space<hbm>>, %arg6: memref<96xf32, #tpu.memory_space<vmem>>, %arg7: memref<1536xf32, #tpu.memory_space<vmem>>, %arg8: memref<256xf32, #tpu.memory_space<vmem>>, %arg9: memref<11x256xf32, #tpu.memory_space<vmem>>, %arg10: memref<11x256xf32, #tpu.memory_space<vmem>>, %arg11: memref<2048xi32, #tpu.memory_space<vmem>>, %arg12: memref<2048xi32, #tpu.memory_space<vmem>>, %arg13: memref<2048x9xf32, #tpu.memory_space<vmem>>, %arg14: memref<2048x9xf32, #tpu.memory_space<vmem>>, %arg15: memref<!tpu.dma_semaphore, #tpu.memory_space<semaphore_mem>>, %arg16: memref<!tpu.dma_semaphore, #tpu.memory_space<semaphore_mem>>) attributes {dimension_semantics = [#tpu.dimension_semantics<core_parallel>, #tpu.dimension_semantics<subcore_parallel>], iteration_bounds = array<i64: 2, 16>, scalar_prefetch = 0 : i64, scratch_operands = 11 : i64, tpu.core_type = #tpu.core_type<sc_vector_subcore>, window_params = [{transform_indices = #map}, {transform_indices = #map1}, {transform_indices = #map1}, {transform_indices = #map1}]} {
    %mul3A = arith.constant 2 : i32
    %mul3A_0 = arith.muli %arg1, %mul3A : i32
    %add3A = arith.addi %mul3A_0, %arg0 : i32
    "tpu.region"() ({
      %run_scoped3A = tpu.sem_alloc : memref<!tpu.dma_semaphore, #tpu.memory_space<semaphore_mem>>
      tpu.enqueue_dma source(%arg4 : memref<96xf32, #tpu.memory_space<hbm>>) target(%arg6 : memref<96xf32, #tpu.memory_space<vmem>>) target_semaphore(%run_scoped3A : memref<!tpu.dma_semaphore, #tpu.memory_space<semaphore_mem>>)
      tpu.wait_dma2 semaphore(%run_scoped3A : memref<!tpu.dma_semaphore, #tpu.memory_space<semaphore_mem>>) src(%arg4 : memref<96xf32, #tpu.memory_space<hbm>>) dst(%arg6 : memref<96xf32, #tpu.memory_space<vmem>>)
      tpu.yield
    }) : () -> ()
    %iota3A = tpu.iota {dimensions = array<i32: 0>} : vector<16xi32>
    %broadcast_in_dim3A = arith.constant 0 : i32
    %broadcast_in_dim3A_1 = vector.broadcast %broadcast_in_dim3A : i32 to vector<16xi32>
    %broadcast_in_dim3A_2 = arith.constant 1 : i32
    %broadcast_in_dim3A_3 = vector.broadcast %broadcast_in_dim3A_2 : i32 to vector<16xi32>
    %broadcast_in_dim3A_4 = arith.constant 2 : i32
    %broadcast_in_dim3A_5 = vector.broadcast %broadcast_in_dim3A_4 : i32 to vector<16xi32>
    %broadcast_in_dim3A_6 = arith.constant 3 : i32
    %broadcast_in_dim3A_7 = vector.broadcast %broadcast_in_dim3A_6 : i32 to vector<16xi32>
    %broadcast_in_dim3A_8 = arith.constant 4 : i32
    %broadcast_in_dim3A_9 = vector.broadcast %broadcast_in_dim3A_8 : i32 to vector<16xi32>
    %broadcast_in_dim3A_10 = arith.constant 5 : i32
    %broadcast_in_dim3A_11 = vector.broadcast %broadcast_in_dim3A_10 : i32 to vector<16xi32>
    %broadcast_in_dim3A_12 = arith.constant 6 : i32
    %broadcast_in_dim3A_13 = vector.broadcast %broadcast_in_dim3A_12 : i32 to vector<16xi32>
    %broadcast_in_dim3A_14 = arith.constant 7 : i32
    %broadcast_in_dim3A_15 = vector.broadcast %broadcast_in_dim3A_14 : i32 to vector<16xi32>
    %broadcast_in_dim3A_16 = arith.constant 8 : i32
    %broadcast_in_dim3A_17 = vector.broadcast %broadcast_in_dim3A_16 : i32 to vector<16xi32>
    %get3A = arith.constant 0 : index
    %get3A_18 = tpu.vector_load %arg6[%get3A] {strides = array<i32>} : memref<96xf32, #tpu.memory_space<vmem>>, vector<16xf32>,
    %get3A_19 = arith.constant 16 : index
    %get3A_20 = tpu.vector_load %arg6[%get3A_19] {strides = array<i32>} : memref<96xf32, #tpu.memory_space<vmem>>, vector<16xf32>,
    %get3A_21 = arith.constant 32 : index
    %get3A_22 = tpu.vector_load %arg6[%get3A_21] {strides = array<i32>} : memref<96xf32, #tpu.memory_space<vmem>>, vector<16xf32>,
    %get3A_23 = arith.constant 48 : index
    %get3A_24 = tpu.vector_load %arg6[%get3A_23] {strides = array<i32>} : memref<96xf32, #tpu.memory_space<vmem>>, vector<16xf32>,
    %get3A_25 = arith.constant 64 : index
    %get3A_26 = tpu.vector_load %arg6[%get3A_25] {strides = array<i32>} : memref<96xf32, #tpu.memory_space<vmem>>, vector<16xf32>,
    %get3A_27 = arith.constant 80 : index
    %get3A_28 = tpu.vector_load %arg6[%get3A_27] {strides = array<i32>} : memref<96xf32, #tpu.memory_space<vmem>>, vector<16xf32>,
    %mul3A_29 = arith.constant 128 : i32
    %mul3A_30 = arith.muli %add3A, %mul3A_29 : i32
    %add3A_31 = arith.constant 0 : i32
    %add3A_32 = arith.addi %mul3A_30, %add3A_31 : i32
    %mul3A_33 = arith.constant 6 : i32
    %mul3A_34 = arith.muli %add3A_32, %mul3A_33 : i32
    %mul3A_35 = arith.constant 256 : i32
    %mul3A_36 = arith.muli %mul3A_34, %mul3A_35 : i32
    "tpu.region"() ({
      %run_scoped3A = tpu.sem_alloc : memref<!tpu.dma_semaphore, #tpu.memory_space<semaphore_mem>>
      %dma_start3A_175 = tpu.memref_slice %arg3[%mul3A_36] : memref<6291456xf32, #tpu.memory_space<hbm>> -> memref<1536xf32, #tpu.memory_space<hbm>>
      %dma_start3A_176 = tpu.memref_slice %arg3[%mul3A_36] : memref<6291456xf32, #tpu.memory_space<hbm>> -> memref<1536xf32, #tpu.memory_space<hbm>>
      tpu.enqueue_dma source(%dma_start3A_176 : memref<1536xf32, #tpu.memory_space<hbm>>) target(%arg7 : memref<1536xf32, #tpu.memory_space<vmem>>) target_semaphore(%run_scoped3A : memref<!tpu.dma_semaphore, #tpu.memory_space<semaphore_mem>>)
      %dma_wait3A = tpu.memref_slice %arg3[%mul3A_36] : memref<6291456xf32, #tpu.memory_space<hbm>> -> memref<1536xf32, #tpu.memory_space<hbm>>
      %dma_wait3A_177 = tpu.memref_slice %arg3[%mul3A_36] : memref<6291456xf32, #tpu.memory_space<hbm>> -> memref<1536xf32, #tpu.memory_space<hbm>>
      tpu.wait_dma2 semaphore(%run_scoped3A : memref<!tpu.dma_semaphore, #tpu.memory_space<semaphore_mem>>) src(%dma_wait3A_177 : memref<1536xf32, #tpu.memory_space<hbm>>) dst(%arg7 : memref<1536xf32, #tpu.memory_space<vmem>>)
      tpu.yield
    }) : () -> ()
    %scan3A = arith.constant 0 : i32
    %scan3A_37 = arith.constant 0 : i32
    %scan3A_38 = arith.constant 16 : i32
    %scan3A_39 = arith.addi %scan3A_37, %scan3A_38 : i32
    %scan3A_40 = arith.constant 1 : i32
    scf.for %scan3A_175 = %scan3A_37 to %scan3A_39 step %scan3A_40  : i32 {
      %mul3A_176 = arith.constant 16 : i32
      %mul3A_177 = arith.muli %scan3A_175, %mul3A_176 : i32
      %mul3A_178 = arith.constant 16 : i32
      %mul3A_179 = arith.muli %scan3A_175, %mul3A_178 : i32
      %add3A_180 = arith.constant 0 : i32
      %add3A_181 = arith.addi %add3A_180, %mul3A_179 : i32
      %get3A_182 = arith.index_cast %add3A_181 : i32 to index
      %get3A_183 = tpu.vector_load %arg7[%get3A_182] {strides = array<i32>} : memref<1536xf32, #tpu.memory_space<vmem>>, vector<16xf32>,
      %mul3A_184 = arith.constant 16 : i32
      %mul3A_185 = arith.muli %scan3A_175, %mul3A_184 : i32
      %add3A_186 = arith.constant 256 : i32
      %add3A_187 = arith.addi %add3A_186, %mul3A_185 : i32
      %get3A_188 = arith.index_cast %add3A_187 : i32 to index
      %get3A_189 = tpu.vector_load %arg7[%get3A_188] {strides = array<i32>} : memref<1536xf32, #tpu.memory_space<vmem>>, vector<16xf32>,
      %mul3A_190 = arith.constant 16 : i32
      %mul3A_191 = arith.muli %scan3A_175, %mul3A_190 : i32
      %add3A_192 = arith.constant 512 : i32
      %add3A_193 = arith.addi %add3A_192, %mul3A_191 : i32
      %get3A_194 = arith.index_cast %add3A_193 : i32 to index
      %get3A_195 = tpu.vector_load %arg7[%get3A_194] {strides = array<i32>} : memref<1536xf32, #tpu.memory_space<vmem>>, vector<16xf32>,
      %mul3A_196 = arith.constant 16 : i32
      %mul3A_197 = arith.muli %scan3A_175, %mul3A_196 : i32
      %add3A_198 = arith.constant 768 : i32
      %add3A_199 = arith.addi %add3A_198, %mul3A_197 : i32
      %get3A_200 = arith.index_cast %add3A_199 : i32 to index
      %get3A_201 = tpu.vector_load %arg7[%get3A_200] {strides = array<i32>} : memref<1536xf32, #tpu.memory_space<vmem>>, vector<16xf32>,
      %mul3A_202 = arith.constant 16 : i32
      %mul3A_203 = arith.muli %scan3A_175, %mul3A_202 : i32
      %add3A_204 = arith.constant 1024 : i32
      %add3A_205 = arith.addi %add3A_204, %mul3A_203 : i32
      %get3A_206 = arith.index_cast %add3A_205 : i32 to index
      %get3A_207 = tpu.vector_load %arg7[%get3A_206] {strides = array<i32>} : memref<1536xf32, #tpu.memory_space<vmem>>, vector<16xf32>,
      %mul3A_208 = arith.constant 16 : i32
      %mul3A_209 = arith.muli %scan3A_175, %mul3A_208 : i32
      %add3A_210 = arith.constant 1280 : i32
      %add3A_211 = arith.addi %add3A_210, %mul3A_209 : i32
      %get3A_212 = arith.index_cast %add3A_211 : i32 to index
      %get3A_213 = tpu.vector_load %arg7[%get3A_212] {strides = array<i32>} : memref<1536xf32, #tpu.memory_space<vmem>>, vector<16xf32>,
      %mul3A_214 = arith.mulf %get3A_183, %get3A_18 : vector<16xf32>
      %add3A_215 = arith.addf %mul3A_214, %get3A_24 : vector<16xf32>
      %jit3A = arith.constant 0.000000e+00 : f32
      %jit3A_216 = arith.constant 1.270000e+02 : f32
      %max3A = vector.broadcast %jit3A : f32 to vector<16xf32>
      %max3A_217 = arith.maximumf %max3A, %add3A_215 : vector<16xf32>
      %min3A = vector.broadcast %jit3A_216 : f32 to vector<16xf32>
      %min3A_218 = arith.minimumf %min3A, %max3A_217 : vector<16xf32>
      %convert_element_type3A = arith.fptosi %min3A_218 : vector<16xf32> to vector<16xi32>
      %min3A_219 = arith.constant 126 : i32
      %min3A_220 = vector.broadcast %min3A_219 : i32 to vector<16xi32>
      %min3A_221 = arith.minsi %convert_element_type3A, %min3A_220 : vector<16xi32>
      %convert_element_type3A_222 = arith.sitofp %min3A_221 : vector<16xi32> to vector<16xf32>
      %sub3A = arith.subf %min3A_218, %convert_element_type3A_222 : vector<16xf32>
      %swap3A = arith.constant 0 : i32
      %swap3A_223 = arith.index_cast %swap3A : i32 to index
      %swap3A_224 = arith.index_cast %mul3A_177 : i32 to index
      %swap3A_225 = tpu.vector_load %arg9[%swap3A_223, %swap3A_224] {strides = array<i32>} : memref<11x256xf32, #tpu.memory_space<vmem>>, vector<16xf32>,
      tpu.vector_store %arg9[%swap3A_223, %swap3A_224], %sub3A {strides = array<i32>} : memref<11x256xf32, #tpu.memory_space<vmem>>, vector<16xf32>,
      %mul3A_226 = arith.mulf %get3A_189, %get3A_20 : vector<16xf32>
      %add3A_227 = arith.addf %mul3A_226, %get3A_26 : vector<16xf32>
      %jit3A_228 = arith.constant 0.000000e+00 : f32
      %jit3A_229 = arith.constant 1.270000e+02 : f32
      %max3A_230 = vector.broadcast %jit3A_228 : f32 to vector<16xf32>
      %max3A_231 = arith.maximumf %max3A_230, %add3A_227 : vector<16xf32>
      %min3A_232 = vector.broadcast %jit3A_229 : f32 to vector<16xf32>
      %min3A_233 = arith.minimumf %min3A_232, %max3A_231 : vector<16xf32>
      %convert_element_type3A_234 = arith.fptosi %min3A_233 : vector<16xf32> to vector<16xi32>
      %min3A_235 = arith.constant 126 : i32
      %min3A_236 = vector.broadcast %min3A_235 : i32 to vector<16xi32>
      %min3A_237 = arith.minsi %convert_element_type3A_234, %min3A_236 : vector<16xi32>
      %convert_element_type3A_238 = arith.sitofp %min3A_237 : vector<16xi32> to vector<16xf32>
      %sub3A_239 = arith.subf %min3A_233, %convert_element_type3A_238 : vector<16xf32>
      %swap3A_240 = arith.constant 1 : i32
      %swap3A_241 = arith.index_cast %swap3A_240 : i32 to index
      %swap3A_242 = arith.index_cast %mul3A_177 : i32 to index
      %swap3A_243 = tpu.vector_load %arg9[%swap3A_241, %swap3A_242] {strides = array<i32>} : memref<11x256xf32, #tpu.memory_space<vmem>>, vector<16xf32>,
      tpu.vector_store %arg9[%swap3A_241, %swap3A_242], %sub3A_239 {strides = array<i32>} : memref<11x256xf32, #tpu.memory_space<vmem>>, vector<16xf32>,
      %mul3A_244 = arith.mulf %get3A_195, %get3A_22 : vector<16xf32>
      %add3A_245 = arith.addf %mul3A_244, %get3A_28 : vector<16xf32>
      %jit3A_246 = arith.constant 0.000000e+00 : f32
      %jit3A_247 = arith.constant 1.270000e+02 : f32
      %max3A_248 = vector.broadcast %jit3A_246 : f32 to vector<16xf32>
      %max3A_249 = arith.maximumf %max3A_248, %add3A_245 : vector<16xf32>
      %min3A_250 = vector.broadcast %jit3A_247 : f32 to vector<16xf32>
      %min3A_251 = arith.minimumf %min3A_250, %max3A_249 : vector<16xf32>
      %convert_element_type3A_252 = arith.fptosi %min3A_251 : vector<16xf32> to vector<16xi32>
      %min3A_253 = arith.constant 126 : i32
      %min3A_254 = vector.broadcast %min3A_253 : i32 to vector<16xi32>
      %min3A_255 = arith.minsi %convert_element_type3A_252, %min3A_254 : vector<16xi32>
      %convert_element_type3A_256 = arith.sitofp %min3A_255 : vector<16xi32> to vector<16xf32>
      %sub3A_257 = arith.subf %min3A_251, %convert_element_type3A_256 : vector<16xf32>
      %swap3A_258 = arith.constant 2 : i32
      %swap3A_259 = arith.index_cast %swap3A_258 : i32 to index
      %swap3A_260 = arith.index_cast %mul3A_177 : i32 to index
      %swap3A_261 = tpu.vector_load %arg9[%swap3A_259, %swap3A_260] {strides = array<i32>} : memref<11x256xf32, #tpu.memory_space<vmem>>, vector<16xf32>,
      tpu.vector_store %arg9[%swap3A_259, %swap3A_260], %sub3A_257 {strides = array<i32>} : memref<11x256xf32, #tpu.memory_space<vmem>>, vector<16xf32>,
      %mul3A_262 = arith.constant 128 : i32
      %mul3A_263 = vector.broadcast %mul3A_262 : i32 to vector<16xi32>
      %mul3A_264 = arith.muli %min3A_221, %mul3A_263 : vector<16xi32>
      %add3A_265 = arith.addi %mul3A_264, %min3A_237 : vector<16xi32>
      %mul3A_266 = arith.constant 128 : i32
      %mul3A_267 = vector.broadcast %mul3A_266 : i32 to vector<16xi32>
      %mul3A_268 = arith.muli %add3A_265, %mul3A_267 : vector<16xi32>
      %add3A_269 = arith.addi %mul3A_268, %min3A_255 : vector<16xi32>
      %mul3A_270 = arith.constant -0.488602519 : f32
      %mul3A_271 = vector.broadcast %mul3A_270 : f32 to vector<16xf32>
      %mul3A_272 = arith.mulf %mul3A_271, %get3A_207 : vector<16xf32>
      %swap3A_273 = arith.constant 3 : i32
      %swap3A_274 = arith.index_cast %swap3A_273 : i32 to index
      %swap3A_275 = arith.index_cast %mul3A_177 : i32 to index
      %swap3A_276 = tpu.vector_load %arg9[%swap3A_274, %swap3A_275] {strides = array<i32>} : memref<11x256xf32, #tpu.memory_space<vmem>>, vector<16xf32>,
      tpu.vector_store %arg9[%swap3A_274, %swap3A_275], %mul3A_272 {strides = array<i32>} : memref<11x256xf32, #tpu.memory_space<vmem>>, vector<16xf32>,
      %mul3A_277 = arith.constant 0.488602519 : f32
      %mul3A_278 = vector.broadcast %mul3A_277 : f32 to vector<16xf32>
      %mul3A_279 = arith.mulf %mul3A_278, %get3A_213 : vector<16xf32>
      %swap3A_280 = arith.constant 4 : i32
      %swap3A_281 = arith.index_cast %swap3A_280 : i32 to index
      %swap3A_282 = arith.index_cast %mul3A_177 : i32 to index
      %swap3A_283 = tpu.vector_load %arg9[%swap3A_281, %swap3A_282] {strides = array<i32>} : memref<11x256xf32, #tpu.memory_space<vmem>>, vector<16xf32>,
      tpu.vector_store %arg9[%swap3A_281, %swap3A_282], %mul3A_279 {strides = array<i32>} : memref<11x256xf32, #tpu.memory_space<vmem>>, vector<16xf32>,
      %mul3A_284 = arith.constant -0.488602519 : f32
      %mul3A_285 = vector.broadcast %mul3A_284 : f32 to vector<16xf32>
      %mul3A_286 = arith.mulf %mul3A_285, %get3A_201 : vector<16xf32>
      %swap3A_287 = arith.constant 5 : i32
      %swap3A_288 = arith.index_cast %swap3A_287 : i32 to index
      %swap3A_289 = arith.index_cast %mul3A_177 : i32 to index
      %swap3A_290 = tpu.vector_load %arg9[%swap3A_288, %swap3A_289] {strides = array<i32>} : memref<11x256xf32, #tpu.memory_space<vmem>>, vector<16xf32>,
      tpu.vector_store %arg9[%swap3A_288, %swap3A_289], %mul3A_286 {strides = array<i32>} : memref<11x256xf32, #tpu.memory_space<vmem>>, vector<16xf32>,
      %mul3A_291 = arith.mulf %get3A_201, %get3A_207 : vector<16xf32>
      %mul3A_292 = arith.constant 1.09254849 : f32
      %mul3A_293 = vector.broadcast %mul3A_292 : f32 to vector<16xf32>
      %mul3A_294 = arith.mulf %mul3A_293, %mul3A_291 : vector<16xf32>
      %swap3A_295 = arith.constant 6 : i32
      %swap3A_296 = arith.index_cast %swap3A_295 : i32 to index
      %swap3A_297 = arith.index_cast %mul3A_177 : i32 to index
      %swap3A_298 = tpu.vector_load %arg9[%swap3A_296, %swap3A_297] {strides = array<i32>} : memref<11x256xf32, #tpu.memory_space<vmem>>, vector<16xf32>,
      tpu.vector_store %arg9[%swap3A_296, %swap3A_297], %mul3A_294 {strides = array<i32>} : memref<11x256xf32, #tpu.memory_space<vmem>>, vector<16xf32>,
      %mul3A_299 = arith.mulf %get3A_207, %get3A_213 : vector<16xf32>
      %mul3A_300 = arith.constant -1.09254849 : f32
      %mul3A_301 = vector.broadcast %mul3A_300 : f32 to vector<16xf32>
      %mul3A_302 = arith.mulf %mul3A_301, %mul3A_299 : vector<16xf32>
      %swap3A_303 = arith.constant 7 : i32
      %swap3A_304 = arith.index_cast %swap3A_303 : i32 to index
      %swap3A_305 = arith.index_cast %mul3A_177 : i32 to index
      %swap3A_306 = tpu.vector_load %arg9[%swap3A_304, %swap3A_305] {strides = array<i32>} : memref<11x256xf32, #tpu.memory_space<vmem>>, vector<16xf32>,
      tpu.vector_store %arg9[%swap3A_304, %swap3A_305], %mul3A_302 {strides = array<i32>} : memref<11x256xf32, #tpu.memory_space<vmem>>, vector<16xf32>,
      %mul3A_307 = arith.constant 2.000000e+00 : f32
      %mul3A_308 = vector.broadcast %mul3A_307 : f32 to vector<16xf32>
      %mul3A_309 = arith.mulf %mul3A_308, %get3A_213 : vector<16xf32>
      %mul3A_310 = arith.mulf %mul3A_309, %get3A_213 : vector<16xf32>
      %mul3A_311 = arith.mulf %get3A_201, %get3A_201 : vector<16xf32>
      %sub3A_312 = arith.subf %mul3A_310, %mul3A_311 : vector<16xf32>
      %mul3A_313 = arith.mulf %get3A_207, %get3A_207 : vector<16xf32>
      %sub3A_314 = arith.subf %sub3A_312, %mul3A_313 : vector<16xf32>
      %mul3A_315 = arith.constant 0.31539157 : f32
      %mul3A_316 = vector.broadcast %mul3A_315 : f32 to vector<16xf32>
      %mul3A_317 = arith.mulf %mul3A_316, %sub3A_314 : vector<16xf32>
      %swap3A_318 = arith.constant 8 : i32
      %swap3A_319 = arith.index_cast %swap3A_318 : i32 to index
      %swap3A_320 = arith.index_cast %mul3A_177 : i32 to index
      %swap3A_321 = tpu.vector_load %arg9[%swap3A_319, %swap3A_320] {strides = array<i32>} : memref<11x256xf32, #tpu.memory_space<vmem>>, vector<16xf32>,
      tpu.vector_store %arg9[%swap3A_319, %swap3A_320], %mul3A_317 {strides = array<i32>} : memref<11x256xf32, #tpu.memory_space<vmem>>, vector<16xf32>,
      %mul3A_322 = arith.mulf %get3A_201, %get3A_213 : vector<16xf32>
      %mul3A_323 = arith.constant -1.09254849 : f32
      %mul3A_324 = vector.broadcast %mul3A_323 : f32 to vector<16xf32>
      %mul3A_325 = arith.mulf %mul3A_324, %mul3A_322 : vector<16xf32>
      %swap3A_326 = arith.constant 9 : i32
      %swap3A_327 = arith.index_cast %swap3A_326 : i32 to index
      %swap3A_328 = arith.index_cast %mul3A_177 : i32 to index
      %swap3A_329 = tpu.vector_load %arg9[%swap3A_327, %swap3A_328] {strides = array<i32>} : memref<11x256xf32, #tpu.memory_space<vmem>>, vector<16xf32>,
      tpu.vector_store %arg9[%swap3A_327, %swap3A_328], %mul3A_325 {strides = array<i32>} : memref<11x256xf32, #tpu.memory_space<vmem>>, vector<16xf32>,
      %mul3A_330 = arith.mulf %get3A_201, %get3A_201 : vector<16xf32>
      %mul3A_331 = arith.mulf %get3A_207, %get3A_207 : vector<16xf32>
      %sub3A_332 = arith.subf %mul3A_330, %mul3A_331 : vector<16xf32>
      %mul3A_333 = arith.constant 0.546274245 : f32
      %mul3A_334 = vector.broadcast %mul3A_333 : f32 to vector<16xf32>
      %mul3A_335 = arith.mulf %mul3A_334, %sub3A_332 : vector<16xf32>
      %swap3A_336 = arith.constant 10 : i32
      %swap3A_337 = arith.index_cast %swap3A_336 : i32 to index
      %swap3A_338 = arith.index_cast %mul3A_177 : i32 to index
      %swap3A_339 = tpu.vector_load %arg9[%swap3A_337, %swap3A_338] {strides = array<i32>} : memref<11x256xf32, #tpu.memory_space<vmem>>, vector<16xf32>,
      tpu.vector_store %arg9[%swap3A_337, %swap3A_338], %mul3A_335 {strides = array<i32>} : memref<11x256xf32, #tpu.memory_space<vmem>>, vector<16xf32>,
      %mul3A_340 = arith.constant 16 : i32
      %mul3A_341 = arith.muli %scan3A_175, %mul3A_340 : i32
      %add3A_342 = arith.constant 0 : i32
      %add3A_343 = vector.broadcast %add3A_342 : i32 to vector<16xi32>
      %add3A_344 = arith.addi %add3A_269, %add3A_343 : vector<16xi32>
      %add3A_345 = arith.constant 0 : i32
      %add3A_346 = arith.addi %add3A_345, %mul3A_341 : i32
      %swap3A_347 = arith.index_cast %add3A_346 : i32 to index
      %swap3A_348 = tpu.vector_load %arg11[%swap3A_347] {strides = array<i32>} : memref<2048xi32, #tpu.memory_space<vmem>>, vector<16xi32>,
      tpu.vector_store %arg11[%swap3A_347], %add3A_344 {strides = array<i32>} : memref<2048xi32, #tpu.memory_space<vmem>>, vector<16xi32>,
      %add3A_349 = arith.constant 1 : i32
      %add3A_350 = vector.broadcast %add3A_349 : i32 to vector<16xi32>
      %add3A_351 = arith.addi %add3A_269, %add3A_350 : vector<16xi32>
      %add3A_352 = arith.constant 256 : i32
      %add3A_353 = arith.addi %add3A_352, %mul3A_341 : i32
      %swap3A_354 = arith.index_cast %add3A_353 : i32 to index
      %swap3A_355 = tpu.vector_load %arg11[%swap3A_354] {strides = array<i32>} : memref<2048xi32, #tpu.memory_space<vmem>>, vector<16xi32>,
      tpu.vector_store %arg11[%swap3A_354], %add3A_351 {strides = array<i32>} : memref<2048xi32, #tpu.memory_space<vmem>>, vector<16xi32>,
      %add3A_356 = arith.constant 128 : i32
      %add3A_357 = vector.broadcast %add3A_356 : i32 to vector<16xi32>
      %add3A_358 = arith.addi %add3A_269, %add3A_357 : vector<16xi32>
      %add3A_359 = arith.constant 512 : i32
      %add3A_360 = arith.addi %add3A_359, %mul3A_341 : i32
      %swap3A_361 = arith.index_cast %add3A_360 : i32 to index
      %swap3A_362 = tpu.vector_load %arg11[%swap3A_361] {strides = array<i32>} : memref<2048xi32, #tpu.memory_space<vmem>>, vector<16xi32>,
      tpu.vector_store %arg11[%swap3A_361], %add3A_358 {strides = array<i32>} : memref<2048xi32, #tpu.memory_space<vmem>>, vector<16xi32>,
      %add3A_363 = arith.constant 129 : i32
      %add3A_364 = vector.broadcast %add3A_363 : i32 to vector<16xi32>
      %add3A_365 = arith.addi %add3A_269, %add3A_364 : vector<16xi32>
      %add3A_366 = arith.constant 768 : i32
      %add3A_367 = arith.addi %add3A_366, %mul3A_341 : i32
      %swap3A_368 = arith.index_cast %add3A_367 : i32 to index
      %swap3A_369 = tpu.vector_load %arg11[%swap3A_368] {strides = array<i32>} : memref<2048xi32, #tpu.memory_space<vmem>>, vector<16xi32>,
      tpu.vector_store %arg11[%swap3A_368], %add3A_365 {strides = array<i32>} : memref<2048xi32, #tpu.memory_space<vmem>>, vector<16xi32>,
      %add3A_370 = arith.constant 16384 : i32
      %add3A_371 = vector.broadcast %add3A_370 : i32 to vector<16xi32>
      %add3A_372 = arith.addi %add3A_269, %add3A_371 : vector<16xi32>
      %add3A_373 = arith.constant 1024 : i32
      %add3A_374 = arith.addi %add3A_373, %mul3A_341 : i32
      %swap3A_375 = arith.index_cast %add3A_374 : i32 to index
      %swap3A_376 = tpu.vector_load %arg11[%swap3A_375] {strides = array<i32>} : memref<2048xi32, #tpu.memory_space<vmem>>, vector<16xi32>,
      tpu.vector_store %arg11[%swap3A_375], %add3A_372 {strides = array<i32>} : memref<2048xi32, #tpu.memory_space<vmem>>, vector<16xi32>,
      %add3A_377 = arith.constant 16385 : i32
      %add3A_378 = vector.broadcast %add3A_377 : i32 to vector<16xi32>
      %add3A_379 = arith.addi %add3A_269, %add3A_378 : vector<16xi32>
      %add3A_380 = arith.constant 1280 : i32
      %add3A_381 = arith.addi %add3A_380, %mul3A_341 : i32
      %swap3A_382 = arith.index_cast %add3A_381 : i32 to index
      %swap3A_383 = tpu.vector_load %arg11[%swap3A_382] {strides = array<i32>} : memref<2048xi32, #tpu.memory_space<vmem>>, vector<16xi32>,
      tpu.vector_store %arg11[%swap3A_382], %add3A_379 {strides = array<i32>} : memref<2048xi32, #tpu.memory_space<vmem>>, vector<16xi32>,
      %add3A_384 = arith.constant 16512 : i32
      %add3A_385 = vector.broadcast %add3A_384 : i32 to vector<16xi32>
      %add3A_386 = arith.addi %add3A_269, %add3A_385 : vector<16xi32>
      %add3A_387 = arith.constant 1536 : i32
      %add3A_388 = arith.addi %add3A_387, %mul3A_341 : i32
      %swap3A_389 = arith.index_cast %add3A_388 : i32 to index
      %swap3A_390 = tpu.vector_load %arg11[%swap3A_389] {strides = array<i32>} : memref<2048xi32, #tpu.memory_space<vmem>>, vector<16xi32>,
      tpu.vector_store %arg11[%swap3A_389], %add3A_386 {strides = array<i32>} : memref<2048xi32, #tpu.memory_space<vmem>>, vector<16xi32>,
      %add3A_391 = arith.constant 16513 : i32
      %add3A_392 = vector.broadcast %add3A_391 : i32 to vector<16xi32>
      %add3A_393 = arith.addi %add3A_269, %add3A_392 : vector<16xi32>
      %add3A_394 = arith.constant 1792 : i32
      %add3A_395 = arith.addi %add3A_394, %mul3A_341 : i32
      %swap3A_396 = arith.index_cast %add3A_395 : i32 to index
      %swap3A_397 = tpu.vector_load %arg11[%swap3A_396] {strides = array<i32>} : memref<2048xi32, #tpu.memory_space<vmem>>, vector<16xi32>,
      tpu.vector_store %arg11[%swap3A_396], %add3A_393 {strides = array<i32>} : memref<2048xi32, #tpu.memory_space<vmem>>, vector<16xi32>,
    }
    %scan3A_41 = arith.constant 16 : i32
    %dma_start3A = arith.constant 0 : i32
    %dma_start3A_42 = arith.constant 0 : i32
    %dma_start3A_43 = tpu.memref_slice %arg13[%dma_start3A, %dma_start3A_42] : memref<2048x9xf32, #tpu.memory_space<vmem>> -> memref<128x9xf32, #tpu.memory_space<vmem>>
    %dma_start3A_44 = arith.constant 0 : i32
    %dma_start3A_45 = tpu.memref_slice %arg11[%dma_start3A_44] : memref<2048xi32, #tpu.memory_space<vmem>> -> memref<128xi32, #tpu.memory_space<vmem>>
    %dma_start3A_46 = arith.constant 0 : i32
    %dma_start3A_47 = arith.constant 0 : i32
    %dma_start3A_48 = tpu.memref_slice %arg2[%dma_start3A_46, %dma_start3A_47] : memref<2097152x9xf32, #tpu.memory_space<hbm>> -> memref<2097152x9xf32, #tpu.memory_space<hbm>>
    tpu.enqueue_indirect_dma source(%dma_start3A_48 : memref<2097152x9xf32, #tpu.memory_space<hbm>>) target(%dma_start3A_43 : memref<128x9xf32, #tpu.memory_space<vmem>>) offsets(%dma_start3A_45 : memref<128xi32, #tpu.memory_space<vmem>>) semaphore(%arg15 : memref<!tpu.dma_semaphore, #tpu.memory_space<semaphore_mem>>)
    %dma_start3A_49 = arith.constant 128 : i32
    %dma_start3A_50 = arith.constant 0 : i32
    %dma_start3A_51 = tpu.memref_slice %arg13[%dma_start3A_49, %dma_start3A_50] : memref<2048x9xf32, #tpu.memory_space<vmem>> -> memref<128x9xf32, #tpu.memory_space<vmem>>
    %dma_start3A_52 = arith.constant 128 : i32
    %dma_start3A_53 = tpu.memref_slice %arg11[%dma_start3A_52] : memref<2048xi32, #tpu.memory_space<vmem>> -> memref<128xi32, #tpu.memory_space<vmem>>
    %dma_start3A_54 = arith.constant 0 : i32
    %dma_start3A_55 = arith.constant 0 : i32
    %dma_start3A_56 = tpu.memref_slice %arg2[%dma_start3A_54, %dma_start3A_55] : memref<2097152x9xf32, #tpu.memory_space<hbm>> -> memref<2097152x9xf32, #tpu.memory_space<hbm>>
    tpu.enqueue_indirect_dma source(%dma_start3A_56 : memref<2097152x9xf32, #tpu.memory_space<hbm>>) target(%dma_start3A_51 : memref<128x9xf32, #tpu.memory_space<vmem>>) offsets(%dma_start3A_53 : memref<128xi32, #tpu.memory_space<vmem>>) semaphore(%arg15 : memref<!tpu.dma_semaphore, #tpu.memory_space<semaphore_mem>>)
    %dma_start3A_57 = arith.constant 256 : i32
    %dma_start3A_58 = arith.constant 0 : i32
    %dma_start3A_59 = tpu.memref_slice %arg13[%dma_start3A_57, %dma_start3A_58] : memref<2048x9xf32, #tpu.memory_space<vmem>> -> memref<128x9xf32, #tpu.memory_space<vmem>>
    %dma_start3A_60 = arith.constant 256 : i32
    %dma_start3A_61 = tpu.memref_slice %arg11[%dma_start3A_60] : memref<2048xi32, #tpu.memory_space<vmem>> -> memref<128xi32, #tpu.memory_space<vmem>>
    %dma_start3A_62 = arith.constant 0 : i32
    %dma_start3A_63 = arith.constant 0 : i32
    %dma_start3A_64 = tpu.memref_slice %arg2[%dma_start3A_62, %dma_start3A_63] : memref<2097152x9xf32, #tpu.memory_space<hbm>> -> memref<2097152x9xf32, #tpu.memory_space<hbm>>
    tpu.enqueue_indirect_dma source(%dma_start3A_64 : memref<2097152x9xf32, #tpu.memory_space<hbm>>) target(%dma_start3A_59 : memref<128x9xf32, #tpu.memory_space<vmem>>) offsets(%dma_start3A_61 : memref<128xi32, #tpu.memory_space<vmem>>) semaphore(%arg15 : memref<!tpu.dma_semaphore, #tpu.memory_space<semaphore_mem>>)
    %dma_start3A_65 = arith.constant 384 : i32
    %dma_start3A_66 = arith.constant 0 : i32
    %dma_start3A_67 = tpu.memref_slice %arg13[%dma_start3A_65, %dma_start3A_66] : memref<2048x9xf32, #tpu.memory_space<vmem>> -> memref<128x9xf32, #tpu.memory_space<vmem>>
    %dma_start3A_68 = arith.constant 384 : i32
    %dma_start3A_69 = tpu.memref_slice %arg11[%dma_start3A_68] : memref<2048xi32, #tpu.memory_space<vmem>> -> memref<128xi32, #tpu.memory_space<vmem>>
    %dma_start3A_70 = arith.constant 0 : i32
    %dma_start3A_71 = arith.constant 0 : i32
    %dma_start3A_72 = tpu.memref_slice %arg2[%dma_start3A_70, %dma_start3A_71] : memref<2097152x9xf32, #tpu.memory_space<hbm>> -> memref<2097152x9xf32, #tpu.memory_space<hbm>>
    tpu.enqueue_indirect_dma source(%dma_start3A_72 : memref<2097152x9xf32, #tpu.memory_space<hbm>>) target(%dma_start3A_67 : memref<128x9xf32, #tpu.memory_space<vmem>>) offsets(%dma_start3A_69 : memref<128xi32, #tpu.memory_space<vmem>>) semaphore(%arg15 : memref<!tpu.dma_semaphore, #tpu.memory_space<semaphore_mem>>)
    %dma_start3A_73 = arith.constant 512 : i32
    %dma_start3A_74 = arith.constant 0 : i32
    %dma_start3A_75 = tpu.memref_slice %arg13[%dma_start3A_73, %dma_start3A_74] : memref<2048x9xf32, #tpu.memory_space<vmem>> -> memref<128x9xf32, #tpu.memory_space<vmem>>
    %dma_start3A_76 = arith.constant 512 : i32
    %dma_start3A_77 = tpu.memref_slice %arg11[%dma_start3A_76] : memref<2048xi32, #tpu.memory_space<vmem>> -> memref<128xi32, #tpu.memory_space<vmem>>
    %dma_start3A_78 = arith.constant 0 : i32
    %dma_start3A_79 = arith.constant 0 : i32
    %dma_start3A_80 = tpu.memref_slice %arg2[%dma_start3A_78, %dma_start3A_79] : memref<2097152x9xf32, #tpu.memory_space<hbm>> -> memref<2097152x9xf32, #tpu.memory_space<hbm>>
    tpu.enqueue_indirect_dma source(%dma_start3A_80 : memref<2097152x9xf32, #tpu.memory_space<hbm>>) target(%dma_start3A_75 : memref<128x9xf32, #tpu.memory_space<vmem>>) offsets(%dma_start3A_77 : memref<128xi32, #tpu.memory_space<vmem>>) semaphore(%arg15 : memref<!tpu.dma_semaphore, #tpu.memory_space<semaphore_mem>>)
    %dma_start3A_81 = arith.constant 640 : i32
    %dma_start3A_82 = arith.constant 0 : i32
    %dma_start3A_83 = tpu.memref_slice %arg13[%dma_start3A_81, %dma_start3A_82] : memref<2048x9xf32, #tpu.memory_space<vmem>> -> memref<128x9xf32, #tpu.memory_space<vmem>>
    %dma_start3A_84 = arith.constant 640 : i32
    %dma_start3A_85 = tpu.memref_slice %arg11[%dma_start3A_84] : memref<2048xi32, #tpu.memory_space<vmem>> -> memref<128xi32, #tpu.memory_space<vmem>>
    %dma_start3A_86 = arith.constant 0 : i32
    %dma_start3A_87 = arith.constant 0 : i32
    %dma_start3A_88 = tpu.memref_slice %arg2[%dma_start3A_86, %dma_start3A_87] : memref<2097152x9xf32, #tpu.memory_space<hbm>> -> memref<2097152x9xf32, #tpu.memory_space<hbm>>
    tpu.enqueue_indirect_dma source(%dma_start3A_88 : memref<2097152x9xf32, #tpu.memory_space<hbm>>) target(%dma_start3A_83 : memref<128x9xf32, #tpu.memory_space<vmem>>) offsets(%dma_start3A_85 : memref<128xi32, #tpu.memory_space<vmem>>) semaphore(%arg15 : memref<!tpu.dma_semaphore, #tpu.memory_space<semaphore_mem>>)
    %dma_start3A_89 = arith.constant 768 : i32
    %dma_start3A_90 = arith.constant 0 : i32
    %dma_start3A_91 = tpu.memref_slice %arg13[%dma_start3A_89, %dma_start3A_90] : memref<2048x9xf32, #tpu.memory_space<vmem>> -> memref<128x9xf32, #tpu.memory_space<vmem>>
    %dma_start3A_92 = arith.constant 768 : i32
    %dma_start3A_93 = tpu.memref_slice %arg11[%dma_start3A_92] : memref<2048xi32, #tpu.memory_space<vmem>> -> memref<128xi32, #tpu.memory_space<vmem>>
    %dma_start3A_94 = arith.constant 0 : i32
    %dma_start3A_95 = arith.constant 0 : i32
    %dma_start3A_96 = tpu.memref_slice %arg2[%dma_start3A_94, %dma_start3A_95] : memref<2097152x9xf32, #tpu.memory_space<hbm>> -> memref<2097152x9xf32, #tpu.memory_space<hbm>>
    tpu.enqueue_indirect_dma source(%dma_start3A_96 : memref<2097152x9xf32, #tpu.memory_space<hbm>>) target(%dma_start3A_91 : memref<128x9xf32, #tpu.memory_space<vmem>>) offsets(%dma_start3A_93 : memref<128xi32, #tpu.memory_space<vmem>>) semaphore(%arg15 : memref<!tpu.dma_semaphore, #tpu.memory_space<semaphore_mem>>)
    %dma_start3A_97 = arith.constant 896 : i32
    %dma_start3A_98 = arith.constant 0 : i32
    %dma_start3A_99 = tpu.memref_slice %arg13[%dma_start3A_97, %dma_start3A_98] : memref<2048x9xf32, #tpu.memory_space<vmem>> -> memref<128x9xf32, #tpu.memory_space<vmem>>
    %dma_start3A_100 = arith.constant 896 : i32
    %dma_start3A_101 = tpu.memref_slice %arg11[%dma_start3A_100] : memref<2048xi32, #tpu.memory_space<vmem>> -> memref<128xi32, #tpu.memory_space<vmem>>
    %dma_start3A_102 = arith.constant 0 : i32
    %dma_start3A_103 = arith.constant 0 : i32
    %dma_start3A_104 = tpu.memref_slice %arg2[%dma_start3A_102, %dma_start3A_103] : memref<2097152x9xf32, #tpu.memory_space<hbm>> -> memref<2097152x9xf32, #tpu.memory_space<hbm>>
    tpu.enqueue_indirect_dma source(%dma_start3A_104 : memref<2097152x9xf32, #tpu.memory_space<hbm>>) target(%dma_start3A_99 : memref<128x9xf32, #tpu.memory_space<vmem>>) offsets(%dma_start3A_101 : memref<128xi32, #tpu.memory_space<vmem>>) semaphore(%arg15 : memref<!tpu.dma_semaphore, #tpu.memory_space<semaphore_mem>>)
    %dma_start3A_105 = arith.constant 1024 : i32
    %dma_start3A_106 = arith.constant 0 : i32
    %dma_start3A_107 = tpu.memref_slice %arg13[%dma_start3A_105, %dma_start3A_106] : memref<2048x9xf32, #tpu.memory_space<vmem>> -> memref<128x9xf32, #tpu.memory_space<vmem>>
    %dma_start3A_108 = arith.constant 1024 : i32
    %dma_start3A_109 = tpu.memref_slice %arg11[%dma_start3A_108] : memref<2048xi32, #tpu.memory_space<vmem>> -> memref<128xi32, #tpu.memory_space<vmem>>
    %dma_start3A_110 = arith.constant 0 : i32
    %dma_start3A_111 = arith.constant 0 : i32
    %dma_start3A_112 = tpu.memref_slice %arg2[%dma_start3A_110, %dma_start3A_111] : memref<2097152x9xf32, #tpu.memory_space<hbm>> -> memref<2097152x9xf32, #tpu.memory_space<hbm>>
    tpu.enqueue_indirect_dma source(%dma_start3A_112 : memref<2097152x9xf32, #tpu.memory_space<hbm>>) target(%dma_start3A_107 : memref<128x9xf32, #tpu.memory_space<vmem>>) offsets(%dma_start3A_109 : memref<128xi32, #tpu.memory_space<vmem>>) semaphore(%arg15 : memref<!tpu.dma_semaphore, #tpu.memory_space<semaphore_mem>>)
    %dma_start3A_113 = arith.constant 1152 : i32
    %dma_start3A_114 = arith.constant 0 : i32
    %dma_start3A_115 = tpu.memref_slice %arg13[%dma_start3A_113, %dma_start3A_114] : memref<2048x9xf32, #tpu.memory_space<vmem>> -> memref<128x9xf32, #tpu.memory_space<vmem>>
    %dma_start3A_116 = arith.constant 1152 : i32
    %dma_start3A_117 = tpu.memref_slice %arg11[%dma_start3A_116] : memref<2048xi32, #tpu.memory_space<vmem>> -> memref<128xi32, #tpu.memory_space<vmem>>
    %dma_start3A_118 = arith.constant 0 : i32
    %dma_start3A_119 = arith.constant 0 : i32
    %dma_start3A_120 = tpu.memref_slice %arg2[%dma_start3A_118, %dma_start3A_119] : memref<2097152x9xf32, #tpu.memory_space<hbm>> -> memref<2097152x9xf32, #tpu.memory_space<hbm>>
    tpu.enqueue_indirect_dma source(%dma_start3A_120 : memref<2097152x9xf32, #tpu.memory_space<hbm>>) target(%dma_start3A_115 : memref<128x9xf32, #tpu.memory_space<vmem>>) offsets(%dma_start3A_117 : memref<128xi32, #tpu.memory_space<vmem>>) semaphore(%arg15 : memref<!tpu.dma_semaphore, #tpu.memory_space<semaphore_mem>>)
    %dma_start3A_121 = arith.constant 1280 : i32
    %dma_start3A_122 = arith.constant 0 : i32
    %dma_start3A_123 = tpu.memref_slice %arg13[%dma_start3A_121, %dma_start3A_122] : memref<2048x9xf32, #tpu.memory_space<vmem>> -> memref<128x9xf32, #tpu.memory_space<vmem>>
    %dma_start3A_124 = arith.constant 1280 : i32
    %dma_start3A_125 = tpu.memref_slice %arg11[%dma_start3A_124] : memref<2048xi32, #tpu.memory_space<vmem>> -> memref<128xi32, #tpu.memory_space<vmem>>
    %dma_start3A_126 = arith.constant 0 : i32
    %dma_start3A_127 = arith.constant 0 : i32
    %dma_start3A_128 = tpu.memref_slice %arg2[%dma_start3A_126, %dma_start3A_127] : memref<2097152x9xf32, #tpu.memory_space<hbm>> -> memref<2097152x9xf32, #tpu.memory_space<hbm>>
    tpu.enqueue_indirect_dma source(%dma_start3A_128 : memref<2097152x9xf32, #tpu.memory_space<hbm>>) target(%dma_start3A_123 : memref<128x9xf32, #tpu.memory_space<vmem>>) offsets(%dma_start3A_125 : memref<128xi32, #tpu.memory_space<vmem>>) semaphore(%arg15 : memref<!tpu.dma_semaphore, #tpu.memory_space<semaphore_mem>>)
    %dma_start3A_129 = arith.constant 1408 : i32
    %dma_start3A_130 = arith.constant 0 : i32
    %dma_start3A_131 = tpu.memref_slice %arg13[%dma_start3A_129, %dma_start3A_130] : memref<2048x9xf32, #tpu.memory_space<vmem>> -> memref<128x9xf32, #tpu.memory_space<vmem>>
    %dma_start3A_132 = arith.constant 1408 : i32
    %dma_start3A_133 = tpu.memref_slice %arg11[%dma_start3A_132] : memref<2048xi32, #tpu.memory_space<vmem>> -> memref<128xi32, #tpu.memory_space<vmem>>
    %dma_start3A_134 = arith.constant 0 : i32
    %dma_start3A_135 = arith.constant 0 : i32
    %dma_start3A_136 = tpu.memref_slice %arg2[%dma_start3A_134, %dma_start3A_135] : memref<2097152x9xf32, #tpu.memory_space<hbm>> -> memref<2097152x9xf32, #tpu.memory_space<hbm>>
    tpu.enqueue_indirect_dma source(%dma_start3A_136 : memref<2097152x9xf32, #tpu.memory_space<hbm>>) target(%dma_start3A_131 : memref<128x9xf32, #tpu.memory_space<vmem>>) offsets(%dma_start3A_133 : memref<128xi32, #tpu.memory_space<vmem>>) semaphore(%arg15 : memref<!tpu.dma_semaphore, #tpu.memory_space<semaphore_mem>>)
    %dma_start3A_137 = arith.constant 1536 : i32
    %dma_start3A_138 = arith.constant 0 : i32
    %dma_start3A_139 = tpu.memref_slice %arg13[%dma_start3A_137, %dma_start3A_138] : memref<2048x9xf32, #tpu.memory_space<vmem>> -> memref<128x9xf32, #tpu.memory_space<vmem>>
    %dma_start3A_140 = arith.constant 1536 : i32
    %dma_start3A_141 = tpu.memref_slice %arg11[%dma_start3A_140] : memref<2048xi32, #tpu.memory_space<vmem>> -> memref<128xi32, #tpu.memory_space<vmem>>
    %dma_start3A_142 = arith.constant 0 : i32
    %dma_start3A_143 = arith.constant 0 : i32
    %dma_start3A_144 = tpu.memref_slice %arg2[%dma_start3A_142, %dma_start3A_143] : memref<2097152x9xf32, #tpu.memory_space<hbm>> -> memref<2097152x9xf32, #tpu.memory_space<hbm>>
    tpu.enqueue_indirect_dma source(%dma_start3A_144 : memref<2097152x9xf32, #tpu.memory_space<hbm>>) target(%dma_start3A_139 : memref<128x9xf32, #tpu.memory_space<vmem>>) offsets(%dma_start3A_141 : memref<128xi32, #tpu.memory_space<vmem>>) semaphore(%arg15 : memref<!tpu.dma_semaphore, #tpu.memory_space<semaphore_mem>>)
    %dma_start3A_145 = arith.constant 1664 : i32
    %dma_start3A_146 = arith.constant 0 : i32
    %dma_start3A_147 = tpu.memref_slice %arg13[%dma_start3A_145, %dma_start3A_146] : memref<2048x9xf32, #tpu.memory_space<vmem>> -> memref<128x9xf32, #tpu.memory_space<vmem>>
    %dma_start3A_148 = arith.constant 1664 : i32
    %dma_start3A_149 = tpu.memref_slice %arg11[%dma_start3A_148] : memref<2048xi32, #tpu.memory_space<vmem>> -> memref<128xi32, #tpu.memory_space<vmem>>
    %dma_start3A_150 = arith.constant 0 : i32
    %dma_start3A_151 = arith.constant 0 : i32
    %dma_start3A_152 = tpu.memref_slice %arg2[%dma_start3A_150, %dma_start3A_151] : memref<2097152x9xf32, #tpu.memory_space<hbm>> -> memref<2097152x9xf32, #tpu.memory_space<hbm>>
    tpu.enqueue_indirect_dma source(%dma_start3A_152 : memref<2097152x9xf32, #tpu.memory_space<hbm>>) target(%dma_start3A_147 : memref<128x9xf32, #tpu.memory_space<vmem>>) offsets(%dma_start3A_149 : memref<128xi32, #tpu.memory_space<vmem>>) semaphore(%arg15 : memref<!tpu.dma_semaphore, #tpu.memory_space<semaphore_mem>>)
    %dma_start3A_153 = arith.constant 1792 : i32
    %dma_start3A_154 = arith.constant 0 : i32
    %dma_start3A_155 = tpu.memref_slice %arg13[%dma_start3A_153, %dma_start3A_154] : memref<2048x9xf32, #tpu.memory_space<vmem>> -> memref<128x9xf32, #tpu.memory_space<vmem>>
    %dma_start3A_156 = arith.constant 1792 : i32
    %dma_start3A_157 = tpu.memref_slice %arg11[%dma_start3A_156] : memref<2048xi32, #tpu.memory_space<vmem>> -> memref<128xi32, #tpu.memory_space<vmem>>
    %dma_start3A_158 = arith.constant 0 : i32
    %dma_start3A_159 = arith.constant 0 : i32
    %dma_start3A_160 = tpu.memref_slice %arg2[%dma_start3A_158, %dma_start3A_159] : memref<2097152x9xf32, #tpu.memory_space<hbm>> -> memref<2097152x9xf32, #tpu.memory_space<hbm>>
    tpu.enqueue_indirect_dma source(%dma_start3A_160 : memref<2097152x9xf32, #tpu.memory_space<hbm>>) target(%dma_start3A_155 : memref<128x9xf32, #tpu.memory_space<vmem>>) offsets(%dma_start3A_157 : memref<128xi32, #tpu.memory_space<vmem>>) semaphore(%arg15 : memref<!tpu.dma_semaphore, #tpu.memory_space<semaphore_mem>>)
    %dma_start3A_161 = arith.constant 1920 : i32
    %dma_start3A_162 = arith.constant 0 : i32
    %dma_start3A_163 = tpu.memref_slice %arg13[%dma_start3A_161, %dma_start3A_162] : memref<2048x9xf32, #tpu.memory_space<vmem>> -> memref<128x9xf32, #tpu.memory_space<vmem>>
    %dma_start3A_164 = arith.constant 1920 : i32
    %dma_start3A_165 = tpu.memref_slice %arg11[%dma_start3A_164] : memref<2048xi32, #tpu.memory_space<vmem>> -> memref<128xi32, #tpu.memory_space<vmem>>
    %dma_start3A_166 = arith.constant 0 : i32
    %dma_start3A_167 = arith.constant 0 : i32
    %dma_start3A_168 = tpu.memref_slice %arg2[%dma_start3A_166, %dma_start3A_167] : memref<2097152x9xf32, #tpu.memory_space<hbm>> -> memref<2097152x9xf32, #tpu.memory_space<hbm>>
    tpu.enqueue_indirect_dma source(%dma_start3A_168 : memref<2097152x9xf32, #tpu.memory_space<hbm>>) target(%dma_start3A_163 : memref<128x9xf32, #tpu.memory_space<vmem>>) offsets(%dma_start3A_165 : memref<128xi32, #tpu.memory_space<vmem>>) semaphore(%arg15 : memref<!tpu.dma_semaphore, #tpu.memory_space<semaphore_mem>>)
    %scan3A_169 = arith.constant 0 : i32
    %scan3A_170 = arith.constant 0 : i32
    %scan3A_171 = arith.constant 64 : i32
    %scan3A_172 = arith.addi %scan3A_170, %scan3A_171 : i32
    %scan3A_173 = arith.constant 1 : i32
    scf.for %scan3A_175 = %scan3A_170 to %scan3A_172 step %scan3A_173  : i32 {
      %mul3A_176 = arith.constant 2 : i32
      %mul3A_177 = arith.muli %scan3A_175, %mul3A_176 : i32
      %add3A_178 = arith.constant 1 : i32
      %add3A_179 = arith.addi %mul3A_177, %add3A_178 : i32
      %mul3A_180 = arith.constant 128 : i32
      %mul3A_181 = arith.muli %add3A, %mul3A_180 : i32
      %add3A_182 = arith.addi %mul3A_181, %add3A_179 : i32
      %mul3A_183 = arith.constant 6 : i32
      %mul3A_184 = arith.muli %add3A_182, %mul3A_183 : i32
      %mul3A_185 = arith.constant 256 : i32
      %mul3A_186 = arith.muli %mul3A_184, %mul3A_185 : i32
      "tpu.region"() ({
        %run_scoped3A = tpu.sem_alloc : memref<!tpu.dma_semaphore, #tpu.memory_space<semaphore_mem>>
        %dma_start3A_604 = tpu.memref_slice %arg3[%mul3A_186] : memref<6291456xf32, #tpu.memory_space<hbm>> -> memref<1536xf32, #tpu.memory_space<hbm>>
        %dma_start3A_605 = tpu.memref_slice %arg3[%mul3A_186] : memref<6291456xf32, #tpu.memory_space<hbm>> -> memref<1536xf32, #tpu.memory_space<hbm>>
        tpu.enqueue_dma source(%dma_start3A_605 : memref<1536xf32, #tpu.memory_space<hbm>>) target(%arg7 : memref<1536xf32, #tpu.memory_space<vmem>>) target_semaphore(%run_scoped3A : memref<!tpu.dma_semaphore, #tpu.memory_space<semaphore_mem>>)
        %dma_wait3A_606 = tpu.memref_slice %arg3[%mul3A_186] : memref<6291456xf32, #tpu.memory_space<hbm>> -> memref<1536xf32, #tpu.memory_space<hbm>>
        %dma_wait3A_607 = tpu.memref_slice %arg3[%mul3A_186] : memref<6291456xf32, #tpu.memory_space<hbm>> -> memref<1536xf32, #tpu.memory_space<hbm>>
        tpu.wait_dma2 semaphore(%run_scoped3A : memref<!tpu.dma_semaphore, #tpu.memory_space<semaphore_mem>>) src(%dma_wait3A_607 : memref<1536xf32, #tpu.memory_space<hbm>>) dst(%arg7 : memref<1536xf32, #tpu.memory_space<vmem>>)
        tpu.yield
      }) : () -> ()
      %scan3A_187 = arith.constant 0 : i32
      %scan3A_188 = arith.constant 0 : i32
      %scan3A_189 = arith.constant 16 : i32
      %scan3A_190 = arith.addi %scan3A_188, %scan3A_189 : i32
      %scan3A_191 = arith.constant 1 : i32
      scf.for %scan3A_604 = %scan3A_188 to %scan3A_190 step %scan3A_191  : i32 {
        %mul3A_605 = arith.constant 16 : i32
        %mul3A_606 = arith.muli %scan3A_604, %mul3A_605 : i32
        %mul3A_607 = arith.constant 16 : i32
        %mul3A_608 = arith.muli %scan3A_604, %mul3A_607 : i32
        %add3A_609 = arith.constant 0 : i32
        %add3A_610 = arith.addi %add3A_609, %mul3A_608 : i32
        %get3A_611 = arith.index_cast %add3A_610 : i32 to index
        %get3A_612 = tpu.vector_load %arg7[%get3A_611] {strides = array<i32>} : memref<1536xf32, #tpu.memory_space<vmem>>, vector<16xf32>,
        %mul3A_613 = arith.constant 16 : i32
        %mul3A_614 = arith.muli %scan3A_604, %mul3A_613 : i32
        %add3A_615 = arith.constant 256 : i32
        %add3A_616 = arith.addi %add3A_615, %mul3A_614 : i32
        %get3A_617 = arith.index_cast %add3A_616 : i32 to index
        %get3A_618 = tpu.vector_load %arg7[%get3A_617] {strides = array<i32>} : memref<1536xf32, #tpu.memory_space<vmem>>, vector<16xf32>,
        %mul3A_619 = arith.constant 16 : i32
        %mul3A_620 = arith.muli %scan3A_604, %mul3A_619 : i32
        %add3A_621 = arith.constant 512 : i32
        %add3A_622 = arith.addi %add3A_621, %mul3A_620 : i32
        %get3A_623 = arith.index_cast %add3A_622 : i32 to index
        %get3A_624 = tpu.vector_load %arg7[%get3A_623] {strides = array<i32>} : memref<1536xf32, #tpu.memory_space<vmem>>, vector<16xf32>,
        %mul3A_625 = arith.constant 16 : i32
        %mul3A_626 = arith.muli %scan3A_604, %mul3A_625 : i32
        %add3A_627 = arith.constant 768 : i32
        %add3A_628 = arith.addi %add3A_627, %mul3A_626 : i32
        %get3A_629 = arith.index_cast %add3A_628 : i32 to index
        %get3A_630 = tpu.vector_load %arg7[%get3A_629] {strides = array<i32>} : memref<1536xf32, #tpu.memory_space<vmem>>, vector<16xf32>,
        %mul3A_631 = arith.constant 16 : i32
        %mul3A_632 = arith.muli %scan3A_604, %mul3A_631 : i32
        %add3A_633 = arith.constant 1024 : i32
        %add3A_634 = arith.addi %add3A_633, %mul3A_632 : i32
        %get3A_635 = arith.index_cast %add3A_634 : i32 to index
        %get3A_636 = tpu.vector_load %arg7[%get3A_635] {strides = array<i32>} : memref<1536xf32, #tpu.memory_space<vmem>>, vector<16xf32>,
        %mul3A_637 = arith.constant 16 : i32
        %mul3A_638 = arith.muli %scan3A_604, %mul3A_637 : i32
        %add3A_639 = arith.constant 1280 : i32
        %add3A_640 = arith.addi %add3A_639, %mul3A_638 : i32
        %get3A_641 = arith.index_cast %add3A_640 : i32 to index
        %get3A_642 = tpu.vector_load %arg7[%get3A_641] {strides = array<i32>} : memref<1536xf32, #tpu.memory_space<vmem>>, vector<16xf32>,
        %mul3A_643 = arith.mulf %get3A_612, %get3A_18 : vector<16xf32>
        %add3A_644 = arith.addf %mul3A_643, %get3A_24 : vector<16xf32>
        %jit3A = arith.constant 0.000000e+00 : f32
        %jit3A_645 = arith.constant 1.270000e+02 : f32
        %max3A = vector.broadcast %jit3A : f32 to vector<16xf32>
        %max3A_646 = arith.maximumf %max3A, %add3A_644 : vector<16xf32>
        %min3A = vector.broadcast %jit3A_645 : f32 to vector<16xf32>
        %min3A_647 = arith.minimumf %min3A, %max3A_646 : vector<16xf32>
        %convert_element_type3A_648 = arith.fptosi %min3A_647 : vector<16xf32> to vector<16xi32>
        %min3A_649 = arith.constant 126 : i32
        %min3A_650 = vector.broadcast %min3A_649 : i32 to vector<16xi32>
        %min3A_651 = arith.minsi %convert_element_type3A_648, %min3A_650 : vector<16xi32>
        %convert_element_type3A_652 = arith.sitofp %min3A_651 : vector<16xi32> to vector<16xf32>
        %sub3A = arith.subf %min3A_647, %convert_element_type3A_652 : vector<16xf32>
        %swap3A = arith.constant 0 : i32
        %swap3A_653 = arith.index_cast %swap3A : i32 to index
        %swap3A_654 = arith.index_cast %mul3A_606 : i32 to index
        %swap3A_655 = tpu.vector_load %arg10[%swap3A_653, %swap3A_654] {strides = array<i32>} : memref<11x256xf32, #tpu.memory_space<vmem>>, vector<16xf32>,
        tpu.vector_store %arg10[%swap3A_653, %swap3A_654], %sub3A {strides = array<i32>} : memref<11x256xf32, #tpu.memory_space<vmem>>, vector<16xf32>,
        %mul3A_656 = arith.mulf %get3A_618, %get3A_20 : vector<16xf32>
        %add3A_657 = arith.addf %mul3A_656, %get3A_26 : vector<16xf32>
        %jit3A_658 = arith.constant 0.000000e+00 : f32
        %jit3A_659 = arith.constant 1.270000e+02 : f32
        %max3A_660 = vector.broadcast %jit3A_658 : f32 to vector<16xf32>
        %max3A_661 = arith.maximumf %max3A_660, %add3A_657 : vector<16xf32>
        %min3A_662 = vector.broadcast %jit3A_659 : f32 to vector<16xf32>
        %min3A_663 = arith.minimumf %min3A_662, %max3A_661 : vector<16xf32>
        %convert_element_type3A_664 = arith.fptosi %min3A_663 : vector<16xf32> to vector<16xi32>
        %min3A_665 = arith.constant 126 : i32
        %min3A_666 = vector.broadcast %min3A_665 : i32 to vector<16xi32>
        %min3A_667 = arith.minsi %convert_element_type3A_664, %min3A_666 : vector<16xi32>
        %convert_element_type3A_668 = arith.sitofp %min3A_667 : vector<16xi32> to vector<16xf32>
        %sub3A_669 = arith.subf %min3A_663, %convert_element_type3A_668 : vector<16xf32>
        %swap3A_670 = arith.constant 1 : i32
        %swap3A_671 = arith.index_cast %swap3A_670 : i32 to index
        %swap3A_672 = arith.index_cast %mul3A_606 : i32 to index
        %swap3A_673 = tpu.vector_load %arg10[%swap3A_671, %swap3A_672] {strides = array<i32>} : memref<11x256xf32, #tpu.memory_space<vmem>>, vector<16xf32>,
        tpu.vector_store %arg10[%swap3A_671, %swap3A_672], %sub3A_669 {strides = array<i32>} : memref<11x256xf32, #tpu.memory_space<vmem>>, vector<16xf32>,
        %mul3A_674 = arith.mulf %get3A_624, %get3A_22 : vector<16xf32>
        %add3A_675 = arith.addf %mul3A_674, %get3A_28 : vector<16xf32>
        %jit3A_676 = arith.constant 0.000000e+00 : f32
        %jit3A_677 = arith.constant 1.270000e+02 : f32
        %max3A_678 = vector.broadcast %jit3A_676 : f32 to vector<16xf32>
        %max3A_679 = arith.maximumf %max3A_678, %add3A_675 : vector<16xf32>
        %min3A_680 = vector.broadcast %jit3A_677 : f32 to vector<16xf32>
        %min3A_681 = arith.minimumf %min3A_680, %max3A_679 : vector<16xf32>
        %convert_element_type3A_682 = arith.fptosi %min3A_681 : vector<16xf32> to vector<16xi32>
        %min3A_683 = arith.constant 126 : i32
        %min3A_684 = vector.broadcast %min3A_683 : i32 to vector<16xi32>
        %min3A_685 = arith.minsi %convert_element_type3A_682, %min3A_684 : vector<16xi32>
        %convert_element_type3A_686 = arith.sitofp %min3A_685 : vector<16xi32> to vector<16xf32>
        %sub3A_687 = arith.subf %min3A_681, %convert_element_type3A_686 : vector<16xf32>
        %swap3A_688 = arith.constant 2 : i32
        %swap3A_689 = arith.index_cast %swap3A_688 : i32 to index
        %swap3A_690 = arith.index_cast %mul3A_606 : i32 to index
        %swap3A_691 = tpu.vector_load %arg10[%swap3A_689, %swap3A_690] {strides = array<i32>} : memref<11x256xf32, #tpu.memory_space<vmem>>, vector<16xf32>,
        tpu.vector_store %arg10[%swap3A_689, %swap3A_690], %sub3A_687 {strides = array<i32>} : memref<11x256xf32, #tpu.memory_space<vmem>>, vector<16xf32>,
        %mul3A_692 = arith.constant 128 : i32
        %mul3A_693 = vector.broadcast %mul3A_692 : i32 to vector<16xi32>
        %mul3A_694 = arith.muli %min3A_651, %mul3A_693 : vector<16xi32>
        %add3A_695 = arith.addi %mul3A_694, %min3A_667 : vector<16xi32>
        %mul3A_696 = arith.constant 128 : i32
        %mul3A_697 = vector.broadcast %mul3A_696 : i32 to vector<16xi32>
        %mul3A_698 = arith.muli %add3A_695, %mul3A_697 : vector<16xi32>
        %add3A_699 = arith.addi %mul3A_698, %min3A_685 : vector<16xi32>
        %mul3A_700 = arith.constant -0.488602519 : f32
        %mul3A_701 = vector.broadcast %mul3A_700 : f32 to vector<16xf32>
        %mul3A_702 = arith.mulf %mul3A_701, %get3A_636 : vector<16xf32>
        %swap3A_703 = arith.constant 3 : i32
        %swap3A_704 = arith.index_cast %swap3A_703 : i32 to index
        %swap3A_705 = arith.index_cast %mul3A_606 : i32 to index
        %swap3A_706 = tpu.vector_load %arg10[%swap3A_704, %swap3A_705] {strides = array<i32>} : memref<11x256xf32, #tpu.memory_space<vmem>>, vector<16xf32>,
        tpu.vector_store %arg10[%swap3A_704, %swap3A_705], %mul3A_702 {strides = array<i32>} : memref<11x256xf32, #tpu.memory_space<vmem>>, vector<16xf32>,
        %mul3A_707 = arith.constant 0.488602519 : f32
        %mul3A_708 = vector.broadcast %mul3A_707 : f32 to vector<16xf32>
        %mul3A_709 = arith.mulf %mul3A_708, %get3A_642 : vector<16xf32>
        %swap3A_710 = arith.constant 4 : i32
        %swap3A_711 = arith.index_cast %swap3A_710 : i32 to index
        %swap3A_712 = arith.index_cast %mul3A_606 : i32 to index
        %swap3A_713 = tpu.vector_load %arg10[%swap3A_711, %swap3A_712] {strides = array<i32>} : memref<11x256xf32, #tpu.memory_space<vmem>>, vector<16xf32>,
        tpu.vector_store %arg10[%swap3A_711, %swap3A_712], %mul3A_709 {strides = array<i32>} : memref<11x256xf32, #tpu.memory_space<vmem>>, vector<16xf32>,
        %mul3A_714 = arith.constant -0.488602519 : f32
        %mul3A_715 = vector.broadcast %mul3A_714 : f32 to vector<16xf32>
        %mul3A_716 = arith.mulf %mul3A_715, %get3A_630 : vector<16xf32>
        %swap3A_717 = arith.constant 5 : i32
        %swap3A_718 = arith.index_cast %swap3A_717 : i32 to index
        %swap3A_719 = arith.index_cast %mul3A_606 : i32 to index
        %swap3A_720 = tpu.vector_load %arg10[%swap3A_718, %swap3A_719] {strides = array<i32>} : memref<11x256xf32, #tpu.memory_space<vmem>>, vector<16xf32>,
        tpu.vector_store %arg10[%swap3A_718, %swap3A_719], %mul3A_716 {strides = array<i32>} : memref<11x256xf32, #tpu.memory_space<vmem>>, vector<16xf32>,
        %mul3A_721 = arith.mulf %get3A_630, %get3A_636 : vector<16xf32>
        %mul3A_722 = arith.constant 1.09254849 : f32
        %mul3A_723 = vector.broadcast %mul3A_722 : f32 to vector<16xf32>
        %mul3A_724 = arith.mulf %mul3A_723, %mul3A_721 : vector<16xf32>
        %swap3A_725 = arith.constant 6 : i32
        %swap3A_726 = arith.index_cast %swap3A_725 : i32 to index
        %swap3A_727 = arith.index_cast %mul3A_606 : i32 to index
        %swap3A_728 = tpu.vector_load %arg10[%swap3A_726, %swap3A_727] {strides = array<i32>} : memref<11x256xf32, #tpu.memory_space<vmem>>, vector<16xf32>,
        tpu.vector_store %arg10[%swap3A_726, %swap3A_727], %mul3A_724 {strides = array<i32>} : memref<11x256xf32, #tpu.memory_space<vmem>>, vector<16xf32>,
        %mul3A_729 = arith.mulf %get3A_636, %get3A_642 : vector<16xf32>
        %mul3A_730 = arith.constant -1.09254849 : f32
        %mul3A_731 = vector.broadcast %mul3A_730 : f32 to vector<16xf32>
        %mul3A_732 = arith.mulf %mul3A_731, %mul3A_729 : vector<16xf32>
        %swap3A_733 = arith.constant 7 : i32
        %swap3A_734 = arith.index_cast %swap3A_733 : i32 to index
        %swap3A_735 = arith.index_cast %mul3A_606 : i32 to index
        %swap3A_736 = tpu.vector_load %arg10[%swap3A_734, %swap3A_735] {strides = array<i32>} : memref<11x256xf32, #tpu.memory_space<vmem>>, vector<16xf32>,
        tpu.vector_store %arg10[%swap3A_734, %swap3A_735], %mul3A_732 {strides = array<i32>} : memref<11x256xf32, #tpu.memory_space<vmem>>, vector<16xf32>,
        %mul3A_737 = arith.constant 2.000000e+00 : f32
        %mul3A_738 = vector.broadcast %mul3A_737 : f32 to vector<16xf32>
        %mul3A_739 = arith.mulf %mul3A_738, %get3A_642 : vector<16xf32>
        %mul3A_740 = arith.mulf %mul3A_739, %get3A_642 : vector<16xf32>
        %mul3A_741 = arith.mulf %get3A_630, %get3A_630 : vector<16xf32>
        %sub3A_742 = arith.subf %mul3A_740, %mul3A_741 : vector<16xf32>
        %mul3A_743 = arith.mulf %get3A_636, %get3A_636 : vector<16xf32>
        %sub3A_744 = arith.subf %sub3A_742, %mul3A_743 : vector<16xf32>
        %mul3A_745 = arith.constant 0.31539157 : f32
        %mul3A_746 = vector.broadcast %mul3A_745 : f32 to vector<16xf32>
        %mul3A_747 = arith.mulf %mul3A_746, %sub3A_744 : vector<16xf32>
        %swap3A_748 = arith.constant 8 : i32
        %swap3A_749 = arith.index_cast %swap3A_748 : i32 to index
        %swap3A_750 = arith.index_cast %mul3A_606 : i32 to index
        %swap3A_751 = tpu.vector_load %arg10[%swap3A_749, %swap3A_750] {strides = array<i32>} : memref<11x256xf32, #tpu.memory_space<vmem>>, vector<16xf32>,
        tpu.vector_store %arg10[%swap3A_749, %swap3A_750], %mul3A_747 {strides = array<i32>} : memref<11x256xf32, #tpu.memory_space<vmem>>, vector<16xf32>,
        %mul3A_752 = arith.mulf %get3A_630, %get3A_642 : vector<16xf32>
        %mul3A_753 = arith.constant -1.09254849 : f32
        %mul3A_754 = vector.broadcast %mul3A_753 : f32 to vector<16xf32>
        %mul3A_755 = arith.mulf %mul3A_754, %mul3A_752 : vector<16xf32>
        %swap3A_756 = arith.constant 9 : i32
        %swap3A_757 = arith.index_cast %swap3A_756 : i32 to index
        %swap3A_758 = arith.index_cast %mul3A_606 : i32 to index
        %swap3A_759 = tpu.vector_load %arg10[%swap3A_757, %swap3A_758] {strides = array<i32>} : memref<11x256xf32, #tpu.memory_space<vmem>>, vector<16xf32>,
        tpu.vector_store %arg10[%swap3A_757, %swap3A_758], %mul3A_755 {strides = array<i32>} : memref<11x256xf32, #tpu.memory_space<vmem>>, vector<16xf32>,
        %mul3A_760 = arith.mulf %get3A_630, %get3A_630 : vector<16xf32>
        %mul3A_761 = arith.mulf %get3A_636, %get3A_636 : vector<16xf32>
        %sub3A_762 = arith.subf %mul3A_760, %mul3A_761 : vector<16xf32>
        %mul3A_763 = arith.constant 0.546274245 : f32
        %mul3A_764 = vector.broadcast %mul3A_763 : f32 to vector<16xf32>
        %mul3A_765 = arith.mulf %mul3A_764, %sub3A_762 : vector<16xf32>
        %swap3A_766 = arith.constant 10 : i32
        %swap3A_767 = arith.index_cast %swap3A_766 : i32 to index
        %swap3A_768 = arith.index_cast %mul3A_606 : i32 to index
        %swap3A_769 = tpu.vector_load %arg10[%swap3A_767, %swap3A_768] {strides = array<i32>} : memref<11x256xf32, #tpu.memory_space<vmem>>, vector<16xf32>,
        tpu.vector_store %arg10[%swap3A_767, %swap3A_768], %mul3A_765 {strides = array<i32>} : memref<11x256xf32, #tpu.memory_space<vmem>>, vector<16xf32>,
        %mul3A_770 = arith.constant 16 : i32
        %mul3A_771 = arith.muli %scan3A_604, %mul3A_770 : i32
        %add3A_772 = arith.constant 0 : i32
        %add3A_773 = vector.broadcast %add3A_772 : i32 to vector<16xi32>
        %add3A_774 = arith.addi %add3A_699, %add3A_773 : vector<16xi32>
        %add3A_775 = arith.constant 0 : i32
        %add3A_776 = arith.addi %add3A_775, %mul3A_771 : i32
        %swap3A_777 = arith.index_cast %add3A_776 : i32 to index
        %swap3A_778 = tpu.vector_load %arg12[%swap3A_777] {strides = array<i32>} : memref<2048xi32, #tpu.memory_space<vmem>>, vector<16xi32>,
        tpu.vector_store %arg12[%swap3A_777], %add3A_774 {strides = array<i32>} : memref<2048xi32, #tpu.memory_space<vmem>>, vector<16xi32>,
        %add3A_779 = arith.constant 1 : i32
        %add3A_780 = vector.broadcast %add3A_779 : i32 to vector<16xi32>
        %add3A_781 = arith.addi %add3A_699, %add3A_780 : vector<16xi32>
        %add3A_782 = arith.constant 256 : i32
        %add3A_783 = arith.addi %add3A_782, %mul3A_771 : i32
        %swap3A_784 = arith.index_cast %add3A_783 : i32 to index
        %swap3A_785 = tpu.vector_load %arg12[%swap3A_784] {strides = array<i32>} : memref<2048xi32, #tpu.memory_space<vmem>>, vector<16xi32>,
        tpu.vector_store %arg12[%swap3A_784], %add3A_781 {strides = array<i32>} : memref<2048xi32, #tpu.memory_space<vmem>>, vector<16xi32>,
        %add3A_786 = arith.constant 128 : i32
        %add3A_787 = vector.broadcast %add3A_786 : i32 to vector<16xi32>
        %add3A_788 = arith.addi %add3A_699, %add3A_787 : vector<16xi32>
        %add3A_789 = arith.constant 512 : i32
        %add3A_790 = arith.addi %add3A_789, %mul3A_771 : i32
        %swap3A_791 = arith.index_cast %add3A_790 : i32 to index
        %swap3A_792 = tpu.vector_load %arg12[%swap3A_791] {strides = array<i32>} : memref<2048xi32, #tpu.memory_space<vmem>>, vector<16xi32>,
        tpu.vector_store %arg12[%swap3A_791], %add3A_788 {strides = array<i32>} : memref<2048xi32, #tpu.memory_space<vmem>>, vector<16xi32>,
        %add3A_793 = arith.constant 129 : i32
        %add3A_794 = vector.broadcast %add3A_793 : i32 to vector<16xi32>
        %add3A_795 = arith.addi %add3A_699, %add3A_794 : vector<16xi32>
        %add3A_796 = arith.constant 768 : i32
        %add3A_797 = arith.addi %add3A_796, %mul3A_771 : i32
        %swap3A_798 = arith.index_cast %add3A_797 : i32 to index
        %swap3A_799 = tpu.vector_load %arg12[%swap3A_798] {strides = array<i32>} : memref<2048xi32, #tpu.memory_space<vmem>>, vector<16xi32>,
        tpu.vector_store %arg12[%swap3A_798], %add3A_795 {strides = array<i32>} : memref<2048xi32, #tpu.memory_space<vmem>>, vector<16xi32>,
        %add3A_800 = arith.constant 16384 : i32
        %add3A_801 = vector.broadcast %add3A_800 : i32 to vector<16xi32>
        %add3A_802 = arith.addi %add3A_699, %add3A_801 : vector<16xi32>
        %add3A_803 = arith.constant 1024 : i32
        %add3A_804 = arith.addi %add3A_803, %mul3A_771 : i32
        %swap3A_805 = arith.index_cast %add3A_804 : i32 to index
        %swap3A_806 = tpu.vector_load %arg12[%swap3A_805] {strides = array<i32>} : memref<2048xi32, #tpu.memory_space<vmem>>, vector<16xi32>,
        tpu.vector_store %arg12[%swap3A_805], %add3A_802 {strides = array<i32>} : memref<2048xi32, #tpu.memory_space<vmem>>, vector<16xi32>,
        %add3A_807 = arith.constant 16385 : i32
        %add3A_808 = vector.broadcast %add3A_807 : i32 to vector<16xi32>
        %add3A_809 = arith.addi %add3A_699, %add3A_808 : vector<16xi32>
        %add3A_810 = arith.constant 1280 : i32
        %add3A_811 = arith.addi %add3A_810, %mul3A_771 : i32
        %swap3A_812 = arith.index_cast %add3A_811 : i32 to index
        %swap3A_813 = tpu.vector_load %arg12[%swap3A_812] {strides = array<i32>} : memref<2048xi32, #tpu.memory_space<vmem>>, vector<16xi32>,
        tpu.vector_store %arg12[%swap3A_812], %add3A_809 {strides = array<i32>} : memref<2048xi32, #tpu.memory_space<vmem>>, vector<16xi32>,
        %add3A_814 = arith.constant 16512 : i32
        %add3A_815 = vector.broadcast %add3A_814 : i32 to vector<16xi32>
        %add3A_816 = arith.addi %add3A_699, %add3A_815 : vector<16xi32>
        %add3A_817 = arith.constant 1536 : i32
        %add3A_818 = arith.addi %add3A_817, %mul3A_771 : i32
        %swap3A_819 = arith.index_cast %add3A_818 : i32 to index
        %swap3A_820 = tpu.vector_load %arg12[%swap3A_819] {strides = array<i32>} : memref<2048xi32, #tpu.memory_space<vmem>>, vector<16xi32>,
        tpu.vector_store %arg12[%swap3A_819], %add3A_816 {strides = array<i32>} : memref<2048xi32, #tpu.memory_space<vmem>>, vector<16xi32>,
        %add3A_821 = arith.constant 16513 : i32
        %add3A_822 = vector.broadcast %add3A_821 : i32 to vector<16xi32>
        %add3A_823 = arith.addi %add3A_699, %add3A_822 : vector<16xi32>
        %add3A_824 = arith.constant 1792 : i32
        %add3A_825 = arith.addi %add3A_824, %mul3A_771 : i32
        %swap3A_826 = arith.index_cast %add3A_825 : i32 to index
        %swap3A_827 = tpu.vector_load %arg12[%swap3A_826] {strides = array<i32>} : memref<2048xi32, #tpu.memory_space<vmem>>, vector<16xi32>,
        tpu.vector_store %arg12[%swap3A_826], %add3A_823 {strides = array<i32>} : memref<2048xi32, #tpu.memory_space<vmem>>, vector<16xi32>,
      }
      %scan3A_192 = arith.constant 16 : i32
      %dma_start3A_193 = arith.constant 0 : i32
      %dma_start3A_194 = arith.constant 0 : i32
      %dma_start3A_195 = tpu.memref_slice %arg14[%dma_start3A_193, %dma_start3A_194] : memref<2048x9xf32, #tpu.memory_space<vmem>> -> memref<128x9xf32, #tpu.memory_space<vmem>>
      %dma_start3A_196 = arith.constant 0 : i32
      %dma_start3A_197 = tpu.memref_slice %arg12[%dma_start3A_196] : memref<2048xi32, #tpu.memory_space<vmem>> -> memref<128xi32, #tpu.memory_space<vmem>>
      %dma_start3A_198 = arith.constant 0 : i32
      %dma_start3A_199 = arith.constant 0 : i32
      %dma_start3A_200 = tpu.memref_slice %arg2[%dma_start3A_198, %dma_start3A_199] : memref<2097152x9xf32, #tpu.memory_space<hbm>> -> memref<2097152x9xf32, #tpu.memory_space<hbm>>
      tpu.enqueue_indirect_dma source(%dma_start3A_200 : memref<2097152x9xf32, #tpu.memory_space<hbm>>) target(%dma_start3A_195 : memref<128x9xf32, #tpu.memory_space<vmem>>) offsets(%dma_start3A_197 : memref<128xi32, #tpu.memory_space<vmem>>) semaphore(%arg16 : memref<!tpu.dma_semaphore, #tpu.memory_space<semaphore_mem>>)
      %dma_start3A_201 = arith.constant 128 : i32
      %dma_start3A_202 = arith.constant 0 : i32
      %dma_start3A_203 = tpu.memref_slice %arg14[%dma_start3A_201, %dma_start3A_202] : memref<2048x9xf32, #tpu.memory_space<vmem>> -> memref<128x9xf32, #tpu.memory_space<vmem>>
      %dma_start3A_204 = arith.constant 128 : i32
      %dma_start3A_205 = tpu.memref_slice %arg12[%dma_start3A_204] : memref<2048xi32, #tpu.memory_space<vmem>> -> memref<128xi32, #tpu.memory_space<vmem>>
      %dma_start3A_206 = arith.constant 0 : i32
      %dma_start3A_207 = arith.constant 0 : i32
      %dma_start3A_208 = tpu.memref_slice %arg2[%dma_start3A_206, %dma_start3A_207] : memref<2097152x9xf32, #tpu.memory_space<hbm>> -> memref<2097152x9xf32, #tpu.memory_space<hbm>>
      tpu.enqueue_indirect_dma source(%dma_start3A_208 : memref<2097152x9xf32, #tpu.memory_space<hbm>>) target(%dma_start3A_203 : memref<128x9xf32, #tpu.memory_space<vmem>>) offsets(%dma_start3A_205 : memref<128xi32, #tpu.memory_space<vmem>>) semaphore(%arg16 : memref<!tpu.dma_semaphore, #tpu.memory_space<semaphore_mem>>)
      %dma_start3A_209 = arith.constant 256 : i32
      %dma_start3A_210 = arith.constant 0 : i32
      %dma_start3A_211 = tpu.memref_slice %arg14[%dma_start3A_209, %dma_start3A_210] : memref<2048x9xf32, #tpu.memory_space<vmem>> -> memref<128x9xf32, #tpu.memory_space<vmem>>
      %dma_start3A_212 = arith.constant 256 : i32
      %dma_start3A_213 = tpu.memref_slice %arg12[%dma_start3A_212] : memref<2048xi32, #tpu.memory_space<vmem>> -> memref<128xi32, #tpu.memory_space<vmem>>
      %dma_start3A_214 = arith.constant 0 : i32
      %dma_start3A_215 = arith.constant 0 : i32
      %dma_start3A_216 = tpu.memref_slice %arg2[%dma_start3A_214, %dma_start3A_215] : memref<2097152x9xf32, #tpu.memory_space<hbm>> -> memref<2097152x9xf32, #tpu.memory_space<hbm>>
      tpu.enqueue_indirect_dma source(%dma_start3A_216 : memref<2097152x9xf32, #tpu.memory_space<hbm>>) target(%dma_start3A_211 : memref<128x9xf32, #tpu.memory_space<vmem>>) offsets(%dma_start3A_213 : memref<128xi32, #tpu.memory_space<vmem>>) semaphore(%arg16 : memref<!tpu.dma_semaphore, #tpu.memory_space<semaphore_mem>>)
      %dma_start3A_217 = arith.constant 384 : i32
      %dma_start3A_218 = arith.constant 0 : i32
      %dma_start3A_219 = tpu.memref_slice %arg14[%dma_start3A_217, %dma_start3A_218] : memref<2048x9xf32, #tpu.memory_space<vmem>> -> memref<128x9xf32, #tpu.memory_space<vmem>>
      %dma_start3A_220 = arith.constant 384 : i32
      %dma_start3A_221 = tpu.memref_slice %arg12[%dma_start3A_220] : memref<2048xi32, #tpu.memory_space<vmem>> -> memref<128xi32, #tpu.memory_space<vmem>>
      %dma_start3A_222 = arith.constant 0 : i32
      %dma_start3A_223 = arith.constant 0 : i32
      %dma_start3A_224 = tpu.memref_slice %arg2[%dma_start3A_222, %dma_start3A_223] : memref<2097152x9xf32, #tpu.memory_space<hbm>> -> memref<2097152x9xf32, #tpu.memory_space<hbm>>
      tpu.enqueue_indirect_dma source(%dma_start3A_224 : memref<2097152x9xf32, #tpu.memory_space<hbm>>) target(%dma_start3A_219 : memref<128x9xf32, #tpu.memory_space<vmem>>) offsets(%dma_start3A_221 : memref<128xi32, #tpu.memory_space<vmem>>) semaphore(%arg16 : memref<!tpu.dma_semaphore, #tpu.memory_space<semaphore_mem>>)
      %dma_start3A_225 = arith.constant 512 : i32
      %dma_start3A_226 = arith.constant 0 : i32
      %dma_start3A_227 = tpu.memref_slice %arg14[%dma_start3A_225, %dma_start3A_226] : memref<2048x9xf32, #tpu.memory_space<vmem>> -> memref<128x9xf32, #tpu.memory_space<vmem>>
      %dma_start3A_228 = arith.constant 512 : i32
      %dma_start3A_229 = tpu.memref_slice %arg12[%dma_start3A_228] : memref<2048xi32, #tpu.memory_space<vmem>> -> memref<128xi32, #tpu.memory_space<vmem>>
      %dma_start3A_230 = arith.constant 0 : i32
      %dma_start3A_231 = arith.constant 0 : i32
      %dma_start3A_232 = tpu.memref_slice %arg2[%dma_start3A_230, %dma_start3A_231] : memref<2097152x9xf32, #tpu.memory_space<hbm>> -> memref<2097152x9xf32, #tpu.memory_space<hbm>>
      tpu.enqueue_indirect_dma source(%dma_start3A_232 : memref<2097152x9xf32, #tpu.memory_space<hbm>>) target(%dma_start3A_227 : memref<128x9xf32, #tpu.memory_space<vmem>>) offsets(%dma_start3A_229 : memref<128xi32, #tpu.memory_space<vmem>>) semaphore(%arg16 : memref<!tpu.dma_semaphore, #tpu.memory_space<semaphore_mem>>)
      %dma_start3A_233 = arith.constant 640 : i32
      %dma_start3A_234 = arith.constant 0 : i32
      %dma_start3A_235 = tpu.memref_slice %arg14[%dma_start3A_233, %dma_start3A_234] : memref<2048x9xf32, #tpu.memory_space<vmem>> -> memref<128x9xf32, #tpu.memory_space<vmem>>
      %dma_start3A_236 = arith.constant 640 : i32
      %dma_start3A_237 = tpu.memref_slice %arg12[%dma_start3A_236] : memref<2048xi32, #tpu.memory_space<vmem>> -> memref<128xi32, #tpu.memory_space<vmem>>
      %dma_start3A_238 = arith.constant 0 : i32
      %dma_start3A_239 = arith.constant 0 : i32
      %dma_start3A_240 = tpu.memref_slice %arg2[%dma_start3A_238, %dma_start3A_239] : memref<2097152x9xf32, #tpu.memory_space<hbm>> -> memref<2097152x9xf32, #tpu.memory_space<hbm>>
      tpu.enqueue_indirect_dma source(%dma_start3A_240 : memref<2097152x9xf32, #tpu.memory_space<hbm>>) target(%dma_start3A_235 : memref<128x9xf32, #tpu.memory_space<vmem>>) offsets(%dma_start3A_237 : memref<128xi32, #tpu.memory_space<vmem>>) semaphore(%arg16 : memref<!tpu.dma_semaphore, #tpu.memory_space<semaphore_mem>>)
      %dma_start3A_241 = arith.constant 768 : i32
      %dma_start3A_242 = arith.constant 0 : i32
      %dma_start3A_243 = tpu.memref_slice %arg14[%dma_start3A_241, %dma_start3A_242] : memref<2048x9xf32, #tpu.memory_space<vmem>> -> memref<128x9xf32, #tpu.memory_space<vmem>>
      %dma_start3A_244 = arith.constant 768 : i32
      %dma_start3A_245 = tpu.memref_slice %arg12[%dma_start3A_244] : memref<2048xi32, #tpu.memory_space<vmem>> -> memref<128xi32, #tpu.memory_space<vmem>>
      %dma_start3A_246 = arith.constant 0 : i32
      %dma_start3A_247 = arith.constant 0 : i32
      %dma_start3A_248 = tpu.memref_slice %arg2[%dma_start3A_246, %dma_start3A_247] : memref<2097152x9xf32, #tpu.memory_space<hbm>> -> memref<2097152x9xf32, #tpu.memory_space<hbm>>
      tpu.enqueue_indirect_dma source(%dma_start3A_248 : memref<2097152x9xf32, #tpu.memory_space<hbm>>) target(%dma_start3A_243 : memref<128x9xf32, #tpu.memory_space<vmem>>) offsets(%dma_start3A_245 : memref<128xi32, #tpu.memory_space<vmem>>) semaphore(%arg16 : memref<!tpu.dma_semaphore, #tpu.memory_space<semaphore_mem>>)
      %dma_start3A_249 = arith.constant 896 : i32
      %dma_start3A_250 = arith.constant 0 : i32
      %dma_start3A_251 = tpu.memref_slice %arg14[%dma_start3A_249, %dma_start3A_250] : memref<2048x9xf32, #tpu.memory_space<vmem>> -> memref<128x9xf32, #tpu.memory_space<vmem>>
      %dma_start3A_252 = arith.constant 896 : i32
      %dma_start3A_253 = tpu.memref_slice %arg12[%dma_start3A_252] : memref<2048xi32, #tpu.memory_space<vmem>> -> memref<128xi32, #tpu.memory_space<vmem>>
      %dma_start3A_254 = arith.constant 0 : i32
      %dma_start3A_255 = arith.constant 0 : i32
      %dma_start3A_256 = tpu.memref_slice %arg2[%dma_start3A_254, %dma_start3A_255] : memref<2097152x9xf32, #tpu.memory_space<hbm>> -> memref<2097152x9xf32, #tpu.memory_space<hbm>>
      tpu.enqueue_indirect_dma source(%dma_start3A_256 : memref<2097152x9xf32, #tpu.memory_space<hbm>>) target(%dma_start3A_251 : memref<128x9xf32, #tpu.memory_space<vmem>>) offsets(%dma_start3A_253 : memref<128xi32, #tpu.memory_space<vmem>>) semaphore(%arg16 : memref<!tpu.dma_semaphore, #tpu.memory_space<semaphore_mem>>)
      %dma_start3A_257 = arith.constant 1024 : i32
      %dma_start3A_258 = arith.constant 0 : i32
      %dma_start3A_259 = tpu.memref_slice %arg14[%dma_start3A_257, %dma_start3A_258] : memref<2048x9xf32, #tpu.memory_space<vmem>> -> memref<128x9xf32, #tpu.memory_space<vmem>>
      %dma_start3A_260 = arith.constant 1024 : i32
      %dma_start3A_261 = tpu.memref_slice %arg12[%dma_start3A_260] : memref<2048xi32, #tpu.memory_space<vmem>> -> memref<128xi32, #tpu.memory_space<vmem>>
      %dma_start3A_262 = arith.constant 0 : i32
      %dma_start3A_263 = arith.constant 0 : i32
      %dma_start3A_264 = tpu.memref_slice %arg2[%dma_start3A_262, %dma_start3A_263] : memref<2097152x9xf32, #tpu.memory_space<hbm>> -> memref<2097152x9xf32, #tpu.memory_space<hbm>>
      tpu.enqueue_indirect_dma source(%dma_start3A_264 : memref<2097152x9xf32, #tpu.memory_space<hbm>>) target(%dma_start3A_259 : memref<128x9xf32, #tpu.memory_space<vmem>>) offsets(%dma_start3A_261 : memref<128xi32, #tpu.memory_space<vmem>>) semaphore(%arg16 : memref<!tpu.dma_semaphore, #tpu.memory_space<semaphore_mem>>)
      %dma_start3A_265 = arith.constant 1152 : i32
      %dma_start3A_266 = arith.constant 0 : i32
      %dma_start3A_267 = tpu.memref_slice %arg14[%dma_start3A_265, %dma_start3A_266] : memref<2048x9xf32, #tpu.memory_space<vmem>> -> memref<128x9xf32, #tpu.memory_space<vmem>>
      %dma_start3A_268 = arith.constant 1152 : i32
      %dma_start3A_269 = tpu.memref_slice %arg12[%dma_start3A_268] : memref<2048xi32, #tpu.memory_space<vmem>> -> memref<128xi32, #tpu.memory_space<vmem>>
      %dma_start3A_270 = arith.constant 0 : i32
      %dma_start3A_271 = arith.constant 0 : i32
      %dma_start3A_272 = tpu.memref_slice %arg2[%dma_start3A_270, %dma_start3A_271] : memref<2097152x9xf32, #tpu.memory_space<hbm>> -> memref<2097152x9xf32, #tpu.memory_space<hbm>>
      tpu.enqueue_indirect_dma source(%dma_start3A_272 : memref<2097152x9xf32, #tpu.memory_space<hbm>>) target(%dma_start3A_267 : memref<128x9xf32, #tpu.memory_space<vmem>>) offsets(%dma_start3A_269 : memref<128xi32, #tpu.memory_space<vmem>>) semaphore(%arg16 : memref<!tpu.dma_semaphore, #tpu.memory_space<semaphore_mem>>)
      %dma_start3A_273 = arith.constant 1280 : i32
      %dma_start3A_274 = arith.constant 0 : i32
      %dma_start3A_275 = tpu.memref_slice %arg14[%dma_start3A_273, %dma_start3A_274] : memref<2048x9xf32, #tpu.memory_space<vmem>> -> memref<128x9xf32, #tpu.memory_space<vmem>>
      %dma_start3A_276 = arith.constant 1280 : i32
      %dma_start3A_277 = tpu.memref_slice %arg12[%dma_start3A_276] : memref<2048xi32, #tpu.memory_space<vmem>> -> memref<128xi32, #tpu.memory_space<vmem>>
      %dma_start3A_278 = arith.constant 0 : i32
      %dma_start3A_279 = arith.constant 0 : i32
      %dma_start3A_280 = tpu.memref_slice %arg2[%dma_start3A_278, %dma_start3A_279] : memref<2097152x9xf32, #tpu.memory_space<hbm>> -> memref<2097152x9xf32, #tpu.memory_space<hbm>>
      tpu.enqueue_indirect_dma source(%dma_start3A_280 : memref<2097152x9xf32, #tpu.memory_space<hbm>>) target(%dma_start3A_275 : memref<128x9xf32, #tpu.memory_space<vmem>>) offsets(%dma_start3A_277 : memref<128xi32, #tpu.memory_space<vmem>>) semaphore(%arg16 : memref<!tpu.dma_semaphore, #tpu.memory_space<semaphore_mem>>)
      %dma_start3A_281 = arith.constant 1408 : i32
      %dma_start3A_282 = arith.constant 0 : i32
      %dma_start3A_283 = tpu.memref_slice %arg14[%dma_start3A_281, %dma_start3A_282] : memref<2048x9xf32, #tpu.memory_space<vmem>> -> memref<128x9xf32, #tpu.memory_space<vmem>>
      %dma_start3A_284 = arith.constant 1408 : i32
      %dma_start3A_285 = tpu.memref_slice %arg12[%dma_start3A_284] : memref<2048xi32, #tpu.memory_space<vmem>> -> memref<128xi32, #tpu.memory_space<vmem>>
      %dma_start3A_286 = arith.constant 0 : i32
      %dma_start3A_287 = arith.constant 0 : i32
      %dma_start3A_288 = tpu.memref_slice %arg2[%dma_start3A_286, %dma_start3A_287] : memref<2097152x9xf32, #tpu.memory_space<hbm>> -> memref<2097152x9xf32, #tpu.memory_space<hbm>>
      tpu.enqueue_indirect_dma source(%dma_start3A_288 : memref<2097152x9xf32, #tpu.memory_space<hbm>>) target(%dma_start3A_283 : memref<128x9xf32, #tpu.memory_space<vmem>>) offsets(%dma_start3A_285 : memref<128xi32, #tpu.memory_space<vmem>>) semaphore(%arg16 : memref<!tpu.dma_semaphore, #tpu.memory_space<semaphore_mem>>)
      %dma_start3A_289 = arith.constant 1536 : i32
      %dma_start3A_290 = arith.constant 0 : i32
      %dma_start3A_291 = tpu.memref_slice %arg14[%dma_start3A_289, %dma_start3A_290] : memref<2048x9xf32, #tpu.memory_space<vmem>> -> memref<128x9xf32, #tpu.memory_space<vmem>>
      %dma_start3A_292 = arith.constant 1536 : i32
      %dma_start3A_293 = tpu.memref_slice %arg12[%dma_start3A_292] : memref<2048xi32, #tpu.memory_space<vmem>> -> memref<128xi32, #tpu.memory_space<vmem>>
      %dma_start3A_294 = arith.constant 0 : i32
      %dma_start3A_295 = arith.constant 0 : i32
      %dma_start3A_296 = tpu.memref_slice %arg2[%dma_start3A_294, %dma_start3A_295] : memref<2097152x9xf32, #tpu.memory_space<hbm>> -> memref<2097152x9xf32, #tpu.memory_space<hbm>>
      tpu.enqueue_indirect_dma source(%dma_start3A_296 : memref<2097152x9xf32, #tpu.memory_space<hbm>>) target(%dma_start3A_291 : memref<128x9xf32, #tpu.memory_space<vmem>>) offsets(%dma_start3A_293 : memref<128xi32, #tpu.memory_space<vmem>>) semaphore(%arg16 : memref<!tpu.dma_semaphore, #tpu.memory_space<semaphore_mem>>)
      %dma_start3A_297 = arith.constant 1664 : i32
      %dma_start3A_298 = arith.constant 0 : i32
      %dma_start3A_299 = tpu.memref_slice %arg14[%dma_start3A_297, %dma_start3A_298] : memref<2048x9xf32, #tpu.memory_space<vmem>> -> memref<128x9xf32, #tpu.memory_space<vmem>>
      %dma_start3A_300 = arith.constant 1664 : i32
      %dma_start3A_301 = tpu.memref_slice %arg12[%dma_start3A_300] : memref<2048xi32, #tpu.memory_space<vmem>> -> memref<128xi32, #tpu.memory_space<vmem>>
      %dma_start3A_302 = arith.constant 0 : i32
      %dma_start3A_303 = arith.constant 0 : i32
      %dma_start3A_304 = tpu.memref_slice %arg2[%dma_start3A_302, %dma_start3A_303] : memref<2097152x9xf32, #tpu.memory_space<hbm>> -> memref<2097152x9xf32, #tpu.memory_space<hbm>>
      tpu.enqueue_indirect_dma source(%dma_start3A_304 : memref<2097152x9xf32, #tpu.memory_space<hbm>>) target(%dma_start3A_299 : memref<128x9xf32, #tpu.memory_space<vmem>>) offsets(%dma_start3A_301 : memref<128xi32, #tpu.memory_space<vmem>>) semaphore(%arg16 : memref<!tpu.dma_semaphore, #tpu.memory_space<semaphore_mem>>)
      %dma_start3A_305 = arith.constant 1792 : i32
      %dma_start3A_306 = arith.constant 0 : i32
      %dma_start3A_307 = tpu.memref_slice %arg14[%dma_start3A_305, %dma_start3A_306] : memref<2048x9xf32, #tpu.memory_space<vmem>> -> memref<128x9xf32, #tpu.memory_space<vmem>>
      %dma_start3A_308 = arith.constant 1792 : i32
      %dma_start3A_309 = tpu.memref_slice %arg12[%dma_start3A_308] : memref<2048xi32, #tpu.memory_space<vmem>> -> memref<128xi32, #tpu.memory_space<vmem>>
      %dma_start3A_310 = arith.constant 0 : i32
      %dma_start3A_311 = arith.constant 0 : i32
      %dma_start3A_312 = tpu.memref_slice %arg2[%dma_start3A_310, %dma_start3A_311] : memref<2097152x9xf32, #tpu.memory_space<hbm>> -> memref<2097152x9xf32, #tpu.memory_space<hbm>>
      tpu.enqueue_indirect_dma source(%dma_start3A_312 : memref<2097152x9xf32, #tpu.memory_space<hbm>>) target(%dma_start3A_307 : memref<128x9xf32, #tpu.memory_space<vmem>>) offsets(%dma_start3A_309 : memref<128xi32, #tpu.memory_space<vmem>>) semaphore(%arg16 : memref<!tpu.dma_semaphore, #tpu.memory_space<semaphore_mem>>)
      %dma_start3A_313 = arith.constant 1920 : i32
      %dma_start3A_314 = arith.constant 0 : i32
      %dma_start3A_315 = tpu.memref_slice %arg14[%dma_start3A_313, %dma_start3A_314] : memref<2048x9xf32, #tpu.memory_space<vmem>> -> memref<128x9xf32, #tpu.memory_space<vmem>>
      %dma_start3A_316 = arith.constant 1920 : i32
      %dma_start3A_317 = tpu.memref_slice %arg12[%dma_start3A_316] : memref<2048xi32, #tpu.memory_space<vmem>> -> memref<128xi32, #tpu.memory_space<vmem>>
      %dma_start3A_318 = arith.constant 0 : i32
      %dma_start3A_319 = arith.constant 0 : i32
      %dma_start3A_320 = tpu.memref_slice %arg2[%dma_start3A_318, %dma_start3A_319] : memref<2097152x9xf32, #tpu.memory_space<hbm>> -> memref<2097152x9xf32, #tpu.memory_space<hbm>>
      tpu.enqueue_indirect_dma source(%dma_start3A_320 : memref<2097152x9xf32, #tpu.memory_space<hbm>>) target(%dma_start3A_315 : memref<128x9xf32, #tpu.memory_space<vmem>>) offsets(%dma_start3A_317 : memref<128xi32, #tpu.memory_space<vmem>>) semaphore(%arg16 : memref<!tpu.dma_semaphore, #tpu.memory_space<semaphore_mem>>)
      %dma_wait3A = arith.constant 0 : i32
      %dma_wait3A_321 = arith.constant 0 : i32
      %dma_wait3A_322 = tpu.memref_slice %arg13[%dma_wait3A, %dma_wait3A_321] : memref<2048x9xf32, #tpu.memory_space<vmem>> -> memref<128x9xf32, #tpu.memory_space<vmem>>
      %dma_wait3A_323 = arith.constant 0 : i32
      %dma_wait3A_324 = tpu.memref_slice %arg11[%dma_wait3A_323] : memref<2048xi32, #tpu.memory_space<vmem>> -> memref<128xi32, #tpu.memory_space<vmem>>
      %dma_wait3A_325 = arith.constant 0 : i32
      %dma_wait3A_326 = arith.constant 0 : i32
      %dma_wait3A_327 = tpu.memref_slice %arg2[%dma_wait3A_325, %dma_wait3A_326] : memref<2097152x9xf32, #tpu.memory_space<hbm>> -> memref<2097152x9xf32, #tpu.memory_space<hbm>>
      tpu.wait_indirect_dma semaphore(%arg15 : memref<!tpu.dma_semaphore, #tpu.memory_space<semaphore_mem>>) src(%dma_wait3A_327 : memref<2097152x9xf32, #tpu.memory_space<hbm>>) dst(%dma_wait3A_322 : memref<128x9xf32, #tpu.memory_space<vmem>>)
      %dma_wait3A_328 = arith.constant 128 : i32
      %dma_wait3A_329 = arith.constant 0 : i32
      %dma_wait3A_330 = tpu.memref_slice %arg13[%dma_wait3A_328, %dma_wait3A_329] : memref<2048x9xf32, #tpu.memory_space<vmem>> -> memref<128x9xf32, #tpu.memory_space<vmem>>
      %dma_wait3A_331 = arith.constant 128 : i32
      %dma_wait3A_332 = tpu.memref_slice %arg11[%dma_wait3A_331] : memref<2048xi32, #tpu.memory_space<vmem>> -> memref<128xi32, #tpu.memory_space<vmem>>
      %dma_wait3A_333 = arith.constant 0 : i32
      %dma_wait3A_334 = arith.constant 0 : i32
      %dma_wait3A_335 = tpu.memref_slice %arg2[%dma_wait3A_333, %dma_wait3A_334] : memref<2097152x9xf32, #tpu.memory_space<hbm>> -> memref<2097152x9xf32, #tpu.memory_space<hbm>>
      tpu.wait_indirect_dma semaphore(%arg15 : memref<!tpu.dma_semaphore, #tpu.memory_space<semaphore_mem>>) src(%dma_wait3A_335 : memref<2097152x9xf32, #tpu.memory_space<hbm>>) dst(%dma_wait3A_330 : memref<128x9xf32, #tpu.memory_space<vmem>>)
      %dma_wait3A_336 = arith.constant 256 : i32
      %dma_wait3A_337 = arith.constant 0 : i32
      %dma_wait3A_338 = tpu.memref_slice %arg13[%dma_wait3A_336, %dma_wait3A_337] : memref<2048x9xf32, #tpu.memory_space<vmem>> -> memref<128x9xf32, #tpu.memory_space<vmem>>
      %dma_wait3A_339 = arith.constant 256 : i32
      %dma_wait3A_340 = tpu.memref_slice %arg11[%dma_wait3A_339] : memref<2048xi32, #tpu.memory_space<vmem>> -> memref<128xi32, #tpu.memory_space<vmem>>
      %dma_wait3A_341 = arith.constant 0 : i32
      %dma_wait3A_342 = arith.constant 0 : i32
      %dma_wait3A_343 = tpu.memref_slice %arg2[%dma_wait3A_341, %dma_wait3A_342] : memref<2097152x9xf32, #tpu.memory_space<hbm>> -> memref<2097152x9xf32, #tpu.memory_space<hbm>>
      tpu.wait_indirect_dma semaphore(%arg15 : memref<!tpu.dma_semaphore, #tpu.memory_space<semaphore_mem>>) src(%dma_wait3A_343 : memref<2097152x9xf32, #tpu.memory_space<hbm>>) dst(%dma_wait3A_338 : memref<128x9xf32, #tpu.memory_space<vmem>>)
      %dma_wait3A_344 = arith.constant 384 : i32
      %dma_wait3A_345 = arith.constant 0 : i32
      %dma_wait3A_346 = tpu.memref_slice %arg13[%dma_wait3A_344, %dma_wait3A_345] : memref<2048x9xf32, #tpu.memory_space<vmem>> -> memref<128x9xf32, #tpu.memory_space<vmem>>
      %dma_wait3A_347 = arith.constant 384 : i32
      %dma_wait3A_348 = tpu.memref_slice %arg11[%dma_wait3A_347] : memref<2048xi32, #tpu.memory_space<vmem>> -> memref<128xi32, #tpu.memory_space<vmem>>
      %dma_wait3A_349 = arith.constant 0 : i32
      %dma_wait3A_350 = arith.constant 0 : i32
      %dma_wait3A_351 = tpu.memref_slice %arg2[%dma_wait3A_349, %dma_wait3A_350] : memref<2097152x9xf32, #tpu.memory_space<hbm>> -> memref<2097152x9xf32, #tpu.memory_space<hbm>>
      tpu.wait_indirect_dma semaphore(%arg15 : memref<!tpu.dma_semaphore, #tpu.memory_space<semaphore_mem>>) src(%dma_wait3A_351 : memref<2097152x9xf32, #tpu.memory_space<hbm>>) dst(%dma_wait3A_346 : memref<128x9xf32, #tpu.memory_space<vmem>>)
      %dma_wait3A_352 = arith.constant 512 : i32
      %dma_wait3A_353 = arith.constant 0 : i32
      %dma_wait3A_354 = tpu.memref_slice %arg13[%dma_wait3A_352, %dma_wait3A_353] : memref<2048x9xf32, #tpu.memory_space<vmem>> -> memref<128x9xf32, #tpu.memory_space<vmem>>
      %dma_wait3A_355 = arith.constant 512 : i32
      %dma_wait3A_356 = tpu.memref_slice %arg11[%dma_wait3A_355] : memref<2048xi32, #tpu.memory_space<vmem>> -> memref<128xi32, #tpu.memory_space<vmem>>
      %dma_wait3A_357 = arith.constant 0 : i32
      %dma_wait3A_358 = arith.constant 0 : i32
      %dma_wait3A_359 = tpu.memref_slice %arg2[%dma_wait3A_357, %dma_wait3A_358] : memref<2097152x9xf32, #tpu.memory_space<hbm>> -> memref<2097152x9xf32, #tpu.memory_space<hbm>>
      tpu.wait_indirect_dma semaphore(%arg15 : memref<!tpu.dma_semaphore, #tpu.memory_space<semaphore_mem>>) src(%dma_wait3A_359 : memref<2097152x9xf32, #tpu.memory_space<hbm>>) dst(%dma_wait3A_354 : memref<128x9xf32, #tpu.memory_space<vmem>>)
      %dma_wait3A_360 = arith.constant 640 : i32
      %dma_wait3A_361 = arith.constant 0 : i32
      %dma_wait3A_362 = tpu.memref_slice %arg13[%dma_wait3A_360, %dma_wait3A_361] : memref<2048x9xf32, #tpu.memory_space<vmem>> -> memref<128x9xf32, #tpu.memory_space<vmem>>
      %dma_wait3A_363 = arith.constant 640 : i32
      %dma_wait3A_364 = tpu.memref_slice %arg11[%dma_wait3A_363] : memref<2048xi32, #tpu.memory_space<vmem>> -> memref<128xi32, #tpu.memory_space<vmem>>
      %dma_wait3A_365 = arith.constant 0 : i32
      %dma_wait3A_366 = arith.constant 0 : i32
      %dma_wait3A_367 = tpu.memref_slice %arg2[%dma_wait3A_365, %dma_wait3A_366] : memref<2097152x9xf32, #tpu.memory_space<hbm>> -> memref<2097152x9xf32, #tpu.memory_space<hbm>>
      tpu.wait_indirect_dma semaphore(%arg15 : memref<!tpu.dma_semaphore, #tpu.memory_space<semaphore_mem>>) src(%dma_wait3A_367 : memref<2097152x9xf32, #tpu.memory_space<hbm>>) dst(%dma_wait3A_362 : memref<128x9xf32, #tpu.memory_space<vmem>>)
      %dma_wait3A_368 = arith.constant 768 : i32
      %dma_wait3A_369 = arith.constant 0 : i32
      %dma_wait3A_370 = tpu.memref_slice %arg13[%dma_wait3A_368, %dma_wait3A_369] : memref<2048x9xf32, #tpu.memory_space<vmem>> -> memref<128x9xf32, #tpu.memory_space<vmem>>
      %dma_wait3A_371 = arith.constant 768 : i32
      %dma_wait3A_372 = tpu.memref_slice %arg11[%dma_wait3A_371] : memref<2048xi32, #tpu.memory_space<vmem>> -> memref<128xi32, #tpu.memory_space<vmem>>
      %dma_wait3A_373 = arith.constant 0 : i32
      %dma_wait3A_374 = arith.constant 0 : i32
      %dma_wait3A_375 = tpu.memref_slice %arg2[%dma_wait3A_373, %dma_wait3A_374] : memref<2097152x9xf32, #tpu.memory_space<hbm>> -> memref<2097152x9xf32, #tpu.memory_space<hbm>>
      tpu.wait_indirect_dma semaphore(%arg15 : memref<!tpu.dma_semaphore, #tpu.memory_space<semaphore_mem>>) src(%dma_wait3A_375 : memref<2097152x9xf32, #tpu.memory_space<hbm>>) dst(%dma_wait3A_370 : memref<128x9xf32, #tpu.memory_space<vmem>>)
      %dma_wait3A_376 = arith.constant 896 : i32
      %dma_wait3A_377 = arith.constant 0 : i32
      %dma_wait3A_378 = tpu.memref_slice %arg13[%dma_wait3A_376, %dma_wait3A_377] : memref<2048x9xf32, #tpu.memory_space<vmem>> -> memref<128x9xf32, #tpu.memory_space<vmem>>
      %dma_wait3A_379 = arith.constant 896 : i32
      %dma_wait3A_380 = tpu.memref_slice %arg11[%dma_wait3A_379] : memref<2048xi32, #tpu.memory_space<vmem>> -> memref<128xi32, #tpu.memory_space<vmem>>
      %dma_wait3A_381 = arith.constant 0 : i32
      %dma_wait3A_382 = arith.constant 0 : i32
      %dma_wait3A_383 = tpu.memref_slice %arg2[%dma_wait3A_381, %dma_wait3A_382] : memref<2097152x9xf32, #tpu.memory_space<hbm>> -> memref<2097152x9xf32, #tpu.memory_space<hbm>>
      tpu.wait_indirect_dma semaphore(%arg15 : memref<!tpu.dma_semaphore, #tpu.memory_space<semaphore_mem>>) src(%dma_wait3A_383 : memref<2097152x9xf32, #tpu.memory_space<hbm>>) dst(%dma_wait3A_378 : memref<128x9xf32, #tpu.memory_space<vmem>>)
      %dma_wait3A_384 = arith.constant 1024 : i32
      %dma_wait3A_385 = arith.constant 0 : i32
      %dma_wait3A_386 = tpu.memref_slice %arg13[%dma_wait3A_384, %dma_wait3A_385] : memref<2048x9xf32, #tpu.memory_space<vmem>> -> memref<128x9xf32, #tpu.memory_space<vmem>>
      %dma_wait3A_387 = arith.constant 1024 : i32
      %dma_wait3A_388 = tpu.memref_slice %arg11[%dma_wait3A_387] : memref<2048xi32, #tpu.memory_space<vmem>> -> memref<128xi32, #tpu.memory_space<vmem>>
      %dma_wait3A_389 = arith.constant 0 : i32
      %dma_wait3A_390 = arith.constant 0 : i32
      %dma_wait3A_391 = tpu.memref_slice %arg2[%dma_wait3A_389, %dma_wait3A_390] : memref<2097152x9xf32, #tpu.memory_space<hbm>> -> memref<2097152x9xf32, #tpu.memory_space<hbm>>
      tpu.wait_indirect_dma semaphore(%arg15 : memref<!tpu.dma_semaphore, #tpu.memory_space<semaphore_mem>>) src(%dma_wait3A_391 : memref<2097152x9xf32, #tpu.memory_space<hbm>>) dst(%dma_wait3A_386 : memref<128x9xf32, #tpu.memory_space<vmem>>)
      %dma_wait3A_392 = arith.constant 1152 : i32
      %dma_wait3A_393 = arith.constant 0 : i32
      %dma_wait3A_394 = tpu.memref_slice %arg13[%dma_wait3A_392, %dma_wait3A_393] : memref<2048x9xf32, #tpu.memory_space<vmem>> -> memref<128x9xf32, #tpu.memory_space<vmem>>
      %dma_wait3A_395 = arith.constant 1152 : i32
      %dma_wait3A_396 = tpu.memref_slice %arg11[%dma_wait3A_395] : memref<2048xi32, #tpu.memory_space<vmem>> -> memref<128xi32, #tpu.memory_space<vmem>>
      %dma_wait3A_397 = arith.constant 0 : i32
      %dma_wait3A_398 = arith.constant 0 : i32
      %dma_wait3A_399 = tpu.memref_slice %arg2[%dma_wait3A_397, %dma_wait3A_398] : memref<2097152x9xf32, #tpu.memory_space<hbm>> -> memref<2097152x9xf32, #tpu.memory_space<hbm>>
      tpu.wait_indirect_dma semaphore(%arg15 : memref<!tpu.dma_semaphore, #tpu.memory_space<semaphore_mem>>) src(%dma_wait3A_399 : memref<2097152x9xf32, #tpu.memory_space<hbm>>) dst(%dma_wait3A_394 : memref<128x9xf32, #tpu.memory_space<vmem>>)
      %dma_wait3A_400 = arith.constant 1280 : i32
      %dma_wait3A_401 = arith.constant 0 : i32
      %dma_wait3A_402 = tpu.memref_slice %arg13[%dma_wait3A_400, %dma_wait3A_401] : memref<2048x9xf32, #tpu.memory_space<vmem>> -> memref<128x9xf32, #tpu.memory_space<vmem>>
      %dma_wait3A_403 = arith.constant 1280 : i32
      %dma_wait3A_404 = tpu.memref_slice %arg11[%dma_wait3A_403] : memref<2048xi32, #tpu.memory_space<vmem>> -> memref<128xi32, #tpu.memory_space<vmem>>
      %dma_wait3A_405 = arith.constant 0 : i32
      %dma_wait3A_406 = arith.constant 0 : i32
      %dma_wait3A_407 = tpu.memref_slice %arg2[%dma_wait3A_405, %dma_wait3A_406] : memref<2097152x9xf32, #tpu.memory_space<hbm>> -> memref<2097152x9xf32, #tpu.memory_space<hbm>>
      tpu.wait_indirect_dma semaphore(%arg15 : memref<!tpu.dma_semaphore, #tpu.memory_space<semaphore_mem>>) src(%dma_wait3A_407 : memref<2097152x9xf32, #tpu.memory_space<hbm>>) dst(%dma_wait3A_402 : memref<128x9xf32, #tpu.memory_space<vmem>>)
      %dma_wait3A_408 = arith.constant 1408 : i32
      %dma_wait3A_409 = arith.constant 0 : i32
      %dma_wait3A_410 = tpu.memref_slice %arg13[%dma_wait3A_408, %dma_wait3A_409] : memref<2048x9xf32, #tpu.memory_space<vmem>> -> memref<128x9xf32, #tpu.memory_space<vmem>>
      %dma_wait3A_411 = arith.constant 1408 : i32
      %dma_wait3A_412 = tpu.memref_slice %arg11[%dma_wait3A_411] : memref<2048xi32, #tpu.memory_space<vmem>> -> memref<128xi32, #tpu.memory_space<vmem>>
      %dma_wait3A_413 = arith.constant 0 : i32
      %dma_wait3A_414 = arith.constant 0 : i32
      %dma_wait3A_415 = tpu.memref_slice %arg2[%dma_wait3A_413, %dma_wait3A_414] : memref<2097152x9xf32, #tpu.memory_space<hbm>> -> memref<2097152x9xf32, #tpu.memory_space<hbm>>
      tpu.wait_indirect_dma semaphore(%arg15 : memref<!tpu.dma_semaphore, #tpu.memory_space<semaphore_mem>>) src(%dma_wait3A_415 : memref<2097152x9xf32, #tpu.memory_space<hbm>>) dst(%dma_wait3A_410 : memref<128x9xf32, #tpu.memory_space<vmem>>)
      %dma_wait3A_416 = arith.constant 1536 : i32
      %dma_wait3A_417 = arith.constant 0 : i32
      %dma_wait3A_418 = tpu.memref_slice %arg13[%dma_wait3A_416, %dma_wait3A_417] : memref<2048x9xf32, #tpu.memory_space<vmem>> -> memref<128x9xf32, #tpu.memory_space<vmem>>
      %dma_wait3A_419 = arith.constant 1536 : i32
      %dma_wait3A_420 = tpu.memref_slice %arg11[%dma_wait3A_419] : memref<2048xi32, #tpu.memory_space<vmem>> -> memref<128xi32, #tpu.memory_space<vmem>>
      %dma_wait3A_421 = arith.constant 0 : i32
      %dma_wait3A_422 = arith.constant 0 : i32
      %dma_wait3A_423 = tpu.memref_slice %arg2[%dma_wait3A_421, %dma_wait3A_422] : memref<2097152x9xf32, #tpu.memory_space<hbm>> -> memref<2097152x9xf32, #tpu.memory_space<hbm>>
      tpu.wait_indirect_dma semaphore(%arg15 : memref<!tpu.dma_semaphore, #tpu.memory_space<semaphore_mem>>) src(%dma_wait3A_423 : memref<2097152x9xf32, #tpu.memory_space<hbm>>) dst(%dma_wait3A_418 : memref<128x9xf32, #tpu.memory_space<vmem>>)
      %dma_wait3A_424 = arith.constant 1664 : i32
      %dma_wait3A_425 = arith.constant 0 : i32
      %dma_wait3A_426 = tpu.memref_slice %arg13[%dma_wait3A_424, %dma_wait3A_425] : memref<2048x9xf32, #tpu.memory_space<vmem>> -> memref<128x9xf32, #tpu.memory_space<vmem>>
      %dma_wait3A_427 = arith.constant 1664 : i32
      %dma_wait3A_428 = tpu.memref_slice %arg11[%dma_wait3A_427] : memref<2048xi32, #tpu.memory_space<vmem>> -> memref<128xi32, #tpu.memory_space<vmem>>
      %dma_wait3A_429 = arith.constant 0 : i32
      %dma_wait3A_430 = arith.constant 0 : i32
      %dma_wait3A_431 = tpu.memref_slice %arg2[%dma_wait3A_429, %dma_wait3A_430] : memref<2097152x9xf32, #tpu.memory_space<hbm>> -> memref<2097152x9xf32, #tpu.memory_space<hbm>>
      tpu.wait_indirect_dma semaphore(%arg15 : memref<!tpu.dma_semaphore, #tpu.memory_space<semaphore_mem>>) src(%dma_wait3A_431 : memref<2097152x9xf32, #tpu.memory_space<hbm>>) dst(%dma_wait3A_426 : memref<128x9xf32, #tpu.memory_space<vmem>>)
      %dma_wait3A_432 = arith.constant 1792 : i32
      %dma_wait3A_433 = arith.constant 0 : i32
      %dma_wait3A_434 = tpu.memref_slice %arg13[%dma_wait3A_432, %dma_wait3A_433] : memref<2048x9xf32, #tpu.memory_space<vmem>> -> memref<128x9xf32, #tpu.memory_space<vmem>>
      %dma_wait3A_435 = arith.constant 1792 : i32
      %dma_wait3A_436 = tpu.memref_slice %arg11[%dma_wait3A_435] : memref<2048xi32, #tpu.memory_space<vmem>> -> memref<128xi32, #tpu.memory_space<vmem>>
      %dma_wait3A_437 = arith.constant 0 : i32
      %dma_wait3A_438 = arith.constant 0 : i32
      %dma_wait3A_439 = tpu.memref_slice %arg2[%dma_wait3A_437, %dma_wait3A_438] : memref<2097152x9xf32, #tpu.memory_space<hbm>> -> memref<2097152x9xf32, #tpu.memory_space<hbm>>
      tpu.wait_indirect_dma semaphore(%arg15 : memref<!tpu.dma_semaphore, #tpu.memory_space<semaphore_mem>>) src(%dma_wait3A_439 : memref<2097152x9xf32, #tpu.memory_space<hbm>>) dst(%dma_wait3A_434 : memref<128x9xf32, #tpu.memory_space<vmem>>)
      %dma_wait3A_440 = arith.constant 1920 : i32
      %dma_wait3A_441 = arith.constant 0 : i32
      %dma_wait3A_442 = tpu.memref_slice %arg13[%dma_wait3A_440, %dma_wait3A_441] : memref<2048x9xf32, #tpu.memory_space<vmem>> -> memref<128x9xf32, #tpu.memory_space<vmem>>
      %dma_wait3A_443 = arith.constant 1920 : i32
      %dma_wait3A_444 = tpu.memref_slice %arg11[%dma_wait3A_443] : memref<2048xi32, #tpu.memory_space<vmem>> -> memref<128xi32, #tpu.memory_space<vmem>>
      %dma_wait3A_445 = arith.constant 0 : i32
      %dma_wait3A_446 = arith.constant 0 : i32
      %dma_wait3A_447 = tpu.memref_slice %arg2[%dma_wait3A_445, %dma_wait3A_446] : memref<2097152x9xf32, #tpu.memory_space<hbm>> -> memref<2097152x9xf32, #tpu.memory_space<hbm>>
      tpu.wait_indirect_dma semaphore(%arg15 : memref<!tpu.dma_semaphore, #tpu.memory_space<semaphore_mem>>) src(%dma_wait3A_447 : memref<2097152x9xf32, #tpu.memory_space<hbm>>) dst(%dma_wait3A_442 : memref<128x9xf32, #tpu.memory_space<vmem>>)
      %scan3A_448 = arith.constant 0 : i32
      %scan3A_449 = arith.constant 0 : i32
      %scan3A_450 = arith.constant 16 : i32
      %scan3A_451 = arith.addi %scan3A_449, %scan3A_450 : i32
      %scan3A_452 = arith.constant 1 : i32
      scf.for %scan3A_604 = %scan3A_449 to %scan3A_451 step %scan3A_452  : i32 {
        %mul3A_605 = arith.constant 16 : i32
        %mul3A_606 = arith.muli %scan3A_604, %mul3A_605 : i32
        %get3A_607 = arith.constant 0 : i32
        %get3A_608 = arith.index_cast %get3A_607 : i32 to index
        %get3A_609 = arith.index_cast %mul3A_606 : i32 to index
        %get3A_610 = tpu.vector_load %arg9[%get3A_608, %get3A_609] {strides = array<i32>} : memref<11x256xf32, #tpu.memory_space<vmem>>, vector<16xf32>,
        %get3A_611 = arith.constant 1 : i32
        %get3A_612 = arith.index_cast %get3A_611 : i32 to index
        %get3A_613 = arith.index_cast %mul3A_606 : i32 to index
        %get3A_614 = tpu.vector_load %arg9[%get3A_612, %get3A_613] {strides = array<i32>} : memref<11x256xf32, #tpu.memory_space<vmem>>, vector<16xf32>,
        %get3A_615 = arith.constant 2 : i32
        %get3A_616 = arith.index_cast %get3A_615 : i32 to index
        %get3A_617 = arith.index_cast %mul3A_606 : i32 to index
        %get3A_618 = tpu.vector_load %arg9[%get3A_616, %get3A_617] {strides = array<i32>} : memref<11x256xf32, #tpu.memory_space<vmem>>, vector<16xf32>,
        %sub3A = arith.constant 1.000000e+00 : f32
        %sub3A_619 = vector.broadcast %sub3A : f32 to vector<16xf32>
        %sub3A_620 = arith.subf %sub3A_619, %get3A_610 : vector<16xf32>
        %sub3A_621 = arith.constant 1.000000e+00 : f32
        %sub3A_622 = vector.broadcast %sub3A_621 : f32 to vector<16xf32>
        %sub3A_623 = arith.subf %sub3A_622, %get3A_614 : vector<16xf32>
        %sub3A_624 = arith.constant 1.000000e+00 : f32
        %sub3A_625 = vector.broadcast %sub3A_624 : f32 to vector<16xf32>
        %sub3A_626 = arith.subf %sub3A_625, %get3A_618 : vector<16xf32>
        %get3A_627 = arith.constant 3 : i32
        %get3A_628 = arith.index_cast %get3A_627 : i32 to index
        %get3A_629 = arith.index_cast %mul3A_606 : i32 to index
        %get3A_630 = tpu.vector_load %arg9[%get3A_628, %get3A_629] {strides = array<i32>} : memref<11x256xf32, #tpu.memory_space<vmem>>, vector<16xf32>,
        %get3A_631 = arith.constant 4 : i32
        %get3A_632 = arith.index_cast %get3A_631 : i32 to index
        %get3A_633 = arith.index_cast %mul3A_606 : i32 to index
        %get3A_634 = tpu.vector_load %arg9[%get3A_632, %get3A_633] {strides = array<i32>} : memref<11x256xf32, #tpu.memory_space<vmem>>, vector<16xf32>,
        %get3A_635 = arith.constant 5 : i32
        %get3A_636 = arith.index_cast %get3A_635 : i32 to index
        %get3A_637 = arith.index_cast %mul3A_606 : i32 to index
        %get3A_638 = tpu.vector_load %arg9[%get3A_636, %get3A_637] {strides = array<i32>} : memref<11x256xf32, #tpu.memory_space<vmem>>, vector<16xf32>,
        %get3A_639 = arith.constant 6 : i32
        %get3A_640 = arith.index_cast %get3A_639 : i32 to index
        %get3A_641 = arith.index_cast %mul3A_606 : i32 to index
        %get3A_642 = tpu.vector_load %arg9[%get3A_640, %get3A_641] {strides = array<i32>} : memref<11x256xf32, #tpu.memory_space<vmem>>, vector<16xf32>,
        %get3A_643 = arith.constant 7 : i32
        %get3A_644 = arith.index_cast %get3A_643 : i32 to index
        %get3A_645 = arith.index_cast %mul3A_606 : i32 to index
        %get3A_646 = tpu.vector_load %arg9[%get3A_644, %get3A_645] {strides = array<i32>} : memref<11x256xf32, #tpu.memory_space<vmem>>, vector<16xf32>,
        %get3A_647 = arith.constant 8 : i32
        %get3A_648 = arith.index_cast %get3A_647 : i32 to index
        %get3A_649 = arith.index_cast %mul3A_606 : i32 to index
        %get3A_650 = tpu.vector_load %arg9[%get3A_648, %get3A_649] {strides = array<i32>} : memref<11x256xf32, #tpu.memory_space<vmem>>, vector<16xf32>,
        %get3A_651 = arith.constant 9 : i32
        %get3A_652 = arith.index_cast %get3A_651 : i32 to index
        %get3A_653 = arith.index_cast %mul3A_606 : i32 to index
        %get3A_654 = tpu.vector_load %arg9[%get3A_652, %get3A_653] {strides = array<i32>} : memref<11x256xf32, #tpu.memory_space<vmem>>, vector<16xf32>,
        %get3A_655 = arith.constant 10 : i32
        %get3A_656 = arith.index_cast %get3A_655 : i32 to index
        %get3A_657 = arith.index_cast %mul3A_606 : i32 to index
        %get3A_658 = tpu.vector_load %arg9[%get3A_656, %get3A_657] {strides = array<i32>} : memref<11x256xf32, #tpu.memory_space<vmem>>, vector<16xf32>,
        %mul3A_659 = arith.constant 16 : i32
        %mul3A_660 = arith.muli %scan3A_604, %mul3A_659 : i32
        %add3A_661 = arith.constant 0 : i32
        %add3A_662 = arith.addi %add3A_661, %mul3A_660 : i32
        %add3A_663 = vector.broadcast %add3A_662 : i32 to vector<16xi32>
        %add3A_664 = arith.addi %iota3A, %add3A_663 : vector<16xi32>
        %gather3A = tpu.vector_load_idx %arg13[%add3A_664, %broadcast_in_dim3A_1] : memref<2048x9xf32, #tpu.memory_space<vmem>>[vector<16xi32>, vector<16xi32>], vector<16xf32>,
        %mul3A_665 = arith.constant 0.282094806 : f32
        %mul3A_666 = vector.broadcast %mul3A_665 : f32 to vector<16xf32>
        %mul3A_667 = arith.mulf %mul3A_666, %gather3A : vector<16xf32>
        %gather3A_668 = tpu.vector_load_idx %arg13[%add3A_664, %broadcast_in_dim3A_3] : memref<2048x9xf32, #tpu.memory_space<vmem>>[vector<16xi32>, vector<16xi32>], vector<16xf32>,
        %mul3A_669 = arith.mulf %get3A_630, %gather3A_668 : vector<16xf32>
        %add3A_670 = arith.addf %mul3A_667, %mul3A_669 : vector<16xf32>
        %gather3A_671 = tpu.vector_load_idx %arg13[%add3A_664, %broadcast_in_dim3A_5] : memref<2048x9xf32, #tpu.memory_space<vmem>>[vector<16xi32>, vector<16xi32>], vector<16xf32>,
        %mul3A_672 = arith.mulf %get3A_634, %gather3A_671 : vector<16xf32>
        %add3A_673 = arith.addf %add3A_670, %mul3A_672 : vector<16xf32>
        %gather3A_674 = tpu.vector_load_idx %arg13[%add3A_664, %broadcast_in_dim3A_7] : memref<2048x9xf32, #tpu.memory_space<vmem>>[vector<16xi32>, vector<16xi32>], vector<16xf32>,
        %mul3A_675 = arith.mulf %get3A_638, %gather3A_674 : vector<16xf32>
        %add3A_676 = arith.addf %add3A_673, %mul3A_675 : vector<16xf32>
        %gather3A_677 = tpu.vector_load_idx %arg13[%add3A_664, %broadcast_in_dim3A_9] : memref<2048x9xf32, #tpu.memory_space<vmem>>[vector<16xi32>, vector<16xi32>], vector<16xf32>,
        %mul3A_678 = arith.mulf %get3A_642, %gather3A_677 : vector<16xf32>
        %add3A_679 = arith.addf %add3A_676, %mul3A_678 : vector<16xf32>
        %gather3A_680 = tpu.vector_load_idx %arg13[%add3A_664, %broadcast_in_dim3A_11] : memref<2048x9xf32, #tpu.memory_space<vmem>>[vector<16xi32>, vector<16xi32>], vector<16xf32>,
        %mul3A_681 = arith.mulf %get3A_646, %gather3A_680 : vector<16xf32>
        %add3A_682 = arith.addf %add3A_679, %mul3A_681 : vector<16xf32>
        %gather3A_683 = tpu.vector_load_idx %arg13[%add3A_664, %broadcast_in_dim3A_13] : memref<2048x9xf32, #tpu.memory_space<vmem>>[vector<16xi32>, vector<16xi32>], vector<16xf32>,
        %mul3A_684 = arith.mulf %get3A_650, %gather3A_683 : vector<16xf32>
        %add3A_685 = arith.addf %add3A_682, %mul3A_684 : vector<16xf32>
        %gather3A_686 = tpu.vector_load_idx %arg13[%add3A_664, %broadcast_in_dim3A_15] : memref<2048x9xf32, #tpu.memory_space<vmem>>[vector<16xi32>, vector<16xi32>], vector<16xf32>,
        %mul3A_687 = arith.mulf %get3A_654, %gather3A_686 : vector<16xf32>
        %add3A_688 = arith.addf %add3A_685, %mul3A_687 : vector<16xf32>
        %gather3A_689 = tpu.vector_load_idx %arg13[%add3A_664, %broadcast_in_dim3A_17] : memref<2048x9xf32, #tpu.memory_space<vmem>>[vector<16xi32>, vector<16xi32>], vector<16xf32>,
        %mul3A_690 = arith.mulf %get3A_658, %gather3A_689 : vector<16xf32>
        %add3A_691 = arith.addf %add3A_688, %mul3A_690 : vector<16xf32>
        %mul3A_692 = arith.mulf %sub3A_620, %sub3A_623 : vector<16xf32>
        %mul3A_693 = arith.mulf %mul3A_692, %sub3A_626 : vector<16xf32>
        %mul3A_694 = arith.mulf %mul3A_693, %add3A_691 : vector<16xf32>
        %add3A_695 = arith.constant 256 : i32
        %add3A_696 = arith.addi %add3A_695, %mul3A_660 : i32
        %add3A_697 = vector.broadcast %add3A_696 : i32 to vector<16xi32>
        %add3A_698 = arith.addi %iota3A, %add3A_697 : vector<16xi32>
        %gather3A_699 = tpu.vector_load_idx %arg13[%add3A_698, %broadcast_in_dim3A_1] : memref<2048x9xf32, #tpu.memory_space<vmem>>[vector<16xi32>, vector<16xi32>], vector<16xf32>,
        %mul3A_700 = arith.constant 0.282094806 : f32
        %mul3A_701 = vector.broadcast %mul3A_700 : f32 to vector<16xf32>
        %mul3A_702 = arith.mulf %mul3A_701, %gather3A_699 : vector<16xf32>
        %gather3A_703 = tpu.vector_load_idx %arg13[%add3A_698, %broadcast_in_dim3A_3] : memref<2048x9xf32, #tpu.memory_space<vmem>>[vector<16xi32>, vector<16xi32>], vector<16xf32>,
        %mul3A_704 = arith.mulf %get3A_630, %gather3A_703 : vector<16xf32>
        %add3A_705 = arith.addf %mul3A_702, %mul3A_704 : vector<16xf32>
        %gather3A_706 = tpu.vector_load_idx %arg13[%add3A_698, %broadcast_in_dim3A_5] : memref<2048x9xf32, #tpu.memory_space<vmem>>[vector<16xi32>, vector<16xi32>], vector<16xf32>,
        %mul3A_707 = arith.mulf %get3A_634, %gather3A_706 : vector<16xf32>
        %add3A_708 = arith.addf %add3A_705, %mul3A_707 : vector<16xf32>
        %gather3A_709 = tpu.vector_load_idx %arg13[%add3A_698, %broadcast_in_dim3A_7] : memref<2048x9xf32, #tpu.memory_space<vmem>>[vector<16xi32>, vector<16xi32>], vector<16xf32>,
        %mul3A_710 = arith.mulf %get3A_638, %gather3A_709 : vector<16xf32>
        %add3A_711 = arith.addf %add3A_708, %mul3A_710 : vector<16xf32>
        %gather3A_712 = tpu.vector_load_idx %arg13[%add3A_698, %broadcast_in_dim3A_9] : memref<2048x9xf32, #tpu.memory_space<vmem>>[vector<16xi32>, vector<16xi32>], vector<16xf32>,
        %mul3A_713 = arith.mulf %get3A_642, %gather3A_712 : vector<16xf32>
        %add3A_714 = arith.addf %add3A_711, %mul3A_713 : vector<16xf32>
        %gather3A_715 = tpu.vector_load_idx %arg13[%add3A_698, %broadcast_in_dim3A_11] : memref<2048x9xf32, #tpu.memory_space<vmem>>[vector<16xi32>, vector<16xi32>], vector<16xf32>,
        %mul3A_716 = arith.mulf %get3A_646, %gather3A_715 : vector<16xf32>
        %add3A_717 = arith.addf %add3A_714, %mul3A_716 : vector<16xf32>
        %gather3A_718 = tpu.vector_load_idx %arg13[%add3A_698, %broadcast_in_dim3A_13] : memref<2048x9xf32, #tpu.memory_space<vmem>>[vector<16xi32>, vector<16xi32>], vector<16xf32>,
        %mul3A_719 = arith.mulf %get3A_650, %gather3A_718 : vector<16xf32>
        %add3A_720 = arith.addf %add3A_717, %mul3A_719 : vector<16xf32>
        %gather3A_721 = tpu.vector_load_idx %arg13[%add3A_698, %broadcast_in_dim3A_15] : memref<2048x9xf32, #tpu.memory_space<vmem>>[vector<16xi32>, vector<16xi32>], vector<16xf32>,
        %mul3A_722 = arith.mulf %get3A_654, %gather3A_721 : vector<16xf32>
        %add3A_723 = arith.addf %add3A_720, %mul3A_722 : vector<16xf32>
        %gather3A_724 = tpu.vector_load_idx %arg13[%add3A_698, %broadcast_in_dim3A_17] : memref<2048x9xf32, #tpu.memory_space<vmem>>[vector<16xi32>, vector<16xi32>], vector<16xf32>,
        %mul3A_725 = arith.mulf %get3A_658, %gather3A_724 : vector<16xf32>
        %add3A_726 = arith.addf %add3A_723, %mul3A_725 : vector<16xf32>
        %mul3A_727 = arith.mulf %sub3A_620, %sub3A_623 : vector<16xf32>
        %mul3A_728 = arith.mulf %mul3A_727, %get3A_618 : vector<16xf32>
        %mul3A_729 = arith.mulf %mul3A_728, %add3A_726 : vector<16xf32>
        %add3A_730 = arith.addf %mul3A_694, %mul3A_729 : vector<16xf32>
        %add3A_731 = arith.constant 512 : i32
        %add3A_732 = arith.addi %add3A_731, %mul3A_660 : i32
        %add3A_733 = vector.broadcast %add3A_732 : i32 to vector<16xi32>
        %add3A_734 = arith.addi %iota3A, %add3A_733 : vector<16xi32>
        %gather3A_735 = tpu.vector_load_idx %arg13[%add3A_734, %broadcast_in_dim3A_1] : memref<2048x9xf32, #tpu.memory_space<vmem>>[vector<16xi32>, vector<16xi32>], vector<16xf32>,
        %mul3A_736 = arith.constant 0.282094806 : f32
        %mul3A_737 = vector.broadcast %mul3A_736 : f32 to vector<16xf32>
        %mul3A_738 = arith.mulf %mul3A_737, %gather3A_735 : vector<16xf32>
        %gather3A_739 = tpu.vector_load_idx %arg13[%add3A_734, %broadcast_in_dim3A_3] : memref<2048x9xf32, #tpu.memory_space<vmem>>[vector<16xi32>, vector<16xi32>], vector<16xf32>,
        %mul3A_740 = arith.mulf %get3A_630, %gather3A_739 : vector<16xf32>
        %add3A_741 = arith.addf %mul3A_738, %mul3A_740 : vector<16xf32>
        %gather3A_742 = tpu.vector_load_idx %arg13[%add3A_734, %broadcast_in_dim3A_5] : memref<2048x9xf32, #tpu.memory_space<vmem>>[vector<16xi32>, vector<16xi32>], vector<16xf32>,
        %mul3A_743 = arith.mulf %get3A_634, %gather3A_742 : vector<16xf32>
        %add3A_744 = arith.addf %add3A_741, %mul3A_743 : vector<16xf32>
        %gather3A_745 = tpu.vector_load_idx %arg13[%add3A_734, %broadcast_in_dim3A_7] : memref<2048x9xf32, #tpu.memory_space<vmem>>[vector<16xi32>, vector<16xi32>], vector<16xf32>,
        %mul3A_746 = arith.mulf %get3A_638, %gather3A_745 : vector<16xf32>
        %add3A_747 = arith.addf %add3A_744, %mul3A_746 : vector<16xf32>
        %gather3A_748 = tpu.vector_load_idx %arg13[%add3A_734, %broadcast_in_dim3A_9] : memref<2048x9xf32, #tpu.memory_space<vmem>>[vector<16xi32>, vector<16xi32>], vector<16xf32>,
        %mul3A_749 = arith.mulf %get3A_642, %gather3A_748 : vector<16xf32>
        %add3A_750 = arith.addf %add3A_747, %mul3A_749 : vector<16xf32>
        %gather3A_751 = tpu.vector_load_idx %arg13[%add3A_734, %broadcast_in_dim3A_11] : memref<2048x9xf32, #tpu.memory_space<vmem>>[vector<16xi32>, vector<16xi32>], vector<16xf32>,
        %mul3A_752 = arith.mulf %get3A_646, %gather3A_751 : vector<16xf32>
        %add3A_753 = arith.addf %add3A_750, %mul3A_752 : vector<16xf32>
        %gather3A_754 = tpu.vector_load_idx %arg13[%add3A_734, %broadcast_in_dim3A_13] : memref<2048x9xf32, #tpu.memory_space<vmem>>[vector<16xi32>, vector<16xi32>], vector<16xf32>,
        %mul3A_755 = arith.mulf %get3A_650, %gather3A_754 : vector<16xf32>
        %add3A_756 = arith.addf %add3A_753, %mul3A_755 : vector<16xf32>
        %gather3A_757 = tpu.vector_load_idx %arg13[%add3A_734, %broadcast_in_dim3A_15] : memref<2048x9xf32, #tpu.memory_space<vmem>>[vector<16xi32>, vector<16xi32>], vector<16xf32>,
        %mul3A_758 = arith.mulf %get3A_654, %gather3A_757 : vector<16xf32>
        %add3A_759 = arith.addf %add3A_756, %mul3A_758 : vector<16xf32>
        %gather3A_760 = tpu.vector_load_idx %arg13[%add3A_734, %broadcast_in_dim3A_17] : memref<2048x9xf32, #tpu.memory_space<vmem>>[vector<16xi32>, vector<16xi32>], vector<16xf32>,
        %mul3A_761 = arith.mulf %get3A_658, %gather3A_760 : vector<16xf32>
        %add3A_762 = arith.addf %add3A_759, %mul3A_761 : vector<16xf32>
        %mul3A_763 = arith.mulf %sub3A_620, %get3A_614 : vector<16xf32>
        %mul3A_764 = arith.mulf %mul3A_763, %sub3A_626 : vector<16xf32>
        %mul3A_765 = arith.mulf %mul3A_764, %add3A_762 : vector<16xf32>
        %add3A_766 = arith.addf %add3A_730, %mul3A_765 : vector<16xf32>
        %add3A_767 = arith.constant 768 : i32
        %add3A_768 = arith.addi %add3A_767, %mul3A_660 : i32
        %add3A_769 = vector.broadcast %add3A_768 : i32 to vector<16xi32>
        %add3A_770 = arith.addi %iota3A, %add3A_769 : vector<16xi32>
        %gather3A_771 = tpu.vector_load_idx %arg13[%add3A_770, %broadcast_in_dim3A_1] : memref<2048x9xf32, #tpu.memory_space<vmem>>[vector<16xi32>, vector<16xi32>], vector<16xf32>,
        %mul3A_772 = arith.constant 0.282094806 : f32
        %mul3A_773 = vector.broadcast %mul3A_772 : f32 to vector<16xf32>
        %mul3A_774 = arith.mulf %mul3A_773, %gather3A_771 : vector<16xf32>
        %gather3A_775 = tpu.vector_load_idx %arg13[%add3A_770, %broadcast_in_dim3A_3] : memref<2048x9xf32, #tpu.memory_space<vmem>>[vector<16xi32>, vector<16xi32>], vector<16xf32>,
        %mul3A_776 = arith.mulf %get3A_630, %gather3A_775 : vector<16xf32>
        %add3A_777 = arith.addf %mul3A_774, %mul3A_776 : vector<16xf32>
        %gather3A_778 = tpu.vector_load_idx %arg13[%add3A_770, %broadcast_in_dim3A_5] : memref<2048x9xf32, #tpu.memory_space<vmem>>[vector<16xi32>, vector<16xi32>], vector<16xf32>,
        %mul3A_779 = arith.mulf %get3A_634, %gather3A_778 : vector<16xf32>
        %add3A_780 = arith.addf %add3A_777, %mul3A_779 : vector<16xf32>
        %gather3A_781 = tpu.vector_load_idx %arg13[%add3A_770, %broadcast_in_dim3A_7] : memref<2048x9xf32, #tpu.memory_space<vmem>>[vector<16xi32>, vector<16xi32>], vector<16xf32>,
        %mul3A_782 = arith.mulf %get3A_638, %gather3A_781 : vector<16xf32>
        %add3A_783 = arith.addf %add3A_780, %mul3A_782 : vector<16xf32>
        %gather3A_784 = tpu.vector_load_idx %arg13[%add3A_770, %broadcast_in_dim3A_9] : memref<2048x9xf32, #tpu.memory_space<vmem>>[vector<16xi32>, vector<16xi32>], vector<16xf32>,
        %mul3A_785 = arith.mulf %get3A_642, %gather3A_784 : vector<16xf32>
        %add3A_786 = arith.addf %add3A_783, %mul3A_785 : vector<16xf32>
        %gather3A_787 = tpu.vector_load_idx %arg13[%add3A_770, %broadcast_in_dim3A_11] : memref<2048x9xf32, #tpu.memory_space<vmem>>[vector<16xi32>, vector<16xi32>], vector<16xf32>,
        %mul3A_788 = arith.mulf %get3A_646, %gather3A_787 : vector<16xf32>
        %add3A_789 = arith.addf %add3A_786, %mul3A_788 : vector<16xf32>
        %gather3A_790 = tpu.vector_load_idx %arg13[%add3A_770, %broadcast_in_dim3A_13] : memref<2048x9xf32, #tpu.memory_space<vmem>>[vector<16xi32>, vector<16xi32>], vector<16xf32>,
        %mul3A_791 = arith.mulf %get3A_650, %gather3A_790 : vector<16xf32>
        %add3A_792 = arith.addf %add3A_789, %mul3A_791 : vector<16xf32>
        %gather3A_793 = tpu.vector_load_idx %arg13[%add3A_770, %broadcast_in_dim3A_15] : memref<2048x9xf32, #tpu.memory_space<vmem>>[vector<16xi32>, vector<16xi32>], vector<16xf32>,
        %mul3A_794 = arith.mulf %get3A_654, %gather3A_793 : vector<16xf32>
        %add3A_795 = arith.addf %add3A_792, %mul3A_794 : vector<16xf32>
        %gather3A_796 = tpu.vector_load_idx %arg13[%add3A_770, %broadcast_in_dim3A_17] : memref<2048x9xf32, #tpu.memory_space<vmem>>[vector<16xi32>, vector<16xi32>], vector<16xf32>,
        %mul3A_797 = arith.mulf %get3A_658, %gather3A_796 : vector<16xf32>
        %add3A_798 = arith.addf %add3A_795, %mul3A_797 : vector<16xf32>
        %mul3A_799 = arith.mulf %sub3A_620, %get3A_614 : vector<16xf32>
        %mul3A_800 = arith.mulf %mul3A_799, %get3A_618 : vector<16xf32>
        %mul3A_801 = arith.mulf %mul3A_800, %add3A_798 : vector<16xf32>
        %add3A_802 = arith.addf %add3A_766, %mul3A_801 : vector<16xf32>
        %add3A_803 = arith.constant 1024 : i32
        %add3A_804 = arith.addi %add3A_803, %mul3A_660 : i32
        %add3A_805 = vector.broadcast %add3A_804 : i32 to vector<16xi32>
        %add3A_806 = arith.addi %iota3A, %add3A_805 : vector<16xi32>
        %gather3A_807 = tpu.vector_load_idx %arg13[%add3A_806, %broadcast_in_dim3A_1] : memref<2048x9xf32, #tpu.memory_space<vmem>>[vector<16xi32>, vector<16xi32>], vector<16xf32>,
        %mul3A_808 = arith.constant 0.282094806 : f32
        %mul3A_809 = vector.broadcast %mul3A_808 : f32 to vector<16xf32>
        %mul3A_810 = arith.mulf %mul3A_809, %gather3A_807 : vector<16xf32>
        %gather3A_811 = tpu.vector_load_idx %arg13[%add3A_806, %broadcast_in_dim3A_3] : memref<2048x9xf32, #tpu.memory_space<vmem>>[vector<16xi32>, vector<16xi32>], vector<16xf32>,
        %mul3A_812 = arith.mulf %get3A_630, %gather3A_811 : vector<16xf32>
        %add3A_813 = arith.addf %mul3A_810, %mul3A_812 : vector<16xf32>
        %gather3A_814 = tpu.vector_load_idx %arg13[%add3A_806, %broadcast_in_dim3A_5] : memref<2048x9xf32, #tpu.memory_space<vmem>>[vector<16xi32>, vector<16xi32>], vector<16xf32>,
        %mul3A_815 = arith.mulf %get3A_634, %gather3A_814 : vector<16xf32>
        %add3A_816 = arith.addf %add3A_813, %mul3A_815 : vector<16xf32>
        %gather3A_817 = tpu.vector_load_idx %arg13[%add3A_806, %broadcast_in_dim3A_7] : memref<2048x9xf32, #tpu.memory_space<vmem>>[vector<16xi32>, vector<16xi32>], vector<16xf32>,
        %mul3A_818 = arith.mulf %get3A_638, %gather3A_817 : vector<16xf32>
        %add3A_819 = arith.addf %add3A_816, %mul3A_818 : vector<16xf32>
        %gather3A_820 = tpu.vector_load_idx %arg13[%add3A_806, %broadcast_in_dim3A_9] : memref<2048x9xf32, #tpu.memory_space<vmem>>[vector<16xi32>, vector<16xi32>], vector<16xf32>,
        %mul3A_821 = arith.mulf %get3A_642, %gather3A_820 : vector<16xf32>
        %add3A_822 = arith.addf %add3A_819, %mul3A_821 : vector<16xf32>
        %gather3A_823 = tpu.vector_load_idx %arg13[%add3A_806, %broadcast_in_dim3A_11] : memref<2048x9xf32, #tpu.memory_space<vmem>>[vector<16xi32>, vector<16xi32>], vector<16xf32>,
        %mul3A_824 = arith.mulf %get3A_646, %gather3A_823 : vector<16xf32>
        %add3A_825 = arith.addf %add3A_822, %mul3A_824 : vector<16xf32>
        %gather3A_826 = tpu.vector_load_idx %arg13[%add3A_806, %broadcast_in_dim3A_13] : memref<2048x9xf32, #tpu.memory_space<vmem>>[vector<16xi32>, vector<16xi32>], vector<16xf32>,
        %mul3A_827 = arith.mulf %get3A_650, %gather3A_826 : vector<16xf32>
        %add3A_828 = arith.addf %add3A_825, %mul3A_827 : vector<16xf32>
        %gather3A_829 = tpu.vector_load_idx %arg13[%add3A_806, %broadcast_in_dim3A_15] : memref<2048x9xf32, #tpu.memory_space<vmem>>[vector<16xi32>, vector<16xi32>], vector<16xf32>,
        %mul3A_830 = arith.mulf %get3A_654, %gather3A_829 : vector<16xf32>
        %add3A_831 = arith.addf %add3A_828, %mul3A_830 : vector<16xf32>
        %gather3A_832 = tpu.vector_load_idx %arg13[%add3A_806, %broadcast_in_dim3A_17] : memref<2048x9xf32, #tpu.memory_space<vmem>>[vector<16xi32>, vector<16xi32>], vector<16xf32>,
        %mul3A_833 = arith.mulf %get3A_658, %gather3A_832 : vector<16xf32>
        %add3A_834 = arith.addf %add3A_831, %mul3A_833 : vector<16xf32>
        %mul3A_835 = arith.mulf %get3A_610, %sub3A_623 : vector<16xf32>
        %mul3A_836 = arith.mulf %mul3A_835, %sub3A_626 : vector<16xf32>
        %mul3A_837 = arith.mulf %mul3A_836, %add3A_834 : vector<16xf32>
        %add3A_838 = arith.addf %add3A_802, %mul3A_837 : vector<16xf32>
        %add3A_839 = arith.constant 1280 : i32
        %add3A_840 = arith.addi %add3A_839, %mul3A_660 : i32
        %add3A_841 = vector.broadcast %add3A_840 : i32 to vector<16xi32>
        %add3A_842 = arith.addi %iota3A, %add3A_841 : vector<16xi32>
        %gather3A_843 = tpu.vector_load_idx %arg13[%add3A_842, %broadcast_in_dim3A_1] : memref<2048x9xf32, #tpu.memory_space<vmem>>[vector<16xi32>, vector<16xi32>], vector<16xf32>,
        %mul3A_844 = arith.constant 0.282094806 : f32
        %mul3A_845 = vector.broadcast %mul3A_844 : f32 to vector<16xf32>
        %mul3A_846 = arith.mulf %mul3A_845, %gather3A_843 : vector<16xf32>
        %gather3A_847 = tpu.vector_load_idx %arg13[%add3A_842, %broadcast_in_dim3A_3] : memref<2048x9xf32, #tpu.memory_space<vmem>>[vector<16xi32>, vector<16xi32>], vector<16xf32>,
        %mul3A_848 = arith.mulf %get3A_630, %gather3A_847 : vector<16xf32>
        %add3A_849 = arith.addf %mul3A_846, %mul3A_848 : vector<16xf32>
        %gather3A_850 = tpu.vector_load_idx %arg13[%add3A_842, %broadcast_in_dim3A_5] : memref<2048x9xf32, #tpu.memory_space<vmem>>[vector<16xi32>, vector<16xi32>], vector<16xf32>,
        %mul3A_851 = arith.mulf %get3A_634, %gather3A_850 : vector<16xf32>
        %add3A_852 = arith.addf %add3A_849, %mul3A_851 : vector<16xf32>
        %gather3A_853 = tpu.vector_load_idx %arg13[%add3A_842, %broadcast_in_dim3A_7] : memref<2048x9xf32, #tpu.memory_space<vmem>>[vector<16xi32>, vector<16xi32>], vector<16xf32>,
        %mul3A_854 = arith.mulf %get3A_638, %gather3A_853 : vector<16xf32>
        %add3A_855 = arith.addf %add3A_852, %mul3A_854 : vector<16xf32>
        %gather3A_856 = tpu.vector_load_idx %arg13[%add3A_842, %broadcast_in_dim3A_9] : memref<2048x9xf32, #tpu.memory_space<vmem>>[vector<16xi32>, vector<16xi32>], vector<16xf32>,
        %mul3A_857 = arith.mulf %get3A_642, %gather3A_856 : vector<16xf32>
        %add3A_858 = arith.addf %add3A_855, %mul3A_857 : vector<16xf32>
        %gather3A_859 = tpu.vector_load_idx %arg13[%add3A_842, %broadcast_in_dim3A_11] : memref<2048x9xf32, #tpu.memory_space<vmem>>[vector<16xi32>, vector<16xi32>], vector<16xf32>,
        %mul3A_860 = arith.mulf %get3A_646, %gather3A_859 : vector<16xf32>
        %add3A_861 = arith.addf %add3A_858, %mul3A_860 : vector<16xf32>
        %gather3A_862 = tpu.vector_load_idx %arg13[%add3A_842, %broadcast_in_dim3A_13] : memref<2048x9xf32, #tpu.memory_space<vmem>>[vector<16xi32>, vector<16xi32>], vector<16xf32>,
        %mul3A_863 = arith.mulf %get3A_650, %gather3A_862 : vector<16xf32>
        %add3A_864 = arith.addf %add3A_861, %mul3A_863 : vector<16xf32>
        %gather3A_865 = tpu.vector_load_idx %arg13[%add3A_842, %broadcast_in_dim3A_15] : memref<2048x9xf32, #tpu.memory_space<vmem>>[vector<16xi32>, vector<16xi32>], vector<16xf32>,
        %mul3A_866 = arith.mulf %get3A_654, %gather3A_865 : vector<16xf32>
        %add3A_867 = arith.addf %add3A_864, %mul3A_866 : vector<16xf32>
        %gather3A_868 = tpu.vector_load_idx %arg13[%add3A_842, %broadcast_in_dim3A_17] : memref<2048x9xf32, #tpu.memory_space<vmem>>[vector<16xi32>, vector<16xi32>], vector<16xf32>,
        %mul3A_869 = arith.mulf %get3A_658, %gather3A_868 : vector<16xf32>
        %add3A_870 = arith.addf %add3A_867, %mul3A_869 : vector<16xf32>
        %mul3A_871 = arith.mulf %get3A_610, %sub3A_623 : vector<16xf32>
        %mul3A_872 = arith.mulf %mul3A_871, %get3A_618 : vector<16xf32>
        %mul3A_873 = arith.mulf %mul3A_872, %add3A_870 : vector<16xf32>
        %add3A_874 = arith.addf %add3A_838, %mul3A_873 : vector<16xf32>
        %add3A_875 = arith.constant 1536 : i32
        %add3A_876 = arith.addi %add3A_875, %mul3A_660 : i32
        %add3A_877 = vector.broadcast %add3A_876 : i32 to vector<16xi32>
        %add3A_878 = arith.addi %iota3A, %add3A_877 : vector<16xi32>
        %gather3A_879 = tpu.vector_load_idx %arg13[%add3A_878, %broadcast_in_dim3A_1] : memref<2048x9xf32, #tpu.memory_space<vmem>>[vector<16xi32>, vector<16xi32>], vector<16xf32>,
        %mul3A_880 = arith.constant 0.282094806 : f32
        %mul3A_881 = vector.broadcast %mul3A_880 : f32 to vector<16xf32>
        %mul3A_882 = arith.mulf %mul3A_881, %gather3A_879 : vector<16xf32>
        %gather3A_883 = tpu.vector_load_idx %arg13[%add3A_878, %broadcast_in_dim3A_3] : memref<2048x9xf32, #tpu.memory_space<vmem>>[vector<16xi32>, vector<16xi32>], vector<16xf32>,
        %mul3A_884 = arith.mulf %get3A_630, %gather3A_883 : vector<16xf32>
        %add3A_885 = arith.addf %mul3A_882, %mul3A_884 : vector<16xf32>
        %gather3A_886 = tpu.vector_load_idx %arg13[%add3A_878, %broadcast_in_dim3A_5] : memref<2048x9xf32, #tpu.memory_space<vmem>>[vector<16xi32>, vector<16xi32>], vector<16xf32>,
        %mul3A_887 = arith.mulf %get3A_634, %gather3A_886 : vector<16xf32>
        %add3A_888 = arith.addf %add3A_885, %mul3A_887 : vector<16xf32>
        %gather3A_889 = tpu.vector_load_idx %arg13[%add3A_878, %broadcast_in_dim3A_7] : memref<2048x9xf32, #tpu.memory_space<vmem>>[vector<16xi32>, vector<16xi32>], vector<16xf32>,
        %mul3A_890 = arith.mulf %get3A_638, %gather3A_889 : vector<16xf32>
        %add3A_891 = arith.addf %add3A_888, %mul3A_890 : vector<16xf32>
        %gather3A_892 = tpu.vector_load_idx %arg13[%add3A_878, %broadcast_in_dim3A_9] : memref<2048x9xf32, #tpu.memory_space<vmem>>[vector<16xi32>, vector<16xi32>], vector<16xf32>,
        %mul3A_893 = arith.mulf %get3A_642, %gather3A_892 : vector<16xf32>
        %add3A_894 = arith.addf %add3A_891, %mul3A_893 : vector<16xf32>
        %gather3A_895 = tpu.vector_load_idx %arg13[%add3A_878, %broadcast_in_dim3A_11] : memref<2048x9xf32, #tpu.memory_space<vmem>>[vector<16xi32>, vector<16xi32>], vector<16xf32>,
        %mul3A_896 = arith.mulf %get3A_646, %gather3A_895 : vector<16xf32>
        %add3A_897 = arith.addf %add3A_894, %mul3A_896 : vector<16xf32>
        %gather3A_898 = tpu.vector_load_idx %arg13[%add3A_878, %broadcast_in_dim3A_13] : memref<2048x9xf32, #tpu.memory_space<vmem>>[vector<16xi32>, vector<16xi32>], vector<16xf32>,
        %mul3A_899 = arith.mulf %get3A_650, %gather3A_898 : vector<16xf32>
        %add3A_900 = arith.addf %add3A_897, %mul3A_899 : vector<16xf32>
        %gather3A_901 = tpu.vector_load_idx %arg13[%add3A_878, %broadcast_in_dim3A_15] : memref<2048x9xf32, #tpu.memory_space<vmem>>[vector<16xi32>, vector<16xi32>], vector<16xf32>,
        %mul3A_902 = arith.mulf %get3A_654, %gather3A_901 : vector<16xf32>
        %add3A_903 = arith.addf %add3A_900, %mul3A_902 : vector<16xf32>
        %gather3A_904 = tpu.vector_load_idx %arg13[%add3A_878, %broadcast_in_dim3A_17] : memref<2048x9xf32, #tpu.memory_space<vmem>>[vector<16xi32>, vector<16xi32>], vector<16xf32>,
        %mul3A_905 = arith.mulf %get3A_658, %gather3A_904 : vector<16xf32>
        %add3A_906 = arith.addf %add3A_903, %mul3A_905 : vector<16xf32>
        %mul3A_907 = arith.mulf %get3A_610, %get3A_614 : vector<16xf32>
        %mul3A_908 = arith.mulf %mul3A_907, %sub3A_626 : vector<16xf32>
        %mul3A_909 = arith.mulf %mul3A_908, %add3A_906 : vector<16xf32>
        %add3A_910 = arith.addf %add3A_874, %mul3A_909 : vector<16xf32>
        %add3A_911 = arith.constant 1792 : i32
        %add3A_912 = arith.addi %add3A_911, %mul3A_660 : i32
        %add3A_913 = vector.broadcast %add3A_912 : i32 to vector<16xi32>
        %add3A_914 = arith.addi %iota3A, %add3A_913 : vector<16xi32>
        %gather3A_915 = tpu.vector_load_idx %arg13[%add3A_914, %broadcast_in_dim3A_1] : memref<2048x9xf32, #tpu.memory_space<vmem>>[vector<16xi32>, vector<16xi32>], vector<16xf32>,
        %mul3A_916 = arith.constant 0.282094806 : f32
        %mul3A_917 = vector.broadcast %mul3A_916 : f32 to vector<16xf32>
        %mul3A_918 = arith.mulf %mul3A_917, %gather3A_915 : vector<16xf32>
        %gather3A_919 = tpu.vector_load_idx %arg13[%add3A_914, %broadcast_in_dim3A_3] : memref<2048x9xf32, #tpu.memory_space<vmem>>[vector<16xi32>, vector<16xi32>], vector<16xf32>,
        %mul3A_920 = arith.mulf %get3A_630, %gather3A_919 : vector<16xf32>
        %add3A_921 = arith.addf %mul3A_918, %mul3A_920 : vector<16xf32>
        %gather3A_922 = tpu.vector_load_idx %arg13[%add3A_914, %broadcast_in_dim3A_5] : memref<2048x9xf32, #tpu.memory_space<vmem>>[vector<16xi32>, vector<16xi32>], vector<16xf32>,
        %mul3A_923 = arith.mulf %get3A_634, %gather3A_922 : vector<16xf32>
        %add3A_924 = arith.addf %add3A_921, %mul3A_923 : vector<16xf32>
        %gather3A_925 = tpu.vector_load_idx %arg13[%add3A_914, %broadcast_in_dim3A_7] : memref<2048x9xf32, #tpu.memory_space<vmem>>[vector<16xi32>, vector<16xi32>], vector<16xf32>,
        %mul3A_926 = arith.mulf %get3A_638, %gather3A_925 : vector<16xf32>
        %add3A_927 = arith.addf %add3A_924, %mul3A_926 : vector<16xf32>
        %gather3A_928 = tpu.vector_load_idx %arg13[%add3A_914, %broadcast_in_dim3A_9] : memref<2048x9xf32, #tpu.memory_space<vmem>>[vector<16xi32>, vector<16xi32>], vector<16xf32>,
        %mul3A_929 = arith.mulf %get3A_642, %gather3A_928 : vector<16xf32>
        %add3A_930 = arith.addf %add3A_927, %mul3A_929 : vector<16xf32>
        %gather3A_931 = tpu.vector_load_idx %arg13[%add3A_914, %broadcast_in_dim3A_11] : memref<2048x9xf32, #tpu.memory_space<vmem>>[vector<16xi32>, vector<16xi32>], vector<16xf32>,
        %mul3A_932 = arith.mulf %get3A_646, %gather3A_931 : vector<16xf32>
        %add3A_933 = arith.addf %add3A_930, %mul3A_932 : vector<16xf32>
        %gather3A_934 = tpu.vector_load_idx %arg13[%add3A_914, %broadcast_in_dim3A_13] : memref<2048x9xf32, #tpu.memory_space<vmem>>[vector<16xi32>, vector<16xi32>], vector<16xf32>,
        %mul3A_935 = arith.mulf %get3A_650, %gather3A_934 : vector<16xf32>
        %add3A_936 = arith.addf %add3A_933, %mul3A_935 : vector<16xf32>
        %gather3A_937 = tpu.vector_load_idx %arg13[%add3A_914, %broadcast_in_dim3A_15] : memref<2048x9xf32, #tpu.memory_space<vmem>>[vector<16xi32>, vector<16xi32>], vector<16xf32>,
        %mul3A_938 = arith.mulf %get3A_654, %gather3A_937 : vector<16xf32>
        %add3A_939 = arith.addf %add3A_936, %mul3A_938 : vector<16xf32>
        %gather3A_940 = tpu.vector_load_idx %arg13[%add3A_914, %broadcast_in_dim3A_17] : memref<2048x9xf32, #tpu.memory_space<vmem>>[vector<16xi32>, vector<16xi32>], vector<16xf32>,
        %mul3A_941 = arith.mulf %get3A_658, %gather3A_940 : vector<16xf32>
        %add3A_942 = arith.addf %add3A_939, %mul3A_941 : vector<16xf32>
        %mul3A_943 = arith.mulf %get3A_610, %get3A_614 : vector<16xf32>
        %mul3A_944 = arith.mulf %mul3A_943, %get3A_618 : vector<16xf32>
        %mul3A_945 = arith.mulf %mul3A_944, %add3A_942 : vector<16xf32>
        %add3A_946 = arith.addf %add3A_910, %mul3A_945 : vector<16xf32>
        %max3A = arith.constant 0.000000e+00 : f32
        %max3A_947 = vector.broadcast %max3A : f32 to vector<16xf32>
        %max3A_948 = arith.maximumf %add3A_946, %max3A_947 : vector<16xf32>
        %swap3A = arith.index_cast %mul3A_606 : i32 to index
        %swap3A_949 = tpu.vector_load %arg8[%swap3A] {strides = array<i32>} : memref<256xf32, #tpu.memory_space<vmem>>, vector<16xf32>,
        tpu.vector_store %arg8[%swap3A], %max3A_948 {strides = array<i32>} : memref<256xf32, #tpu.memory_space<vmem>>, vector<16xf32>,
      }
      %scan3A_453 = arith.constant 16 : i32
      %mul3A_454 = arith.constant 32768 : i32
      %mul3A_455 = arith.muli %add3A, %mul3A_454 : i32
      %mul3A_456 = arith.constant 256 : i32
      %mul3A_457 = arith.muli %mul3A_177, %mul3A_456 : i32
      %add3A_458 = arith.addi %mul3A_455, %mul3A_457 : i32
      "tpu.region"() ({
        %run_scoped3A = tpu.sem_alloc : memref<!tpu.dma_semaphore, #tpu.memory_space<semaphore_mem>>
        %dma_start3A_604 = tpu.memref_slice %arg5[%add3A_458] : memref<1048576xf32, #tpu.memory_space<hbm>> -> memref<256xf32, #tpu.memory_space<hbm>>
        %dma_start3A_605 = tpu.memref_slice %arg5[%add3A_458] : memref<1048576xf32, #tpu.memory_space<hbm>> -> memref<256xf32, #tpu.memory_space<hbm>>
        tpu.enqueue_dma source(%arg8 : memref<256xf32, #tpu.memory_space<vmem>>) target(%dma_start3A_605 : memref<256xf32, #tpu.memory_space<hbm>>) target_semaphore(%run_scoped3A : memref<!tpu.dma_semaphore, #tpu.memory_space<semaphore_mem>>)
        %dma_wait3A_606 = tpu.memref_slice %arg5[%add3A_458] : memref<1048576xf32, #tpu.memory_space<hbm>> -> memref<256xf32, #tpu.memory_space<hbm>>
        %dma_wait3A_607 = tpu.memref_slice %arg5[%add3A_458] : memref<1048576xf32, #tpu.memory_space<hbm>> -> memref<256xf32, #tpu.memory_space<hbm>>
        tpu.wait_dma2 semaphore(%run_scoped3A : memref<!tpu.dma_semaphore, #tpu.memory_space<semaphore_mem>>) src(%arg8 : memref<256xf32, #tpu.memory_space<vmem>>) dst(%dma_wait3A_607 : memref<256xf32, #tpu.memory_space<hbm>>)
        tpu.yield
      }) : () -> ()
      %add3A_459 = arith.constant 2 : i32
      %add3A_460 = arith.addi %mul3A_177, %add3A_459 : i32
      %lt3A = arith.constant 128 : i32
      %lt3A_461 = arith.cmpi slt, %add3A_460, %lt3A : i32
      %convert_element_type3A = arith.extui %lt3A_461 : i1 to i32
      %cond3A = arith.constant 0 : i32
      %cond3A_462 = arith.cmpi ne, %convert_element_type3A, %cond3A : i32
      scf.if %cond3A_462 {
        %add3A_604 = arith.constant 2 : i32
        %add3A_605 = arith.addi %mul3A_177, %add3A_604 : i32
        %mul3A_606 = arith.constant 128 : i32
        %mul3A_607 = arith.muli %add3A, %mul3A_606 : i32
        %add3A_608 = arith.addi %mul3A_607, %add3A_605 : i32
        %mul3A_609 = arith.constant 6 : i32
        %mul3A_610 = arith.muli %add3A_608, %mul3A_609 : i32
        %mul3A_611 = arith.constant 256 : i32
        %mul3A_612 = arith.muli %mul3A_610, %mul3A_611 : i32
        "tpu.region"() ({
          %run_scoped3A = tpu.sem_alloc : memref<!tpu.dma_semaphore, #tpu.memory_space<semaphore_mem>>
          %dma_start3A_747 = tpu.memref_slice %arg3[%mul3A_612] : memref<6291456xf32, #tpu.memory_space<hbm>> -> memref<1536xf32, #tpu.memory_space<hbm>>
          %dma_start3A_748 = tpu.memref_slice %arg3[%mul3A_612] : memref<6291456xf32, #tpu.memory_space<hbm>> -> memref<1536xf32, #tpu.memory_space<hbm>>
          tpu.enqueue_dma source(%dma_start3A_748 : memref<1536xf32, #tpu.memory_space<hbm>>) target(%arg7 : memref<1536xf32, #tpu.memory_space<vmem>>) target_semaphore(%run_scoped3A : memref<!tpu.dma_semaphore, #tpu.memory_space<semaphore_mem>>)
          %dma_wait3A_749 = tpu.memref_slice %arg3[%mul3A_612] : memref<6291456xf32, #tpu.memory_space<hbm>> -> memref<1536xf32, #tpu.memory_space<hbm>>
          %dma_wait3A_750 = tpu.memref_slice %arg3[%mul3A_612] : memref<6291456xf32, #tpu.memory_space<hbm>> -> memref<1536xf32, #tpu.memory_space<hbm>>
          tpu.wait_dma2 semaphore(%run_scoped3A : memref<!tpu.dma_semaphore, #tpu.memory_space<semaphore_mem>>) src(%dma_wait3A_750 : memref<1536xf32, #tpu.memory_space<hbm>>) dst(%arg7 : memref<1536xf32, #tpu.memory_space<vmem>>)
          tpu.yield
        }) : () -> ()
        %scan3A_613 = arith.constant 0 : i32
        %scan3A_614 = arith.constant 0 : i32
        %scan3A_615 = arith.constant 16 : i32
        %scan3A_616 = arith.addi %scan3A_614, %scan3A_615 : i32
        %scan3A_617 = arith.constant 1 : i32
        scf.for %scan3A_747 = %scan3A_614 to %scan3A_616 step %scan3A_617  : i32 {
          %mul3A_748 = arith.constant 16 : i32
          %mul3A_749 = arith.muli %scan3A_747, %mul3A_748 : i32
          %mul3A_750 = arith.constant 16 : i32
          %mul3A_751 = arith.muli %scan3A_747, %mul3A_750 : i32
          %add3A_752 = arith.constant 0 : i32
          %add3A_753 = arith.addi %add3A_752, %mul3A_751 : i32
          %get3A_754 = arith.index_cast %add3A_753 : i32 to index
          %get3A_755 = tpu.vector_load %arg7[%get3A_754] {strides = array<i32>} : memref<1536xf32, #tpu.memory_space<vmem>>, vector<16xf32>,
          %mul3A_756 = arith.constant 16 : i32
          %mul3A_757 = arith.muli %scan3A_747, %mul3A_756 : i32
          %add3A_758 = arith.constant 256 : i32
          %add3A_759 = arith.addi %add3A_758, %mul3A_757 : i32
          %get3A_760 = arith.index_cast %add3A_759 : i32 to index
          %get3A_761 = tpu.vector_load %arg7[%get3A_760] {strides = array<i32>} : memref<1536xf32, #tpu.memory_space<vmem>>, vector<16xf32>,
          %mul3A_762 = arith.constant 16 : i32
          %mul3A_763 = arith.muli %scan3A_747, %mul3A_762 : i32
          %add3A_764 = arith.constant 512 : i32
          %add3A_765 = arith.addi %add3A_764, %mul3A_763 : i32
          %get3A_766 = arith.index_cast %add3A_765 : i32 to index
          %get3A_767 = tpu.vector_load %arg7[%get3A_766] {strides = array<i32>} : memref<1536xf32, #tpu.memory_space<vmem>>, vector<16xf32>,
          %mul3A_768 = arith.constant 16 : i32
          %mul3A_769 = arith.muli %scan3A_747, %mul3A_768 : i32
          %add3A_770 = arith.constant 768 : i32
          %add3A_771 = arith.addi %add3A_770, %mul3A_769 : i32
          %get3A_772 = arith.index_cast %add3A_771 : i32 to index
          %get3A_773 = tpu.vector_load %arg7[%get3A_772] {strides = array<i32>} : memref<1536xf32, #tpu.memory_space<vmem>>, vector<16xf32>,
          %mul3A_774 = arith.constant 16 : i32
          %mul3A_775 = arith.muli %scan3A_747, %mul3A_774 : i32
          %add3A_776 = arith.constant 1024 : i32
          %add3A_777 = arith.addi %add3A_776, %mul3A_775 : i32
          %get3A_778 = arith.index_cast %add3A_777 : i32 to index
          %get3A_779 = tpu.vector_load %arg7[%get3A_778] {strides = array<i32>} : memref<1536xf32, #tpu.memory_space<vmem>>, vector<16xf32>,
          %mul3A_780 = arith.constant 16 : i32
          %mul3A_781 = arith.muli %scan3A_747, %mul3A_780 : i32
          %add3A_782 = arith.constant 1280 : i32
          %add3A_783 = arith.addi %add3A_782, %mul3A_781 : i32
          %get3A_784 = arith.index_cast %add3A_783 : i32 to index
          %get3A_785 = tpu.vector_load %arg7[%get3A_784] {strides = array<i32>} : memref<1536xf32, #tpu.memory_space<vmem>>, vector<16xf32>,
          %mul3A_786 = arith.mulf %get3A_755, %get3A_18 : vector<16xf32>
          %add3A_787 = arith.addf %mul3A_786, %get3A_24 : vector<16xf32>
          %jit3A = arith.constant 0.000000e+00 : f32
          %jit3A_788 = arith.constant 1.270000e+02 : f32
          %max3A = vector.broadcast %jit3A : f32 to vector<16xf32>
          %max3A_789 = arith.maximumf %max3A, %add3A_787 : vector<16xf32>
          %min3A = vector.broadcast %jit3A_788 : f32 to vector<16xf32>
          %min3A_790 = arith.minimumf %min3A, %max3A_789 : vector<16xf32>
          %convert_element_type3A_791 = arith.fptosi %min3A_790 : vector<16xf32> to vector<16xi32>
          %min3A_792 = arith.constant 126 : i32
          %min3A_793 = vector.broadcast %min3A_792 : i32 to vector<16xi32>
          %min3A_794 = arith.minsi %convert_element_type3A_791, %min3A_793 : vector<16xi32>
          %convert_element_type3A_795 = arith.sitofp %min3A_794 : vector<16xi32> to vector<16xf32>
          %sub3A = arith.subf %min3A_790, %convert_element_type3A_795 : vector<16xf32>
          %swap3A = arith.constant 0 : i32
          %swap3A_796 = arith.index_cast %swap3A : i32 to index
          %swap3A_797 = arith.index_cast %mul3A_749 : i32 to index
          %swap3A_798 = tpu.vector_load %arg9[%swap3A_796, %swap3A_797] {strides = array<i32>} : memref<11x256xf32, #tpu.memory_space<vmem>>, vector<16xf32>,
          tpu.vector_store %arg9[%swap3A_796, %swap3A_797], %sub3A {strides = array<i32>} : memref<11x256xf32, #tpu.memory_space<vmem>>, vector<16xf32>,
          %mul3A_799 = arith.mulf %get3A_761, %get3A_20 : vector<16xf32>
          %add3A_800 = arith.addf %mul3A_799, %get3A_26 : vector<16xf32>
          %jit3A_801 = arith.constant 0.000000e+00 : f32
          %jit3A_802 = arith.constant 1.270000e+02 : f32
          %max3A_803 = vector.broadcast %jit3A_801 : f32 to vector<16xf32>
          %max3A_804 = arith.maximumf %max3A_803, %add3A_800 : vector<16xf32>
          %min3A_805 = vector.broadcast %jit3A_802 : f32 to vector<16xf32>
          %min3A_806 = arith.minimumf %min3A_805, %max3A_804 : vector<16xf32>
          %convert_element_type3A_807 = arith.fptosi %min3A_806 : vector<16xf32> to vector<16xi32>
          %min3A_808 = arith.constant 126 : i32
          %min3A_809 = vector.broadcast %min3A_808 : i32 to vector<16xi32>
          %min3A_810 = arith.minsi %convert_element_type3A_807, %min3A_809 : vector<16xi32>
          %convert_element_type3A_811 = arith.sitofp %min3A_810 : vector<16xi32> to vector<16xf32>
          %sub3A_812 = arith.subf %min3A_806, %convert_element_type3A_811 : vector<16xf32>
          %swap3A_813 = arith.constant 1 : i32
          %swap3A_814 = arith.index_cast %swap3A_813 : i32 to index
          %swap3A_815 = arith.index_cast %mul3A_749 : i32 to index
          %swap3A_816 = tpu.vector_load %arg9[%swap3A_814, %swap3A_815] {strides = array<i32>} : memref<11x256xf32, #tpu.memory_space<vmem>>, vector<16xf32>,
          tpu.vector_store %arg9[%swap3A_814, %swap3A_815], %sub3A_812 {strides = array<i32>} : memref<11x256xf32, #tpu.memory_space<vmem>>, vector<16xf32>,
          %mul3A_817 = arith.mulf %get3A_767, %get3A_22 : vector<16xf32>
          %add3A_818 = arith.addf %mul3A_817, %get3A_28 : vector<16xf32>
          %jit3A_819 = arith.constant 0.000000e+00 : f32
          %jit3A_820 = arith.constant 1.270000e+02 : f32
          %max3A_821 = vector.broadcast %jit3A_819 : f32 to vector<16xf32>
          %max3A_822 = arith.maximumf %max3A_821, %add3A_818 : vector<16xf32>
          %min3A_823 = vector.broadcast %jit3A_820 : f32 to vector<16xf32>
          %min3A_824 = arith.minimumf %min3A_823, %max3A_822 : vector<16xf32>
          %convert_element_type3A_825 = arith.fptosi %min3A_824 : vector<16xf32> to vector<16xi32>
          %min3A_826 = arith.constant 126 : i32
          %min3A_827 = vector.broadcast %min3A_826 : i32 to vector<16xi32>
          %min3A_828 = arith.minsi %convert_element_type3A_825, %min3A_827 : vector<16xi32>
          %convert_element_type3A_829 = arith.sitofp %min3A_828 : vector<16xi32> to vector<16xf32>
          %sub3A_830 = arith.subf %min3A_824, %convert_element_type3A_829 : vector<16xf32>
          %swap3A_831 = arith.constant 2 : i32
          %swap3A_832 = arith.index_cast %swap3A_831 : i32 to index
          %swap3A_833 = arith.index_cast %mul3A_749 : i32 to index
          %swap3A_834 = tpu.vector_load %arg9[%swap3A_832, %swap3A_833] {strides = array<i32>} : memref<11x256xf32, #tpu.memory_space<vmem>>, vector<16xf32>,
          tpu.vector_store %arg9[%swap3A_832, %swap3A_833], %sub3A_830 {strides = array<i32>} : memref<11x256xf32, #tpu.memory_space<vmem>>, vector<16xf32>,
          %mul3A_835 = arith.constant 128 : i32
          %mul3A_836 = vector.broadcast %mul3A_835 : i32 to vector<16xi32>
          %mul3A_837 = arith.muli %min3A_794, %mul3A_836 : vector<16xi32>
          %add3A_838 = arith.addi %mul3A_837, %min3A_810 : vector<16xi32>
          %mul3A_839 = arith.constant 128 : i32
          %mul3A_840 = vector.broadcast %mul3A_839 : i32 to vector<16xi32>
          %mul3A_841 = arith.muli %add3A_838, %mul3A_840 : vector<16xi32>
          %add3A_842 = arith.addi %mul3A_841, %min3A_828 : vector<16xi32>
          %mul3A_843 = arith.constant -0.488602519 : f32
          %mul3A_844 = vector.broadcast %mul3A_843 : f32 to vector<16xf32>
          %mul3A_845 = arith.mulf %mul3A_844, %get3A_779 : vector<16xf32>
          %swap3A_846 = arith.constant 3 : i32
          %swap3A_847 = arith.index_cast %swap3A_846 : i32 to index
          %swap3A_848 = arith.index_cast %mul3A_749 : i32 to index
          %swap3A_849 = tpu.vector_load %arg9[%swap3A_847, %swap3A_848] {strides = array<i32>} : memref<11x256xf32, #tpu.memory_space<vmem>>, vector<16xf32>,
          tpu.vector_store %arg9[%swap3A_847, %swap3A_848], %mul3A_845 {strides = array<i32>} : memref<11x256xf32, #tpu.memory_space<vmem>>, vector<16xf32>,
          %mul3A_850 = arith.constant 0.488602519 : f32
          %mul3A_851 = vector.broadcast %mul3A_850 : f32 to vector<16xf32>
          %mul3A_852 = arith.mulf %mul3A_851, %get3A_785 : vector<16xf32>
          %swap3A_853 = arith.constant 4 : i32
          %swap3A_854 = arith.index_cast %swap3A_853 : i32 to index
          %swap3A_855 = arith.index_cast %mul3A_749 : i32 to index
          %swap3A_856 = tpu.vector_load %arg9[%swap3A_854, %swap3A_855] {strides = array<i32>} : memref<11x256xf32, #tpu.memory_space<vmem>>, vector<16xf32>,
          tpu.vector_store %arg9[%swap3A_854, %swap3A_855], %mul3A_852 {strides = array<i32>} : memref<11x256xf32, #tpu.memory_space<vmem>>, vector<16xf32>,
          %mul3A_857 = arith.constant -0.488602519 : f32
          %mul3A_858 = vector.broadcast %mul3A_857 : f32 to vector<16xf32>
          %mul3A_859 = arith.mulf %mul3A_858, %get3A_773 : vector<16xf32>
          %swap3A_860 = arith.constant 5 : i32
          %swap3A_861 = arith.index_cast %swap3A_860 : i32 to index
          %swap3A_862 = arith.index_cast %mul3A_749 : i32 to index
          %swap3A_863 = tpu.vector_load %arg9[%swap3A_861, %swap3A_862] {strides = array<i32>} : memref<11x256xf32, #tpu.memory_space<vmem>>, vector<16xf32>,
          tpu.vector_store %arg9[%swap3A_861, %swap3A_862], %mul3A_859 {strides = array<i32>} : memref<11x256xf32, #tpu.memory_space<vmem>>, vector<16xf32>,
          %mul3A_864 = arith.mulf %get3A_773, %get3A_779 : vector<16xf32>
          %mul3A_865 = arith.constant 1.09254849 : f32
          %mul3A_866 = vector.broadcast %mul3A_865 : f32 to vector<16xf32>
          %mul3A_867 = arith.mulf %mul3A_866, %mul3A_864 : vector<16xf32>
          %swap3A_868 = arith.constant 6 : i32
          %swap3A_869 = arith.index_cast %swap3A_868 : i32 to index
          %swap3A_870 = arith.index_cast %mul3A_749 : i32 to index
          %swap3A_871 = tpu.vector_load %arg9[%swap3A_869, %swap3A_870] {strides = array<i32>} : memref<11x256xf32, #tpu.memory_space<vmem>>, vector<16xf32>,
          tpu.vector_store %arg9[%swap3A_869, %swap3A_870], %mul3A_867 {strides = array<i32>} : memref<11x256xf32, #tpu.memory_space<vmem>>, vector<16xf32>,
          %mul3A_872 = arith.mulf %get3A_779, %get3A_785 : vector<16xf32>
          %mul3A_873 = arith.constant -1.09254849 : f32
          %mul3A_874 = vector.broadcast %mul3A_873 : f32 to vector<16xf32>
          %mul3A_875 = arith.mulf %mul3A_874, %mul3A_872 : vector<16xf32>
          %swap3A_876 = arith.constant 7 : i32
          %swap3A_877 = arith.index_cast %swap3A_876 : i32 to index
          %swap3A_878 = arith.index_cast %mul3A_749 : i32 to index
          %swap3A_879 = tpu.vector_load %arg9[%swap3A_877, %swap3A_878] {strides = array<i32>} : memref<11x256xf32, #tpu.memory_space<vmem>>, vector<16xf32>,
          tpu.vector_store %arg9[%swap3A_877, %swap3A_878], %mul3A_875 {strides = array<i32>} : memref<11x256xf32, #tpu.memory_space<vmem>>, vector<16xf32>,
          %mul3A_880 = arith.constant 2.000000e+00 : f32
          %mul3A_881 = vector.broadcast %mul3A_880 : f32 to vector<16xf32>
          %mul3A_882 = arith.mulf %mul3A_881, %get3A_785 : vector<16xf32>
          %mul3A_883 = arith.mulf %mul3A_882, %get3A_785 : vector<16xf32>
          %mul3A_884 = arith.mulf %get3A_773, %get3A_773 : vector<16xf32>
          %sub3A_885 = arith.subf %mul3A_883, %mul3A_884 : vector<16xf32>
          %mul3A_886 = arith.mulf %get3A_779, %get3A_779 : vector<16xf32>
          %sub3A_887 = arith.subf %sub3A_885, %mul3A_886 : vector<16xf32>
          %mul3A_888 = arith.constant 0.31539157 : f32
          %mul3A_889 = vector.broadcast %mul3A_888 : f32 to vector<16xf32>
          %mul3A_890 = arith.mulf %mul3A_889, %sub3A_887 : vector<16xf32>
          %swap3A_891 = arith.constant 8 : i32
          %swap3A_892 = arith.index_cast %swap3A_891 : i32 to index
          %swap3A_893 = arith.index_cast %mul3A_749 : i32 to index
          %swap3A_894 = tpu.vector_load %arg9[%swap3A_892, %swap3A_893] {strides = array<i32>} : memref<11x256xf32, #tpu.memory_space<vmem>>, vector<16xf32>,
          tpu.vector_store %arg9[%swap3A_892, %swap3A_893], %mul3A_890 {strides = array<i32>} : memref<11x256xf32, #tpu.memory_space<vmem>>, vector<16xf32>,
          %mul3A_895 = arith.mulf %get3A_773, %get3A_785 : vector<16xf32>
          %mul3A_896 = arith.constant -1.09254849 : f32
          %mul3A_897 = vector.broadcast %mul3A_896 : f32 to vector<16xf32>
          %mul3A_898 = arith.mulf %mul3A_897, %mul3A_895 : vector<16xf32>
          %swap3A_899 = arith.constant 9 : i32
          %swap3A_900 = arith.index_cast %swap3A_899 : i32 to index
          %swap3A_901 = arith.index_cast %mul3A_749 : i32 to index
          %swap3A_902 = tpu.vector_load %arg9[%swap3A_900, %swap3A_901] {strides = array<i32>} : memref<11x256xf32, #tpu.memory_space<vmem>>, vector<16xf32>,
          tpu.vector_store %arg9[%swap3A_900, %swap3A_901], %mul3A_898 {strides = array<i32>} : memref<11x256xf32, #tpu.memory_space<vmem>>, vector<16xf32>,
          %mul3A_903 = arith.mulf %get3A_773, %get3A_773 : vector<16xf32>
          %mul3A_904 = arith.mulf %get3A_779, %get3A_779 : vector<16xf32>
          %sub3A_905 = arith.subf %mul3A_903, %mul3A_904 : vector<16xf32>
          %mul3A_906 = arith.constant 0.546274245 : f32
          %mul3A_907 = vector.broadcast %mul3A_906 : f32 to vector<16xf32>
          %mul3A_908 = arith.mulf %mul3A_907, %sub3A_905 : vector<16xf32>
          %swap3A_909 = arith.constant 10 : i32
          %swap3A_910 = arith.index_cast %swap3A_909 : i32 to index
          %swap3A_911 = arith.index_cast %mul3A_749 : i32 to index
          %swap3A_912 = tpu.vector_load %arg9[%swap3A_910, %swap3A_911] {strides = array<i32>} : memref<11x256xf32, #tpu.memory_space<vmem>>, vector<16xf32>,
          tpu.vector_store %arg9[%swap3A_910, %swap3A_911], %mul3A_908 {strides = array<i32>} : memref<11x256xf32, #tpu.memory_space<vmem>>, vector<16xf32>,
          %mul3A_913 = arith.constant 16 : i32
          %mul3A_914 = arith.muli %scan3A_747, %mul3A_913 : i32
          %add3A_915 = arith.constant 0 : i32
          %add3A_916 = vector.broadcast %add3A_915 : i32 to vector<16xi32>
          %add3A_917 = arith.addi %add3A_842, %add3A_916 : vector<16xi32>
          %add3A_918 = arith.constant 0 : i32
          %add3A_919 = arith.addi %add3A_918, %mul3A_914 : i32
          %swap3A_920 = arith.index_cast %add3A_919 : i32 to index
          %swap3A_921 = tpu.vector_load %arg11[%swap3A_920] {strides = array<i32>} : memref<2048xi32, #tpu.memory_space<vmem>>, vector<16xi32>,
          tpu.vector_store %arg11[%swap3A_920], %add3A_917 {strides = array<i32>} : memref<2048xi32, #tpu.memory_space<vmem>>, vector<16xi32>,
          %add3A_922 = arith.constant 1 : i32
          %add3A_923 = vector.broadcast %add3A_922 : i32 to vector<16xi32>
          %add3A_924 = arith.addi %add3A_842, %add3A_923 : vector<16xi32>
          %add3A_925 = arith.constant 256 : i32
          %add3A_926 = arith.addi %add3A_925, %mul3A_914 : i32
          %swap3A_927 = arith.index_cast %add3A_926 : i32 to index
          %swap3A_928 = tpu.vector_load %arg11[%swap3A_927] {strides = array<i32>} : memref<2048xi32, #tpu.memory_space<vmem>>, vector<16xi32>,
          tpu.vector_store %arg11[%swap3A_927], %add3A_924 {strides = array<i32>} : memref<2048xi32, #tpu.memory_space<vmem>>, vector<16xi32>,
          %add3A_929 = arith.constant 128 : i32
          %add3A_930 = vector.broadcast %add3A_929 : i32 to vector<16xi32>
          %add3A_931 = arith.addi %add3A_842, %add3A_930 : vector<16xi32>
          %add3A_932 = arith.constant 512 : i32
          %add3A_933 = arith.addi %add3A_932, %mul3A_914 : i32
          %swap3A_934 = arith.index_cast %add3A_933 : i32 to index
          %swap3A_935 = tpu.vector_load %arg11[%swap3A_934] {strides = array<i32>} : memref<2048xi32, #tpu.memory_space<vmem>>, vector<16xi32>,
          tpu.vector_store %arg11[%swap3A_934], %add3A_931 {strides = array<i32>} : memref<2048xi32, #tpu.memory_space<vmem>>, vector<16xi32>,
          %add3A_936 = arith.constant 129 : i32
          %add3A_937 = vector.broadcast %add3A_936 : i32 to vector<16xi32>
          %add3A_938 = arith.addi %add3A_842, %add3A_937 : vector<16xi32>
          %add3A_939 = arith.constant 768 : i32
          %add3A_940 = arith.addi %add3A_939, %mul3A_914 : i32
          %swap3A_941 = arith.index_cast %add3A_940 : i32 to index
          %swap3A_942 = tpu.vector_load %arg11[%swap3A_941] {strides = array<i32>} : memref<2048xi32, #tpu.memory_space<vmem>>, vector<16xi32>,
          tpu.vector_store %arg11[%swap3A_941], %add3A_938 {strides = array<i32>} : memref<2048xi32, #tpu.memory_space<vmem>>, vector<16xi32>,
          %add3A_943 = arith.constant 16384 : i32
          %add3A_944 = vector.broadcast %add3A_943 : i32 to vector<16xi32>
          %add3A_945 = arith.addi %add3A_842, %add3A_944 : vector<16xi32>
          %add3A_946 = arith.constant 1024 : i32
          %add3A_947 = arith.addi %add3A_946, %mul3A_914 : i32
          %swap3A_948 = arith.index_cast %add3A_947 : i32 to index
          %swap3A_949 = tpu.vector_load %arg11[%swap3A_948] {strides = array<i32>} : memref<2048xi32, #tpu.memory_space<vmem>>, vector<16xi32>,
          tpu.vector_store %arg11[%swap3A_948], %add3A_945 {strides = array<i32>} : memref<2048xi32, #tpu.memory_space<vmem>>, vector<16xi32>,
          %add3A_950 = arith.constant 16385 : i32
          %add3A_951 = vector.broadcast %add3A_950 : i32 to vector<16xi32>
          %add3A_952 = arith.addi %add3A_842, %add3A_951 : vector<16xi32>
          %add3A_953 = arith.constant 1280 : i32
          %add3A_954 = arith.addi %add3A_953, %mul3A_914 : i32
          %swap3A_955 = arith.index_cast %add3A_954 : i32 to index
          %swap3A_956 = tpu.vector_load %arg11[%swap3A_955] {strides = array<i32>} : memref<2048xi32, #tpu.memory_space<vmem>>, vector<16xi32>,
          tpu.vector_store %arg11[%swap3A_955], %add3A_952 {strides = array<i32>} : memref<2048xi32, #tpu.memory_space<vmem>>, vector<16xi32>,
          %add3A_957 = arith.constant 16512 : i32
          %add3A_958 = vector.broadcast %add3A_957 : i32 to vector<16xi32>
          %add3A_959 = arith.addi %add3A_842, %add3A_958 : vector<16xi32>
          %add3A_960 = arith.constant 1536 : i32
          %add3A_961 = arith.addi %add3A_960, %mul3A_914 : i32
          %swap3A_962 = arith.index_cast %add3A_961 : i32 to index
          %swap3A_963 = tpu.vector_load %arg11[%swap3A_962] {strides = array<i32>} : memref<2048xi32, #tpu.memory_space<vmem>>, vector<16xi32>,
          tpu.vector_store %arg11[%swap3A_962], %add3A_959 {strides = array<i32>} : memref<2048xi32, #tpu.memory_space<vmem>>, vector<16xi32>,
          %add3A_964 = arith.constant 16513 : i32
          %add3A_965 = vector.broadcast %add3A_964 : i32 to vector<16xi32>
          %add3A_966 = arith.addi %add3A_842, %add3A_965 : vector<16xi32>
          %add3A_967 = arith.constant 1792 : i32
          %add3A_968 = arith.addi %add3A_967, %mul3A_914 : i32
          %swap3A_969 = arith.index_cast %add3A_968 : i32 to index
          %swap3A_970 = tpu.vector_load %arg11[%swap3A_969] {strides = array<i32>} : memref<2048xi32, #tpu.memory_space<vmem>>, vector<16xi32>,
          tpu.vector_store %arg11[%swap3A_969], %add3A_966 {strides = array<i32>} : memref<2048xi32, #tpu.memory_space<vmem>>, vector<16xi32>,
        }
        %scan3A_618 = arith.constant 16 : i32
        %dma_start3A_619 = arith.constant 0 : i32
        %dma_start3A_620 = arith.constant 0 : i32
        %dma_start3A_621 = tpu.memref_slice %arg13[%dma_start3A_619, %dma_start3A_620] : memref<2048x9xf32, #tpu.memory_space<vmem>> -> memref<128x9xf32, #tpu.memory_space<vmem>>
        %dma_start3A_622 = arith.constant 0 : i32
        %dma_start3A_623 = tpu.memref_slice %arg11[%dma_start3A_622] : memref<2048xi32, #tpu.memory_space<vmem>> -> memref<128xi32, #tpu.memory_space<vmem>>
        %dma_start3A_624 = arith.constant 0 : i32
        %dma_start3A_625 = arith.constant 0 : i32
        %dma_start3A_626 = tpu.memref_slice %arg2[%dma_start3A_624, %dma_start3A_625] : memref<2097152x9xf32, #tpu.memory_space<hbm>> -> memref<2097152x9xf32, #tpu.memory_space<hbm>>
        tpu.enqueue_indirect_dma source(%dma_start3A_626 : memref<2097152x9xf32, #tpu.memory_space<hbm>>) target(%dma_start3A_621 : memref<128x9xf32, #tpu.memory_space<vmem>>) offsets(%dma_start3A_623 : memref<128xi32, #tpu.memory_space<vmem>>) semaphore(%arg15 : memref<!tpu.dma_semaphore, #tpu.memory_space<semaphore_mem>>)
        %dma_start3A_627 = arith.constant 128 : i32
        %dma_start3A_628 = arith.constant 0 : i32
        %dma_start3A_629 = tpu.memref_slice %arg13[%dma_start3A_627, %dma_start3A_628] : memref<2048x9xf32, #tpu.memory_space<vmem>> -> memref<128x9xf32, #tpu.memory_space<vmem>>
        %dma_start3A_630 = arith.constant 128 : i32
        %dma_start3A_631 = tpu.memref_slice %arg11[%dma_start3A_630] : memref<2048xi32, #tpu.memory_space<vmem>> -> memref<128xi32, #tpu.memory_space<vmem>>
        %dma_start3A_632 = arith.constant 0 : i32
        %dma_start3A_633 = arith.constant 0 : i32
        %dma_start3A_634 = tpu.memref_slice %arg2[%dma_start3A_632, %dma_start3A_633] : memref<2097152x9xf32, #tpu.memory_space<hbm>> -> memref<2097152x9xf32, #tpu.memory_space<hbm>>
        tpu.enqueue_indirect_dma source(%dma_start3A_634 : memref<2097152x9xf32, #tpu.memory_space<hbm>>) target(%dma_start3A_629 : memref<128x9xf32, #tpu.memory_space<vmem>>) offsets(%dma_start3A_631 : memref<128xi32, #tpu.memory_space<vmem>>) semaphore(%arg15 : memref<!tpu.dma_semaphore, #tpu.memory_space<semaphore_mem>>)
        %dma_start3A_635 = arith.constant 256 : i32
        %dma_start3A_636 = arith.constant 0 : i32
        %dma_start3A_637 = tpu.memref_slice %arg13[%dma_start3A_635, %dma_start3A_636] : memref<2048x9xf32, #tpu.memory_space<vmem>> -> memref<128x9xf32, #tpu.memory_space<vmem>>
        %dma_start3A_638 = arith.constant 256 : i32
        %dma_start3A_639 = tpu.memref_slice %arg11[%dma_start3A_638] : memref<2048xi32, #tpu.memory_space<vmem>> -> memref<128xi32, #tpu.memory_space<vmem>>
        %dma_start3A_640 = arith.constant 0 : i32
        %dma_start3A_641 = arith.constant 0 : i32
        %dma_start3A_642 = tpu.memref_slice %arg2[%dma_start3A_640, %dma_start3A_641] : memref<2097152x9xf32, #tpu.memory_space<hbm>> -> memref<2097152x9xf32, #tpu.memory_space<hbm>>
        tpu.enqueue_indirect_dma source(%dma_start3A_642 : memref<2097152x9xf32, #tpu.memory_space<hbm>>) target(%dma_start3A_637 : memref<128x9xf32, #tpu.memory_space<vmem>>) offsets(%dma_start3A_639 : memref<128xi32, #tpu.memory_space<vmem>>) semaphore(%arg15 : memref<!tpu.dma_semaphore, #tpu.memory_space<semaphore_mem>>)
        %dma_start3A_643 = arith.constant 384 : i32
        %dma_start3A_644 = arith.constant 0 : i32
        %dma_start3A_645 = tpu.memref_slice %arg13[%dma_start3A_643, %dma_start3A_644] : memref<2048x9xf32, #tpu.memory_space<vmem>> -> memref<128x9xf32, #tpu.memory_space<vmem>>
        %dma_start3A_646 = arith.constant 384 : i32
        %dma_start3A_647 = tpu.memref_slice %arg11[%dma_start3A_646] : memref<2048xi32, #tpu.memory_space<vmem>> -> memref<128xi32, #tpu.memory_space<vmem>>
        %dma_start3A_648 = arith.constant 0 : i32
        %dma_start3A_649 = arith.constant 0 : i32
        %dma_start3A_650 = tpu.memref_slice %arg2[%dma_start3A_648, %dma_start3A_649] : memref<2097152x9xf32, #tpu.memory_space<hbm>> -> memref<2097152x9xf32, #tpu.memory_space<hbm>>
        tpu.enqueue_indirect_dma source(%dma_start3A_650 : memref<2097152x9xf32, #tpu.memory_space<hbm>>) target(%dma_start3A_645 : memref<128x9xf32, #tpu.memory_space<vmem>>) offsets(%dma_start3A_647 : memref<128xi32, #tpu.memory_space<vmem>>) semaphore(%arg15 : memref<!tpu.dma_semaphore, #tpu.memory_space<semaphore_mem>>)
        %dma_start3A_651 = arith.constant 512 : i32
        %dma_start3A_652 = arith.constant 0 : i32
        %dma_start3A_653 = tpu.memref_slice %arg13[%dma_start3A_651, %dma_start3A_652] : memref<2048x9xf32, #tpu.memory_space<vmem>> -> memref<128x9xf32, #tpu.memory_space<vmem>>
        %dma_start3A_654 = arith.constant 512 : i32
        %dma_start3A_655 = tpu.memref_slice %arg11[%dma_start3A_654] : memref<2048xi32, #tpu.memory_space<vmem>> -> memref<128xi32, #tpu.memory_space<vmem>>
        %dma_start3A_656 = arith.constant 0 : i32
        %dma_start3A_657 = arith.constant 0 : i32
        %dma_start3A_658 = tpu.memref_slice %arg2[%dma_start3A_656, %dma_start3A_657] : memref<2097152x9xf32, #tpu.memory_space<hbm>> -> memref<2097152x9xf32, #tpu.memory_space<hbm>>
        tpu.enqueue_indirect_dma source(%dma_start3A_658 : memref<2097152x9xf32, #tpu.memory_space<hbm>>) target(%dma_start3A_653 : memref<128x9xf32, #tpu.memory_space<vmem>>) offsets(%dma_start3A_655 : memref<128xi32, #tpu.memory_space<vmem>>) semaphore(%arg15 : memref<!tpu.dma_semaphore, #tpu.memory_space<semaphore_mem>>)
        %dma_start3A_659 = arith.constant 640 : i32
        %dma_start3A_660 = arith.constant 0 : i32
        %dma_start3A_661 = tpu.memref_slice %arg13[%dma_start3A_659, %dma_start3A_660] : memref<2048x9xf32, #tpu.memory_space<vmem>> -> memref<128x9xf32, #tpu.memory_space<vmem>>
        %dma_start3A_662 = arith.constant 640 : i32
        %dma_start3A_663 = tpu.memref_slice %arg11[%dma_start3A_662] : memref<2048xi32, #tpu.memory_space<vmem>> -> memref<128xi32, #tpu.memory_space<vmem>>
        %dma_start3A_664 = arith.constant 0 : i32
        %dma_start3A_665 = arith.constant 0 : i32
        %dma_start3A_666 = tpu.memref_slice %arg2[%dma_start3A_664, %dma_start3A_665] : memref<2097152x9xf32, #tpu.memory_space<hbm>> -> memref<2097152x9xf32, #tpu.memory_space<hbm>>
        tpu.enqueue_indirect_dma source(%dma_start3A_666 : memref<2097152x9xf32, #tpu.memory_space<hbm>>) target(%dma_start3A_661 : memref<128x9xf32, #tpu.memory_space<vmem>>) offsets(%dma_start3A_663 : memref<128xi32, #tpu.memory_space<vmem>>) semaphore(%arg15 : memref<!tpu.dma_semaphore, #tpu.memory_space<semaphore_mem>>)
        %dma_start3A_667 = arith.constant 768 : i32
        %dma_start3A_668 = arith.constant 0 : i32
        %dma_start3A_669 = tpu.memref_slice %arg13[%dma_start3A_667, %dma_start3A_668] : memref<2048x9xf32, #tpu.memory_space<vmem>> -> memref<128x9xf32, #tpu.memory_space<vmem>>
        %dma_start3A_670 = arith.constant 768 : i32
        %dma_start3A_671 = tpu.memref_slice %arg11[%dma_start3A_670] : memref<2048xi32, #tpu.memory_space<vmem>> -> memref<128xi32, #tpu.memory_space<vmem>>
        %dma_start3A_672 = arith.constant 0 : i32
        %dma_start3A_673 = arith.constant 0 : i32
        %dma_start3A_674 = tpu.memref_slice %arg2[%dma_start3A_672, %dma_start3A_673] : memref<2097152x9xf32, #tpu.memory_space<hbm>> -> memref<2097152x9xf32, #tpu.memory_space<hbm>>
        tpu.enqueue_indirect_dma source(%dma_start3A_674 : memref<2097152x9xf32, #tpu.memory_space<hbm>>) target(%dma_start3A_669 : memref<128x9xf32, #tpu.memory_space<vmem>>) offsets(%dma_start3A_671 : memref<128xi32, #tpu.memory_space<vmem>>) semaphore(%arg15 : memref<!tpu.dma_semaphore, #tpu.memory_space<semaphore_mem>>)
        %dma_start3A_675 = arith.constant 896 : i32
        %dma_start3A_676 = arith.constant 0 : i32
        %dma_start3A_677 = tpu.memref_slice %arg13[%dma_start3A_675, %dma_start3A_676] : memref<2048x9xf32, #tpu.memory_space<vmem>> -> memref<128x9xf32, #tpu.memory_space<vmem>>
        %dma_start3A_678 = arith.constant 896 : i32
        %dma_start3A_679 = tpu.memref_slice %arg11[%dma_start3A_678] : memref<2048xi32, #tpu.memory_space<vmem>> -> memref<128xi32, #tpu.memory_space<vmem>>
        %dma_start3A_680 = arith.constant 0 : i32
        %dma_start3A_681 = arith.constant 0 : i32
        %dma_start3A_682 = tpu.memref_slice %arg2[%dma_start3A_680, %dma_start3A_681] : memref<2097152x9xf32, #tpu.memory_space<hbm>> -> memref<2097152x9xf32, #tpu.memory_space<hbm>>
        tpu.enqueue_indirect_dma source(%dma_start3A_682 : memref<2097152x9xf32, #tpu.memory_space<hbm>>) target(%dma_start3A_677 : memref<128x9xf32, #tpu.memory_space<vmem>>) offsets(%dma_start3A_679 : memref<128xi32, #tpu.memory_space<vmem>>) semaphore(%arg15 : memref<!tpu.dma_semaphore, #tpu.memory_space<semaphore_mem>>)
        %dma_start3A_683 = arith.constant 1024 : i32
        %dma_start3A_684 = arith.constant 0 : i32
        %dma_start3A_685 = tpu.memref_slice %arg13[%dma_start3A_683, %dma_start3A_684] : memref<2048x9xf32, #tpu.memory_space<vmem>> -> memref<128x9xf32, #tpu.memory_space<vmem>>
        %dma_start3A_686 = arith.constant 1024 : i32
        %dma_start3A_687 = tpu.memref_slice %arg11[%dma_start3A_686] : memref<2048xi32, #tpu.memory_space<vmem>> -> memref<128xi32, #tpu.memory_space<vmem>>
        %dma_start3A_688 = arith.constant 0 : i32
        %dma_start3A_689 = arith.constant 0 : i32
        %dma_start3A_690 = tpu.memref_slice %arg2[%dma_start3A_688, %dma_start3A_689] : memref<2097152x9xf32, #tpu.memory_space<hbm>> -> memref<2097152x9xf32, #tpu.memory_space<hbm>>
        tpu.enqueue_indirect_dma source(%dma_start3A_690 : memref<2097152x9xf32, #tpu.memory_space<hbm>>) target(%dma_start3A_685 : memref<128x9xf32, #tpu.memory_space<vmem>>) offsets(%dma_start3A_687 : memref<128xi32, #tpu.memory_space<vmem>>) semaphore(%arg15 : memref<!tpu.dma_semaphore, #tpu.memory_space<semaphore_mem>>)
        %dma_start3A_691 = arith.constant 1152 : i32
        %dma_start3A_692 = arith.constant 0 : i32
        %dma_start3A_693 = tpu.memref_slice %arg13[%dma_start3A_691, %dma_start3A_692] : memref<2048x9xf32, #tpu.memory_space<vmem>> -> memref<128x9xf32, #tpu.memory_space<vmem>>
        %dma_start3A_694 = arith.constant 1152 : i32
        %dma_start3A_695 = tpu.memref_slice %arg11[%dma_start3A_694] : memref<2048xi32, #tpu.memory_space<vmem>> -> memref<128xi32, #tpu.memory_space<vmem>>
        %dma_start3A_696 = arith.constant 0 : i32
        %dma_start3A_697 = arith.constant 0 : i32
        %dma_start3A_698 = tpu.memref_slice %arg2[%dma_start3A_696, %dma_start3A_697] : memref<2097152x9xf32, #tpu.memory_space<hbm>> -> memref<2097152x9xf32, #tpu.memory_space<hbm>>
        tpu.enqueue_indirect_dma source(%dma_start3A_698 : memref<2097152x9xf32, #tpu.memory_space<hbm>>) target(%dma_start3A_693 : memref<128x9xf32, #tpu.memory_space<vmem>>) offsets(%dma_start3A_695 : memref<128xi32, #tpu.memory_space<vmem>>) semaphore(%arg15 : memref<!tpu.dma_semaphore, #tpu.memory_space<semaphore_mem>>)
        %dma_start3A_699 = arith.constant 1280 : i32
        %dma_start3A_700 = arith.constant 0 : i32
        %dma_start3A_701 = tpu.memref_slice %arg13[%dma_start3A_699, %dma_start3A_700] : memref<2048x9xf32, #tpu.memory_space<vmem>> -> memref<128x9xf32, #tpu.memory_space<vmem>>
        %dma_start3A_702 = arith.constant 1280 : i32
        %dma_start3A_703 = tpu.memref_slice %arg11[%dma_start3A_702] : memref<2048xi32, #tpu.memory_space<vmem>> -> memref<128xi32, #tpu.memory_space<vmem>>
        %dma_start3A_704 = arith.constant 0 : i32
        %dma_start3A_705 = arith.constant 0 : i32
        %dma_start3A_706 = tpu.memref_slice %arg2[%dma_start3A_704, %dma_start3A_705] : memref<2097152x9xf32, #tpu.memory_space<hbm>> -> memref<2097152x9xf32, #tpu.memory_space<hbm>>
        tpu.enqueue_indirect_dma source(%dma_start3A_706 : memref<2097152x9xf32, #tpu.memory_space<hbm>>) target(%dma_start3A_701 : memref<128x9xf32, #tpu.memory_space<vmem>>) offsets(%dma_start3A_703 : memref<128xi32, #tpu.memory_space<vmem>>) semaphore(%arg15 : memref<!tpu.dma_semaphore, #tpu.memory_space<semaphore_mem>>)
        %dma_start3A_707 = arith.constant 1408 : i32
        %dma_start3A_708 = arith.constant 0 : i32
        %dma_start3A_709 = tpu.memref_slice %arg13[%dma_start3A_707, %dma_start3A_708] : memref<2048x9xf32, #tpu.memory_space<vmem>> -> memref<128x9xf32, #tpu.memory_space<vmem>>
        %dma_start3A_710 = arith.constant 1408 : i32
        %dma_start3A_711 = tpu.memref_slice %arg11[%dma_start3A_710] : memref<2048xi32, #tpu.memory_space<vmem>> -> memref<128xi32, #tpu.memory_space<vmem>>
        %dma_start3A_712 = arith.constant 0 : i32
        %dma_start3A_713 = arith.constant 0 : i32
        %dma_start3A_714 = tpu.memref_slice %arg2[%dma_start3A_712, %dma_start3A_713] : memref<2097152x9xf32, #tpu.memory_space<hbm>> -> memref<2097152x9xf32, #tpu.memory_space<hbm>>
        tpu.enqueue_indirect_dma source(%dma_start3A_714 : memref<2097152x9xf32, #tpu.memory_space<hbm>>) target(%dma_start3A_709 : memref<128x9xf32, #tpu.memory_space<vmem>>) offsets(%dma_start3A_711 : memref<128xi32, #tpu.memory_space<vmem>>) semaphore(%arg15 : memref<!tpu.dma_semaphore, #tpu.memory_space<semaphore_mem>>)
        %dma_start3A_715 = arith.constant 1536 : i32
        %dma_start3A_716 = arith.constant 0 : i32
        %dma_start3A_717 = tpu.memref_slice %arg13[%dma_start3A_715, %dma_start3A_716] : memref<2048x9xf32, #tpu.memory_space<vmem>> -> memref<128x9xf32, #tpu.memory_space<vmem>>
        %dma_start3A_718 = arith.constant 1536 : i32
        %dma_start3A_719 = tpu.memref_slice %arg11[%dma_start3A_718] : memref<2048xi32, #tpu.memory_space<vmem>> -> memref<128xi32, #tpu.memory_space<vmem>>
        %dma_start3A_720 = arith.constant 0 : i32
        %dma_start3A_721 = arith.constant 0 : i32
        %dma_start3A_722 = tpu.memref_slice %arg2[%dma_start3A_720, %dma_start3A_721] : memref<2097152x9xf32, #tpu.memory_space<hbm>> -> memref<2097152x9xf32, #tpu.memory_space<hbm>>
        tpu.enqueue_indirect_dma source(%dma_start3A_722 : memref<2097152x9xf32, #tpu.memory_space<hbm>>) target(%dma_start3A_717 : memref<128x9xf32, #tpu.memory_space<vmem>>) offsets(%dma_start3A_719 : memref<128xi32, #tpu.memory_space<vmem>>) semaphore(%arg15 : memref<!tpu.dma_semaphore, #tpu.memory_space<semaphore_mem>>)
        %dma_start3A_723 = arith.constant 1664 : i32
        %dma_start3A_724 = arith.constant 0 : i32
        %dma_start3A_725 = tpu.memref_slice %arg13[%dma_start3A_723, %dma_start3A_724] : memref<2048x9xf32, #tpu.memory_space<vmem>> -> memref<128x9xf32, #tpu.memory_space<vmem>>
        %dma_start3A_726 = arith.constant 1664 : i32
        %dma_start3A_727 = tpu.memref_slice %arg11[%dma_start3A_726] : memref<2048xi32, #tpu.memory_space<vmem>> -> memref<128xi32, #tpu.memory_space<vmem>>
        %dma_start3A_728 = arith.constant 0 : i32
        %dma_start3A_729 = arith.constant 0 : i32
        %dma_start3A_730 = tpu.memref_slice %arg2[%dma_start3A_728, %dma_start3A_729] : memref<2097152x9xf32, #tpu.memory_space<hbm>> -> memref<2097152x9xf32, #tpu.memory_space<hbm>>
        tpu.enqueue_indirect_dma source(%dma_start3A_730 : memref<2097152x9xf32, #tpu.memory_space<hbm>>) target(%dma_start3A_725 : memref<128x9xf32, #tpu.memory_space<vmem>>) offsets(%dma_start3A_727 : memref<128xi32, #tpu.memory_space<vmem>>) semaphore(%arg15 : memref<!tpu.dma_semaphore, #tpu.memory_space<semaphore_mem>>)
        %dma_start3A_731 = arith.constant 1792 : i32
        %dma_start3A_732 = arith.constant 0 : i32
        %dma_start3A_733 = tpu.memref_slice %arg13[%dma_start3A_731, %dma_start3A_732] : memref<2048x9xf32, #tpu.memory_space<vmem>> -> memref<128x9xf32, #tpu.memory_space<vmem>>
        %dma_start3A_734 = arith.constant 1792 : i32
        %dma_start3A_735 = tpu.memref_slice %arg11[%dma_start3A_734] : memref<2048xi32, #tpu.memory_space<vmem>> -> memref<128xi32, #tpu.memory_space<vmem>>
        %dma_start3A_736 = arith.constant 0 : i32
        %dma_start3A_737 = arith.constant 0 : i32
        %dma_start3A_738 = tpu.memref_slice %arg2[%dma_start3A_736, %dma_start3A_737] : memref<2097152x9xf32, #tpu.memory_space<hbm>> -> memref<2097152x9xf32, #tpu.memory_space<hbm>>
        tpu.enqueue_indirect_dma source(%dma_start3A_738 : memref<2097152x9xf32, #tpu.memory_space<hbm>>) target(%dma_start3A_733 : memref<128x9xf32, #tpu.memory_space<vmem>>) offsets(%dma_start3A_735 : memref<128xi32, #tpu.memory_space<vmem>>) semaphore(%arg15 : memref<!tpu.dma_semaphore, #tpu.memory_space<semaphore_mem>>)
        %dma_start3A_739 = arith.constant 1920 : i32
        %dma_start3A_740 = arith.constant 0 : i32
        %dma_start3A_741 = tpu.memref_slice %arg13[%dma_start3A_739, %dma_start3A_740] : memref<2048x9xf32, #tpu.memory_space<vmem>> -> memref<128x9xf32, #tpu.memory_space<vmem>>
        %dma_start3A_742 = arith.constant 1920 : i32
        %dma_start3A_743 = tpu.memref_slice %arg11[%dma_start3A_742] : memref<2048xi32, #tpu.memory_space<vmem>> -> memref<128xi32, #tpu.memory_space<vmem>>
        %dma_start3A_744 = arith.constant 0 : i32
        %dma_start3A_745 = arith.constant 0 : i32
        %dma_start3A_746 = tpu.memref_slice %arg2[%dma_start3A_744, %dma_start3A_745] : memref<2097152x9xf32, #tpu.memory_space<hbm>> -> memref<2097152x9xf32, #tpu.memory_space<hbm>>
        tpu.enqueue_indirect_dma source(%dma_start3A_746 : memref<2097152x9xf32, #tpu.memory_space<hbm>>) target(%dma_start3A_741 : memref<128x9xf32, #tpu.memory_space<vmem>>) offsets(%dma_start3A_743 : memref<128xi32, #tpu.memory_space<vmem>>) semaphore(%arg15 : memref<!tpu.dma_semaphore, #tpu.memory_space<semaphore_mem>>)
      } else {
      }
      %dma_wait3A_463 = arith.constant 0 : i32
      %dma_wait3A_464 = arith.constant 0 : i32
      %dma_wait3A_465 = tpu.memref_slice %arg14[%dma_wait3A_463, %dma_wait3A_464] : memref<2048x9xf32, #tpu.memory_space<vmem>> -> memref<128x9xf32, #tpu.memory_space<vmem>>
      %dma_wait3A_466 = arith.constant 0 : i32
      %dma_wait3A_467 = tpu.memref_slice %arg12[%dma_wait3A_466] : memref<2048xi32, #tpu.memory_space<vmem>> -> memref<128xi32, #tpu.memory_space<vmem>>
      %dma_wait3A_468 = arith.constant 0 : i32
      %dma_wait3A_469 = arith.constant 0 : i32
      %dma_wait3A_470 = tpu.memref_slice %arg2[%dma_wait3A_468, %dma_wait3A_469] : memref<2097152x9xf32, #tpu.memory_space<hbm>> -> memref<2097152x9xf32, #tpu.memory_space<hbm>>
      tpu.wait_indirect_dma semaphore(%arg16 : memref<!tpu.dma_semaphore, #tpu.memory_space<semaphore_mem>>) src(%dma_wait3A_470 : memref<2097152x9xf32, #tpu.memory_space<hbm>>) dst(%dma_wait3A_465 : memref<128x9xf32, #tpu.memory_space<vmem>>)
      %dma_wait3A_471 = arith.constant 128 : i32
      %dma_wait3A_472 = arith.constant 0 : i32
      %dma_wait3A_473 = tpu.memref_slice %arg14[%dma_wait3A_471, %dma_wait3A_472] : memref<2048x9xf32, #tpu.memory_space<vmem>> -> memref<128x9xf32, #tpu.memory_space<vmem>>
      %dma_wait3A_474 = arith.constant 128 : i32
      %dma_wait3A_475 = tpu.memref_slice %arg12[%dma_wait3A_474] : memref<2048xi32, #tpu.memory_space<vmem>> -> memref<128xi32, #tpu.memory_space<vmem>>
      %dma_wait3A_476 = arith.constant 0 : i32
      %dma_wait3A_477 = arith.constant 0 : i32
      %dma_wait3A_478 = tpu.memref_slice %arg2[%dma_wait3A_476, %dma_wait3A_477] : memref<2097152x9xf32, #tpu.memory_space<hbm>> -> memref<2097152x9xf32, #tpu.memory_space<hbm>>
      tpu.wait_indirect_dma semaphore(%arg16 : memref<!tpu.dma_semaphore, #tpu.memory_space<semaphore_mem>>) src(%dma_wait3A_478 : memref<2097152x9xf32, #tpu.memory_space<hbm>>) dst(%dma_wait3A_473 : memref<128x9xf32, #tpu.memory_space<vmem>>)
      %dma_wait3A_479 = arith.constant 256 : i32
      %dma_wait3A_480 = arith.constant 0 : i32
      %dma_wait3A_481 = tpu.memref_slice %arg14[%dma_wait3A_479, %dma_wait3A_480] : memref<2048x9xf32, #tpu.memory_space<vmem>> -> memref<128x9xf32, #tpu.memory_space<vmem>>
      %dma_wait3A_482 = arith.constant 256 : i32
      %dma_wait3A_483 = tpu.memref_slice %arg12[%dma_wait3A_482] : memref<2048xi32, #tpu.memory_space<vmem>> -> memref<128xi32, #tpu.memory_space<vmem>>
      %dma_wait3A_484 = arith.constant 0 : i32
      %dma_wait3A_485 = arith.constant 0 : i32
      %dma_wait3A_486 = tpu.memref_slice %arg2[%dma_wait3A_484, %dma_wait3A_485] : memref<2097152x9xf32, #tpu.memory_space<hbm>> -> memref<2097152x9xf32, #tpu.memory_space<hbm>>
      tpu.wait_indirect_dma semaphore(%arg16 : memref<!tpu.dma_semaphore, #tpu.memory_space<semaphore_mem>>) src(%dma_wait3A_486 : memref<2097152x9xf32, #tpu.memory_space<hbm>>) dst(%dma_wait3A_481 : memref<128x9xf32, #tpu.memory_space<vmem>>)
      %dma_wait3A_487 = arith.constant 384 : i32
      %dma_wait3A_488 = arith.constant 0 : i32
      %dma_wait3A_489 = tpu.memref_slice %arg14[%dma_wait3A_487, %dma_wait3A_488] : memref<2048x9xf32, #tpu.memory_space<vmem>> -> memref<128x9xf32, #tpu.memory_space<vmem>>
      %dma_wait3A_490 = arith.constant 384 : i32
      %dma_wait3A_491 = tpu.memref_slice %arg12[%dma_wait3A_490] : memref<2048xi32, #tpu.memory_space<vmem>> -> memref<128xi32, #tpu.memory_space<vmem>>
      %dma_wait3A_492 = arith.constant 0 : i32
      %dma_wait3A_493 = arith.constant 0 : i32
      %dma_wait3A_494 = tpu.memref_slice %arg2[%dma_wait3A_492, %dma_wait3A_493] : memref<2097152x9xf32, #tpu.memory_space<hbm>> -> memref<2097152x9xf32, #tpu.memory_space<hbm>>
      tpu.wait_indirect_dma semaphore(%arg16 : memref<!tpu.dma_semaphore, #tpu.memory_space<semaphore_mem>>) src(%dma_wait3A_494 : memref<2097152x9xf32, #tpu.memory_space<hbm>>) dst(%dma_wait3A_489 : memref<128x9xf32, #tpu.memory_space<vmem>>)
      %dma_wait3A_495 = arith.constant 512 : i32
      %dma_wait3A_496 = arith.constant 0 : i32
      %dma_wait3A_497 = tpu.memref_slice %arg14[%dma_wait3A_495, %dma_wait3A_496] : memref<2048x9xf32, #tpu.memory_space<vmem>> -> memref<128x9xf32, #tpu.memory_space<vmem>>
      %dma_wait3A_498 = arith.constant 512 : i32
      %dma_wait3A_499 = tpu.memref_slice %arg12[%dma_wait3A_498] : memref<2048xi32, #tpu.memory_space<vmem>> -> memref<128xi32, #tpu.memory_space<vmem>>
      %dma_wait3A_500 = arith.constant 0 : i32
      %dma_wait3A_501 = arith.constant 0 : i32
      %dma_wait3A_502 = tpu.memref_slice %arg2[%dma_wait3A_500, %dma_wait3A_501] : memref<2097152x9xf32, #tpu.memory_space<hbm>> -> memref<2097152x9xf32, #tpu.memory_space<hbm>>
      tpu.wait_indirect_dma semaphore(%arg16 : memref<!tpu.dma_semaphore, #tpu.memory_space<semaphore_mem>>) src(%dma_wait3A_502 : memref<2097152x9xf32, #tpu.memory_space<hbm>>) dst(%dma_wait3A_497 : memref<128x9xf32, #tpu.memory_space<vmem>>)
      %dma_wait3A_503 = arith.constant 640 : i32
      %dma_wait3A_504 = arith.constant 0 : i32
      %dma_wait3A_505 = tpu.memref_slice %arg14[%dma_wait3A_503, %dma_wait3A_504] : memref<2048x9xf32, #tpu.memory_space<vmem>> -> memref<128x9xf32, #tpu.memory_space<vmem>>
      %dma_wait3A_506 = arith.constant 640 : i32
      %dma_wait3A_507 = tpu.memref_slice %arg12[%dma_wait3A_506] : memref<2048xi32, #tpu.memory_space<vmem>> -> memref<128xi32, #tpu.memory_space<vmem>>
      %dma_wait3A_508 = arith.constant 0 : i32
      %dma_wait3A_509 = arith.constant 0 : i32
      %dma_wait3A_510 = tpu.memref_slice %arg2[%dma_wait3A_508, %dma_wait3A_509] : memref<2097152x9xf32, #tpu.memory_space<hbm>> -> memref<2097152x9xf32, #tpu.memory_space<hbm>>
      tpu.wait_indirect_dma semaphore(%arg16 : memref<!tpu.dma_semaphore, #tpu.memory_space<semaphore_mem>>) src(%dma_wait3A_510 : memref<2097152x9xf32, #tpu.memory_space<hbm>>) dst(%dma_wait3A_505 : memref<128x9xf32, #tpu.memory_space<vmem>>)
      %dma_wait3A_511 = arith.constant 768 : i32
      %dma_wait3A_512 = arith.constant 0 : i32
      %dma_wait3A_513 = tpu.memref_slice %arg14[%dma_wait3A_511, %dma_wait3A_512] : memref<2048x9xf32, #tpu.memory_space<vmem>> -> memref<128x9xf32, #tpu.memory_space<vmem>>
      %dma_wait3A_514 = arith.constant 768 : i32
      %dma_wait3A_515 = tpu.memref_slice %arg12[%dma_wait3A_514] : memref<2048xi32, #tpu.memory_space<vmem>> -> memref<128xi32, #tpu.memory_space<vmem>>
      %dma_wait3A_516 = arith.constant 0 : i32
      %dma_wait3A_517 = arith.constant 0 : i32
      %dma_wait3A_518 = tpu.memref_slice %arg2[%dma_wait3A_516, %dma_wait3A_517] : memref<2097152x9xf32, #tpu.memory_space<hbm>> -> memref<2097152x9xf32, #tpu.memory_space<hbm>>
      tpu.wait_indirect_dma semaphore(%arg16 : memref<!tpu.dma_semaphore, #tpu.memory_space<semaphore_mem>>) src(%dma_wait3A_518 : memref<2097152x9xf32, #tpu.memory_space<hbm>>) dst(%dma_wait3A_513 : memref<128x9xf32, #tpu.memory_space<vmem>>)
      %dma_wait3A_519 = arith.constant 896 : i32
      %dma_wait3A_520 = arith.constant 0 : i32
      %dma_wait3A_521 = tpu.memref_slice %arg14[%dma_wait3A_519, %dma_wait3A_520] : memref<2048x9xf32, #tpu.memory_space<vmem>> -> memref<128x9xf32, #tpu.memory_space<vmem>>
      %dma_wait3A_522 = arith.constant 896 : i32
      %dma_wait3A_523 = tpu.memref_slice %arg12[%dma_wait3A_522] : memref<2048xi32, #tpu.memory_space<vmem>> -> memref<128xi32, #tpu.memory_space<vmem>>
      %dma_wait3A_524 = arith.constant 0 : i32
      %dma_wait3A_525 = arith.constant 0 : i32
      %dma_wait3A_526 = tpu.memref_slice %arg2[%dma_wait3A_524, %dma_wait3A_525] : memref<2097152x9xf32, #tpu.memory_space<hbm>> -> memref<2097152x9xf32, #tpu.memory_space<hbm>>
      tpu.wait_indirect_dma semaphore(%arg16 : memref<!tpu.dma_semaphore, #tpu.memory_space<semaphore_mem>>) src(%dma_wait3A_526 : memref<2097152x9xf32, #tpu.memory_space<hbm>>) dst(%dma_wait3A_521 : memref<128x9xf32, #tpu.memory_space<vmem>>)
      %dma_wait3A_527 = arith.constant 1024 : i32
      %dma_wait3A_528 = arith.constant 0 : i32
      %dma_wait3A_529 = tpu.memref_slice %arg14[%dma_wait3A_527, %dma_wait3A_528] : memref<2048x9xf32, #tpu.memory_space<vmem>> -> memref<128x9xf32, #tpu.memory_space<vmem>>
      %dma_wait3A_530 = arith.constant 1024 : i32
      %dma_wait3A_531 = tpu.memref_slice %arg12[%dma_wait3A_530] : memref<2048xi32, #tpu.memory_space<vmem>> -> memref<128xi32, #tpu.memory_space<vmem>>
      %dma_wait3A_532 = arith.constant 0 : i32
      %dma_wait3A_533 = arith.constant 0 : i32
      %dma_wait3A_534 = tpu.memref_slice %arg2[%dma_wait3A_532, %dma_wait3A_533] : memref<2097152x9xf32, #tpu.memory_space<hbm>> -> memref<2097152x9xf32, #tpu.memory_space<hbm>>
      tpu.wait_indirect_dma semaphore(%arg16 : memref<!tpu.dma_semaphore, #tpu.memory_space<semaphore_mem>>) src(%dma_wait3A_534 : memref<2097152x9xf32, #tpu.memory_space<hbm>>) dst(%dma_wait3A_529 : memref<128x9xf32, #tpu.memory_space<vmem>>)
      %dma_wait3A_535 = arith.constant 1152 : i32
      %dma_wait3A_536 = arith.constant 0 : i32
      %dma_wait3A_537 = tpu.memref_slice %arg14[%dma_wait3A_535, %dma_wait3A_536] : memref<2048x9xf32, #tpu.memory_space<vmem>> -> memref<128x9xf32, #tpu.memory_space<vmem>>
      %dma_wait3A_538 = arith.constant 1152 : i32
      %dma_wait3A_539 = tpu.memref_slice %arg12[%dma_wait3A_538] : memref<2048xi32, #tpu.memory_space<vmem>> -> memref<128xi32, #tpu.memory_space<vmem>>
      %dma_wait3A_540 = arith.constant 0 : i32
      %dma_wait3A_541 = arith.constant 0 : i32
      %dma_wait3A_542 = tpu.memref_slice %arg2[%dma_wait3A_540, %dma_wait3A_541] : memref<2097152x9xf32, #tpu.memory_space<hbm>> -> memref<2097152x9xf32, #tpu.memory_space<hbm>>
      tpu.wait_indirect_dma semaphore(%arg16 : memref<!tpu.dma_semaphore, #tpu.memory_space<semaphore_mem>>) src(%dma_wait3A_542 : memref<2097152x9xf32, #tpu.memory_space<hbm>>) dst(%dma_wait3A_537 : memref<128x9xf32, #tpu.memory_space<vmem>>)
      %dma_wait3A_543 = arith.constant 1280 : i32
      %dma_wait3A_544 = arith.constant 0 : i32
      %dma_wait3A_545 = tpu.memref_slice %arg14[%dma_wait3A_543, %dma_wait3A_544] : memref<2048x9xf32, #tpu.memory_space<vmem>> -> memref<128x9xf32, #tpu.memory_space<vmem>>
      %dma_wait3A_546 = arith.constant 1280 : i32
      %dma_wait3A_547 = tpu.memref_slice %arg12[%dma_wait3A_546] : memref<2048xi32, #tpu.memory_space<vmem>> -> memref<128xi32, #tpu.memory_space<vmem>>
      %dma_wait3A_548 = arith.constant 0 : i32
      %dma_wait3A_549 = arith.constant 0 : i32
      %dma_wait3A_550 = tpu.memref_slice %arg2[%dma_wait3A_548, %dma_wait3A_549] : memref<2097152x9xf32, #tpu.memory_space<hbm>> -> memref<2097152x9xf32, #tpu.memory_space<hbm>>
      tpu.wait_indirect_dma semaphore(%arg16 : memref<!tpu.dma_semaphore, #tpu.memory_space<semaphore_mem>>) src(%dma_wait3A_550 : memref<2097152x9xf32, #tpu.memory_space<hbm>>) dst(%dma_wait3A_545 : memref<128x9xf32, #tpu.memory_space<vmem>>)
      %dma_wait3A_551 = arith.constant 1408 : i32
      %dma_wait3A_552 = arith.constant 0 : i32
      %dma_wait3A_553 = tpu.memref_slice %arg14[%dma_wait3A_551, %dma_wait3A_552] : memref<2048x9xf32, #tpu.memory_space<vmem>> -> memref<128x9xf32, #tpu.memory_space<vmem>>
      %dma_wait3A_554 = arith.constant 1408 : i32
      %dma_wait3A_555 = tpu.memref_slice %arg12[%dma_wait3A_554] : memref<2048xi32, #tpu.memory_space<vmem>> -> memref<128xi32, #tpu.memory_space<vmem>>
      %dma_wait3A_556 = arith.constant 0 : i32
      %dma_wait3A_557 = arith.constant 0 : i32
      %dma_wait3A_558 = tpu.memref_slice %arg2[%dma_wait3A_556, %dma_wait3A_557] : memref<2097152x9xf32, #tpu.memory_space<hbm>> -> memref<2097152x9xf32, #tpu.memory_space<hbm>>
      tpu.wait_indirect_dma semaphore(%arg16 : memref<!tpu.dma_semaphore, #tpu.memory_space<semaphore_mem>>) src(%dma_wait3A_558 : memref<2097152x9xf32, #tpu.memory_space<hbm>>) dst(%dma_wait3A_553 : memref<128x9xf32, #tpu.memory_space<vmem>>)
      %dma_wait3A_559 = arith.constant 1536 : i32
      %dma_wait3A_560 = arith.constant 0 : i32
      %dma_wait3A_561 = tpu.memref_slice %arg14[%dma_wait3A_559, %dma_wait3A_560] : memref<2048x9xf32, #tpu.memory_space<vmem>> -> memref<128x9xf32, #tpu.memory_space<vmem>>
      %dma_wait3A_562 = arith.constant 1536 : i32
      %dma_wait3A_563 = tpu.memref_slice %arg12[%dma_wait3A_562] : memref<2048xi32, #tpu.memory_space<vmem>> -> memref<128xi32, #tpu.memory_space<vmem>>
      %dma_wait3A_564 = arith.constant 0 : i32
      %dma_wait3A_565 = arith.constant 0 : i32
      %dma_wait3A_566 = tpu.memref_slice %arg2[%dma_wait3A_564, %dma_wait3A_565] : memref<2097152x9xf32, #tpu.memory_space<hbm>> -> memref<2097152x9xf32, #tpu.memory_space<hbm>>
      tpu.wait_indirect_dma semaphore(%arg16 : memref<!tpu.dma_semaphore, #tpu.memory_space<semaphore_mem>>) src(%dma_wait3A_566 : memref<2097152x9xf32, #tpu.memory_space<hbm>>) dst(%dma_wait3A_561 : memref<128x9xf32, #tpu.memory_space<vmem>>)
      %dma_wait3A_567 = arith.constant 1664 : i32
      %dma_wait3A_568 = arith.constant 0 : i32
      %dma_wait3A_569 = tpu.memref_slice %arg14[%dma_wait3A_567, %dma_wait3A_568] : memref<2048x9xf32, #tpu.memory_space<vmem>> -> memref<128x9xf32, #tpu.memory_space<vmem>>
      %dma_wait3A_570 = arith.constant 1664 : i32
      %dma_wait3A_571 = tpu.memref_slice %arg12[%dma_wait3A_570] : memref<2048xi32, #tpu.memory_space<vmem>> -> memref<128xi32, #tpu.memory_space<vmem>>
      %dma_wait3A_572 = arith.constant 0 : i32
      %dma_wait3A_573 = arith.constant 0 : i32
      %dma_wait3A_574 = tpu.memref_slice %arg2[%dma_wait3A_572, %dma_wait3A_573] : memref<2097152x9xf32, #tpu.memory_space<hbm>> -> memref<2097152x9xf32, #tpu.memory_space<hbm>>
      tpu.wait_indirect_dma semaphore(%arg16 : memref<!tpu.dma_semaphore, #tpu.memory_space<semaphore_mem>>) src(%dma_wait3A_574 : memref<2097152x9xf32, #tpu.memory_space<hbm>>) dst(%dma_wait3A_569 : memref<128x9xf32, #tpu.memory_space<vmem>>)
      %dma_wait3A_575 = arith.constant 1792 : i32
      %dma_wait3A_576 = arith.constant 0 : i32
      %dma_wait3A_577 = tpu.memref_slice %arg14[%dma_wait3A_575, %dma_wait3A_576] : memref<2048x9xf32, #tpu.memory_space<vmem>> -> memref<128x9xf32, #tpu.memory_space<vmem>>
      %dma_wait3A_578 = arith.constant 1792 : i32
      %dma_wait3A_579 = tpu.memref_slice %arg12[%dma_wait3A_578] : memref<2048xi32, #tpu.memory_space<vmem>> -> memref<128xi32, #tpu.memory_space<vmem>>
      %dma_wait3A_580 = arith.constant 0 : i32
      %dma_wait3A_581 = arith.constant 0 : i32
      %dma_wait3A_582 = tpu.memref_slice %arg2[%dma_wait3A_580, %dma_wait3A_581] : memref<2097152x9xf32, #tpu.memory_space<hbm>> -> memref<2097152x9xf32, #tpu.memory_space<hbm>>
      tpu.wait_indirect_dma semaphore(%arg16 : memref<!tpu.dma_semaphore, #tpu.memory_space<semaphore_mem>>) src(%dma_wait3A_582 : memref<2097152x9xf32, #tpu.memory_space<hbm>>) dst(%dma_wait3A_577 : memref<128x9xf32, #tpu.memory_space<vmem>>)
      %dma_wait3A_583 = arith.constant 1920 : i32
      %dma_wait3A_584 = arith.constant 0 : i32
      %dma_wait3A_585 = tpu.memref_slice %arg14[%dma_wait3A_583, %dma_wait3A_584] : memref<2048x9xf32, #tpu.memory_space<vmem>> -> memref<128x9xf32, #tpu.memory_space<vmem>>
      %dma_wait3A_586 = arith.constant 1920 : i32
      %dma_wait3A_587 = tpu.memref_slice %arg12[%dma_wait3A_586] : memref<2048xi32, #tpu.memory_space<vmem>> -> memref<128xi32, #tpu.memory_space<vmem>>
      %dma_wait3A_588 = arith.constant 0 : i32
      %dma_wait3A_589 = arith.constant 0 : i32
      %dma_wait3A_590 = tpu.memref_slice %arg2[%dma_wait3A_588, %dma_wait3A_589] : memref<2097152x9xf32, #tpu.memory_space<hbm>> -> memref<2097152x9xf32, #tpu.memory_space<hbm>>
      tpu.wait_indirect_dma semaphore(%arg16 : memref<!tpu.dma_semaphore, #tpu.memory_space<semaphore_mem>>) src(%dma_wait3A_590 : memref<2097152x9xf32, #tpu.memory_space<hbm>>) dst(%dma_wait3A_585 : memref<128x9xf32, #tpu.memory_space<vmem>>)
      %add3A_591 = arith.constant 1 : i32
      %add3A_592 = arith.addi %mul3A_177, %add3A_591 : i32
      %scan3A_593 = arith.constant 0 : i32
      %scan3A_594 = arith.constant 0 : i32
      %scan3A_595 = arith.constant 16 : i32
      %scan3A_596 = arith.addi %scan3A_594, %scan3A_595 : i32
      %scan3A_597 = arith.constant 1 : i32
      scf.for %scan3A_604 = %scan3A_594 to %scan3A_596 step %scan3A_597  : i32 {
        %mul3A_605 = arith.constant 16 : i32
        %mul3A_606 = arith.muli %scan3A_604, %mul3A_605 : i32
        %get3A_607 = arith.constant 0 : i32
        %get3A_608 = arith.index_cast %get3A_607 : i32 to index
        %get3A_609 = arith.index_cast %mul3A_606 : i32 to index
        %get3A_610 = tpu.vector_load %arg10[%get3A_608, %get3A_609] {strides = array<i32>} : memref<11x256xf32, #tpu.memory_space<vmem>>, vector<16xf32>,
        %get3A_611 = arith.constant 1 : i32
        %get3A_612 = arith.index_cast %get3A_611 : i32 to index
        %get3A_613 = arith.index_cast %mul3A_606 : i32 to index
        %get3A_614 = tpu.vector_load %arg10[%get3A_612, %get3A_613] {strides = array<i32>} : memref<11x256xf32, #tpu.memory_space<vmem>>, vector<16xf32>,
        %get3A_615 = arith.constant 2 : i32
        %get3A_616 = arith.index_cast %get3A_615 : i32 to index
        %get3A_617 = arith.index_cast %mul3A_606 : i32 to index
        %get3A_618 = tpu.vector_load %arg10[%get3A_616, %get3A_617] {strides = array<i32>} : memref<11x256xf32, #tpu.memory_space<vmem>>, vector<16xf32>,
        %sub3A = arith.constant 1.000000e+00 : f32
        %sub3A_619 = vector.broadcast %sub3A : f32 to vector<16xf32>
        %sub3A_620 = arith.subf %sub3A_619, %get3A_610 : vector<16xf32>
        %sub3A_621 = arith.constant 1.000000e+00 : f32
        %sub3A_622 = vector.broadcast %sub3A_621 : f32 to vector<16xf32>
        %sub3A_623 = arith.subf %sub3A_622, %get3A_614 : vector<16xf32>
        %sub3A_624 = arith.constant 1.000000e+00 : f32
        %sub3A_625 = vector.broadcast %sub3A_624 : f32 to vector<16xf32>
        %sub3A_626 = arith.subf %sub3A_625, %get3A_618 : vector<16xf32>
        %get3A_627 = arith.constant 3 : i32
        %get3A_628 = arith.index_cast %get3A_627 : i32 to index
        %get3A_629 = arith.index_cast %mul3A_606 : i32 to index
        %get3A_630 = tpu.vector_load %arg10[%get3A_628, %get3A_629] {strides = array<i32>} : memref<11x256xf32, #tpu.memory_space<vmem>>, vector<16xf32>,
        %get3A_631 = arith.constant 4 : i32
        %get3A_632 = arith.index_cast %get3A_631 : i32 to index
        %get3A_633 = arith.index_cast %mul3A_606 : i32 to index
        %get3A_634 = tpu.vector_load %arg10[%get3A_632, %get3A_633] {strides = array<i32>} : memref<11x256xf32, #tpu.memory_space<vmem>>, vector<16xf32>,
        %get3A_635 = arith.constant 5 : i32
        %get3A_636 = arith.index_cast %get3A_635 : i32 to index
        %get3A_637 = arith.index_cast %mul3A_606 : i32 to index
        %get3A_638 = tpu.vector_load %arg10[%get3A_636, %get3A_637] {strides = array<i32>} : memref<11x256xf32, #tpu.memory_space<vmem>>, vector<16xf32>,
        %get3A_639 = arith.constant 6 : i32
        %get3A_640 = arith.index_cast %get3A_639 : i32 to index
        %get3A_641 = arith.index_cast %mul3A_606 : i32 to index
        %get3A_642 = tpu.vector_load %arg10[%get3A_640, %get3A_641] {strides = array<i32>} : memref<11x256xf32, #tpu.memory_space<vmem>>, vector<16xf32>,
        %get3A_643 = arith.constant 7 : i32
        %get3A_644 = arith.index_cast %get3A_643 : i32 to index
        %get3A_645 = arith.index_cast %mul3A_606 : i32 to index
        %get3A_646 = tpu.vector_load %arg10[%get3A_644, %get3A_645] {strides = array<i32>} : memref<11x256xf32, #tpu.memory_space<vmem>>, vector<16xf32>,
        %get3A_647 = arith.constant 8 : i32
        %get3A_648 = arith.index_cast %get3A_647 : i32 to index
        %get3A_649 = arith.index_cast %mul3A_606 : i32 to index
        %get3A_650 = tpu.vector_load %arg10[%get3A_648, %get3A_649] {strides = array<i32>} : memref<11x256xf32, #tpu.memory_space<vmem>>, vector<16xf32>,
        %get3A_651 = arith.constant 9 : i32
        %get3A_652 = arith.index_cast %get3A_651 : i32 to index
        %get3A_653 = arith.index_cast %mul3A_606 : i32 to index
        %get3A_654 = tpu.vector_load %arg10[%get3A_652, %get3A_653] {strides = array<i32>} : memref<11x256xf32, #tpu.memory_space<vmem>>, vector<16xf32>,
        %get3A_655 = arith.constant 10 : i32
        %get3A_656 = arith.index_cast %get3A_655 : i32 to index
        %get3A_657 = arith.index_cast %mul3A_606 : i32 to index
        %get3A_658 = tpu.vector_load %arg10[%get3A_656, %get3A_657] {strides = array<i32>} : memref<11x256xf32, #tpu.memory_space<vmem>>, vector<16xf32>,
        %mul3A_659 = arith.constant 16 : i32
        %mul3A_660 = arith.muli %scan3A_604, %mul3A_659 : i32
        %add3A_661 = arith.constant 0 : i32
        %add3A_662 = arith.addi %add3A_661, %mul3A_660 : i32
        %add3A_663 = vector.broadcast %add3A_662 : i32 to vector<16xi32>
        %add3A_664 = arith.addi %iota3A, %add3A_663 : vector<16xi32>
        %gather3A = tpu.vector_load_idx %arg14[%add3A_664, %broadcast_in_dim3A_1] : memref<2048x9xf32, #tpu.memory_space<vmem>>[vector<16xi32>, vector<16xi32>], vector<16xf32>,
        %mul3A_665 = arith.constant 0.282094806 : f32
        %mul3A_666 = vector.broadcast %mul3A_665 : f32 to vector<16xf32>
        %mul3A_667 = arith.mulf %mul3A_666, %gather3A : vector<16xf32>
        %gather3A_668 = tpu.vector_load_idx %arg14[%add3A_664, %broadcast_in_dim3A_3] : memref<2048x9xf32, #tpu.memory_space<vmem>>[vector<16xi32>, vector<16xi32>], vector<16xf32>,
        %mul3A_669 = arith.mulf %get3A_630, %gather3A_668 : vector<16xf32>
        %add3A_670 = arith.addf %mul3A_667, %mul3A_669 : vector<16xf32>
        %gather3A_671 = tpu.vector_load_idx %arg14[%add3A_664, %broadcast_in_dim3A_5] : memref<2048x9xf32, #tpu.memory_space<vmem>>[vector<16xi32>, vector<16xi32>], vector<16xf32>,
        %mul3A_672 = arith.mulf %get3A_634, %gather3A_671 : vector<16xf32>
        %add3A_673 = arith.addf %add3A_670, %mul3A_672 : vector<16xf32>
        %gather3A_674 = tpu.vector_load_idx %arg14[%add3A_664, %broadcast_in_dim3A_7] : memref<2048x9xf32, #tpu.memory_space<vmem>>[vector<16xi32>, vector<16xi32>], vector<16xf32>,
        %mul3A_675 = arith.mulf %get3A_638, %gather3A_674 : vector<16xf32>
        %add3A_676 = arith.addf %add3A_673, %mul3A_675 : vector<16xf32>
        %gather3A_677 = tpu.vector_load_idx %arg14[%add3A_664, %broadcast_in_dim3A_9] : memref<2048x9xf32, #tpu.memory_space<vmem>>[vector<16xi32>, vector<16xi32>], vector<16xf32>,
        %mul3A_678 = arith.mulf %get3A_642, %gather3A_677 : vector<16xf32>
        %add3A_679 = arith.addf %add3A_676, %mul3A_678 : vector<16xf32>
        %gather3A_680 = tpu.vector_load_idx %arg14[%add3A_664, %broadcast_in_dim3A_11] : memref<2048x9xf32, #tpu.memory_space<vmem>>[vector<16xi32>, vector<16xi32>], vector<16xf32>,
        %mul3A_681 = arith.mulf %get3A_646, %gather3A_680 : vector<16xf32>
        %add3A_682 = arith.addf %add3A_679, %mul3A_681 : vector<16xf32>
        %gather3A_683 = tpu.vector_load_idx %arg14[%add3A_664, %broadcast_in_dim3A_13] : memref<2048x9xf32, #tpu.memory_space<vmem>>[vector<16xi32>, vector<16xi32>], vector<16xf32>,
        %mul3A_684 = arith.mulf %get3A_650, %gather3A_683 : vector<16xf32>
        %add3A_685 = arith.addf %add3A_682, %mul3A_684 : vector<16xf32>
        %gather3A_686 = tpu.vector_load_idx %arg14[%add3A_664, %broadcast_in_dim3A_15] : memref<2048x9xf32, #tpu.memory_space<vmem>>[vector<16xi32>, vector<16xi32>], vector<16xf32>,
        %mul3A_687 = arith.mulf %get3A_654, %gather3A_686 : vector<16xf32>
        %add3A_688 = arith.addf %add3A_685, %mul3A_687 : vector<16xf32>
        %gather3A_689 = tpu.vector_load_idx %arg14[%add3A_664, %broadcast_in_dim3A_17] : memref<2048x9xf32, #tpu.memory_space<vmem>>[vector<16xi32>, vector<16xi32>], vector<16xf32>,
        %mul3A_690 = arith.mulf %get3A_658, %gather3A_689 : vector<16xf32>
        %add3A_691 = arith.addf %add3A_688, %mul3A_690 : vector<16xf32>
        %mul3A_692 = arith.mulf %sub3A_620, %sub3A_623 : vector<16xf32>
        %mul3A_693 = arith.mulf %mul3A_692, %sub3A_626 : vector<16xf32>
        %mul3A_694 = arith.mulf %mul3A_693, %add3A_691 : vector<16xf32>
        %add3A_695 = arith.constant 256 : i32
        %add3A_696 = arith.addi %add3A_695, %mul3A_660 : i32
        %add3A_697 = vector.broadcast %add3A_696 : i32 to vector<16xi32>
        %add3A_698 = arith.addi %iota3A, %add3A_697 : vector<16xi32>
        %gather3A_699 = tpu.vector_load_idx %arg14[%add3A_698, %broadcast_in_dim3A_1] : memref<2048x9xf32, #tpu.memory_space<vmem>>[vector<16xi32>, vector<16xi32>], vector<16xf32>,
        %mul3A_700 = arith.constant 0.282094806 : f32
        %mul3A_701 = vector.broadcast %mul3A_700 : f32 to vector<16xf32>
        %mul3A_702 = arith.mulf %mul3A_701, %gather3A_699 : vector<16xf32>
        %gather3A_703 = tpu.vector_load_idx %arg14[%add3A_698, %broadcast_in_dim3A_3] : memref<2048x9xf32, #tpu.memory_space<vmem>>[vector<16xi32>, vector<16xi32>], vector<16xf32>,
        %mul3A_704 = arith.mulf %get3A_630, %gather3A_703 : vector<16xf32>
        %add3A_705 = arith.addf %mul3A_702, %mul3A_704 : vector<16xf32>
        %gather3A_706 = tpu.vector_load_idx %arg14[%add3A_698, %broadcast_in_dim3A_5] : memref<2048x9xf32, #tpu.memory_space<vmem>>[vector<16xi32>, vector<16xi32>], vector<16xf32>,
        %mul3A_707 = arith.mulf %get3A_634, %gather3A_706 : vector<16xf32>
        %add3A_708 = arith.addf %add3A_705, %mul3A_707 : vector<16xf32>
        %gather3A_709 = tpu.vector_load_idx %arg14[%add3A_698, %broadcast_in_dim3A_7] : memref<2048x9xf32, #tpu.memory_space<vmem>>[vector<16xi32>, vector<16xi32>], vector<16xf32>,
        %mul3A_710 = arith.mulf %get3A_638, %gather3A_709 : vector<16xf32>
        %add3A_711 = arith.addf %add3A_708, %mul3A_710 : vector<16xf32>
        %gather3A_712 = tpu.vector_load_idx %arg14[%add3A_698, %broadcast_in_dim3A_9] : memref<2048x9xf32, #tpu.memory_space<vmem>>[vector<16xi32>, vector<16xi32>], vector<16xf32>,
        %mul3A_713 = arith.mulf %get3A_642, %gather3A_712 : vector<16xf32>
        %add3A_714 = arith.addf %add3A_711, %mul3A_713 : vector<16xf32>
        %gather3A_715 = tpu.vector_load_idx %arg14[%add3A_698, %broadcast_in_dim3A_11] : memref<2048x9xf32, #tpu.memory_space<vmem>>[vector<16xi32>, vector<16xi32>], vector<16xf32>,
        %mul3A_716 = arith.mulf %get3A_646, %gather3A_715 : vector<16xf32>
        %add3A_717 = arith.addf %add3A_714, %mul3A_716 : vector<16xf32>
        %gather3A_718 = tpu.vector_load_idx %arg14[%add3A_698, %broadcast_in_dim3A_13] : memref<2048x9xf32, #tpu.memory_space<vmem>>[vector<16xi32>, vector<16xi32>], vector<16xf32>,
        %mul3A_719 = arith.mulf %get3A_650, %gather3A_718 : vector<16xf32>
        %add3A_720 = arith.addf %add3A_717, %mul3A_719 : vector<16xf32>
        %gather3A_721 = tpu.vector_load_idx %arg14[%add3A_698, %broadcast_in_dim3A_15] : memref<2048x9xf32, #tpu.memory_space<vmem>>[vector<16xi32>, vector<16xi32>], vector<16xf32>,
        %mul3A_722 = arith.mulf %get3A_654, %gather3A_721 : vector<16xf32>
        %add3A_723 = arith.addf %add3A_720, %mul3A_722 : vector<16xf32>
        %gather3A_724 = tpu.vector_load_idx %arg14[%add3A_698, %broadcast_in_dim3A_17] : memref<2048x9xf32, #tpu.memory_space<vmem>>[vector<16xi32>, vector<16xi32>], vector<16xf32>,
        %mul3A_725 = arith.mulf %get3A_658, %gather3A_724 : vector<16xf32>
        %add3A_726 = arith.addf %add3A_723, %mul3A_725 : vector<16xf32>
        %mul3A_727 = arith.mulf %sub3A_620, %sub3A_623 : vector<16xf32>
        %mul3A_728 = arith.mulf %mul3A_727, %get3A_618 : vector<16xf32>
        %mul3A_729 = arith.mulf %mul3A_728, %add3A_726 : vector<16xf32>
        %add3A_730 = arith.addf %mul3A_694, %mul3A_729 : vector<16xf32>
        %add3A_731 = arith.constant 512 : i32
        %add3A_732 = arith.addi %add3A_731, %mul3A_660 : i32
        %add3A_733 = vector.broadcast %add3A_732 : i32 to vector<16xi32>
        %add3A_734 = arith.addi %iota3A, %add3A_733 : vector<16xi32>
        %gather3A_735 = tpu.vector_load_idx %arg14[%add3A_734, %broadcast_in_dim3A_1] : memref<2048x9xf32, #tpu.memory_space<vmem>>[vector<16xi32>, vector<16xi32>], vector<16xf32>,
        %mul3A_736 = arith.constant 0.282094806 : f32
        %mul3A_737 = vector.broadcast %mul3A_736 : f32 to vector<16xf32>
        %mul3A_738 = arith.mulf %mul3A_737, %gather3A_735 : vector<16xf32>
        %gather3A_739 = tpu.vector_load_idx %arg14[%add3A_734, %broadcast_in_dim3A_3] : memref<2048x9xf32, #tpu.memory_space<vmem>>[vector<16xi32>, vector<16xi32>], vector<16xf32>,
        %mul3A_740 = arith.mulf %get3A_630, %gather3A_739 : vector<16xf32>
        %add3A_741 = arith.addf %mul3A_738, %mul3A_740 : vector<16xf32>
        %gather3A_742 = tpu.vector_load_idx %arg14[%add3A_734, %broadcast_in_dim3A_5] : memref<2048x9xf32, #tpu.memory_space<vmem>>[vector<16xi32>, vector<16xi32>], vector<16xf32>,
        %mul3A_743 = arith.mulf %get3A_634, %gather3A_742 : vector<16xf32>
        %add3A_744 = arith.addf %add3A_741, %mul3A_743 : vector<16xf32>
        %gather3A_745 = tpu.vector_load_idx %arg14[%add3A_734, %broadcast_in_dim3A_7] : memref<2048x9xf32, #tpu.memory_space<vmem>>[vector<16xi32>, vector<16xi32>], vector<16xf32>,
        %mul3A_746 = arith.mulf %get3A_638, %gather3A_745 : vector<16xf32>
        %add3A_747 = arith.addf %add3A_744, %mul3A_746 : vector<16xf32>
        %gather3A_748 = tpu.vector_load_idx %arg14[%add3A_734, %broadcast_in_dim3A_9] : memref<2048x9xf32, #tpu.memory_space<vmem>>[vector<16xi32>, vector<16xi32>], vector<16xf32>,
        %mul3A_749 = arith.mulf %get3A_642, %gather3A_748 : vector<16xf32>
        %add3A_750 = arith.addf %add3A_747, %mul3A_749 : vector<16xf32>
        %gather3A_751 = tpu.vector_load_idx %arg14[%add3A_734, %broadcast_in_dim3A_11] : memref<2048x9xf32, #tpu.memory_space<vmem>>[vector<16xi32>, vector<16xi32>], vector<16xf32>,
        %mul3A_752 = arith.mulf %get3A_646, %gather3A_751 : vector<16xf32>
        %add3A_753 = arith.addf %add3A_750, %mul3A_752 : vector<16xf32>
        %gather3A_754 = tpu.vector_load_idx %arg14[%add3A_734, %broadcast_in_dim3A_13] : memref<2048x9xf32, #tpu.memory_space<vmem>>[vector<16xi32>, vector<16xi32>], vector<16xf32>,
        %mul3A_755 = arith.mulf %get3A_650, %gather3A_754 : vector<16xf32>
        %add3A_756 = arith.addf %add3A_753, %mul3A_755 : vector<16xf32>
        %gather3A_757 = tpu.vector_load_idx %arg14[%add3A_734, %broadcast_in_dim3A_15] : memref<2048x9xf32, #tpu.memory_space<vmem>>[vector<16xi32>, vector<16xi32>], vector<16xf32>,
        %mul3A_758 = arith.mulf %get3A_654, %gather3A_757 : vector<16xf32>
        %add3A_759 = arith.addf %add3A_756, %mul3A_758 : vector<16xf32>
        %gather3A_760 = tpu.vector_load_idx %arg14[%add3A_734, %broadcast_in_dim3A_17] : memref<2048x9xf32, #tpu.memory_space<vmem>>[vector<16xi32>, vector<16xi32>], vector<16xf32>,
        %mul3A_761 = arith.mulf %get3A_658, %gather3A_760 : vector<16xf32>
        %add3A_762 = arith.addf %add3A_759, %mul3A_761 : vector<16xf32>
        %mul3A_763 = arith.mulf %sub3A_620, %get3A_614 : vector<16xf32>
        %mul3A_764 = arith.mulf %mul3A_763, %sub3A_626 : vector<16xf32>
        %mul3A_765 = arith.mulf %mul3A_764, %add3A_762 : vector<16xf32>
        %add3A_766 = arith.addf %add3A_730, %mul3A_765 : vector<16xf32>
        %add3A_767 = arith.constant 768 : i32
        %add3A_768 = arith.addi %add3A_767, %mul3A_660 : i32
        %add3A_769 = vector.broadcast %add3A_768 : i32 to vector<16xi32>
        %add3A_770 = arith.addi %iota3A, %add3A_769 : vector<16xi32>
        %gather3A_771 = tpu.vector_load_idx %arg14[%add3A_770, %broadcast_in_dim3A_1] : memref<2048x9xf32, #tpu.memory_space<vmem>>[vector<16xi32>, vector<16xi32>], vector<16xf32>,
        %mul3A_772 = arith.constant 0.282094806 : f32
        %mul3A_773 = vector.broadcast %mul3A_772 : f32 to vector<16xf32>
        %mul3A_774 = arith.mulf %mul3A_773, %gather3A_771 : vector<16xf32>
        %gather3A_775 = tpu.vector_load_idx %arg14[%add3A_770, %broadcast_in_dim3A_3] : memref<2048x9xf32, #tpu.memory_space<vmem>>[vector<16xi32>, vector<16xi32>], vector<16xf32>,
        %mul3A_776 = arith.mulf %get3A_630, %gather3A_775 : vector<16xf32>
        %add3A_777 = arith.addf %mul3A_774, %mul3A_776 : vector<16xf32>
        %gather3A_778 = tpu.vector_load_idx %arg14[%add3A_770, %broadcast_in_dim3A_5] : memref<2048x9xf32, #tpu.memory_space<vmem>>[vector<16xi32>, vector<16xi32>], vector<16xf32>,
        %mul3A_779 = arith.mulf %get3A_634, %gather3A_778 : vector<16xf32>
        %add3A_780 = arith.addf %add3A_777, %mul3A_779 : vector<16xf32>
        %gather3A_781 = tpu.vector_load_idx %arg14[%add3A_770, %broadcast_in_dim3A_7] : memref<2048x9xf32, #tpu.memory_space<vmem>>[vector<16xi32>, vector<16xi32>], vector<16xf32>,
        %mul3A_782 = arith.mulf %get3A_638, %gather3A_781 : vector<16xf32>
        %add3A_783 = arith.addf %add3A_780, %mul3A_782 : vector<16xf32>
        %gather3A_784 = tpu.vector_load_idx %arg14[%add3A_770, %broadcast_in_dim3A_9] : memref<2048x9xf32, #tpu.memory_space<vmem>>[vector<16xi32>, vector<16xi32>], vector<16xf32>,
        %mul3A_785 = arith.mulf %get3A_642, %gather3A_784 : vector<16xf32>
        %add3A_786 = arith.addf %add3A_783, %mul3A_785 : vector<16xf32>
        %gather3A_787 = tpu.vector_load_idx %arg14[%add3A_770, %broadcast_in_dim3A_11] : memref<2048x9xf32, #tpu.memory_space<vmem>>[vector<16xi32>, vector<16xi32>], vector<16xf32>,
        %mul3A_788 = arith.mulf %get3A_646, %gather3A_787 : vector<16xf32>
        %add3A_789 = arith.addf %add3A_786, %mul3A_788 : vector<16xf32>
        %gather3A_790 = tpu.vector_load_idx %arg14[%add3A_770, %broadcast_in_dim3A_13] : memref<2048x9xf32, #tpu.memory_space<vmem>>[vector<16xi32>, vector<16xi32>], vector<16xf32>,
        %mul3A_791 = arith.mulf %get3A_650, %gather3A_790 : vector<16xf32>
        %add3A_792 = arith.addf %add3A_789, %mul3A_791 : vector<16xf32>
        %gather3A_793 = tpu.vector_load_idx %arg14[%add3A_770, %broadcast_in_dim3A_15] : memref<2048x9xf32, #tpu.memory_space<vmem>>[vector<16xi32>, vector<16xi32>], vector<16xf32>,
        %mul3A_794 = arith.mulf %get3A_654, %gather3A_793 : vector<16xf32>
        %add3A_795 = arith.addf %add3A_792, %mul3A_794 : vector<16xf32>
        %gather3A_796 = tpu.vector_load_idx %arg14[%add3A_770, %broadcast_in_dim3A_17] : memref<2048x9xf32, #tpu.memory_space<vmem>>[vector<16xi32>, vector<16xi32>], vector<16xf32>,
        %mul3A_797 = arith.mulf %get3A_658, %gather3A_796 : vector<16xf32>
        %add3A_798 = arith.addf %add3A_795, %mul3A_797 : vector<16xf32>
        %mul3A_799 = arith.mulf %sub3A_620, %get3A_614 : vector<16xf32>
        %mul3A_800 = arith.mulf %mul3A_799, %get3A_618 : vector<16xf32>
        %mul3A_801 = arith.mulf %mul3A_800, %add3A_798 : vector<16xf32>
        %add3A_802 = arith.addf %add3A_766, %mul3A_801 : vector<16xf32>
        %add3A_803 = arith.constant 1024 : i32
        %add3A_804 = arith.addi %add3A_803, %mul3A_660 : i32
        %add3A_805 = vector.broadcast %add3A_804 : i32 to vector<16xi32>
        %add3A_806 = arith.addi %iota3A, %add3A_805 : vector<16xi32>
        %gather3A_807 = tpu.vector_load_idx %arg14[%add3A_806, %broadcast_in_dim3A_1] : memref<2048x9xf32, #tpu.memory_space<vmem>>[vector<16xi32>, vector<16xi32>], vector<16xf32>,
        %mul3A_808 = arith.constant 0.282094806 : f32
        %mul3A_809 = vector.broadcast %mul3A_808 : f32 to vector<16xf32>
        %mul3A_810 = arith.mulf %mul3A_809, %gather3A_807 : vector<16xf32>
        %gather3A_811 = tpu.vector_load_idx %arg14[%add3A_806, %broadcast_in_dim3A_3] : memref<2048x9xf32, #tpu.memory_space<vmem>>[vector<16xi32>, vector<16xi32>], vector<16xf32>,
        %mul3A_812 = arith.mulf %get3A_630, %gather3A_811 : vector<16xf32>
        %add3A_813 = arith.addf %mul3A_810, %mul3A_812 : vector<16xf32>
        %gather3A_814 = tpu.vector_load_idx %arg14[%add3A_806, %broadcast_in_dim3A_5] : memref<2048x9xf32, #tpu.memory_space<vmem>>[vector<16xi32>, vector<16xi32>], vector<16xf32>,
        %mul3A_815 = arith.mulf %get3A_634, %gather3A_814 : vector<16xf32>
        %add3A_816 = arith.addf %add3A_813, %mul3A_815 : vector<16xf32>
        %gather3A_817 = tpu.vector_load_idx %arg14[%add3A_806, %broadcast_in_dim3A_7] : memref<2048x9xf32, #tpu.memory_space<vmem>>[vector<16xi32>, vector<16xi32>], vector<16xf32>,
        %mul3A_818 = arith.mulf %get3A_638, %gather3A_817 : vector<16xf32>
        %add3A_819 = arith.addf %add3A_816, %mul3A_818 : vector<16xf32>
        %gather3A_820 = tpu.vector_load_idx %arg14[%add3A_806, %broadcast_in_dim3A_9] : memref<2048x9xf32, #tpu.memory_space<vmem>>[vector<16xi32>, vector<16xi32>], vector<16xf32>,
        %mul3A_821 = arith.mulf %get3A_642, %gather3A_820 : vector<16xf32>
        %add3A_822 = arith.addf %add3A_819, %mul3A_821 : vector<16xf32>
        %gather3A_823 = tpu.vector_load_idx %arg14[%add3A_806, %broadcast_in_dim3A_11] : memref<2048x9xf32, #tpu.memory_space<vmem>>[vector<16xi32>, vector<16xi32>], vector<16xf32>,
        %mul3A_824 = arith.mulf %get3A_646, %gather3A_823 : vector<16xf32>
        %add3A_825 = arith.addf %add3A_822, %mul3A_824 : vector<16xf32>
        %gather3A_826 = tpu.vector_load_idx %arg14[%add3A_806, %broadcast_in_dim3A_13] : memref<2048x9xf32, #tpu.memory_space<vmem>>[vector<16xi32>, vector<16xi32>], vector<16xf32>,
        %mul3A_827 = arith.mulf %get3A_650, %gather3A_826 : vector<16xf32>
        %add3A_828 = arith.addf %add3A_825, %mul3A_827 : vector<16xf32>
        %gather3A_829 = tpu.vector_load_idx %arg14[%add3A_806, %broadcast_in_dim3A_15] : memref<2048x9xf32, #tpu.memory_space<vmem>>[vector<16xi32>, vector<16xi32>], vector<16xf32>,
        %mul3A_830 = arith.mulf %get3A_654, %gather3A_829 : vector<16xf32>
        %add3A_831 = arith.addf %add3A_828, %mul3A_830 : vector<16xf32>
        %gather3A_832 = tpu.vector_load_idx %arg14[%add3A_806, %broadcast_in_dim3A_17] : memref<2048x9xf32, #tpu.memory_space<vmem>>[vector<16xi32>, vector<16xi32>], vector<16xf32>,
        %mul3A_833 = arith.mulf %get3A_658, %gather3A_832 : vector<16xf32>
        %add3A_834 = arith.addf %add3A_831, %mul3A_833 : vector<16xf32>
        %mul3A_835 = arith.mulf %get3A_610, %sub3A_623 : vector<16xf32>
        %mul3A_836 = arith.mulf %mul3A_835, %sub3A_626 : vector<16xf32>
        %mul3A_837 = arith.mulf %mul3A_836, %add3A_834 : vector<16xf32>
        %add3A_838 = arith.addf %add3A_802, %mul3A_837 : vector<16xf32>
        %add3A_839 = arith.constant 1280 : i32
        %add3A_840 = arith.addi %add3A_839, %mul3A_660 : i32
        %add3A_841 = vector.broadcast %add3A_840 : i32 to vector<16xi32>
        %add3A_842 = arith.addi %iota3A, %add3A_841 : vector<16xi32>
        %gather3A_843 = tpu.vector_load_idx %arg14[%add3A_842, %broadcast_in_dim3A_1] : memref<2048x9xf32, #tpu.memory_space<vmem>>[vector<16xi32>, vector<16xi32>], vector<16xf32>,
        %mul3A_844 = arith.constant 0.282094806 : f32
        %mul3A_845 = vector.broadcast %mul3A_844 : f32 to vector<16xf32>
        %mul3A_846 = arith.mulf %mul3A_845, %gather3A_843 : vector<16xf32>
        %gather3A_847 = tpu.vector_load_idx %arg14[%add3A_842, %broadcast_in_dim3A_3] : memref<2048x9xf32, #tpu.memory_space<vmem>>[vector<16xi32>, vector<16xi32>], vector<16xf32>,
        %mul3A_848 = arith.mulf %get3A_630, %gather3A_847 : vector<16xf32>
        %add3A_849 = arith.addf %mul3A_846, %mul3A_848 : vector<16xf32>
        %gather3A_850 = tpu.vector_load_idx %arg14[%add3A_842, %broadcast_in_dim3A_5] : memref<2048x9xf32, #tpu.memory_space<vmem>>[vector<16xi32>, vector<16xi32>], vector<16xf32>,
        %mul3A_851 = arith.mulf %get3A_634, %gather3A_850 : vector<16xf32>
        %add3A_852 = arith.addf %add3A_849, %mul3A_851 : vector<16xf32>
        %gather3A_853 = tpu.vector_load_idx %arg14[%add3A_842, %broadcast_in_dim3A_7] : memref<2048x9xf32, #tpu.memory_space<vmem>>[vector<16xi32>, vector<16xi32>], vector<16xf32>,
        %mul3A_854 = arith.mulf %get3A_638, %gather3A_853 : vector<16xf32>
        %add3A_855 = arith.addf %add3A_852, %mul3A_854 : vector<16xf32>
        %gather3A_856 = tpu.vector_load_idx %arg14[%add3A_842, %broadcast_in_dim3A_9] : memref<2048x9xf32, #tpu.memory_space<vmem>>[vector<16xi32>, vector<16xi32>], vector<16xf32>,
        %mul3A_857 = arith.mulf %get3A_642, %gather3A_856 : vector<16xf32>
        %add3A_858 = arith.addf %add3A_855, %mul3A_857 : vector<16xf32>
        %gather3A_859 = tpu.vector_load_idx %arg14[%add3A_842, %broadcast_in_dim3A_11] : memref<2048x9xf32, #tpu.memory_space<vmem>>[vector<16xi32>, vector<16xi32>], vector<16xf32>,
        %mul3A_860 = arith.mulf %get3A_646, %gather3A_859 : vector<16xf32>
        %add3A_861 = arith.addf %add3A_858, %mul3A_860 : vector<16xf32>
        %gather3A_862 = tpu.vector_load_idx %arg14[%add3A_842, %broadcast_in_dim3A_13] : memref<2048x9xf32, #tpu.memory_space<vmem>>[vector<16xi32>, vector<16xi32>], vector<16xf32>,
        %mul3A_863 = arith.mulf %get3A_650, %gather3A_862 : vector<16xf32>
        %add3A_864 = arith.addf %add3A_861, %mul3A_863 : vector<16xf32>
        %gather3A_865 = tpu.vector_load_idx %arg14[%add3A_842, %broadcast_in_dim3A_15] : memref<2048x9xf32, #tpu.memory_space<vmem>>[vector<16xi32>, vector<16xi32>], vector<16xf32>,
        %mul3A_866 = arith.mulf %get3A_654, %gather3A_865 : vector<16xf32>
        %add3A_867 = arith.addf %add3A_864, %mul3A_866 : vector<16xf32>
        %gather3A_868 = tpu.vector_load_idx %arg14[%add3A_842, %broadcast_in_dim3A_17] : memref<2048x9xf32, #tpu.memory_space<vmem>>[vector<16xi32>, vector<16xi32>], vector<16xf32>,
        %mul3A_869 = arith.mulf %get3A_658, %gather3A_868 : vector<16xf32>
        %add3A_870 = arith.addf %add3A_867, %mul3A_869 : vector<16xf32>
        %mul3A_871 = arith.mulf %get3A_610, %sub3A_623 : vector<16xf32>
        %mul3A_872 = arith.mulf %mul3A_871, %get3A_618 : vector<16xf32>
        %mul3A_873 = arith.mulf %mul3A_872, %add3A_870 : vector<16xf32>
        %add3A_874 = arith.addf %add3A_838, %mul3A_873 : vector<16xf32>
        %add3A_875 = arith.constant 1536 : i32
        %add3A_876 = arith.addi %add3A_875, %mul3A_660 : i32
        %add3A_877 = vector.broadcast %add3A_876 : i32 to vector<16xi32>
        %add3A_878 = arith.addi %iota3A, %add3A_877 : vector<16xi32>
        %gather3A_879 = tpu.vector_load_idx %arg14[%add3A_878, %broadcast_in_dim3A_1] : memref<2048x9xf32, #tpu.memory_space<vmem>>[vector<16xi32>, vector<16xi32>], vector<16xf32>,
        %mul3A_880 = arith.constant 0.282094806 : f32
        %mul3A_881 = vector.broadcast %mul3A_880 : f32 to vector<16xf32>
        %mul3A_882 = arith.mulf %mul3A_881, %gather3A_879 : vector<16xf32>
        %gather3A_883 = tpu.vector_load_idx %arg14[%add3A_878, %broadcast_in_dim3A_3] : memref<2048x9xf32, #tpu.memory_space<vmem>>[vector<16xi32>, vector<16xi32>], vector<16xf32>,
        %mul3A_884 = arith.mulf %get3A_630, %gather3A_883 : vector<16xf32>
        %add3A_885 = arith.addf %mul3A_882, %mul3A_884 : vector<16xf32>
        %gather3A_886 = tpu.vector_load_idx %arg14[%add3A_878, %broadcast_in_dim3A_5] : memref<2048x9xf32, #tpu.memory_space<vmem>>[vector<16xi32>, vector<16xi32>], vector<16xf32>,
        %mul3A_887 = arith.mulf %get3A_634, %gather3A_886 : vector<16xf32>
        %add3A_888 = arith.addf %add3A_885, %mul3A_887 : vector<16xf32>
        %gather3A_889 = tpu.vector_load_idx %arg14[%add3A_878, %broadcast_in_dim3A_7] : memref<2048x9xf32, #tpu.memory_space<vmem>>[vector<16xi32>, vector<16xi32>], vector<16xf32>,
        %mul3A_890 = arith.mulf %get3A_638, %gather3A_889 : vector<16xf32>
        %add3A_891 = arith.addf %add3A_888, %mul3A_890 : vector<16xf32>
        %gather3A_892 = tpu.vector_load_idx %arg14[%add3A_878, %broadcast_in_dim3A_9] : memref<2048x9xf32, #tpu.memory_space<vmem>>[vector<16xi32>, vector<16xi32>], vector<16xf32>,
        %mul3A_893 = arith.mulf %get3A_642, %gather3A_892 : vector<16xf32>
        %add3A_894 = arith.addf %add3A_891, %mul3A_893 : vector<16xf32>
        %gather3A_895 = tpu.vector_load_idx %arg14[%add3A_878, %broadcast_in_dim3A_11] : memref<2048x9xf32, #tpu.memory_space<vmem>>[vector<16xi32>, vector<16xi32>], vector<16xf32>,
        %mul3A_896 = arith.mulf %get3A_646, %gather3A_895 : vector<16xf32>
        %add3A_897 = arith.addf %add3A_894, %mul3A_896 : vector<16xf32>
        %gather3A_898 = tpu.vector_load_idx %arg14[%add3A_878, %broadcast_in_dim3A_13] : memref<2048x9xf32, #tpu.memory_space<vmem>>[vector<16xi32>, vector<16xi32>], vector<16xf32>,
        %mul3A_899 = arith.mulf %get3A_650, %gather3A_898 : vector<16xf32>
        %add3A_900 = arith.addf %add3A_897, %mul3A_899 : vector<16xf32>
        %gather3A_901 = tpu.vector_load_idx %arg14[%add3A_878, %broadcast_in_dim3A_15] : memref<2048x9xf32, #tpu.memory_space<vmem>>[vector<16xi32>, vector<16xi32>], vector<16xf32>,
        %mul3A_902 = arith.mulf %get3A_654, %gather3A_901 : vector<16xf32>
        %add3A_903 = arith.addf %add3A_900, %mul3A_902 : vector<16xf32>
        %gather3A_904 = tpu.vector_load_idx %arg14[%add3A_878, %broadcast_in_dim3A_17] : memref<2048x9xf32, #tpu.memory_space<vmem>>[vector<16xi32>, vector<16xi32>], vector<16xf32>,
        %mul3A_905 = arith.mulf %get3A_658, %gather3A_904 : vector<16xf32>
        %add3A_906 = arith.addf %add3A_903, %mul3A_905 : vector<16xf32>
        %mul3A_907 = arith.mulf %get3A_610, %get3A_614 : vector<16xf32>
        %mul3A_908 = arith.mulf %mul3A_907, %sub3A_626 : vector<16xf32>
        %mul3A_909 = arith.mulf %mul3A_908, %add3A_906 : vector<16xf32>
        %add3A_910 = arith.addf %add3A_874, %mul3A_909 : vector<16xf32>
        %add3A_911 = arith.constant 1792 : i32
        %add3A_912 = arith.addi %add3A_911, %mul3A_660 : i32
        %add3A_913 = vector.broadcast %add3A_912 : i32 to vector<16xi32>
        %add3A_914 = arith.addi %iota3A, %add3A_913 : vector<16xi32>
        %gather3A_915 = tpu.vector_load_idx %arg14[%add3A_914, %broadcast_in_dim3A_1] : memref<2048x9xf32, #tpu.memory_space<vmem>>[vector<16xi32>, vector<16xi32>], vector<16xf32>,
        %mul3A_916 = arith.constant 0.282094806 : f32
        %mul3A_917 = vector.broadcast %mul3A_916 : f32 to vector<16xf32>
        %mul3A_918 = arith.mulf %mul3A_917, %gather3A_915 : vector<16xf32>
        %gather3A_919 = tpu.vector_load_idx %arg14[%add3A_914, %broadcast_in_dim3A_3] : memref<2048x9xf32, #tpu.memory_space<vmem>>[vector<16xi32>, vector<16xi32>], vector<16xf32>,
        %mul3A_920 = arith.mulf %get3A_630, %gather3A_919 : vector<16xf32>
        %add3A_921 = arith.addf %mul3A_918, %mul3A_920 : vector<16xf32>
        %gather3A_922 = tpu.vector_load_idx %arg14[%add3A_914, %broadcast_in_dim3A_5] : memref<2048x9xf32, #tpu.memory_space<vmem>>[vector<16xi32>, vector<16xi32>], vector<16xf32>,
        %mul3A_923 = arith.mulf %get3A_634, %gather3A_922 : vector<16xf32>
        %add3A_924 = arith.addf %add3A_921, %mul3A_923 : vector<16xf32>
        %gather3A_925 = tpu.vector_load_idx %arg14[%add3A_914, %broadcast_in_dim3A_7] : memref<2048x9xf32, #tpu.memory_space<vmem>>[vector<16xi32>, vector<16xi32>], vector<16xf32>,
        %mul3A_926 = arith.mulf %get3A_638, %gather3A_925 : vector<16xf32>
        %add3A_927 = arith.addf %add3A_924, %mul3A_926 : vector<16xf32>
        %gather3A_928 = tpu.vector_load_idx %arg14[%add3A_914, %broadcast_in_dim3A_9] : memref<2048x9xf32, #tpu.memory_space<vmem>>[vector<16xi32>, vector<16xi32>], vector<16xf32>,
        %mul3A_929 = arith.mulf %get3A_642, %gather3A_928 : vector<16xf32>
        %add3A_930 = arith.addf %add3A_927, %mul3A_929 : vector<16xf32>
        %gather3A_931 = tpu.vector_load_idx %arg14[%add3A_914, %broadcast_in_dim3A_11] : memref<2048x9xf32, #tpu.memory_space<vmem>>[vector<16xi32>, vector<16xi32>], vector<16xf32>,
        %mul3A_932 = arith.mulf %get3A_646, %gather3A_931 : vector<16xf32>
        %add3A_933 = arith.addf %add3A_930, %mul3A_932 : vector<16xf32>
        %gather3A_934 = tpu.vector_load_idx %arg14[%add3A_914, %broadcast_in_dim3A_13] : memref<2048x9xf32, #tpu.memory_space<vmem>>[vector<16xi32>, vector<16xi32>], vector<16xf32>,
        %mul3A_935 = arith.mulf %get3A_650, %gather3A_934 : vector<16xf32>
        %add3A_936 = arith.addf %add3A_933, %mul3A_935 : vector<16xf32>
        %gather3A_937 = tpu.vector_load_idx %arg14[%add3A_914, %broadcast_in_dim3A_15] : memref<2048x9xf32, #tpu.memory_space<vmem>>[vector<16xi32>, vector<16xi32>], vector<16xf32>,
        %mul3A_938 = arith.mulf %get3A_654, %gather3A_937 : vector<16xf32>
        %add3A_939 = arith.addf %add3A_936, %mul3A_938 : vector<16xf32>
        %gather3A_940 = tpu.vector_load_idx %arg14[%add3A_914, %broadcast_in_dim3A_17] : memref<2048x9xf32, #tpu.memory_space<vmem>>[vector<16xi32>, vector<16xi32>], vector<16xf32>,
        %mul3A_941 = arith.mulf %get3A_658, %gather3A_940 : vector<16xf32>
        %add3A_942 = arith.addf %add3A_939, %mul3A_941 : vector<16xf32>
        %mul3A_943 = arith.mulf %get3A_610, %get3A_614 : vector<16xf32>
        %mul3A_944 = arith.mulf %mul3A_943, %get3A_618 : vector<16xf32>
        %mul3A_945 = arith.mulf %mul3A_944, %add3A_942 : vector<16xf32>
        %add3A_946 = arith.addf %add3A_910, %mul3A_945 : vector<16xf32>
        %max3A = arith.constant 0.000000e+00 : f32
        %max3A_947 = vector.broadcast %max3A : f32 to vector<16xf32>
        %max3A_948 = arith.maximumf %add3A_946, %max3A_947 : vector<16xf32>
        %swap3A = arith.index_cast %mul3A_606 : i32 to index
        %swap3A_949 = tpu.vector_load %arg8[%swap3A] {strides = array<i32>} : memref<256xf32, #tpu.memory_space<vmem>>, vector<16xf32>,
        tpu.vector_store %arg8[%swap3A], %max3A_948 {strides = array<i32>} : memref<256xf32, #tpu.memory_space<vmem>>, vector<16xf32>,
      }
      %scan3A_598 = arith.constant 16 : i32
      %mul3A_599 = arith.constant 32768 : i32
      %mul3A_600 = arith.muli %add3A, %mul3A_599 : i32
      %mul3A_601 = arith.constant 256 : i32
      %mul3A_602 = arith.muli %add3A_592, %mul3A_601 : i32
      %add3A_603 = arith.addi %mul3A_600, %mul3A_602 : i32
      "tpu.region"() ({
        %run_scoped3A = tpu.sem_alloc : memref<!tpu.dma_semaphore, #tpu.memory_space<semaphore_mem>>
        %dma_start3A_604 = tpu.memref_slice %arg5[%add3A_603] : memref<1048576xf32, #tpu.memory_space<hbm>> -> memref<256xf32, #tpu.memory_space<hbm>>
        %dma_start3A_605 = tpu.memref_slice %arg5[%add3A_603] : memref<1048576xf32, #tpu.memory_space<hbm>> -> memref<256xf32, #tpu.memory_space<hbm>>
        tpu.enqueue_dma source(%arg8 : memref<256xf32, #tpu.memory_space<vmem>>) target(%dma_start3A_605 : memref<256xf32, #tpu.memory_space<hbm>>) target_semaphore(%run_scoped3A : memref<!tpu.dma_semaphore, #tpu.memory_space<semaphore_mem>>)
        %dma_wait3A_606 = tpu.memref_slice %arg5[%add3A_603] : memref<1048576xf32, #tpu.memory_space<hbm>> -> memref<256xf32, #tpu.memory_space<hbm>>
        %dma_wait3A_607 = tpu.memref_slice %arg5[%add3A_603] : memref<1048576xf32, #tpu.memory_space<hbm>> -> memref<256xf32, #tpu.memory_space<hbm>>
        tpu.wait_dma2 semaphore(%run_scoped3A : memref<!tpu.dma_semaphore, #tpu.memory_space<semaphore_mem>>) src(%arg8 : memref<256xf32, #tpu.memory_space<vmem>>) dst(%dma_wait3A_607 : memref<256xf32, #tpu.memory_space<hbm>>)
        tpu.yield
      }) : () -> ()
    }
    %scan3A_174 = arith.constant 64 : i32
    return
  }
}

</mosaic_0001>

<sc_bundles>
// kernel: _sc_call.3.cloned.1.call-start
scs
__scs_entry_jumppad:
0x0: {  	(pc) =	sbr.rel $0x88, $3  }
0x1: {  	(tag) =	ssettag $0x0;
	lr =	simm.s32 $0x1  }
0x2: {  	[smem:$0x3F9E] =	sst lr;
	_ =	strace $0xD0000000  }
0x3: {  	_ = 	snop  }
0x4: {  	_ = 	snop  }
0x5: {  	_ = 	snop  }
0x6: {  	_ = 	snop  }
0x7: {  	_ = 	snop  }
__scs_overlays_trampoline_lowered:
0x8: {  	[smem:$0x3FAD] =	sst s0  }
0x9: {  	[smem:$0x3FAE] =	sst s1  }
0xa: {  	[smem:$0x3FAF] =	sst s2  }
0xb: {  	[smem:$0x3FB0] =	sst s3  }
0xc: {  	[smem:$0x3FB1] =	sst s4  }
0xd: {  	[smem:$0x3FB2] =	sst s5  }
0xe: {  	[smem:$0x3FB3] =	sst s6  }
0xf: {  	[smem:$0x3FB4] =	sst s7  }
0x10: {  	[smem:$0x3FB5] =	sst s8  }
0x11: {  	[smem:$0x3FB6] =	sst s9;
	s0 =	simm.s32 @!p0 $0x0  }
0x12: {  	s1 =	sld [smem:$0x3F9C];
	s0 =	simm.s32 @p0 $0x1  }
0x13: {  	[smem:$0x3FB7] =	sst s0;
	s0 =	simm.s32 @!p1 $0x0  }
0x14: {  	s2 =	sld [smem:$0x3F9B];
	s0 =	simm.s32 @p1 $0x1  }
0x15: {  	[smem:$0x3FB8] =	sst s0;
	s0 =	simm.s32 @!p2 $0x0  }
0x16: {  	s3 =	sld [smem:$0x3FDB];
	s0 =	simm.s32 @p2 $0x1  }
0x17: {  	s4 =	simm.s32 $0x1BF5;
	[smem:$0x3FBA] =	sst s0  }
0x18: {  	s0 =	sld [smem:$0x3F9D];
	_ =	swait.ge [sflag:s4], $0x0  }
0x19: {  	s7 =	sld [smem:$0x3F9E]  }
0x1a: {  	s8 =	sadd.s32 $0xFFFFE003, lr  }
0x1b: {  	s9 =	sadd.s32 $0xFFFFFEF7, lr;
	s5 =	simm.s32 $0xFFFFFFFF;
	p2 =	slt.u32 s8, $0xFFFFF086  }
0x1c: {  	p1 =	slt.u32 s9, $0xF7A;
	s5 =	simm.s32 @!p2 $0x0  }
0x1d: {  	s5 =	simm.s32 @p1 $0x1;
	p0 =	seq.s32 s7, s2  }
0x1e: {  	s7 =	smul.u32 @!p0 $0xF7A, s2;
	p2 =	seq.s32 @!p0 s5, $0x0  }
0x1f: {  	s9 =	smul.u32 $0xF7A, s1;
	s8 =	simm.s32 @!p0 $0x1BF5;
	p2 =	por !p2, p0  }
0x20: {  	[sflag:s8] =	ssyncset.s32 @!p0 $0xFFFFF086;
	s6 =	sadd.s32 @!p0 s3, s7;
	s7 =	simm.s32 @!p0 $0x108  }
0x21: {  	s3 =	sadd.s32 s3, s9;
	s6 =	sadd.s32 @!p0 $0x88, s6;
	s7 =	simm.s32 @p2 $0x1082  }
0x22: {  	[simem:s7], [sflag:s8] =	dma.local @!p0 [hbm:s6], $0xF7A  }
0x23: {  	s9 =	sor.u32 $0xD0000000, s2;
	s6 =	simm.s32 $0x108;
	_ =	swait.ge @!p0 [sflag:s8], $0x0  }
0x24: {  	s3 =	sadd.s32 $0x88, s3;
	s6 =	simm.s32 @!p1 $0x1082;
	[sflag:s4] =	ssyncset.s32 $0xFFFFF086  }
0x25: {  	[simem:s6], [sflag:s4] =	dma.local [hbm:s3], $0xF7A  }
0x26: {  	[smem:$0x3F9E] =	sst s1;
	(tag) =	ssettag s2;
	_ =	strace s9  }
0x27: {  	s1 =	sld [smem:$0x3FAE]  }
0x28: {  	s2 =	sld [smem:$0x3FAF]  }
0x29: {  	s4 =	sld [smem:$0x3FB1]  }
0x2a: {  	p0 =	seq.s32 s5, $0x0;
	s5 =	sld [smem:$0x3FB2]  }
0x2b: {  	s6 =	sld [smem:$0x3FB3]  }
0x2c: {  	s7 =	sld [smem:$0x3FB4]  }
0x2d: {  	s3 =	simm.s32 $0x108;
	s8 =	sld [smem:$0x3FB5]  }
0x2e: {  	s3 =	simm.s32 @!p0 $0x1082;
	s9 =	sld [smem:$0x3FB6]  }
0x2f: {  	lr =	sadd.s32 s0, s3;
	s0 =	sld [smem:$0x3FAD]  }
0x30: {  	s3 =	sld [smem:$0x3FB0]  }
0x31: {  	[smem:$0x3FB9] =	sst s10  }
0x32: {  	s10 =	sld [smem:$0x3FB7];
	_ =	sdelay $0x3  }
0x33: {  	p0 =	seq.s32 s10, $0x1;
	s10 =	sld [smem:$0x3FB9];
	_ =	sdelay $0x3  }
0x34: {  	[smem:$0x3FB9] =	sst s10  }
0x35: {  	s10 =	sld [smem:$0x3FB8];
	_ =	sdelay $0x3  }
0x36: {  	p1 =	seq.s32 s10, $0x1;
	s10 =	sld [smem:$0x3FB9];
	_ =	sdelay $0x3  }
0x37: {  	[smem:$0x3FB9] =	sst s10  }
0x38: {  	s10 =	sld [smem:$0x3FBA]  }
0x39: {  	_ = 	snop;
	(pc) =	sbr.ind lr, $3  }
0x3a: {  	_ = 	snop  }
0x3b: {  	_ = 	snop  }
0x3c: {  	p2 =	seq.s32 s10, $0x1;
	s10 =	sld [smem:$0x3FB9]  }
0x3d: {  	_ =	shalt  }
0x3e: {  	_ =	shalt  }
0x3f: {  	_ =	shalt  }
0x40: {  	_ =	shalt  }
0x41: {  	_ =	shalt  }
0x42: {  	_ =	shalt  }
0x43: {  	_ =	shalt  }
0x44: {  	_ =	shalt  }
0x45: {  	_ =	shalt  }
0x46: {  	_ =	shalt  }
0x47: {  	_ =	shalt  }
0x48: {  	_ =	shalt  }
0x49: {  	_ =	shalt  }
0x4a: {  	_ =	shalt  }
0x4b: {  	_ =	shalt  }
0x4c: {  	_ =	shalt  }
0x4d: {  	_ =	shalt  }
0x4e: {  	_ =	shalt  }
0x4f: {  	_ =	shalt  }
0x50: {  	_ =	shalt  }
0x51: {  	_ =	shalt  }
0x52: {  	_ =	shalt  }
0x53: {  	_ =	shalt  }
0x54: {  	_ =	shalt  }
0x55: {  	_ =	shalt  }
0x56: {  	_ =	shalt  }
0x57: {  	_ =	shalt  }
0x58: {  	_ =	shalt  }
0x59: {  	_ =	shalt  }
0x5a: {  	_ =	shalt  }
0x5b: {  	_ =	shalt  }
0x5c: {  	_ =	shalt  }
0x5d: {  	_ =	shalt  }
0x5e: {  	_ =	shalt  }
0x5f: {  	_ =	shalt  }
0x60: {  	_ =	shalt  }
0x61: {  	_ =	shalt  }
0x62: {  	_ =	shalt  }
0x63: {  	_ =	shalt  }
0x64: {  	_ =	shalt  }
0x65: {  	_ =	shalt  }
0x66: {  	_ =	shalt  }
0x67: {  	_ =	shalt  }
0x68: {  	_ =	shalt  }
0x69: {  	_ =	shalt  }
0x6a: {  	_ =	shalt  }
0x6b: {  	_ =	shalt  }
0x6c: {  	_ =	shalt  }
0x6d: {  	_ =	shalt  }
0x6e: {  	_ =	shalt  }
0x6f: {  	_ =	shalt  }
0x70: {  	_ =	shalt  }
0x71: {  	_ =	shalt  }
0x72: {  	_ =	shalt  }
0x73: {  	_ =	shalt  }
0x74: {  	_ =	shalt  }
0x75: {  	_ =	shalt  }
0x76: {  	_ =	shalt  }
0x77: {  	_ =	shalt  }
0x78: {  	_ =	shalt  }
0x79: {  	_ =	shalt  }
0x7a: {  	_ =	shalt  }
0x7b: {  	_ =	shalt  }
0x7c: {  	_ =	shalt  }
0x7d: {  	_ =	shalt  }
0x7e: {  	_ =	shalt  }
0x7f: {  	_ =	shalt  }
0x80: {  	_ =	shalt  }
0x81: {  	_ =	shalt  }
0x82: {  	_ =	shalt  }
0x83: {  	_ =	shalt  }
0x84: {  	_ =	shalt  }
0x85: {  	_ =	shalt  }
0x86: {  	_ =	shalt  }
0x87: {  	_ =	shalt  }
.Lfunc_end0:
.L_simem_size_0:
called_computation_lowered:
.L_overlay_start_0:
0x88: {  	s2 =	sld [smem:$0x3FD9]  }
0x89: {  	s3 =	sld [smem:$0x3FFE];
	_ =	sdelay $0x1  }
0x8a: {  	s1 =	srdreg.scid  }
0x8b: {  	s0 =	sand.u32 $0x1, s1  }
0x8c: {  	s17 =	sshll.u32 s0, $0xA;
	s2 =	sadd.s32 s3, s2  }
0x8d: {  	s2 =	sadd.s32 s2, s17  }
0x8e: {  	[smem:$0x3FC5] =	sst s2  }
0x8f: {  	_ = 	snop  }
0x90: {  	s2 =	sld [smem:$0x3FC8]  }
0x91: {  	s18 =	sld [smem:$0x3FC7]  }
0x92: {  	s4 =	sld [smem:$0x3FD0];
	(tm) =	ssettm $0x1  }
0x93: {  	s5 =	sld [smem:$0x3FFB];
	_ =	sdelay $0x3  }
0x94: {  	_ =	strace s5  }
0x95: {  	s5 =	sld [smem:$0x3FFC];
	_ =	sdelay $0x3  }
0x96: {  	_ =	strace s5  }
0x97: {  	s5 =	sld [smem:$0x3FFD];
	_ =	sdelay $0x3  }
0x98: {  	_ =	strace s5  }
0x99: {  	_ =	strace $0x8FFFFFFF  }
0x9a: {  	s19 =	sld [smem:$0x3FDB];
	_ =	sdelay $0x1  }
0x9b: {  	s6 =	simm.s32 $_scs_section_size  }
0x9c: {  	s7 =	simm.s32 $_size__tile_overlayer_lowered;
	s8 =	simm.s32 $_tile_overlayer_lowered  }
0x9d: {  	s22 =	simm.s32 $0x1BFF;
	s21 =	sshll.u32 s8, $0x1;
	s5 =	sadd.s32 s6, s19  }
0x9e: {  	s9 =	simm.s32 $0x0;
	s20 =	sshll.u32 s7, $0x1;
	s7 =	sadd.s32 s21, s5  }
0x9f: {  	[timem:s9], [sflag:s22] =	dma.local [hbm:s7], s20  }
0xa0: {  	_ =	swait.ge [sflag:s22], s20  }
0xa1: {  	s6 =	ssub.s32 $0x0, s20;
	[sflag:s22] =	ssyncset.done $0x0  }
0xa2: {  	[sflag:s22] =	ssyncadd.s32 s6;
	_ =	sdelay $0x1  }
0xa3: {  	s23 =	simm.s32 $0x1B8B  }
0xa4: {  	_ =	swait.ge [sflag:s23], $0x1  }
0xa5: {  	[sflag:s23] =	ssyncset.done $0x0  }
0xa6: {  	s25 =	simm.s32 $0x1B8E;
	s24 =	sld [smem:$0x3FFE];
	[sflag:s23] =	ssyncadd.s32 $0xFFFFFFFF  }
0xa7: {  	s26 =	simm.s32 $execute0_lowered;
	[smem:$0x3FD2] =	sst s25  }
0xa8: {  	s7 =	sshll.u32 s26, $0x1;
	_ =	strace $0x80000046;
	[dreg:$0x1] =	wrdreg $0xFFFFFFFF  }
0xa9: {  	s28 =	simm.s32 $_size_execute0_lowered;
	s5 =	sadd.s32 s5, s7;
	[dreg:$0x0] =	wrdreg $0x0  }
0xaa: {  	s7 =	sshll.u32 s28, $0x1;
	[dreg:$0x2] =	wrdreg s5  }
0xab: {  	[dreg:$0x3] =	wrdreg s7  }
0xac: {  	[dreg:$0x4] =	wrdreg $0xC0  }
0xad: {  	_ =	task [dreg:s9], $0x5FFFF  }
0xae: {  	[dreg:$0x1] =	wrdreg $0xFFFFFFFF  }
0xaf: {  	[dreg:$0x0] =	wrdreg $0x60  }
0xb0: {  	[dreg:$0x2] =	wrdreg s24  }
0xb1: {  	[dreg:$0x3] =	wrdreg s2  }
0xb2: {  	[dreg:$0x4] =	wrdreg s18  }
0xb3: {  	[dreg:$0x5] =	wrdreg s4  }
0xb4: {  	[dreg:$0x6] =	wrdreg $0x9  }
0xb5: {  	_ =	task.clear_ibuf [dreg:s9], $0x7FFFF;
	_ =	strace $0x90000046  }
0xb6: {  	s29 =	simm.s32 $0x9;
	_ =	strace $0x80000048  }
0xb7: {  	_ =	swait.ge [sflag:s29], $0x1  }
0xb8: {  	[sflag:s29] =	ssyncadd.s32 $0xFFFFFFFF  }
0xb9: {  	_ =	strace $0x90000048  }
0xba: {  	_ =	sfence  }
0xbb: {  	s30 =	sld [smem:$0x0];
	_ =	sdelay $0x2  }
0xbc: {  	s31 =	sshll.u32 s1, $0xD;
	s1 =	sshrl.u32 s1, $0x2  }
0xbd: {  	s3 =	sand.u32 $0x4000, s31;
	s1 =	sadd.s32 s1, s30  }
0xbe: {  	s0 =	sor.u32 s3, s0;
	s1 =	sshll.u32 s1, $0x11  }
0xbf: {  	s0 =	sor.u32 s1, s0  }
0xc0: {  	s0 =	sadd.s32 $0x8F2B, s0  }
0xc1: {  	[sflag:s0] =	ssyncadd.remote.s32 $0x1  }
0xc2: {  	_ =	sfence.sel $0xFFFF  }
0xc3: {  	[dreg:$0x0] =	wrdreg $0xFFFFFFFF;
	(pc) =	sbr.abs _section_cstart, $3  }
0xc4: {  	[dreg:$0x1] =	wrdreg $0xFFFFFFFF  }
0xc5: {  	_ =	task.clear_ibuf [dreg:s9], $0x2FFFF;
	_ =	strace $0x9FFFFFFF  }
0xc6: {  	(tm) =	ssettm $0x7FFFFFFF  }
0xc7: {  	_ =	shalt  }
tec
execute0_lowered:
.L_overlay_start_1:
0x0: {  	(tag) =	ssettag $0x1  }
0x1: {  	s0 =	rddreg [dreg:$0x0]  }
0x2: {  	s1 =	rddreg [dreg:$0x1]  }
0x3: {  	s4 =	rddreg [dreg:$0x3]  }
0x4: {  	s2 =	srdreg.scid;
	s3 =	stileid.u32;
	s5 =	simm.s32 $0x0  }
0x5: {  	s12 =	simm.s32 $0x3;
	s13 =	simm.s32 $0x60;
	s14 =	simm.s32 $0x80  }
0x6: {  	s16 =	simm.s32 $0x2D60;
	s29 =	simm.s32 $0xAD60;
	s31 =	simm.s32 $0x10560  }
0x7: {  	s11 =	simm.s32 $0x2C60;
	s15 =	simm.s32 $0x11D60;
	s17 =	simm.s32 $0x2CE0  }
0x8: {  	s18 =	simm.s32 $0x12560;
	s19 =	simm.s32 $0x1;
	s20 =	simm.s32 $0x660  }
0x9: {  	s21 =	simm.s32 $0x2;
	s2 =	sand.u32 $0x1, s2;
	s3 =	sshll.u32 s3, $0x1  }
0xa: {  	s22 =	simm.s32 $0x0;
	s7 =	ssub.s32 $0x2, s2;
	s2 =	sor.u32 s2, s3  }
0xb: {  	[smem:$0x7FF] =	sst s5;
	s6 =	sadd.s32 $0x400, s0;
	s8 =	smul.u32 $0x6000, s2  }
0xc: {  	_ =	strace $0x80000047;
	s3 =	simm.s32 $0x2BE0;
	s25 =	sshrl.u32 s7, $0x1  }
0xd: {  	v0 =	vlaneseq.u32;
	s26 =	ssub.s32 s7, s25;
	s7 =	sshll.u32 s2, $0x7;
	s28 =	sadd.s32 s1, s8  }
0xe: {  	v20 =	vmul.u32 $0x10, v0;
	s9 =	sshll.u32 s2, $0xF;
	s30 =	sor.u32 $0x2, s7;
	[dreg:$0x5] =	wrdreg s28  }
0xf: {  	s2 =	simm.s32 $0x10D60;
	s0 =	smax.u32 s26, $0x1;
	[dreg:$0x6] =	wrdreg s30  }
0x10: {  	[tilespmem:$0x1FFF0] =	vst v20;
	s8 =	simm.s32 $0x11560;
	[dreg:$0x7] =	wrdreg s0;
	s0 =	simm.s32 $0x2B60  }
.LBB2_1:
0x11: {  	[dreg:$0x8] =	wrdreg s22  }
0x12: {  	s10 =	rddreg [dreg:$0x2]  }
0x13: {  	[tilespmem:s5], [sflag:$0x3] =	stream.linear.gather [hbm4b:s10+s5], $0x60, $0x38;
	[tilespmem:$0x12D60] =	vst v63  }
0x14: {  	_ =	swait.ge [sflag:s12], $0x60  }
0x15: {  	[sflag:s12] =	ssyncset.done $0x0  }
0x16: {  	[sflag:s12] =	ssyncadd.s32 $0xFFFFFFA0  }
0x17: {  	v21 =	vld [tilespmem:$0x0]  }
0x18: {  	v22 =	vld [tilespmem:$0x10]  }
0x19: {  	v23 =	vld [tilespmem:$0x20]  }
0x1a: {  	v24 =	vld [tilespmem:$0x30]  }
0x1b: {  	s30 =	rddreg [dreg:$0x5];
	v25 =	vld [tilespmem:$0x40]  }
0x1c: {  	v26 =	vld [tilespmem:$0x50];
	[tilespmem:s13], [sflag:$0x3] =	stream.linear.gather [hbm4b:s30+s5], $0x600, $0x38  }
0x1d: {  	_ =	swait.ge [sflag:s12], $0x600  }
0x1e: {  	[sflag:s12] =	ssyncset.done $0x0  }
0x1f: {  	s22 =	simm.s32 $0xFFFFFF00;
	[sflag:s12] =	ssyncadd.s32 $0xFFFFFA00  }
0x20: {  	v0 =	vld [tilespmem:s22+$0x160]  }
0x21: {  	v3 =	vld [tilespmem:s22+$0x260]  }
0x22: {  	v2 =	vld [tilespmem:s22+$0x660]  }
0x23: {  	v4 =	vld [tilespmem:s22+$0x360];
	_ =	sdelay $0x2  }
0x24: {  	v1 =	vld [tilespmem:s22+$0x460];
	v0 =	vmul.f32 v0, v21;
	v3 =	vmul.f32 v3, v22  }
0x25: {  	v5 =	vadd.f32 v2, v2  }
0x26: {  	v4 =	vmul.f32 v4, v23;
	v6 =	vadd.f32 v0, v24;
	v3 =	vadd.f32 v3, v25  }
0x27: {  	v8 =	vmul.f32 $4.886025190e-01, v2;
	v0 =	vld [tilespmem:s22+$0x560];
	v7 =	vmul.f32 v5, v2  }
0x28: {  	v5 =	vmax.f32 v6, $0.0e+00;
	v3 =	vmax.f32 v3, $0.0e+00;
	v6 =	vadd.f32 v4, v26  }
0x29: {  	v12 =	vmul.f32 v1, v1;
	v5 =	vmin.f32 v5, $1.270000000e+02;
	v4 =	vmin.f32 v3, $1.270000000e+02  }
0x2a: {  	v3 =	vtrunc.f32 v5;
	v9 =	vtrunc.f32 v4;
	v6 =	vmax.f32 v6, $0.0e+00  }
0x2b: {  	v3 =	vcvt.f32.s32 v3;
	v9 =	vcvt.f32.s32 v9;
	v6 =	vmin.f32 v6, $1.270000000e+02  }
0x2c: {  	v7 =	vsub.f32 v7, v12;
	v14 =	vmul.f32 v0, v0;
	v10 =	vtrunc.f32 v6  }
0x2d: {  	vm0 =	vlt.s32 v3, $0x7E;
	vm1 =	vlt.s32 v9, $0x7E;
	v11 =	vcvt.f32.s32 v10  }
0x2e: {  	v7 =	vsub.f32 v7, v14;
	v3 =	vnsel vm0, $0x7E, v3;
	v9 =	vnsel vm1, $0x7E, v9  }
0x2f: {  	vm15 =	vlt.s32 v11, $0x7E;
	v13 =	vshll.u32 v3, $0xE;
	v15 =	vshll.u32 v9, $0x7  }
0x30: {  	v10 =	vcvt.s32.f32 v3;
	v3 =	vnsel vm15, $0x7E, v11;
	v11 =	vadd.s32 v13, v15  }
0x31: {  	s10 =	simm.s32 $0xFFFFFF10;
	[tilespmem:s22+$0xC60] =	vst v8;
	v13 =	vcvt.s32.f32 v9;
	v9 =	vcvt.s32.f32 v3;
	v3 =	vadd.s32 v3, v11  }
0x32: {  	s23 =	simm.s32 $0xFFFFFC80;
	v8 =	vld [tilespmem:s10+$0x160];
	v12 =	vsub.f32 v12, v14;
	v11 =	vmul.f32 v0, v1;
	[tilespmem:s22+$0x1E60] =	vst v3;
	v14 =	vadd.s32 $0x4081, v3  }
.LBB2_2:
0x33: {  	p0 =	sne.s32 s23, $0xFFFFFFC0;
	v15 =	vld [tilespmem:s10+$0x260];
	v5 =	vsub.f32 v5, v10;
	v10 =	vmul.f32 v2, v0;
	v16 =	vmul.f32 v2, v1;
	[tilespmem:s22+$0x2560] =	vst v14  }
0x34: {  	v4 =	vsub.f32 v4, v13;
	v6 =	vsub.f32 v6, v9;
	v7 =	vmul.f32 $3.153915700e-01, v7;
	v2 =	vld [tilespmem:s10+$0x660]  }
0x35: {  	v11 =	vmul.f32 $1.092548490e+00, v11;
	v12 =	vmul.f32 $5.462742450e-01, v12;
	v9 =	vld [tilespmem:s10+$0x360];
	[tilespmem:s22+$0x860] =	vst v5;
	v5 =	vadd.s32 $0x1, v3  }
0x36: {  	v10 =	vmul.f32 $-1.092548490e+00, v10;
	v14 =	vmul.f32 $-1.092548490e+00, v16;
	v13 =	vld [tilespmem:s10+$0x460];
	[tilespmem:s22+$0x960] =	vst v4;
	v4 =	vadd.s32 $0x80, v3  }
0x37: {  	v17 =	vmul.f32 $-4.886025190e-01, v1;
	v1 =	vadd.s32 $0x81, v3;
	v16 =	vmul.f32 $-4.886025190e-01, v0;
	[tilespmem:s22+$0xA60] =	vst v6;
	v0 =	vld [tilespmem:s10+$0x560]  }
0x38: {  	v6 =	vmul.f32 v8, v21;
	v8 =	vmul.f32 v15, v22;
	[tilespmem:s22+$0x1F60] =	vst v5;
	v5 =	vadd.s32 $0x4000, v3  }
0x39: {  	v15 =	vmul.f32 $4.886025190e-01, v2;
	v18 =	vadd.f32 v2, v2;
	[tilespmem:s22+$0x2060] =	vst v4;
	v4 =	vadd.s32 $0x4001, v3  }
0x3a: {  	v6 =	vadd.f32 v6, v24;
	v8 =	vadd.f32 v8, v25;
	v9 =	vmul.f32 v9, v23;
	[tilespmem:s22+$0x2160] =	vst v1  }
0x3b: {  	v3 =	vadd.s32 $0x4080, v3;
	v18 =	vmul.f32 v18, v2;
	v19 =	vmul.f32 v13, v13;
	[tilespmem:s22+$0x2260] =	vst v5;
	v1 =	vmovc v13  }
0x3c: {  	v5 =	vmax.f32 v6, $0.0e+00;
	v6 =	vmax.f32 v8, $0.0e+00;
	v8 =	vadd.f32 v9, v26;
	[tilespmem:s22+$0x2360] =	vst v4  }
0x3d: {  	v5 =	vmin.f32 v5, $1.270000000e+02;
	v4 =	vmin.f32 v6, $1.270000000e+02;
	v9 =	vsub.f32 v18, v19;
	[tilespmem:s22+$0x2460] =	vst v3  }
0x3e: {  	v3 =	vtrunc.f32 v5;
	v6 =	vtrunc.f32 v4;
	v8 =	vmax.f32 v8, $0.0e+00;
	[tilespmem:s22+$0x1060] =	vst v7  }
0x3f: {  	v3 =	vcvt.f32.s32 v3;
	v7 =	vcvt.f32.s32 v6;
	v6 =	vmin.f32 v8, $1.270000000e+02;
	[tilespmem:s22+$0x1260] =	vst v12  }
0x40: {  	v12 =	vmul.f32 v0, v0;
	v8 =	vtrunc.f32 v6;
	[tilespmem:s22+$0xE60] =	vst v11  }
0x41: {  	vm0 =	vlt.s32 v3, $0x7E;
	vm1 =	vlt.s32 v7, $0x7E;
	v8 =	vcvt.f32.s32 v8;
	[tilespmem:s22+$0xF60] =	vst v10  }
.Ltmp0:
0x42: {  	v3 =	vnsel vm0, $0x7E, v3;
	v11 =	vnsel vm1, $0x7E, v7;
	v7 =	vsub.f32 v9, v12;
	[tilespmem:s22+$0x1160] =	vst v14;
	(pc) =	sbr.rel @p0 .LBB2_2-.Ltmp0, $4  }
0x43: {  	v9 =	vshll.u32 v3, $0xE;
	vm0 =	vlt.s32 v8, $0x7E;
	v13 =	vshll.u32 v11, $0x7;
	[tilespmem:s22+$0xB60] =	vst v16  }
0x44: {  	v10 =	vcvt.s32.f32 v3;
	v3 =	vnsel vm0, $0x7E, v8;
	v8 =	vadd.s32 v9, v13;
	[tilespmem:s10+$0xC60] =	vst v15  }
0x45: {  	v13 =	vcvt.s32.f32 v11;
	v9 =	vcvt.s32.f32 v3;
	v3 =	vadd.s32 v3, v8;
	[tilespmem:s22+$0xD60] =	vst v17;
	s22 =	smov.u32 s10;
	s10 =	sshra.s32 s23, $0x2  }
0x46: {  	v12 =	vsub.f32 v19, v12;
	v11 =	vmul.f32 v0, v1;
	s23 =	sadd.s32 $0x40, s23;
	v8 =	vld [tilespmem:s10+$0x160];
	[tilespmem:s22+$0x1E60] =	vst v3;
	v14 =	vadd.s32 $0x4081, v3  }
0x47: {  	v15 =	vld [tilespmem:s10+$0x260];
	[tilespmem:s22+$0x2560] =	vst v14;
	v5 =	vsub.f32 v5, v10  }
0x48: {  	v4 =	vsub.f32 v4, v13;
	v10 =	vld [tilespmem:s10+$0x660]  }
0x49: {  	v6 =	vsub.f32 v6, v9;
	v14 =	vld [tilespmem:s10+$0x360];
	[tilespmem:s22+$0x860] =	vst v5  }
0x4a: {  	v5 =	vld [tilespmem:s10+$0x460];
	[tilespmem:s22+$0x960] =	vst v4  }
0x4b: {  	v57 =	vmul.f32 $3.153915700e-01, v7;
	v60 =	vadd.s32 $0x1, v3;
	v7 =	vld [tilespmem:s10+$0x560];
	[tilespmem:s22+$0xA60] =	vst v6  }
0x4c: {  	v55 =	vmul.f32 v2, v0;
	v56 =	vmul.f32 v2, v1;
	v61 =	vadd.s32 $0x80, v3;
	[tilespmem:s22+$0x1F60] =	vst v60  }
0x4d: {  	v63 =	vadd.s32 $0x81, v3;
	v16 =	vadd.s32 $0x4000, v3;
	v32 =	vmul.f32 $-4.886025190e-01, v0;
	[tilespmem:s22+$0x2060] =	vst v61  }
0x4e: {  	v30 =	vadd.s32 $0x4001, v3;
	v37 =	vmul.f32 $-4.886025190e-01, v1;
	v8 =	vmul.f32 v8, v21;
	[tilespmem:s22+$0x2160] =	vst v63  }
0x4f: {  	v31 =	vadd.s32 $0x4080, v3;
	v58 =	vmul.f32 $1.092548490e+00, v11;
	v59 =	vmul.f32 $5.462742450e-01, v12;
	[tilespmem:s22+$0x2260] =	vst v16  }
0x50: {  	v62 =	vmul.f32 $-1.092548490e+00, v55;
	[tilespmem:s22+$0x2360] =	vst v30;
	v15 =	vmul.f32 v15, v22;
	v28 =	vadd.f32 v8, v24  }
0x51: {  	v2 =	vmul.f32 $-1.092548490e+00, v56;
	[tilespmem:s22+$0x2460] =	vst v31;
	v14 =	vmul.f32 v14, v23  }
0x52: {  	[tilespmem:s22+$0x1060] =	vst v57;
	v40 =	vmul.f32 $4.886025190e-01, v10;
	v29 =	vadd.f32 v15, v25;
	v6 =	vmax.f32 v28, $0.0e+00  }
0x53: {  	[tilespmem:s22+$0x1260] =	vst v59;
	v14 =	vadd.f32 v14, v26;
	v59 =	vmul.f32 v10, v5;
	v63 =	vmul.f32 $-4.886025190e-01, v5  }
0x54: {  	[tilespmem:s22+$0xE60] =	vst v58;
	v8 =	vmax.f32 v29, $0.0e+00;
	v6 =	vmin.f32 v6, $1.270000000e+02;
	v57 =	vmul.f32 v7, v5  }
0x55: {  	[tilespmem:s22+$0xF60] =	vst v62;
	v58 =	vmul.f32 v10, v7;
	v62 =	vmul.f32 $-4.886025190e-01, v7;
	v8 =	vmin.f32 v8, $1.270000000e+02  }
0x56: {  	[tilespmem:s22+$0x1160] =	vst v2;
	v33 =	vtrunc.f32 v6;
	v14 =	vmax.f32 v14, $0.0e+00;
	v34 =	vtrunc.f32 v8  }
0x57: {  	[tilespmem:s22+$0xB60] =	vst v32;
	v3 =	vcvt.f32.s32 v33;
	v36 =	vmin.f32 v14, $1.270000000e+02;
	v35 =	vcvt.f32.s32 v34  }
0x58: {  	[tilespmem:s10+$0xC60] =	vst v40;
	v61 =	vmul.f32 $-1.092548490e+00, v59;
	v38 =	vtrunc.f32 v36  }
0x59: {  	[tilespmem:s22+$0xD60] =	vst v37;
	vm0 =	vlt.s32 v3, $0x7E;
	v39 =	vcvt.f32.s32 v38;
	vm1 =	vlt.s32 v35, $0x7E  }
0x5a: {  	[tilespmem:s10+$0xD60] =	vst v63;
	v60 =	vmul.f32 $-1.092548490e+00, v58;
	v3 =	vnsel vm0, $0x7E, v3;
	v4 =	vnsel vm1, $0x7E, v35  }
0x5b: {  	[tilespmem:s10+$0xB60] =	vst v62;
	vm15 =	vlt.s32 v39, $0x7E;
	v41 =	vshll.u32 v3, $0xE;
	v43 =	vcvt.s32.f32 v3  }
0x5c: {  	[tilespmem:s10+$0x1160] =	vst v61;
	v42 =	vshll.u32 v4, $0x7;
	v45 =	vcvt.s32.f32 v4;
	v4 =	vmul.f32 $1.092548490e+00, v57  }
0x5d: {  	[tilespmem:s10+$0xF60] =	vst v60;
	v44 =	vnsel vm15, $0x7E, v39;
	v2 =	vadd.s32 v41, v42  }
0x5e: {  	v0 =	vsub.f32 v6, v43;
	v2 =	vadd.s32 v44, v2;
	[tilespmem:s10+$0xE60] =	vst v4  }
0x5f: {  	[tilespmem:s10+$0x1E60] =	vst v2  }
0x60: {  	v1 =	vsub.f32 v8, v45;
	v46 =	vadd.s32 $0x4081, v2;
	[tilespmem:s10+$0x860] =	vst v0  }
0x61: {  	v47 =	vadd.f32 v10, v10;
	[tilespmem:s10+$0x2560] =	vst v46  }
0x62: {  	v50 =	vadd.s32 $0x1, v2;
	[tilespmem:s10+$0x960] =	vst v1  }
0x63: {  	v48 =	vmul.f32 v47, v10;
	v49 =	vmul.f32 v5, v5;
	v52 =	vadd.s32 $0x80, v2;
	[tilespmem:s10+$0x1F60] =	vst v50  }
0x64: {  	v51 =	vmul.f32 v7, v7;
	v53 =	vadd.s32 $0x81, v2;
	[tilespmem:s10+$0x2060] =	vst v52  }
0x65: {  	v3 =	vcvt.s32.f32 v44;
	v0 =	vsub.f32 v48, v49;
	v54 =	vadd.s32 $0x4000, v2;
	[tilespmem:s10+$0x2160] =	vst v53  }
0x66: {  	v55 =	vsub.f32 v49, v51;
	v56 =	vadd.s32 $0x4001, v2;
	[tilespmem:s10+$0x2260] =	vst v54  }
0x67: {  	v3 =	vsub.f32 v36, v3;
	v2 =	vadd.s32 $0x4080, v2;
	[tilespmem:s10+$0x2360] =	vst v56;
	v0 =	vsub.f32 v0, v51  }
0x68: {  	v1 =	vmul.f32 $5.462742450e-01, v55;
	[tilespmem:s10+$0x2460] =	vst v2  }
0x69: {  	[tilespmem:s10+$0xA60] =	vst v3;
	v0 =	vmul.f32 $3.153915700e-01, v0  }
0x6a: {  	[tilespmem:s10+$0x1260] =	vst v1  }
0x6b: {  	s22 =	simm.s32 $0x1D60;
	[tilespmem:s10+$0x1060] =	vst v0  }
0x6c: {  	[tilespmem:s16], [sflag:$0x1] =	stream.indirect.gather [hbm4b:s6+s14], $0x9, s22, s14, $0xb8;
	[tilespmem:$0x12D60] =	vst v63  }
0x6d: {  	s23 =	simm.s32 $0x1DE0;
	s24 =	simm.s32 $0x3560  }
0x6e: {  	[tilespmem:s24], [sflag:$0x1] =	stream.indirect.gather [hbm4b:s6+s14], $0x9, s23, s14, $0xb8;
	[tilespmem:$0x12D60] =	vst v63  }
0x6f: {  	s25 =	simm.s32 $0x1E60;
	s26 =	simm.s32 $0x3D60  }
0x70: {  	[tilespmem:s26], [sflag:$0x1] =	stream.indirect.gather [hbm4b:s6+s14], $0x9, s25, s14, $0xb8;
	[tilespmem:$0x12D60] =	vst v63  }
0x71: {  	s28 =	simm.s32 $0x1EE0;
	s30 =	simm.s32 $0x4560  }
0x72: {  	[tilespmem:s30], [sflag:$0x1] =	stream.indirect.gather [hbm4b:s6+s14], $0x9, s28, s14, $0xb8;
	[tilespmem:$0x12D60] =	vst v63  }
0x73: {  	s23 =	simm.s32 $0x1F60;
	s24 =	simm.s32 $0x4D60  }
0x74: {  	[tilespmem:s24], [sflag:$0x1] =	stream.indirect.gather [hbm4b:s6+s14], $0x9, s23, s14, $0xb8;
	[tilespmem:$0x12D60] =	vst v63  }
0x75: {  	s25 =	simm.s32 $0x1FE0;
	s26 =	simm.s32 $0x5560  }
0x76: {  	[tilespmem:s26], [sflag:$0x1] =	stream.indirect.gather [hbm4b:s6+s14], $0x9, s25, s14, $0xb8;
	[tilespmem:$0x12D60] =	vst v63  }
0x77: {  	s28 =	simm.s32 $0x2060;
	s30 =	simm.s32 $0x5D60  }
0x78: {  	[tilespmem:s30], [sflag:$0x1] =	stream.indirect.gather [hbm4b:s6+s14], $0x9, s28, s14, $0xb8;
	[tilespmem:$0x12D60] =	vst v63  }
0x79: {  	s23 =	simm.s32 $0x20E0;
	s24 =	simm.s32 $0x6560  }
0x7a: {  	[tilespmem:s24], [sflag:$0x1] =	stream.indirect.gather [hbm4b:s6+s14], $0x9, s23, s14, $0xb8;
	[tilespmem:$0x12D60] =	vst v63  }
0x7b: {  	s25 =	simm.s32 $0x2160;
	s26 =	simm.s32 $0x6D60  }
0x7c: {  	[tilespmem:s26], [sflag:$0x1] =	stream.indirect.gather [hbm4b:s6+s14], $0x9, s25, s14, $0xb8;
	[tilespmem:$0x12D60] =	vst v63  }
0x7d: {  	s28 =	simm.s32 $0x21E0;
	s30 =	simm.s32 $0x7560  }
0x7e: {  	[tilespmem:s30], [sflag:$0x1] =	stream.indirect.gather [hbm4b:s6+s14], $0x9, s28, s14, $0xb8;
	[tilespmem:$0x12D60] =	vst v63  }
0x7f: {  	[tilespmem:$0x1FF90] =	vst v21;
	s23 =	simm.s32 $0x2260;
	s24 =	simm.s32 $0x7D60  }
0x80: {  	[tilespmem:s24], [sflag:$0x1] =	stream.indirect.gather [hbm4b:s6+s14], $0x9, s23, s14, $0xb8;
	[tilespmem:$0x12D60] =	vst v63  }
0x81: {  	[tilespmem:$0x1FFA0] =	vst v22;
	s25 =	simm.s32 $0x22E0;
	s26 =	simm.s32 $0x8560  }
0x82: {  	[tilespmem:s26], [sflag:$0x1] =	stream.indirect.gather [hbm4b:s6+s14], $0x9, s25, s14, $0xb8;
	[tilespmem:$0x12D60] =	vst v63  }
0x83: {  	[tilespmem:$0x1FFB0] =	vst v23;
	s28 =	simm.s32 $0x2360;
	s30 =	simm.s32 $0x8D60  }
0x84: {  	[tilespmem:s30], [sflag:$0x1] =	stream.indirect.gather [hbm4b:s6+s14], $0x9, s28, s14, $0xb8;
	[tilespmem:$0x12D60] =	vst v63  }
0x85: {  	[tilespmem:$0x1FFC0] =	vst v24;
	s23 =	simm.s32 $0x23E0;
	s24 =	simm.s32 $0x9560  }
0x86: {  	[tilespmem:s24], [sflag:$0x1] =	stream.indirect.gather [hbm4b:s6+s14], $0x9, s23, s14, $0xb8;
	[tilespmem:$0x12D60] =	vst v63  }
0x87: {  	[tilespmem:$0x1FFD0] =	vst v25;
	s25 =	simm.s32 $0x2460;
	s26 =	simm.s32 $0x9D60  }
0x88: {  	[tilespmem:s26], [sflag:$0x1] =	stream.indirect.gather [hbm4b:s6+s14], $0x9, s25, s14, $0xb8;
	[tilespmem:$0x12D60] =	vst v63  }
0x89: {  	[tilespmem:$0x1FFE0] =	vst v26;
	s22 =	simm.s32 $0x0;
	s28 =	simm.s32 $0x24E0;
	s30 =	simm.s32 $0xA560  }
0x8a: {  	[tilespmem:s30], [sflag:$0x1] =	stream.indirect.gather [hbm4b:s6+s14], $0x9, s28, s14, $0xb8;
	[tilespmem:$0x12D60] =	vst v63  }
.LBB2_4:
0x8b: {  	s23 =	sshllo.u32 s22, $0x1  }
0x8c: {  	s10 =	sadd.s32 s7, s23  }
0x8d: {  	s10 =	smul.u32 $0xC0, s10;
	_ =	sdelay $0x1  }
0x8e: {  	s10 =	sadd.s32 s1, s10  }
0x8f: {  	[tilespmem:s13], [sflag:$0x3] =	stream.linear.gather [hbm4b:s10+s5], $0x600, $0x38;
	[tilespmem:$0x12D60] =	vst v63  }
0x90: {  	_ =	swait.ge [sflag:s12], $0x600  }
0x91: {  	[sflag:s12] =	ssyncset.done $0x0  }
0x92: {  	s25 =	simm.s32 $0xFFFFFF00;
	[sflag:s12] =	ssyncadd.s32 $0xFFFFFA00  }
0x93: {  	v0 =	vld [tilespmem:s25+$0x160]  }
0x94: {  	v3 =	vld [tilespmem:s25+$0x260]  }
0x95: {  	v2 =	vld [tilespmem:s25+$0x660]  }
0x96: {  	v4 =	vld [tilespmem:s25+$0x360];
	_ =	sdelay $0x2  }
0x97: {  	v1 =	vld [tilespmem:s25+$0x460];
	v0 =	vmul.f32 v0, v21;
	v3 =	vmul.f32 v3, v22  }
0x98: {  	v5 =	vadd.f32 v2, v2  }
0x99: {  	v4 =	vmul.f32 v4, v23;
	v6 =	vadd.f32 v0, v24;
	v3 =	vadd.f32 v3, v25  }
0x9a: {  	v8 =	vmul.f32 $4.886025190e-01, v2;
	v0 =	vld [tilespmem:s25+$0x560];
	v7 =	vmul.f32 v5, v2  }
0x9b: {  	v5 =	vmax.f32 v6, $0.0e+00;
	v3 =	vmax.f32 v3, $0.0e+00;
	v6 =	vadd.f32 v4, v26  }
0x9c: {  	v13 =	vmul.f32 v1, v1;
	v5 =	vmin.f32 v5, $1.270000000e+02;
	v4 =	vmin.f32 v3, $1.270000000e+02  }
0x9d: {  	v3 =	vtrunc.f32 v5;
	v9 =	vtrunc.f32 v4;
	v6 =	vmax.f32 v6, $0.0e+00  }
0x9e: {  	v3 =	vcvt.f32.s32 v3;
	v9 =	vcvt.f32.s32 v9;
	v6 =	vmin.f32 v6, $1.270000000e+02  }
0x9f: {  	v7 =	vsub.f32 v7, v13;
	v14 =	vmul.f32 v0, v0;
	v10 =	vtrunc.f32 v6  }
0xa0: {  	vm0 =	vlt.s32 v3, $0x7E;
	vm1 =	vlt.s32 v9, $0x7E;
	v11 =	vcvt.f32.s32 v10  }
0xa1: {  	v7 =	vsub.f32 v7, v14;
	v3 =	vnsel vm0, $0x7E, v3;
	v9 =	vnsel vm1, $0x7E, v9  }
0xa2: {  	vm15 =	vlt.s32 v11, $0x7E;
	v12 =	vshll.u32 v3, $0xE;
	v15 =	vshll.u32 v9, $0x7  }
0xa3: {  	v10 =	vcvt.s32.f32 v3;
	v3 =	vnsel vm15, $0x7E, v11;
	v12 =	vadd.s32 v12, v15  }
0xa4: {  	s10 =	simm.s32 $0xFFFFFF10;
	[tilespmem:s25+$0x1760] =	vst v8;
	v11 =	vcvt.s32.f32 v9;
	v9 =	vcvt.s32.f32 v3;
	v3 =	vadd.s32 v3, v12  }
0xa5: {  	s24 =	sshll.u32 s22, $0x1;
	s26 =	simm.s32 $0xFFFFFC80;
	v8 =	vld [tilespmem:s10+$0x160];
	v13 =	vsub.f32 v13, v14;
	v12 =	vmul.f32 v0, v1;
	[tilespmem:s25+$0x2660] =	vst v3;
	v14 =	vadd.s32 $0x4081, v3  }
.LBB2_5:
0xa6: {  	p0 =	sne.s32 s26, $0xFFFFFFC0;
	v15 =	vld [tilespmem:s10+$0x260];
	v5 =	vsub.f32 v5, v10;
	v10 =	vmul.f32 v2, v0;
	v16 =	vmul.f32 v2, v1;
	[tilespmem:s25+$0x2D60] =	vst v14  }
0xa7: {  	v4 =	vsub.f32 v4, v11;
	v6 =	vsub.f32 v6, v9;
	v7 =	vmul.f32 $3.153915700e-01, v7;
	v2 =	vld [tilespmem:s10+$0x660]  }
0xa8: {  	v11 =	vmul.f32 $1.092548490e+00, v12;
	v12 =	vmul.f32 $5.462742450e-01, v13;
	v9 =	vld [tilespmem:s10+$0x360];
	[tilespmem:s25+$0x1360] =	vst v5;
	v5 =	vadd.s32 $0x1, v3  }
0xa9: {  	v10 =	vmul.f32 $-1.092548490e+00, v10;
	v14 =	vmul.f32 $-1.092548490e+00, v16;
	v13 =	vld [tilespmem:s10+$0x460];
	[tilespmem:s25+$0x1460] =	vst v4;
	v4 =	vadd.s32 $0x80, v3  }
0xaa: {  	v17 =	vmul.f32 $-4.886025190e-01, v1;
	v1 =	vadd.s32 $0x81, v3;
	v16 =	vmul.f32 $-4.886025190e-01, v0;
	[tilespmem:s25+$0x1560] =	vst v6;
	v0 =	vld [tilespmem:s10+$0x560]  }
0xab: {  	v6 =	vmul.f32 v8, v21;
	v8 =	vmul.f32 v15, v22;
	[tilespmem:s25+$0x2760] =	vst v5;
	v5 =	vadd.s32 $0x4000, v3  }
0xac: {  	v15 =	vmul.f32 $4.886025190e-01, v2;
	v18 =	vadd.f32 v2, v2;
	[tilespmem:s25+$0x2860] =	vst v4;
	v4 =	vadd.s32 $0x4001, v3  }
0xad: {  	v6 =	vadd.f32 v6, v24;
	v8 =	vadd.f32 v8, v25;
	v9 =	vmul.f32 v9, v23;
	[tilespmem:s25+$0x2960] =	vst v1  }
0xae: {  	v3 =	vadd.s32 $0x4080, v3;
	v18 =	vmul.f32 v18, v2;
	v19 =	vmul.f32 v13, v13;
	[tilespmem:s25+$0x2A60] =	vst v5;
	v1 =	vmovc v13  }
0xaf: {  	v5 =	vmax.f32 v6, $0.0e+00;
	v6 =	vmax.f32 v8, $0.0e+00;
	v8 =	vadd.f32 v9, v26;
	[tilespmem:s25+$0x2B60] =	vst v4  }
0xb0: {  	v5 =	vmin.f32 v5, $1.270000000e+02;
	v4 =	vmin.f32 v6, $1.270000000e+02;
	v9 =	vsub.f32 v18, v19;
	[tilespmem:s25+$0x2C60] =	vst v3  }
0xb1: {  	v3 =	vtrunc.f32 v5;
	v6 =	vtrunc.f32 v4;
	v8 =	vmax.f32 v8, $0.0e+00;
	[tilespmem:s25+$0x1B60] =	vst v7  }
0xb2: {  	v3 =	vcvt.f32.s32 v3;
	v7 =	vcvt.f32.s32 v6;
	v6 =	vmin.f32 v8, $1.270000000e+02;
	[tilespmem:s25+$0x1D60] =	vst v12  }
0xb3: {  	v13 =	vmul.f32 v0, v0;
	v8 =	vtrunc.f32 v6;
	[tilespmem:s25+$0x1960] =	vst v11  }
0xb4: {  	vm0 =	vlt.s32 v3, $0x7E;
	vm1 =	vlt.s32 v7, $0x7E;
	v8 =	vcvt.f32.s32 v8;
	[tilespmem:s25+$0x1A60] =	vst v10  }
.Ltmp1:
0xb5: {  	v3 =	vnsel vm0, $0x7E, v3;
	v11 =	vnsel vm1, $0x7E, v7;
	v7 =	vsub.f32 v9, v13;
	[tilespmem:s25+$0x1C60] =	vst v14;
	(pc) =	sbr.rel @p0 .LBB2_5-.Ltmp1, $4  }
0xb6: {  	v9 =	vshll.u32 v3, $0xE;
	vm0 =	vlt.s32 v8, $0x7E;
	v12 =	vshll.u32 v11, $0x7;
	[tilespmem:s25+$0x1660] =	vst v16  }
0xb7: {  	v10 =	vcvt.s32.f32 v3;
	v3 =	vnsel vm0, $0x7E, v8;
	v8 =	vadd.s32 v9, v12;
	[tilespmem:s10+$0x1760] =	vst v15  }
0xb8: {  	v11 =	vcvt.s32.f32 v11;
	v9 =	vcvt.s32.f32 v3;
	v3 =	vadd.s32 v3, v8;
	[tilespmem:s25+$0x1860] =	vst v17;
	s25 =	smov.u32 s10;
	s10 =	sshra.s32 s26, $0x2  }
0xb9: {  	v13 =	vsub.f32 v19, v13;
	v12 =	vmul.f32 v0, v1;
	s26 =	sadd.s32 $0x40, s26;
	v8 =	vld [tilespmem:s10+$0x160];
	[tilespmem:s25+$0x2660] =	vst v3;
	v14 =	vadd.s32 $0x4081, v3  }
0xba: {  	v15 =	vld [tilespmem:s10+$0x260];
	[tilespmem:s25+$0x2D60] =	vst v14;
	v5 =	vsub.f32 v5, v10  }
0xbb: {  	v4 =	vsub.f32 v4, v11;
	v10 =	vld [tilespmem:s10+$0x660]  }
0xbc: {  	v11 =	vmul.f32 v2, v0;
	v6 =	vsub.f32 v6, v9;
	v14 =	vld [tilespmem:s10+$0x360];
	[tilespmem:s25+$0x1360] =	vst v5  }
0xbd: {  	v9 =	vmul.f32 $1.092548490e+00, v12;
	v12 =	vmul.f32 $5.462742450e-01, v13;
	v5 =	vld [tilespmem:s10+$0x460];
	[tilespmem:s25+$0x1460] =	vst v4  }
0xbe: {  	v13 =	vadd.s32 $0x1, v3;
	v4 =	vmul.f32 $3.153915700e-01, v7;
	v7 =	vld [tilespmem:s10+$0x560];
	[tilespmem:s25+$0x1560] =	vst v6;
	v8 =	vmul.f32 v8, v21  }
0xbf: {  	v2 =	vmul.f32 v2, v1;
	v6 =	vadd.s32 $0x80, v3;
	[tilespmem:s25+$0x2760] =	vst v13;
	v15 =	vmul.f32 v15, v22  }
0xc0: {  	v16 =	vadd.s32 $0x4000, v3;
	v0 =	vmul.f32 $-4.886025190e-01, v0;
	[tilespmem:s25+$0x2860] =	vst v6;
	v6 =	vadd.f32 v8, v24  }
0xc1: {  	v13 =	vadd.s32 $0x81, v3;
	[tilespmem:s25+$0x2A60] =	vst v16;
	v14 =	vmul.f32 v14, v23;
	v8 =	vadd.f32 v15, v25  }
0xc2: {  	[tilespmem:s25+$0x2960] =	vst v13;
	v13 =	vadd.s32 $0x4001, v3;
	v3 =	vadd.s32 $0x4080, v3;
	v6 =	vmax.f32 v6, $0.0e+00  }
0xc3: {  	[tilespmem:s25+$0x1D60] =	vst v12;
	v14 =	vadd.f32 v14, v26;
	v8 =	vmax.f32 v8, $0.0e+00;
	v6 =	vmin.f32 v6, $1.270000000e+02  }
0xc4: {  	v1 =	vmul.f32 $-4.886025190e-01, v1;
	[tilespmem:s25+$0x2C60] =	vst v3;
	v8 =	vmin.f32 v8, $1.270000000e+02;
	v3 =	vtrunc.f32 v6  }
0xc5: {  	[tilespmem:s25+$0x2B60] =	vst v13;
	v14 =	vmax.f32 v14, $0.0e+00;
	v13 =	vtrunc.f32 v8;
	v3 =	vcvt.f32.s32 v3  }
0xc6: {  	v11 =	vmul.f32 $-1.092548490e+00, v11;
	[tilespmem:s25+$0x1B60] =	vst v4;
	v4 =	vcvt.f32.s32 v13;
	v13 =	vmin.f32 v14, $1.270000000e+02  }
0xc7: {  	v2 =	vmul.f32 $-1.092548490e+00, v2;
	[tilespmem:s25+$0x1960] =	vst v9;
	v12 =	vtrunc.f32 v13;
	vm0 =	vlt.s32 v3, $0x7E  }
0xc8: {  	[tilespmem:s25+$0x1A60] =	vst v11;
	vm1 =	vlt.s32 v4, $0x7E;
	v9 =	vcvt.f32.s32 v12;
	v3 =	vnsel vm0, $0x7E, v3  }
0xc9: {  	[tilespmem:s25+$0x1C60] =	vst v2;
	v11 =	vmul.f32 $4.886025190e-01, v10;
	v4 =	vnsel vm1, $0x7E, v4;
	v2 =	vshll.u32 v3, $0xE  }
0xca: {  	[tilespmem:s25+$0x1660] =	vst v0;
	v0 =	vcvt.s32.f32 v3;
	vm15 =	vlt.s32 v9, $0x7E;
	v12 =	vshll.u32 v4, $0x7  }
0xcb: {  	[tilespmem:s10+$0x1760] =	vst v11;
	v3 =	vnsel vm15, $0x7E, v9;
	v2 =	vadd.s32 v2, v12  }
0xcc: {  	[tilespmem:s25+$0x1860] =	vst v1;
	v0 =	vsub.f32 v6, v0;
	v2 =	vadd.s32 v3, v2  }
0xcd: {  	v4 =	vcvt.s32.f32 v4;
	v6 =	vadd.f32 v10, v10;
	[tilespmem:s10+$0x2660] =	vst v2  }
0xce: {  	v1 =	vcvt.s32.f32 v3;
	v3 =	vadd.s32 $0x4081, v2;
	[tilespmem:s10+$0x1360] =	vst v0  }
0xcf: {  	v0 =	vmul.f32 v6, v10;
	v6 =	vadd.s32 $0x80, v2;
	[tilespmem:s10+$0x2D60] =	vst v3;
	v3 =	vsub.f32 v8, v4  }
0xd0: {  	v1 =	vsub.f32 v13, v1;
	v4 =	vmul.f32 v5, v5;
	[tilespmem:s10+$0x2860] =	vst v6;
	v6 =	vadd.s32 $0x4000, v2  }
0xd1: {  	[tilespmem:s10+$0x2A60] =	vst v6  }
0xd2: {  	[tilespmem:s10+$0x1560] =	vst v1;
	v0 =	vsub.f32 v0, v4;
	v1 =	vmul.f32 v7, v7  }
0xd3: {  	[tilespmem:s10+$0x1460] =	vst v3;
	v3 =	vadd.s32 $0x1, v2  }
0xd4: {  	[tilespmem:s10+$0x2760] =	vst v3;
	v3 =	vadd.s32 $0x81, v2;
	v0 =	vsub.f32 v0, v1  }
0xd5: {  	[tilespmem:s10+$0x2960] =	vst v3;
	v1 =	vsub.f32 v4, v1;
	v3 =	vadd.s32 $0x4001, v2  }
0xd6: {  	v4 =	vmul.f32 v7, v5;
	v2 =	vadd.s32 $0x4080, v2;
	[tilespmem:s10+$0x2B60] =	vst v3;
	v0 =	vmul.f32 $3.153915700e-01, v0  }
0xd7: {  	v3 =	vmul.f32 v10, v7;
	[tilespmem:s10+$0x2C60] =	vst v2;
	v1 =	vmul.f32 $5.462742450e-01, v1  }
0xd8: {  	v2 =	vmul.f32 v10, v5;
	v4 =	vmul.f32 $1.092548490e+00, v4;
	[tilespmem:s10+$0x1B60] =	vst v0  }
0xd9: {  	v0 =	vmul.f32 $-1.092548490e+00, v3;
	[tilespmem:s10+$0x1D60] =	vst v1  }
0xda: {  	v1 =	vmul.f32 $-1.092548490e+00, v2;
	[tilespmem:s10+$0x1960] =	vst v4  }
0xdb: {  	v2 =	vmul.f32 $-4.886025190e-01, v7;
	[tilespmem:s10+$0x1A60] =	vst v0  }
0xdc: {  	v0 =	vmul.f32 $-4.886025190e-01, v5;
	[tilespmem:s10+$0x1C60] =	vst v1  }
0xdd: {  	[tilespmem:s10+$0x1660] =	vst v2  }
0xde: {  	s30 =	simm.s32 $0x2560;
	[tilespmem:s10+$0x1860] =	vst v0  }
0xdf: {  	[tilespmem:s29], [sflag:$0x2] =	stream.indirect.gather [hbm4b:s6+s14], $0x9, s30, s14, $0xb8;
	[tilespmem:$0x12D60] =	vst v63  }
0xe0: {  	s26 =	simm.s32 $0xB560;
	s25 =	simm.s32 $0x25E0  }
0xe1: {  	[tilespmem:s26], [sflag:$0x2] =	stream.indirect.gather [hbm4b:s6+s14], $0x9, s25, s14, $0xb8;
	[tilespmem:$0x12D60] =	vst v63  }
0xe2: {  	s28 =	simm.s32 $0x2660;
	s30 =	simm.s32 $0xBD60  }
0xe3: {  	[tilespmem:s30], [sflag:$0x2] =	stream.indirect.gather [hbm4b:s6+s14], $0x9, s28, s14, $0xb8;
	[tilespmem:$0x12D60] =	vst v63  }
0xe4: {  	s25 =	simm.s32 $0x26E0;
	s26 =	simm.s32 $0xC560  }
0xe5: {  	[tilespmem:s26], [sflag:$0x2] =	stream.indirect.gather [hbm4b:s6+s14], $0x9, s25, s14, $0xb8;
	[tilespmem:$0x12D60] =	vst v63  }
0xe6: {  	s28 =	simm.s32 $0x2760;
	s30 =	simm.s32 $0xCD60  }
0xe7: {  	[tilespmem:s30], [sflag:$0x2] =	stream.indirect.gather [hbm4b:s6+s14], $0x9, s28, s14, $0xb8;
	[tilespmem:$0x12D60] =	vst v63  }
0xe8: {  	s25 =	simm.s32 $0x27E0;
	s26 =	simm.s32 $0xD560  }
0xe9: {  	[tilespmem:s26], [sflag:$0x2] =	stream.indirect.gather [hbm4b:s6+s14], $0x9, s25, s14, $0xb8;
	[tilespmem:$0x12D60] =	vst v63  }
0xea: {  	s28 =	simm.s32 $0x2860;
	s30 =	simm.s32 $0xDD60  }
0xeb: {  	[tilespmem:s30], [sflag:$0x2] =	stream.indirect.gather [hbm4b:s6+s14], $0x9, s28, s14, $0xb8;
	[tilespmem:$0x12D60] =	vst v63  }
0xec: {  	s25 =	simm.s32 $0x28E0;
	s26 =	simm.s32 $0xE560  }
0xed: {  	[tilespmem:s26], [sflag:$0x2] =	stream.indirect.gather [hbm4b:s6+s14], $0x9, s25, s14, $0xb8;
	[tilespmem:$0x12D60] =	vst v63  }
0xee: {  	s28 =	simm.s32 $0x2960;
	s30 =	simm.s32 $0xED60  }
0xef: {  	[tilespmem:s30], [sflag:$0x2] =	stream.indirect.gather [hbm4b:s6+s14], $0x9, s28, s14, $0xb8;
	[tilespmem:$0x12D60] =	vst v63  }
0xf0: {  	s25 =	simm.s32 $0x29E0;
	s26 =	simm.s32 $0xF560  }
0xf1: {  	[tilespmem:s26], [sflag:$0x2] =	stream.indirect.gather [hbm4b:s6+s14], $0x9, s25, s14, $0xb8;
	[tilespmem:$0x12D60] =	vst v63  }
0xf2: {  	s28 =	simm.s32 $0x2A60;
	s30 =	simm.s32 $0xFD60  }
0xf3: {  	[tilespmem:s30], [sflag:$0x2] =	stream.indirect.gather [hbm4b:s6+s14], $0x9, s28, s14, $0xb8;
	[tilespmem:$0x12D60] =	vst v63  }
0xf4: {  	s25 =	simm.s32 $0x2AE0  }
0xf5: {  	[tilespmem:s31], [sflag:$0x2] =	stream.indirect.gather [hbm4b:s6+s14], $0x9, s25, s14, $0xb8;
	[tilespmem:$0x12D60] =	vst v63  }
0xf6: {  	_ = 	snop  }
0xf7: {  	[tilespmem:s2], [sflag:$0x2] =	stream.indirect.gather [hbm4b:s6+s14], $0x9, s0, s14, $0xb8;
	[tilespmem:$0x12D60] =	vst v63  }
0xf8: {  	_ = 	snop  }
0xf9: {  	[tilespmem:s8], [sflag:$0x2] =	stream.indirect.gather [hbm4b:s6+s14], $0x9, s3, s14, $0xb8;
	[tilespmem:$0x12D60] =	vst v63  }
0xfa: {  	_ = 	snop  }
0xfb: {  	[tilespmem:s15], [sflag:$0x2] =	stream.indirect.gather [hbm4b:s6+s14], $0x9, s11, s14, $0xb8;
	[tilespmem:$0x12D60] =	vst v63  }
0xfc: {  	_ = 	snop  }
0xfd: {  	[tilespmem:s18], [sflag:$0x2] =	stream.indirect.gather [hbm4b:s6+s14], $0x9, s17, s14, $0xb8;
	[tilespmem:$0x12D60] =	vst v63  }
0xfe: {  	_ =	swait.ge [sflag:s19], $0x480  }
0xff: {  	[sflag:s19] =	ssyncset.done $0x0  }
0x100: {  	[sflag:s19] =	ssyncadd.s32 $0xFFFFFB80  }
0x101: {  	_ =	swait.ge [sflag:s19], $0x480  }
0x102: {  	[sflag:s19] =	ssyncset.done $0x0  }
0x103: {  	[sflag:s19] =	ssyncadd.s32 $0xFFFFFB80  }
0x104: {  	_ =	swait.ge [sflag:s19], $0x480  }
0x105: {  	[sflag:s19] =	ssyncset.done $0x0  }
0x106: {  	[sflag:s19] =	ssyncadd.s32 $0xFFFFFB80  }
0x107: {  	_ =	swait.ge [sflag:s19], $0x480  }
0x108: {  	[sflag:s19] =	ssyncset.done $0x0  }
0x109: {  	[sflag:s19] =	ssyncadd.s32 $0xFFFFFB80  }
0x10a: {  	_ =	swait.ge [sflag:s19], $0x480  }
0x10b: {  	[sflag:s19] =	ssyncset.done $0x0  }
0x10c: {  	[sflag:s19] =	ssyncadd.s32 $0xFFFFFB80  }
0x10d: {  	_ =	swait.ge [sflag:s19], $0x480  }
0x10e: {  	[sflag:s19] =	ssyncset.done $0x0  }
0x10f: {  	[sflag:s19] =	ssyncadd.s32 $0xFFFFFB80  }
0x110: {  	_ =	swait.ge [sflag:s19], $0x480  }
0x111: {  	[sflag:s19] =	ssyncset.done $0x0  }
0x112: {  	[sflag:s19] =	ssyncadd.s32 $0xFFFFFB80  }
0x113: {  	_ =	swait.ge [sflag:s19], $0x480  }
0x114: {  	[sflag:s19] =	ssyncset.done $0x0  }
0x115: {  	[sflag:s19] =	ssyncadd.s32 $0xFFFFFB80  }
0x116: {  	_ =	swait.ge [sflag:s19], $0x480  }
0x117: {  	[sflag:s19] =	ssyncset.done $0x0  }
0x118: {  	[sflag:s19] =	ssyncadd.s32 $0xFFFFFB80  }
0x119: {  	_ =	swait.ge [sflag:s19], $0x480  }
0x11a: {  	[sflag:s19] =	ssyncset.done $0x0  }
0x11b: {  	[sflag:s19] =	ssyncadd.s32 $0xFFFFFB80  }
0x11c: {  	_ =	swait.ge [sflag:s19], $0x480  }
0x11d: {  	[sflag:s19] =	ssyncset.done $0x0  }
0x11e: {  	[sflag:s19] =	ssyncadd.s32 $0xFFFFFB80  }
0x11f: {  	_ =	swait.ge [sflag:s19], $0x480  }
0x120: {  	[sflag:s19] =	ssyncset.done $0x0  }
0x121: {  	[sflag:s19] =	ssyncadd.s32 $0xFFFFFB80  }
0x122: {  	_ =	swait.ge [sflag:s19], $0x480  }
0x123: {  	[sflag:s19] =	ssyncset.done $0x0  }
0x124: {  	[sflag:s19] =	ssyncadd.s32 $0xFFFFFB80  }
0x125: {  	s26 =	simm.s32 $0x600;
	_ =	swait.ge [sflag:s19], $0x480  }
0x126: {  	v0 =	vmov s26;
	s28 =	simm.s32 $0x500;
	[sflag:s19] =	ssyncset.done $0x0  }
0x127: {  	v0 =	vshll.u32 v0, $0x4;
	v1 =	vmov s28;
	[sflag:s19] =	ssyncadd.s32 $0xFFFFFB80  }
0x128: {  	s30 =	simm.s32 $0x400;
	v4 =	vor.u32 v20, v0;
	v1 =	vshll.u32 v1, $0x4;
	_ =	swait.ge [sflag:s19], $0x480  }
0x129: {  	s26 =	simm.s32 $0x300;
	v0 =	vmov s30;
	v7 =	vor.u32 v20, v1;
	v1 =	vor.u32 $0x8, v4;
	[sflag:s19] =	ssyncset.done $0x0  }
0x12a: {  	v5 =	vmov s26;
	s25 =	simm.s32 $0x700;
	v0 =	vshll.u32 v0, $0x4;
	v3 =	vor.u32 $0x8, v7;
	[sflag:s19] =	ssyncadd.s32 $0xFFFFFB80  }
0x12b: {  	v2 =	vmov s25;
	v24 =	vor.u32 v20, v0;
	v0 =	vor.u32 $0x7, v4;
	_ =	swait.ge [sflag:s19], $0x480  }
0x12c: {  	v5 =	vshll.u32 v5, $0x4;
	v2 =	vshll.u32 v2, $0x4;
	v9 =	vor.u32 $0x8, v24;
	[sflag:s19] =	ssyncset.done $0x0  }
0x12d: {  	v10 =	vor.u32 $0x7, v7;
	v11 =	vor.u32 v20, v2;
	v2 =	vor.u32 v20, v5;
	[sflag:s19] =	ssyncadd.s32 $0xFFFFFB80  }
0x12e: {  	v12 =	vor.u32 $0x8, v2;
	v29 =	vld.idx.msk [tilespmem:v1+s16+$0x0], $0xffff  }
0x12f: {  	v14 =	vor.u32 $0x5, v7;
	v28 =	vld.idx.msk [tilespmem:v3+s16+$0x0], $0xffff  }
0x130: {  	v8 =	vld.idx.msk [tilespmem:v0+s16+$0x0], $0xffff  }
0x131: {  	v30 =	vld.idx.msk [tilespmem:v9+s16+$0x0], $0xffff  }
0x132: {  	v15 =	vld.idx.msk [tilespmem:v10+s16+$0x0], $0xffff  }
0x133: {  	v31 =	vld.idx.msk [tilespmem:v12+s16+$0x0], $0xffff  }
0x134: {  	v14 =	vld.idx.msk [tilespmem:v14+s16+$0x0], $0xffff  }
0x135: {  	v21 =	vor.u32 $0x1, v7;
	v26 =	vld.idx.msk [tilespmem:v7+s16+$0x0], $0xffff  }
0x136: {  	v32 =	vld.idx.msk [tilespmem:v24+s16+$0x0], $0xffff  }
0x137: {  	s26 =	simm.s32 $0xC60;
	v47 =	vor.u32 $0x1, v24;
	v40 =	vld.idx.msk [tilespmem:v2+s16+$0x0], $0xffff  }
0x138: {  	v49 =	vor.u32 $0x1, v2;
	v45 =	vld [tilespmem:s26+$0xFFFFFC00]  }
0x139: {  	v59 =	vor.u32 $0x2, v4;
	v46 =	vld [tilespmem:s26+$0xFFFFFB00]  }
0x13a: {  	v63 =	vor.u32 $0x2, v2;
	v53 =	vld.idx.msk [tilespmem:v21+s16+$0x0], $0xffff  }
0x13b: {  	s28 =	simm.s32 $0x200;
	v52 =	vor.u32 $0x3, v7;
	v56 =	vld [tilespmem:s26+$0xFFFFFE00]  }
0x13c: {  	v5 =	vmov s28;
	v1 =	vor.u32 $0x5, v11;
	v47 =	vld.idx.msk [tilespmem:v47+s16+$0x0], $0xffff  }
0x13d: {  	v3 =	vshll.u32 v5, $0x4;
	v5 =	vor.u32 $0x5, v4;
	v49 =	vld.idx.msk [tilespmem:v49+s16+$0x0], $0xffff  }
0x13e: {  	v12 =	vor.u32 $0x4, v4;
	v59 =	vld.idx.msk [tilespmem:v59+s16+$0x0], $0xffff  }
0x13f: {  	v0 =	vor.u32 $0x4, v11;
	v63 =	vld.idx.msk [tilespmem:v63+s16+$0x0], $0xffff;
	v6 =	vor.u32 v20, v3  }
0x140: {  	v52 =	vld.idx.msk [tilespmem:v52+s16+$0x0], $0xffff;
	v3 =	vor.u32 $0x8, v6  }
0x141: {  	s30 =	simm.s32 $0x0;
	v9 =	vld.idx.msk [tilespmem:v1+s16+$0x0], $0xffff  }
0x142: {  	s25 =	simm.s32 $0x100;
	v10 =	vmov s30;
	v13 =	vld.idx.msk [tilespmem:v5+s16+$0x0], $0xffff;
	v5 =	vor.u32 $0x3, v11  }
0x143: {  	v1 =	vshll.u32 v10, $0x4;
	v10 =	vmov s25;
	v16 =	vld.idx.msk [tilespmem:v12+s16+$0x0], $0xffff;
	v12 =	vor.u32 $0x2, v11  }
0x144: {  	v18 =	vor.u32 v20, v1;
	v1 =	vshll.u32 v10, $0x4;
	v10 =	vld.idx.msk [tilespmem:v0+s16+$0x0], $0xffff  }
0x145: {  	v17 =	vor.u32 $0x8, v18;
	v19 =	vor.u32 v20, v1;
	v37 =	vld.idx.msk [tilespmem:v3+s16+$0x0], $0xffff  }
0x146: {  	v25 =	vmov v20;
	v20 =	vld.idx.msk [tilespmem:v4+s16+$0x0], $0xffff;
	v0 =	vor.u32 $0x8, v19  }
0x147: {  	v3 =	vor.u32 $0x5, v24;
	v38 =	vld.idx.msk [tilespmem:v5+s16+$0x0], $0xffff  }
0x148: {  	v27 =	vld.idx.msk [tilespmem:v12+s16+$0x0], $0xffff  }
0x149: {  	v5 =	vor.u32 $0x3, v4;
	v42 =	vld.idx.msk [tilespmem:v18+s16+$0x0], $0xffff  }
0x14a: {  	v12 =	vor.u32 $0x1, v4;
	v33 =	vld.idx.msk [tilespmem:v17+s16+$0x0], $0xffff  }
0x14b: {  	v35 =	vld.idx.msk [tilespmem:v0+s16+$0x0], $0xffff;
	v0 =	vor.u32 $0x1, v11  }
0x14c: {  	v39 =	vor.u32 $0x4, v7;
	v54 =	vor.u32 $0x1, v18;
	v23 =	vld.idx.msk [tilespmem:v3+s16+$0x0], $0xffff  }
0x14d: {  	v34 =	vor.u32 $0x4, v24;
	v21 =	vor.u32 $0x6, v24;
	v55 =	vor.u32 $0x1, v19;
	v17 =	vld.idx.msk [tilespmem:v11+s16+$0x0], $0xffff  }
0x14e: {  	v51 =	vor.u32 $0x1, v6;
	v26 =	vmul.f32 $2.820948060e-01, v26;
	v57 =	vsub.f32 $1.000000000e+00, v45;
	v36 =	vld.idx.msk [tilespmem:v5+s16+$0x0], $0xffff  }
0x14f: {  	v40 =	vmul.f32 $2.820948060e-01, v40;
	v58 =	vsub.f32 $1.000000000e+00, v46;
	v60 =	vmul.f32 $2.820948060e-01, v32;
	v50 =	vld.idx.msk [tilespmem:v12+s16+$0x0], $0xffff  }
0x150: {  	v53 =	vmul.f32 v53, v56;
	v1 =	vor.u32 $0x7, v6;
	v43 =	vor.u32 $0x7, v18;
	v48 =	vld.idx.msk [tilespmem:v0+s16+$0x0], $0xffff  }
0x151: {  	v62 =	vmul.f32 v45, v58;
	v5 =	vor.u32 $0x6, v4;
	v4 =	vmul.f32 v45, v46;
	v45 =	vld.idx.msk [tilespmem:v54+s16+$0x0], $0xffff  }
0x152: {  	v61 =	vmul.f32 v57, v46;
	v3 =	vor.u32 $0x7, v11;
	v20 =	vmul.f32 $2.820948060e-01, v20;
	v55 =	vld.idx.msk [tilespmem:v55+s16+$0x0], $0xffff  }
0x153: {  	v41 =	vld.idx.msk [tilespmem:v6+s16+$0x0], $0xffff;
	v12 =	vor.u32 $0x6, v7;
	v46 =	vor.u32 $0x2, v7;
	v54 =	vmul.f32 v57, v58  }
0x154: {  	v51 =	vld.idx.msk [tilespmem:v51+s16+$0x0], $0xffff;
	v58 =	vor.u32 $0x2, v24;
	v42 =	vmul.f32 $2.820948060e-01, v42;
	v50 =	vmul.f32 v50, v56  }
0x155: {  	v57 =	vld.idx.msk [tilespmem:v19+s16+$0x0], $0xffff;
	v17 =	vmul.f32 $2.820948060e-01, v17;
	v0 =	vor.u32 $0x2, v6;
	v48 =	vmul.f32 v48, v56  }
0x156: {  	v7 =	vld [tilespmem:s26+$0xFFFFFD00];
	v45 =	vmul.f32 v45, v56;
	v50 =	vadd.f32 v50, v20;
	v20 =	vmul.f32 v49, v56  }
0x157: {  	v39 =	vld.idx.msk [tilespmem:v39+s16+$0x0], $0xffff;
	v49 =	vmul.f32 v55, v56;
	v55 =	vor.u32 $0x2, v19;
	v48 =	vadd.f32 v48, v17  }
0x158: {  	v46 =	vld.idx.msk [tilespmem:v46+s16+$0x0], $0xffff;
	v17 =	vmul.f32 v47, v56;
	v47 =	vadd.f32 v53, v26;
	v26 =	vor.u32 $0x2, v18  }
0x159: {  	v41 =	vmul.f32 $2.820948060e-01, v41;
	v51 =	vmul.f32 v51, v56;
	[tilespmem:$0x1FDE0] =	vst v3;
	v3 =	vor.u32 $0x8, v11;
	v53 =	vld [tilespmem:s26+$0xFFFFFF00]  }
0x15a: {  	[tilespmem:$0x1FDF0] =	vst v3;
	v3 =	vor.u32 $0x6, v11;
	v58 =	vld.idx.msk [tilespmem:v58+s16+$0x0], $0xffff;
	v57 =	vmul.f32 $2.820948060e-01, v57;
	v42 =	vadd.f32 v45, v42  }
0x15b: {  	v11 =	vor.u32 $0x7, v24;
	v45 =	vld.idx.msk [tilespmem:v0+s16+$0x0], $0xffff;
	v40 =	vadd.f32 v20, v40;
	v20 =	vsub.f32 $1.000000000e+00, v7  }
0x15c: {  	v41 =	vadd.f32 v51, v41;
	v51 =	vor.u32 $0x3, v24;
	v49 =	vadd.f32 v49, v57;
	v55 =	vld.idx.msk [tilespmem:v55+s16+$0x0], $0xffff  }
0x15d: {  	v24 =	vmul.f32 v20, v61;
	v60 =	vadd.f32 v17, v60;
	v17 =	vmul.f32 v61, v7;
	v26 =	vld.idx.msk [tilespmem:v26+s16+$0x0], $0xffff  }
0x15e: {  	v34 =	vld.idx.msk [tilespmem:v34+s16+$0x0], $0xffff;
	v57 =	vor.u32 $0x3, v2;
	v27 =	vmul.f32 v27, v53;
	v46 =	vmul.f32 v46, v53  }
0x15f: {  	v1 =	vld.idx.msk [tilespmem:v1+s16+$0x0], $0xffff;
	v59 =	vmul.f32 v59, v53;
	v61 =	vmul.f32 v63, v53;
	v63 =	vor.u32 $0x3, v19  }
0x160: {  	v43 =	vld.idx.msk [tilespmem:v43+s16+$0x0], $0xffff;
	v58 =	vmul.f32 v58, v53;
	v46 =	vadd.f32 v46, v47;
	v47 =	vor.u32 $0x3, v6  }
0x161: {  	v51 =	vld.idx.msk [tilespmem:v51+s16+$0x0], $0xffff;
	v45 =	vmul.f32 v45, v53;
	v50 =	vadd.f32 v59, v50;
	v59 =	vor.u32 $0x3, v18  }
0x162: {  	v26 =	vmul.f32 v26, v53;
	v53 =	vmul.f32 v55, v53;
	v55 =	vld [tilespmem:s26+$0x0]  }
0x163: {  	v22 =	vor.u32 $0x7, v2;
	v56 =	vor.u32 $0x6, v18;
	v57 =	vld.idx.msk [tilespmem:v57+s16+$0x0], $0xffff  }
0x164: {  	v0 =	vmul.f32 v7, v62;
	v61 =	vadd.f32 v61, v40;
	v40 =	vmul.f32 v20, v62;
	v62 =	vld.idx.msk [tilespmem:v63+s16+$0x0], $0xffff  }
0x165: {  	v44 =	vor.u32 $0x6, v6;
	v32 =	vor.u32 $0x7, v19;
	v48 =	vadd.f32 v27, v48;
	v47 =	vld.idx.msk [tilespmem:v47+s16+$0x0], $0xffff  }
0x166: {  	v58 =	vadd.f32 v58, v60;
	v60 =	vmul.f32 v20, v54;
	v41 =	vadd.f32 v45, v41;
	v59 =	vld.idx.msk [tilespmem:v59+s16+$0x0], $0xffff  }
0x167: {  	v11 =	vld.idx.msk [tilespmem:v11+s16+$0x0], $0xffff;
	v45 =	vor.u32 $0x4, v2;
	v38 =	vmul.f32 v38, v55;
	v52 =	vmul.f32 v52, v55  }
0x168: {  	v56 =	vld.idx.msk [tilespmem:v56+s16+$0x0], $0xffff;
	v49 =	vadd.f32 v53, v49;
	v36 =	vmul.f32 v36, v55;
	v51 =	vmul.f32 v51, v55  }
0x169: {  	v53 =	vld [tilespmem:s26+$0x400];
	v57 =	vmul.f32 v57, v55;
	v38 =	vadd.f32 v38, v48;
	v46 =	vadd.f32 v52, v46  }
0x16a: {  	v48 =	vld [tilespmem:s26+$0x300];
	v52 =	vor.u32 $0x4, v6;
	v36 =	vadd.f32 v36, v50;
	v47 =	vmul.f32 v47, v55  }
0x16b: {  	v50 =	vld [tilespmem:s26+$0x200];
	v59 =	vmul.f32 v59, v55;
	v55 =	vmul.f32 v62, v55;
	v62 =	vor.u32 $0x4, v18  }
0x16c: {  	v44 =	vld.idx.msk [tilespmem:v44+s16+$0x0], $0xffff;
	v63 =	vor.u32 $0x5, v2;
	v51 =	vadd.f32 v51, v58;
	v58 =	vor.u32 $0x4, v19  }
0x16d: {  	v26 =	vadd.f32 v26, v42;
	v57 =	vadd.f32 v57, v61;
	v61 =	vld [tilespmem:s26+$0x100];
	v18 =	vor.u32 $0x5, v18  }
0x16e: {  	v42 =	vor.u32 $0x6, v19;
	v45 =	vld.idx.msk [tilespmem:v45+s16+$0x0], $0xffff;
	v43 =	vmul.f32 v43, v53;
	v19 =	vor.u32 $0x5, v19  }
0x16f: {  	v1 =	vmul.f32 v1, v53;
	v6 =	vor.u32 $0x5, v6;
	v11 =	vmul.f32 v11, v53;
	v52 =	vld.idx.msk [tilespmem:v52+s16+$0x0], $0xffff  }
0x170: {  	v2 =	vor.u32 $0x6, v2;
	v56 =	vmul.f32 v56, v48;
	v13 =	vmul.f32 v13, v50;
	v62 =	vld.idx.msk [tilespmem:v62+s16+$0x0], $0xffff  }
0x171: {  	v26 =	vadd.f32 v59, v26;
	v9 =	vmul.f32 v9, v50;
	v14 =	vmul.f32 v14, v50;
	v58 =	vld.idx.msk [tilespmem:v58+s16+$0x0], $0xffff  }
0x172: {  	v41 =	vadd.f32 v47, v41;
	v10 =	vmul.f32 v10, v61;
	v18 =	vld.idx.msk [tilespmem:v18+s16+$0x0], $0xffff;
	v39 =	vmul.f32 v39, v61  }
0x173: {  	v47 =	vadd.f32 v55, v49;
	v16 =	vmul.f32 v16, v61;
	v19 =	vld.idx.msk [tilespmem:v19+s16+$0x0], $0xffff;
	v45 =	vmul.f32 v45, v61  }
0x174: {  	v34 =	vmul.f32 v34, v61;
	v6 =	vld.idx.msk [tilespmem:v6+s16+$0x0], $0xffff;
	v10 =	vadd.f32 v10, v38;
	v39 =	vadd.f32 v39, v46  }
0x175: {  	v16 =	vadd.f32 v16, v36;
	v45 =	vadd.f32 v45, v57;
	v55 =	vmul.f32 v62, v61;
	v62 =	vld.idx.msk [tilespmem:v63+s16+$0x0], $0xffff  }
0x176: {  	v2 =	vld.idx.msk [tilespmem:v2+s16+$0x0], $0xffff;
	v23 =	vmul.f32 v23, v50;
	v34 =	vadd.f32 v34, v51;
	v9 =	vadd.f32 v9, v10  }
0x177: {  	v10 =	vld.idx.msk [tilespmem:v22+s16+$0x0], $0xffff;
	v14 =	vadd.f32 v14, v39;
	v13 =	vadd.f32 v13, v16;
	v49 =	vmul.f32 v52, v61  }
0x178: {  	v23 =	vadd.f32 v23, v34;
	v52 =	vld.idx.msk [tilespmem:v42+s16+$0x0], $0xffff;
	v63 =	vmul.f32 v58, v61;
	v18 =	vmul.f32 v18, v50  }
0x179: {  	v16 =	vld.idx.msk [tilespmem:v21+s16+$0x0], $0xffff;
	v6 =	vmul.f32 v6, v50;
	v26 =	vadd.f32 v55, v26;
	v41 =	vadd.f32 v49, v41  }
0x17a: {  	v32 =	vld.idx.msk [tilespmem:v32+s16+$0x0], $0xffff;
	v19 =	vmul.f32 v19, v50;
	v49 =	vadd.f32 v63, v47;
	v22 =	vmul.f32 v62, v50  }
0x17b: {  	v12 =	vld.idx.msk [tilespmem:v12+s16+$0x0], $0xffff;
	v44 =	vmul.f32 v44, v48;
	v18 =	vadd.f32 v18, v26;
	v6 =	vadd.f32 v6, v41  }
0x17c: {  	v27 =	vld [tilespmem:s26+$0x500];
	v2 =	vmul.f32 v2, v48;
	v19 =	vadd.f32 v19, v49;
	v22 =	vadd.f32 v22, v45  }
0x17d: {  	v10 =	vmul.f32 v10, v53;
	v21 =	vmul.f32 v52, v48;
	v6 =	vadd.f32 v44, v6  }
0x17e: {  	v16 =	vmul.f32 v16, v48;
	v18 =	vadd.f32 v56, v18;
	v2 =	vadd.f32 v2, v22  }
0x17f: {  	v19 =	vadd.f32 v21, v19;
	v21 =	vmul.f32 v32, v53;
	v6 =	vadd.f32 v1, v6;
	v1 =	vld.idx.msk [tilespmem:v3+s16+$0x0], $0xffff  }
0x180: {  	v12 =	vmul.f32 v12, v48;
	v3 =	vld [tilespmem:$0x1FDE0];
	v2 =	vadd.f32 v10, v2;
	v10 =	vadd.f32 v16, v23  }
0x181: {  	v5 =	vld.idx.msk [tilespmem:v5+s16+$0x0], $0xffff;
	v33 =	vmul.f32 v33, v27;
	v18 =	vadd.f32 v43, v18;
	v19 =	vadd.f32 v21, v19  }
0x182: {  	v35 =	vmul.f32 v35, v27;
	v10 =	vadd.f32 v11, v10;
	v11 =	vadd.f32 v12, v14;
	v12 =	vld [tilespmem:$0x1FDF0]  }
0x183: {  	v54 =	vmul.f32 v54, v7;
	v30 =	vmul.f32 v30, v27  }
0x184: {  	v37 =	vmul.f32 v37, v27;
	v18 =	vadd.f32 v33, v18;
	v19 =	vadd.f32 v35, v19  }
0x185: {  	v28 =	vmul.f32 v28, v27;
	v31 =	vmul.f32 v31, v27  }
0x186: {  	v6 =	vadd.f32 v37, v6;
	v16 =	vmul.f32 v18, v60;
	v18 =	vmul.f32 v19, v54  }
0x187: {  	v15 =	vmul.f32 v15, v53;
	v5 =	vmul.f32 v5, v48  }
0x188: {  	v6 =	vmul.f32 v6, v40;
	v2 =	vadd.f32 v31, v2;
	v14 =	vadd.f32 v18, v16;
	v3 =	vld.idx.msk [tilespmem:v3+s16+$0x0], $0xffff  }
0x189: {  	v8 =	vmul.f32 v8, v53;
	v5 =	vadd.f32 v5, v13;
	v11 =	vadd.f32 v15, v11  }
0x18a: {  	v0 =	vmul.f32 v2, v0;
	v2 =	vadd.f32 v30, v10;
	v6 =	vadd.f32 v6, v14;
	v12 =	vld.idx.msk [tilespmem:v12+s16+$0x0], $0xffff  }
0x18b: {  	v29 =	vmul.f32 v29, v27;
	v5 =	vadd.f32 v8, v5;
	v1 =	vmul.f32 v1, v48  }
0x18c: {  	v2 =	vmul.f32 v2, v24;
	v0 =	vadd.f32 v0, v6;
	v6 =	vadd.f32 v28, v11  }
0x18d: {  	v8 =	vmul.f32 v20, v4;
	v1 =	vadd.f32 v1, v9;
	v3 =	vmul.f32 v3, v53  }
0x18e: {  	v5 =	vadd.f32 v29, v5;
	v0 =	vadd.f32 v2, v0;
	v2 =	vmul.f32 v6, v17  }
0x18f: {  	s30 =	simm.s32 $0x610;
	v1 =	vadd.f32 v3, v1;
	v3 =	vmul.f32 v12, v27  }
0x190: {  	v9 =	vmov s30;
	v0 =	vadd.f32 v2, v0;
	v2 =	vmul.f32 v5, v8  }
0x191: {  	s28 =	simm.s32 $0x510;
	v7 =	vmul.f32 v7, v4;
	v4 =	vshll.u32 v9, $0x4;
	v1 =	vadd.f32 v3, v1  }
0x192: {  	v4 =	vor.u32 v25, v4;
	v6 =	vmov s28;
	s28 =	simm.s32 $0x410;
	v0 =	vadd.f32 v2, v0  }
0x193: {  	v2 =	vmov s28;
	v3 =	vshll.u32 v6, $0x4;
	v1 =	vmul.f32 v1, v7  }
0x194: {  	v2 =	vshll.u32 v2, $0x4;
	v6 =	vor.u32 $0x8, v4;
	v3 =	vor.u32 v25, v3  }
0x195: {  	s28 =	simm.s32 $0x10;
	v2 =	vor.u32 v25, v2;
	v7 =	vor.u32 $0x8, v3;
	v0 =	vadd.f32 v1, v0  }
0x196: {  	v15 =	vmov s28;
	v9 =	vor.u32 $0x8, v2  }
0x197: {  	s25 =	simm.s32 $0x660;
	v15 =	vshll.u32 v15, $0x4;
	v10 =	vor.u32 $0x7, v3;
	v0 =	vmax.f32 v0, $0.0e+00  }
0x198: {  	v34 =	vor.u32 v25, v15;
	v16 =	vor.u32 $0x5, v3;
	[tilespmem:s25+$0x0] =	vst v0  }
0x199: {  	s30 =	simm.s32 $0x310;
	v18 =	vor.u32 $0x8, v34;
	v6 =	vld.idx.msk [tilespmem:v6+s16+$0x0], $0xffff  }
0x19a: {  	v8 =	vmov s30;
	s30 =	simm.s32 $0x110;
	v13 =	vld.idx.msk [tilespmem:v7+s16+$0x0], $0xffff  }
0x19b: {  	s26 =	simm.s32 $0x710;
	v17 =	vmov s30;
	v9 =	vld.idx.msk [tilespmem:v9+s16+$0x0], $0xffff  }
0x19c: {  	v5 =	vmov s26;
	v15 =	vshll.u32 v17, $0x4;
	v10 =	vld.idx.msk [tilespmem:v10+s16+$0x0], $0xffff  }
0x19d: {  	v5 =	vshll.u32 v5, $0x4;
	v33 =	vor.u32 v25, v15;
	v21 =	vld.idx.msk [tilespmem:v16+s16+$0x0], $0xffff  }
0x19e: {  	v30 =	vor.u32 $0x3, v4;
	s26 =	simm.s32 $0x210;
	v5 =	vor.u32 v25, v5;
	v22 =	vld.idx.msk [tilespmem:v18+s16+$0x0], $0xffff  }
0x19f: {  	v11 =	vmov s26;
	s26 =	simm.s32 $0xC70;
	v51 =	vor.u32 $0x2, v5;
	v28 =	vld.idx.msk [tilespmem:v34+s16+$0x0], $0xffff  }
0x1a0: {  	v7 =	vshll.u32 v11, $0x4;
	v11 =	vor.u32 $0x5, v4;
	v31 =	vld [tilespmem:s26+$0xFFFFFC00]  }
0x1a1: {  	v8 =	vshll.u32 v8, $0x4;
	v35 =	vld [tilespmem:s26+$0xFFFFFB00]  }
0x1a2: {  	v1 =	vor.u32 $0x7, v4;
	v0 =	vor.u32 v25, v8;
	v54 =	vld.idx.msk [tilespmem:v33+s16+$0x0], $0xffff  }
0x1a3: {  	v12 =	vor.u32 $0x8, v0;
	v47 =	vld.idx.msk [tilespmem:v30+s16+$0x0], $0xffff;
	v29 =	vor.u32 v25, v7  }
0x1a4: {  	v50 =	vld.idx.msk [tilespmem:v51+s16+$0x0], $0xffff;
	v7 =	vor.u32 $0x8, v29  }
0x1a5: {  	v17 =	vld.idx.msk [tilespmem:v11+s16+$0x0], $0xffff;
	v11 =	vor.u32 $0x3, v5  }
0x1a6: {  	v40 =	vld [tilespmem:s26+$0x200]  }
0x1a7: {  	v16 =	vor.u32 $0x5, v2;
	v14 =	vld.idx.msk [tilespmem:v1+s16+$0x0], $0xffff  }
0x1a8: {  	v19 =	vld.idx.msk [tilespmem:v12+s16+$0x0], $0xffff  }
0x1a9: {  	v20 =	vld.idx.msk [tilespmem:v7+s16+$0x0], $0xffff;
	v7 =	vor.u32 $0x7, v29  }
0x1aa: {  	v39 =	vld.idx.msk [tilespmem:v11+s16+$0x0], $0xffff  }
0x1ab: {  	v11 =	vld.idx.msk [tilespmem:v4+s16+$0x0], $0xffff  }
0x1ac: {  	v27 =	vld.idx.msk [tilespmem:v16+s16+$0x0], $0xffff  }
0x1ad: {  	v1 =	vor.u32 $0x4, v5;
	v16 =	vld.idx.msk [tilespmem:v2+s16+$0x0], $0xffff  }
0x1ae: {  	v26 =	vld.idx.msk [tilespmem:v7+s16+$0x0], $0xffff;
	v7 =	vor.u32 $0x4, v3  }
0x1af: {  	v8 =	vor.u32 $0x5, v5;
	v23 =	vld.idx.msk [tilespmem:v29+s16+$0x0], $0xffff  }
0x1b0: {  	v12 =	vor.u32 $0x4, v4;
	v63 =	vmul.f32 $2.820948060e-01, v11;
	v11 =	vld [tilespmem:s26+$0x500]  }
0x1b1: {  	v18 =	vld.idx.msk [tilespmem:v0+s16+$0x0], $0xffff  }
0x1b2: {  	v15 =	vld.idx.msk [tilespmem:v1+s16+$0x0], $0xffff  }
0x1b3: {  	v52 =	vor.u32 $0x7, v34;
	v1 =	vor.u32 $0x8, v33;
	v45 =	vld.idx.msk [tilespmem:v7+s16+$0x0], $0xffff;
	v7 =	vor.u32 $0x7, v5  }
0x1b4: {  	v8 =	vld.idx.msk [tilespmem:v8+s16+$0x0], $0xffff;
	v58 =	vmul.f32 $2.820948060e-01, v16;
	v16 =	vsub.f32 $1.000000000e+00, v35;
	[tilespmem:$0x1FE00] =	vst v7;
	v7 =	vor.u32 $0x8, v5  }
0x1b5: {  	v24 =	vld.idx.msk [tilespmem:v12+s16+$0x0], $0xffff;
	v57 =	vmul.f32 $2.820948060e-01, v23;
	[tilespmem:$0x1FE10] =	vst v7;
	v7 =	vor.u32 $0x6, v4;
	v6 =	vmul.f32 v6, v11  }
0x1b6: {  	v30 =	vsub.f32 $1.000000000e+00, v31;
	v23 =	vmul.f32 v31, v16;
	v31 =	vmul.f32 v31, v35;
	[tilespmem:$0x1FE20] =	vst v7;
	v7 =	vld [tilespmem:s26+$0xFFFFFD00]  }
0x1b7: {  	v53 =	vor.u32 $0x6, v29;
	v12 =	vld.idx.msk [tilespmem:v3+s16+$0x0], $0xffff;
	[tilespmem:$0x1FEC0] =	vst v6;
	v6 =	vmul.f32 v9, v11  }
0x1b8: {  	v55 =	vor.u32 $0x4, v2;
	v51 =	vor.u32 $0x1, v5;
	v60 =	vmul.f32 $2.820948060e-01, v18;
	v25 =	vld.idx.msk [tilespmem:v1+s16+$0x0], $0xffff;
	[tilespmem:$0x1FE30] =	vst v31  }
0x1b9: {  	v18 =	vmul.f32 v30, v35;
	v1 =	vld.idx.msk [tilespmem:v5+s16+$0x0], $0xffff;
	v5 =	vor.u32 $0x6, v5;
	[tilespmem:$0x1FED0] =	vst v6;
	v6 =	vmul.f32 v13, v11  }
0x1ba: {  	v49 =	vor.u32 $0x6, v34;
	v61 =	vmul.f32 $2.820948060e-01, v28;
	v28 =	vld.idx.msk [tilespmem:v52+s16+$0x0], $0xffff;
	[tilespmem:$0x1FE80] =	vst v5;
	v13 =	vmul.f32 v19, v11  }
0x1bb: {  	v36 =	vor.u32 $0x1, v34;
	v59 =	vmul.f32 $2.820948060e-01, v54;
	v54 =	vld [tilespmem:s26+$0x100];
	v31 =	vmul.f32 v18, v7;
	[tilespmem:$0x1FEE0] =	vst v6  }
0x1bc: {  	v37 =	vld.idx.msk [tilespmem:v53+s16+$0x0], $0xffff;
	v62 =	vmul.f32 $2.820948060e-01, v12;
	v12 =	vsub.f32 $1.000000000e+00, v7;
	v6 =	vmul.f32 v20, v11;
	[tilespmem:$0x1FF00] =	vst v13  }
0x1bd: {  	v44 =	vor.u32 $0x5, v0;
	v52 =	vmul.f32 v27, v40;
	v27 =	vld [tilespmem:s26+$0xFFFFFF00];
	[tilespmem:$0x1FE40] =	vst v31;
	v31 =	vmul.f32 v7, v23  }
0x1be: {  	v32 =	vor.u32 $0x2, v0;
	v16 =	vmul.f32 v30, v16;
	v35 =	vld.idx.msk [tilespmem:v55+s16+$0x0], $0xffff;
	v18 =	vmul.f32 v12, v18;
	[tilespmem:$0x1FEF0] =	vst v6  }
0x1bf: {  	v53 =	vmul.f32 v17, v40;
	v30 =	vor.u32 $0x3, v3;
	v5 =	vld.idx.msk [tilespmem:v49+s16+$0x0], $0xffff;
	v23 =	vmul.f32 v12, v23;
	[tilespmem:$0x1FE50] =	vst v31  }
0x1c0: {  	v9 =	vor.u32 $0x3, v2;
	v56 =	vmul.f32 v12, v16;
	v16 =	vmul.f32 v16, v7;
	[tilespmem:$0x1FE60] =	vst v18;
	v18 =	vld [tilespmem:s26+$0x400]  }
0x1c1: {  	v55 =	vmul.f32 v8, v40;
	v8 =	vmul.f32 v15, v54;
	v20 =	vor.u32 $0x2, v3;
	[tilespmem:$0x1FE90] =	vst v23;
	v23 =	vld [tilespmem:s26+$0x300]  }
0x1c2: {  	v17 =	vld [tilespmem:s26+$0xFFFFFE00];
	v13 =	vmul.f32 v22, v11;
	v31 =	vor.u32 $0x2, v4;
	[tilespmem:$0x1FEA0] =	vst v16;
	v16 =	vor.u32 $0x6, v3  }
0x1c3: {  	v15 =	vor.u32 $0x4, v29;
	v19 =	vor.u32 $0x2, v2;
	v22 =	vld.idx.msk [tilespmem:v51+s16+$0x0], $0xffff;
	[tilespmem:$0x1FEB0] =	vst v16;
	v16 =	vmul.f32 v25, v11  }
0x1c4: {  	v1 =	vmul.f32 $2.820948060e-01, v1;
	v49 =	vor.u32 $0x6, v33;
	v6 =	vld.idx.msk [tilespmem:v30+s16+$0x0], $0xffff;
	[tilespmem:$0x1FF10] =	vst v13;
	v3 =	vor.u32 $0x1, v3  }
0x1c5: {  	v51 =	vor.u32 $0x5, v29;
	[tilespmem:$0x1FF20] =	vst v16;
	v16 =	vld.idx.msk [tilespmem:v9+s16+$0x0], $0xffff;
	v9 =	vor.u32 $0x1, v2;
	v10 =	vmul.f32 v10, v18  }
0x1c6: {  	[tilespmem:$0x1FE70] =	vst v56;
	v4 =	vor.u32 $0x1, v4;
	v25 =	vld.idx.msk [tilespmem:v20+s16+$0x0], $0xffff;
	v48 =	vmul.f32 v5, v23;
	v5 =	vor.u32 $0x7, v2  }
0x1c7: {  	v13 =	vld.idx.msk [tilespmem:v31+s16+$0x0], $0xffff;
	v2 =	vor.u32 $0x6, v2;
	[tilespmem:$0x1FF30] =	vst v10;
	v10 =	vmul.f32 v14, v18;
	v14 =	vor.u32 $0x1, v0  }
0x1c8: {  	v56 =	vmul.f32 v21, v40;
	v43 =	vmul.f32 v28, v18;
	v28 =	vld.idx.msk [tilespmem:v19+s16+$0x0], $0xffff;
	[tilespmem:$0x1FF60] =	vst v2;
	v2 =	vor.u32 $0x7, v0  }
0x1c9: {  	v21 =	vor.u32 $0x2, v29;
	v20 =	vor.u32 $0x3, v0;
	v30 =	vld.idx.msk [tilespmem:v3+s16+$0x0], $0xffff;
	[tilespmem:$0x1FF70] =	vst v2;
	v2 =	vor.u32 $0x6, v0  }
0x1ca: {  	v42 =	vmul.f32 v26, v18;
	v46 =	vmul.f32 v37, v23;
	v3 =	vor.u32 $0x5, v34;
	[tilespmem:$0x1FF80] =	vst v2;
	v31 =	vld.idx.msk [tilespmem:v9+s16+$0x0], $0xffff  }
0x1cb: {  	v2 =	vor.u32 $0x4, v0;
	v0 =	vmul.f32 v35, v54;
	v35 =	vor.u32 $0x1, v29;
	[tilespmem:$0x1FF40] =	vst v10;
	v10 =	vld.idx.msk [tilespmem:v4+s16+$0x0], $0xffff  }
0x1cc: {  	v19 =	vor.u32 $0x4, v34;
	v37 =	vor.u32 $0x1, v33;
	[tilespmem:$0x1FF50] =	vst v5;
	v5 =	vmul.f32 v24, v54;
	v26 =	vld.idx.msk [tilespmem:v14+s16+$0x0], $0xffff  }
0x1cd: {  	s10 =	simm.s32 $0x720;
	v9 =	vmul.f32 v45, v54;
	v45 =	vor.u32 $0x7, v33;
	v4 =	vor.u32 $0x5, v33;
	v14 =	vld [tilespmem:s26+$0x0]  }
.LBB2_7:
0x1ce: {  	_ = 	snop  }
0x1cf: {  	v24 =	vor.u32 $0x2, v34  }
0x1d0: {  	v35 =	vld.idx.msk [tilespmem:v35+s16+$0x0], $0xffff;
	v38 =	vor.u32 $0x2, v33  }
0x1d1: {  	v36 =	vld.idx.msk [tilespmem:v36+s16+$0x0], $0xffff  }
0x1d2: {  	v32 =	vld.idx.msk [tilespmem:v32+s16+$0x0], $0xffff;
	v16 =	vmul.f32 v16, v14  }
0x1d3: {  	v41 =	vor.u32 $0x4, v33;
	v21 =	vld.idx.msk [tilespmem:v21+s16+$0x0], $0xffff;
	v13 =	vmul.f32 v13, v27;
	v50 =	vmul.f32 v50, v27  }
0x1d4: {  	v29 =	vor.u32 $0x3, v29;
	v28 =	vmul.f32 v28, v27;
	v25 =	vmul.f32 v25, v27;
	v24 =	vld.idx.msk [tilespmem:v24+s16+$0x0], $0xffff  }
0x1d5: {  	v34 =	vor.u32 $0x3, v34;
	v10 =	vmul.f32 v10, v17;
	v22 =	vmul.f32 v22, v17;
	v38 =	vld.idx.msk [tilespmem:v38+s16+$0x0], $0xffff  }
0x1d6: {  	v37 =	vld.idx.msk [tilespmem:v37+s16+$0x0], $0xffff;
	v33 =	vor.u32 $0x3, v33;
	v31 =	vmul.f32 v31, v17;
	v30 =	vmul.f32 v30, v17  }
0x1d7: {  	v26 =	vmul.f32 v26, v17;
	v35 =	vmul.f32 v35, v17;
	v10 =	vadd.f32 v10, v63  }
0x1d8: {  	v20 =	vld.idx.msk [tilespmem:v20+s16+$0x0], $0xffff;
	v32 =	vmul.f32 v32, v27;
	v21 =	vmul.f32 v21, v27;
	v31 =	vadd.f32 v31, v58  }
0x1d9: {  	v15 =	vld.idx.msk [tilespmem:v15+s16+$0x0], $0xffff;
	v1 =	vadd.f32 v22, v1;
	v22 =	vmul.f32 v36, v17;
	v10 =	vadd.f32 v13, v10  }
0x1da: {  	v29 =	vld.idx.msk [tilespmem:v29+s16+$0x0], $0xffff;
	v24 =	vmul.f32 v24, v27;
	v13 =	vmul.f32 v38, v27;
	v27 =	vadd.f32 v28, v31  }
0x1db: {  	v34 =	vld.idx.msk [tilespmem:v34+s16+$0x0], $0xffff;
	v30 =	vadd.f32 v30, v62;
	v17 =	vmul.f32 v37, v17;
	v35 =	vadd.f32 v35, v57  }
0x1dc: {  	v47 =	vmul.f32 v47, v14;
	v33 =	vld.idx.msk [tilespmem:v33+s16+$0x0], $0xffff;
	v22 =	vadd.f32 v22, v61;
	v16 =	vadd.f32 v16, v27  }
0x1dd: {  	v19 =	vld.idx.msk [tilespmem:v19+s16+$0x0], $0xffff;
	v39 =	vmul.f32 v39, v14;
	v17 =	vadd.f32 v17, v59;
	v1 =	vadd.f32 v50, v1  }
0x1de: {  	v6 =	vmul.f32 v6, v14;
	v25 =	vadd.f32 v25, v30;
	v0 =	vadd.f32 v0, v16;
	v16 =	vld [tilespmem:$0x1FF80]  }
0x1df: {  	v20 =	vmul.f32 v20, v14;
	v21 =	vadd.f32 v21, v35;
	v13 =	vadd.f32 v13, v17;
	v17 =	vld.idx.msk [tilespmem:v41+s16+$0x0], $0xffff  }
0x1e0: {  	v3 =	vld.idx.msk [tilespmem:v3+s16+$0x0], $0xffff;
	v1 =	vadd.f32 v39, v1;
	v22 =	vadd.f32 v24, v22;
	v24 =	vmul.f32 v29, v14  }
0x1e1: {  	v4 =	vld.idx.msk [tilespmem:v4+s16+$0x0], $0xffff;
	v28 =	vmul.f32 v34, v14;
	v6 =	vadd.f32 v6, v25;
	v14 =	vmul.f32 v33, v14  }
0x1e2: {  	v10 =	vadd.f32 v47, v10;
	v21 =	vadd.f32 v24, v21;
	v24 =	vld.idx.msk [tilespmem:v51+s16+$0x0], $0xffff  }
0x1e3: {  	v1 =	vadd.f32 v8, v1;
	v8 =	vmul.f32 v19, v54;
	v13 =	vadd.f32 v14, v13;
	v14 =	vld.idx.msk [tilespmem:v49+s16+$0x0], $0xffff  }
0x1e4: {  	v6 =	vadd.f32 v9, v6;
	v22 =	vadd.f32 v28, v22;
	v9 =	vmul.f32 v17, v54  }
0x1e5: {  	v15 =	vmul.f32 v15, v54;
	v3 =	vmul.f32 v3, v40;
	v5 =	vadd.f32 v5, v10;
	v10 =	vld.idx.msk [tilespmem:v45+s16+$0x0], $0xffff  }
0x1e6: {  	v4 =	vmul.f32 v4, v40;
	v8 =	vadd.f32 v8, v22;
	v9 =	vadd.f32 v9, v13;
	v16 =	vld.idx.msk [tilespmem:v16+s16+$0x0], $0xffff  }
0x1e7: {  	v15 =	vadd.f32 v15, v21;
	v17 =	vmul.f32 v24, v40  }
0x1e8: {  	v3 =	vadd.f32 v3, v8;
	v8 =	vmul.f32 v14, v23;
	v4 =	vadd.f32 v4, v9  }
0x1e9: {  	v14 =	vadd.f32 v17, v15  }
0x1ea: {  	v4 =	vadd.f32 v8, v4  }
0x1eb: {  	v8 =	vmul.f32 v10, v18;
	v10 =	vadd.f32 v46, v14;
	v14 =	vmul.f32 v16, v23;
	v16 =	vld [tilespmem:$0x1FF10]  }
0x1ec: {  	v3 =	vadd.f32 v48, v3;
	_ =	sdelay $0x1  }
0x1ed: {  	v3 =	vadd.f32 v43, v3;
	_ =	sdelay $0x1  }
0x1ee: {  	v3 =	vadd.f32 v16, v3;
	v16 =	vld [tilespmem:$0x1FF20];
	_ =	sdelay $0x2  }
0x1ef: {  	v4 =	vadd.f32 v8, v4;
	_ =	sdelay $0x1  }
0x1f0: {  	v4 =	vadd.f32 v16, v4;
	v16 =	vld [tilespmem:$0x1FE70];
	_ =	sdelay $0x1  }
0x1f1: {  	v2 =	vld.idx.msk [tilespmem:v2+s16+$0x0], $0xffff  }
0x1f2: {  	v26 =	vadd.f32 v26, v60  }
0x1f3: {  	v13 =	vld [tilespmem:$0x1FF70]  }
0x1f4: {  	v26 =	vadd.f32 v32, v26;
	v3 =	vmul.f32 v3, v16;
	v16 =	vld [tilespmem:$0x1FEA0];
	_ =	sdelay $0x1  }
0x1f5: {  	v2 =	vmul.f32 v2, v54;
	v20 =	vadd.f32 v20, v26  }
0x1f6: {  	v19 =	vld.idx.msk [tilespmem:v44+s16+$0x0], $0xffff  }
0x1f7: {  	v2 =	vadd.f32 v2, v20;
	v20 =	vld [tilespmem:$0x1FF60]  }
0x1f8: {  	v4 =	vmul.f32 v4, v16;
	v16 =	vld [tilespmem:$0x1FEF0]  }
0x1f9: {  	v9 =	vld [tilespmem:$0x1FF50]  }
0x1fa: {  	v3 =	vadd.f32 v4, v3;
	v4 =	vld [tilespmem:$0x1FE90]  }
0x1fb: {  	v10 =	vadd.f32 v42, v10;
	v13 =	vld.idx.msk [tilespmem:v13+s16+$0x0], $0xffff  }
0x1fc: {  	v15 =	vmul.f32 v19, v40;
	v17 =	vld [tilespmem:$0x1FEB0]  }
0x1fd: {  	v10 =	vadd.f32 v16, v10  }
0x1fe: {  	v2 =	vadd.f32 v15, v2  }
0x1ff: {  	v4 =	vmul.f32 v10, v4;
	v10 =	vld [tilespmem:$0x1FF00]  }
0x200: {  	v20 =	vld.idx.msk [tilespmem:v20+s16+$0x0], $0xffff;
	v2 =	vadd.f32 v14, v2;
	v8 =	vmul.f32 v13, v18  }
0x201: {  	v3 =	vadd.f32 v4, v3;
	v4 =	vld [tilespmem:$0x1FE50]  }
0x202: {  	v9 =	vld.idx.msk [tilespmem:v9+s16+$0x0], $0xffff;
	v2 =	vadd.f32 v8, v2  }
0x203: {  	v15 =	vld [tilespmem:$0x1FE20]  }
0x204: {  	v17 =	vld.idx.msk [tilespmem:v17+s16+$0x0], $0xffff;
	v2 =	vadd.f32 v10, v2  }
0x205: {  	v0 =	vadd.f32 v52, v0;
	v14 =	vld [tilespmem:$0x1FE80];
	v13 =	vmul.f32 v20, v23  }
0x206: {  	v2 =	vmul.f32 v2, v4;
	v4 =	vld [tilespmem:$0x1FED0]  }
0x207: {  	v9 =	vmul.f32 v9, v18;
	v0 =	vadd.f32 v13, v0;
	v13 =	vld [tilespmem:$0x1FE00]  }
0x208: {  	v2 =	vadd.f32 v2, v3;
	v3 =	vld [tilespmem:$0x1FE60]  }
0x209: {  	v0 =	vadd.f32 v9, v0  }
0x20a: {  	v9 =	vld [tilespmem:$0x1FE10]  }
0x20b: {  	v10 =	vld [tilespmem:$0x1FF30];
	v0 =	vadd.f32 v4, v0  }
0x20c: {  	v6 =	vadd.f32 v56, v6;
	v15 =	vld.idx.msk [tilespmem:v15+s16+$0x0], $0xffff;
	v8 =	vmul.f32 v17, v23  }
0x20d: {  	v0 =	vmul.f32 v0, v3;
	v3 =	vld [tilespmem:$0x1FEE0]  }
0x20e: {  	v6 =	vadd.f32 v8, v6;
	v14 =	vld.idx.msk [tilespmem:v14+s16+$0x0], $0xffff  }
0x20f: {  	v0 =	vadd.f32 v0, v2;
	v2 =	vld [tilespmem:$0x1FE40]  }
0x210: {  	v13 =	vld.idx.msk [tilespmem:v13+s16+$0x0], $0xffff;
	v6 =	vadd.f32 v10, v6  }
0x211: {  	v4 =	vld [tilespmem:$0x1FF40]  }
0x212: {  	v5 =	vadd.f32 v53, v5;
	v8 =	vmul.f32 v15, v23;
	v9 =	vld.idx.msk [tilespmem:v9+s16+$0x0], $0xffff;
	v3 =	vadd.f32 v3, v6  }
0x213: {  	v1 =	vadd.f32 v55, v1;
	v10 =	vld [tilespmem:$0x1FE30]  }
0x214: {  	v5 =	vadd.f32 v8, v5;
	v8 =	vmul.f32 v14, v23;
	v2 =	vmul.f32 v3, v2;
	v3 =	vld [tilespmem:$0x1FEC0];
	_ =	sdelay $0x1  }
0x215: {  	v1 =	vadd.f32 v8, v1;
	v4 =	vadd.f32 v4, v5;
	v5 =	vmul.f32 v13, v18;
	_ =	sdelay $0x1  }
0x216: {  	v13 =	vld [tilespmem:$0x1FFF0];
	v1 =	vadd.f32 v5, v1;
	v5 =	vmul.f32 v9, v11  }
0x217: {  	v6 =	vmul.f32 v12, v10;
	v3 =	vadd.f32 v3, v4  }
0x218: {  	s30 =	sadd.s32 $0xFFFFFF00, s10;
	v7 =	vmul.f32 v7, v10;
	v1 =	vadd.f32 v5, v1  }
0x219: {  	s28 =	sadd.s32 $0xFFFFFE00, s10;
	v8 =	vmov s30;
	v0 =	vadd.f32 v2, v0;
	v2 =	vmul.f32 v3, v6  }
0x21a: {  	v1 =	vmul.f32 v1, v7;
	v4 =	vmov s28;
	v3 =	vshll.u32 v8, $0x4  }
0x21b: {  	v4 =	vshll.u32 v4, $0x4;
	v3 =	vor.u32 v13, v3;
	v0 =	vadd.f32 v2, v0  }
0x21c: {  	v8 =	vor.u32 v13, v4;
	v4 =	vor.u32 $0x8, v3  }
0x21d: {  	v7 =	vor.u32 $0x8, v8;
	v0 =	vadd.f32 v1, v0  }
0x21e: {  	s30 =	sadd.s32 $0xFFFFFD00, s10;
	v10 =	vor.u32 $0x7, v8  }
0x21f: {  	s25 =	sadd.s32 $0x10, s25;
	v12 =	vor.u32 $0x5, v8;
	v2 =	vmov s30;
	v0 =	vmax.f32 v0, $0.0e+00  }
0x220: {  	v2 =	vshll.u32 v2, $0x4;
	[tilespmem:s25+$0x0] =	vst v0  }
0x221: {  	v6 =	vmov s10;
	s30 =	sadd.s32 $0xFFFFFC00, s10;
	v5 =	vor.u32 v13, v2;
	v15 =	vld.idx.msk [tilespmem:v4+s16+$0x0], $0xffff  }
0x222: {  	v1 =	vor.u32 $0x7, v3;
	v2 =	vshll.u32 v6, $0x4;
	v6 =	vmov s30;
	v20 =	vld.idx.msk [tilespmem:v7+s16+$0x0], $0xffff  }
0x223: {  	v9 =	vor.u32 $0x8, v5;
	v6 =	vshll.u32 v6, $0x4;
	v2 =	vor.u32 v13, v2;
	v19 =	vld.idx.msk [tilespmem:v10+s16+$0x0], $0xffff  }
0x224: {  	s26 =	sadd.s32 $0x10, s26;
	v0 =	vor.u32 v13, v6;
	v4 =	vor.u32 $0x5, v2;
	v56 =	vld.idx.msk [tilespmem:v12+s16+$0x0], $0xffff  }
0x225: {  	s30 =	sadd.s32 $0xFFFFFB00, s10;
	v11 =	vor.u32 $0x8, v0;
	v25 =	vld [tilespmem:s26+$0xFFFFFC00]  }
0x226: {  	v6 =	vmov s30;
	v7 =	vor.u32 $0x5, v3;
	v38 =	vld [tilespmem:s26+$0xFFFFFB00]  }
0x227: {  	v6 =	vshll.u32 v6, $0x4;
	v14 =	vld.idx.msk [tilespmem:v1+s16+$0x0], $0xffff;
	v1 =	vor.u32 $0x4, v2  }
0x228: {  	s30 =	sadd.s32 $0xFFFFF900, s10;
	v29 =	vor.u32 v13, v6;
	v27 =	vld.idx.msk [tilespmem:v9+s16+$0x0], $0xffff  }
0x229: {  	v10 =	vmov s30;
	v6 =	vor.u32 $0x8, v29;
	v9 =	vld.idx.msk [tilespmem:v4+s16+$0x0], $0xffff  }
0x22a: {  	s30 =	sadd.s32 $0xFFFFFA00, s10;
	v4 =	vshll.u32 v10, $0x4;
	v28 =	vld.idx.msk [tilespmem:v11+s16+$0x0], $0xffff;
	v11 =	vor.u32 $0x4, v3  }
0x22b: {  	v10 =	vmov s30;
	v52 =	vld.idx.msk [tilespmem:v7+s16+$0x0], $0xffff;
	v7 =	vor.u32 $0x3, v2;
	v34 =	vor.u32 v13, v4  }
0x22c: {  	v4 =	vshll.u32 v10, $0x4;
	v17 =	vld.idx.msk [tilespmem:v1+s16+$0x0], $0xffff;
	v10 =	vor.u32 $0x8, v34  }
0x22d: {  	v12 =	vld.idx.msk [tilespmem:v29+s16+$0x0], $0xffff;
	v33 =	vor.u32 v13, v4;
	v4 =	vor.u32 $0x7, v29  }
0x22e: {  	v30 =	vld.idx.msk [tilespmem:v6+s16+$0x0], $0xffff;
	v6 =	vor.u32 $0x5, v5  }
0x22f: {  	v21 =	vld.idx.msk [tilespmem:v11+s16+$0x0], $0xffff  }
0x230: {  	v39 =	vld.idx.msk [tilespmem:v7+s16+$0x0], $0xffff  }
0x231: {  	v1 =	vor.u32 $0x8, v33;
	v31 =	vld.idx.msk [tilespmem:v10+s16+$0x0], $0xffff  }
0x232: {  	v11 =	vor.u32 $0x4, v8;
	v35 =	vld.idx.msk [tilespmem:v4+s16+$0x0], $0xffff  }
0x233: {  	v7 =	vor.u32 $0x3, v3;
	v26 =	vld.idx.msk [tilespmem:v6+s16+$0x0], $0xffff  }
0x234: {  	v6 =	vld.idx.msk [tilespmem:v8+s16+$0x0], $0xffff  }
0x235: {  	v10 =	vor.u32 $0x7, v34;
	v23 =	vld.idx.msk [tilespmem:v33+s16+$0x0], $0xffff  }
0x236: {  	v4 =	vor.u32 $0x6, v29;
	v32 =	vld.idx.msk [tilespmem:v1+s16+$0x0], $0xffff  }
0x237: {  	v24 =	vld.idx.msk [tilespmem:v11+s16+$0x0], $0xffff  }
0x238: {  	v47 =	vld.idx.msk [tilespmem:v7+s16+$0x0], $0xffff  }
0x239: {  	v1 =	vor.u32 $0x2, v2;
	v11 =	vld.idx.msk [tilespmem:v0+s16+$0x0], $0xffff  }
0x23a: {  	v36 =	vld.idx.msk [tilespmem:v10+s16+$0x0], $0xffff  }
0x23b: {  	v7 =	vor.u32 $0x4, v5;
	v37 =	vld.idx.msk [tilespmem:v4+s16+$0x0], $0xffff  }
0x23c: {  	v13 =	vor.u32 $0x7, v2;
	v4 =	vld.idx.msk [tilespmem:v3+s16+$0x0], $0xffff  }
0x23d: {  	[tilespmem:$0x1FE00] =	vst v13;
	v13 =	vor.u32 $0x8, v2;
	v10 =	vld.idx.msk [tilespmem:v5+s16+$0x0], $0xffff  }
0x23e: {  	[tilespmem:$0x1FE10] =	vst v13;
	v13 =	vor.u32 $0x6, v3;
	v50 =	vld.idx.msk [tilespmem:v1+s16+$0x0], $0xffff  }
0x23f: {  	v53 =	vor.u32 $0x2, v8;
	[tilespmem:$0x1FE20] =	vst v13;
	v13 =	vor.u32 $0x3, v8;
	v1 =	vld.idx.msk [tilespmem:v2+s16+$0x0], $0xffff  }
0x240: {  	v22 =	vor.u32 $0x2, v3;
	v55 =	vor.u32 $0x3, v5;
	v18 =	vor.u32 $0x1, v2;
	v41 =	vld.idx.msk [tilespmem:v7+s16+$0x0], $0xffff  }
0x241: {  	v54 =	vor.u32 $0x6, v34;
	v62 =	vmul.f32 $2.820948060e-01, v6;
	v2 =	vor.u32 $0x6, v2;
	v7 =	vld [tilespmem:s26+$0xFFFFFD00]  }
0x242: {  	v59 =	vmul.f32 $2.820948060e-01, v23;
	[tilespmem:$0x1FE80] =	vst v2;
	v2 =	vor.u32 $0x7, v5;
	v60 =	vmul.f32 $2.820948060e-01, v11;
	v11 =	vld [tilespmem:s26+$0x500]  }
0x243: {  	v16 =	vld.idx.msk [tilespmem:v34+s16+$0x0], $0xffff;
	v23 =	vor.u32 $0x1, v3;
	v3 =	vmul.f32 v25, v38;
	[tilespmem:$0x1FF50] =	vst v2;
	v2 =	vor.u32 $0x6, v8  }
0x244: {  	v6 =	vld.idx.msk [tilespmem:v13+s16+$0x0], $0xffff;
	[tilespmem:$0x1FEB0] =	vst v2;
	v2 =	vor.u32 $0x7, v0;
	v63 =	vmul.f32 $2.820948060e-01, v4;
	v4 =	vsub.f32 $1.000000000e+00, v25  }
0x245: {  	v13 =	vld.idx.msk [tilespmem:v22+s16+$0x0], $0xffff;
	[tilespmem:$0x1FF70] =	vst v2;
	v2 =	vor.u32 $0x6, v5;
	v58 =	vmul.f32 $2.820948060e-01, v10;
	v10 =	vsub.f32 $1.000000000e+00, v38  }
0x246: {  	v57 =	vmul.f32 $2.820948060e-01, v12;
	v22 =	vld.idx.msk [tilespmem:v18+s16+$0x0], $0xffff;
	[tilespmem:$0x1FF60] =	vst v2;
	v2 =	vor.u32 $0x6, v0;
	v18 =	vmul.f32 v4, v38  }
0x247: {  	v48 =	vld.idx.msk [tilespmem:v54+s16+$0x0], $0xffff;
	[tilespmem:$0x1FE30] =	vst v3;
	v54 =	vmul.f32 v25, v10;
	v12 =	vsub.f32 $1.000000000e+00, v7;
	v20 =	vmul.f32 v20, v11  }
0x248: {  	[tilespmem:$0x1FF80] =	vst v2;
	v10 =	vmul.f32 v4, v10;
	v4 =	vmul.f32 v18, v7  }
0x249: {  	v8 =	vor.u32 $0x1, v8;
	v40 =	vmul.f32 v12, v54;
	[tilespmem:$0x1FEE0] =	vst v20  }
0x24a: {  	v61 =	vmul.f32 $2.820948060e-01, v16;
	v16 =	vld.idx.msk [tilespmem:v55+s16+$0x0], $0xffff;
	v20 =	vmul.f32 v30, v11;
	[tilespmem:$0x1FE40] =	vst v4  }
0x24b: {  	v44 =	vor.u32 $0x5, v0;
	v55 =	vor.u32 $0x2, v5;
	v25 =	vld.idx.msk [tilespmem:v53+s16+$0x0], $0xffff;
	v4 =	vmul.f32 v7, v54;
	[tilespmem:$0x1FE90] =	vst v40  }
0x24c: {  	v51 =	vor.u32 $0x5, v29;
	v5 =	vor.u32 $0x1, v5;
	v54 =	vld [tilespmem:s26+$0x100];
	[tilespmem:$0x1FEF0] =	vst v20;
	v20 =	vmul.f32 v28, v11  }
0x24d: {  	v45 =	vor.u32 $0x7, v33;
	v1 =	vmul.f32 $2.820948060e-01, v1;
	v40 =	vld [tilespmem:s26+$0x200];
	[tilespmem:$0x1FE50] =	vst v4;
	v4 =	vmul.f32 v12, v18  }
0x24e: {  	v49 =	vor.u32 $0x6, v33;
	v15 =	vmul.f32 v15, v11;
	v30 =	vld.idx.msk [tilespmem:v8+s16+$0x0], $0xffff;
	[tilespmem:$0x1FF00] =	vst v20;
	v20 =	vmul.f32 v31, v11  }
0x24f: {  	v3 =	vor.u32 $0x5, v34;
	v27 =	vmul.f32 v27, v11;
	v18 =	vld [tilespmem:s26+$0x400];
	[tilespmem:$0x1FE60] =	vst v4;
	v4 =	vmul.f32 v12, v10  }
0x250: {  	v2 =	vor.u32 $0x4, v0;
	v28 =	vld.idx.msk [tilespmem:v55+s16+$0x0], $0xffff;
	v10 =	vmul.f32 v10, v7;
	[tilespmem:$0x1FF10] =	vst v20;
	v20 =	vmul.f32 v32, v11  }
0x251: {  	[tilespmem:$0x1FEC0] =	vst v15;
	v15 =	vor.u32 $0x4, v29;
	v31 =	vld.idx.msk [tilespmem:v5+s16+$0x0], $0xffff;
	v5 =	vmul.f32 v21, v54;
	v8 =	vmul.f32 v17, v54  }
0x252: {  	v32 =	vor.u32 $0x1, v0;
	[tilespmem:$0x1FEA0] =	vst v10;
	v10 =	vld.idx.msk [tilespmem:v23+s16+$0x0], $0xffff;
	v53 =	vmul.f32 v52, v40;
	v55 =	vmul.f32 v9, v40  }
0x253: {  	p0 =	sne.s32 s10, $0x7F0;
	[tilespmem:$0x1FED0] =	vst v27;
	v21 =	vor.u32 $0x2, v29;
	v23 =	vld [tilespmem:s26+$0x300];
	v52 =	vmul.f32 v26, v40;
	v56 =	vmul.f32 v56, v40  }
.Ltmp2:
0x254: {  	[tilespmem:$0x1FE70] =	vst v4;
	v4 =	vor.u32 $0x5, v33;
	v9 =	vmul.f32 v24, v54;
	v19 =	vmul.f32 v19, v18;
	(pc) =	sbr.rel @p0 .LBB2_7-.Ltmp2, $4  }
0x255: {  	v27 =	vld [tilespmem:s26+$0xFFFFFF00];
	[tilespmem:$0x1FF20] =	vst v20;
	v20 =	vor.u32 $0x3, v0;
	v14 =	vmul.f32 v14, v18;
	v43 =	vmul.f32 v36, v18  }
0x256: {  	v17 =	vld [tilespmem:s26+$0xFFFFFE00];
	v42 =	vmul.f32 v35, v18;
	v35 =	vor.u32 $0x1, v29;
	v36 =	vor.u32 $0x1, v34  }
0x257: {  	[tilespmem:$0x1FF30] =	vst v19;
	v19 =	vor.u32 $0x4, v34;
	v26 =	vld.idx.msk [tilespmem:v32+s16+$0x0], $0xffff;
	v32 =	vor.u32 $0x2, v0;
	v0 =	vmul.f32 v41, v54  }
0x258: {  	s10 =	sadd.s32 $0x10, s10;
	[tilespmem:$0x1FF40] =	vst v14;
	v14 =	vld [tilespmem:s26+$0x0];
	v48 =	vmul.f32 v48, v23;
	v46 =	vmul.f32 v37, v23;
	v37 =	vor.u32 $0x1, v33  }
0x259: {  	_ =	sdelay $0x3  }
0x25a: {  	v24 =	vld.idx.msk [tilespmem:v35+s16+$0x0], $0xffff  }
0x25b: {  	v41 =	vld.idx.msk [tilespmem:v36+s16+$0x0], $0xffff  }
0x25c: {  	v36 =	vld.idx.msk [tilespmem:v37+s16+$0x0], $0xffff  }
0x25d: {  	v21 =	vld.idx.msk [tilespmem:v21+s16+$0x0], $0xffff  }
0x25e: {  	v20 =	vld.idx.msk [tilespmem:v20+s16+$0x0], $0xffff  }
0x25f: {  	v2 =	vld.idx.msk [tilespmem:v2+s16+$0x0], $0xffff  }
0x260: {  	v15 =	vld.idx.msk [tilespmem:v15+s16+$0x0], $0xffff  }
0x261: {  	v37 =	vor.u32 $0x2, v34;
	v19 =	vld.idx.msk [tilespmem:v19+s16+$0x0], $0xffff;
	v50 =	vmul.f32 v50, v27  }
0x262: {  	v38 =	vor.u32 $0x2, v33;
	v3 =	vld.idx.msk [tilespmem:v3+s16+$0x0], $0xffff;
	v25 =	vmul.f32 v25, v27;
	v22 =	vmul.f32 v22, v17  }
0x263: {  	v29 =	vor.u32 $0x3, v29;
	v4 =	vld.idx.msk [tilespmem:v4+s16+$0x0], $0xffff;
	v30 =	vmul.f32 v30, v17;
	v10 =	vmul.f32 v10, v17  }
0x264: {  	v35 =	vld [tilespmem:$0x1FF50];
	v31 =	vmul.f32 v31, v17;
	v26 =	vmul.f32 v26, v17  }
0x265: {  	v1 =	vadd.f32 v22, v1;
	v22 =	vadd.f32 v30, v62;
	v30 =	vld.idx.msk [tilespmem:v32+s16+$0x0], $0xffff;
	v41 =	vmul.f32 v41, v17  }
0x266: {  	v10 =	vadd.f32 v10, v63;
	v31 =	vadd.f32 v31, v58;
	v58 =	vor.u32 $0x3, v33;
	v63 =	vld.idx.msk [tilespmem:v37+s16+$0x0], $0xffff  }
0x267: {  	v26 =	vadd.f32 v26, v60;
	v60 =	vmul.f32 v28, v27;
	v32 =	vadd.f32 v41, v61;
	v41 =	vld.idx.msk [tilespmem:v38+s16+$0x0], $0xffff  }
0x268: {  	v1 =	vadd.f32 v50, v1;
	v61 =	vld.idx.msk [tilespmem:v29+s16+$0x0], $0xffff  }
0x269: {  	v22 =	vadd.f32 v25, v22;
	v50 =	vmul.f32 v39, v14;
	v25 =	vadd.f32 v60, v31;
	v31 =	vld [tilespmem:$0x1FF70]  }
0x26a: {  	v24 =	vmul.f32 v24, v17;
	v37 =	vor.u32 $0x4, v33;
	v38 =	vld [tilespmem:$0x1FE20]  }
0x26b: {  	v62 =	vmul.f32 v36, v17;
	v1 =	vadd.f32 v50, v1;
	v50 =	vld [tilespmem:$0x1FE10]  }
0x26c: {  	v34 =	vor.u32 $0x3, v34;
	v24 =	vadd.f32 v24, v57;
	v57 =	vld.idx.msk [tilespmem:v58+s16+$0x0], $0xffff  }
0x26d: {  	v6 =	vmul.f32 v6, v14;
	v17 =	vadd.f32 v62, v59;
	v62 =	vmul.f32 v30, v27;
	v30 =	vld [tilespmem:$0x1FF80]  }
0x26e: {  	v58 =	vmul.f32 v47, v14;
	v47 =	vld [tilespmem:$0x1FF00]  }
0x26f: {  	v6 =	vadd.f32 v6, v22;
	v22 =	vld.idx.msk [tilespmem:v37+s16+$0x0], $0xffff  }
0x270: {  	v13 =	vmul.f32 v13, v27;
	v37 =	vld [tilespmem:$0x1FF10]  }
0x271: {  	v36 =	vmul.f32 v41, v27;
	v41 =	vld.idx.msk [tilespmem:v34+s16+$0x0], $0xffff  }
0x272: {  	v10 =	vadd.f32 v13, v10;
	v13 =	vmul.f32 v61, v14;
	v61 =	vld.idx.msk [tilespmem:v51+s16+$0x0], $0xffff  }
0x273: {  	v21 =	vmul.f32 v21, v27;
	v63 =	vmul.f32 v63, v27;
	v27 =	vld.idx.msk [tilespmem:v44+s16+$0x0], $0xffff  }
0x274: {  	v16 =	vmul.f32 v16, v14;
	v34 =	vld [tilespmem:$0x1FF60]  }
0x275: {  	v21 =	vadd.f32 v21, v24;
	v1 =	vadd.f32 v8, v1;
	v44 =	vld [tilespmem:$0x1FEF0]  }
0x276: {  	v16 =	vadd.f32 v16, v25;
	v6 =	vadd.f32 v9, v6;
	v51 =	vld [tilespmem:$0x1FE50]  }
0x277: {  	v20 =	vmul.f32 v20, v14;
	v26 =	vadd.f32 v62, v26;
	v1 =	vadd.f32 v55, v1;
	v55 =	vld [tilespmem:$0x1FE60]  }
0x278: {  	v0 =	vadd.f32 v0, v16;
	v6 =	vadd.f32 v56, v6;
	v56 =	vld [tilespmem:$0x1FF40]  }
0x279: {  	v10 =	vadd.f32 v58, v10;
	v20 =	vadd.f32 v20, v26;
	v26 =	vld.idx.msk [tilespmem:v49+s16+$0x0], $0xffff  }
0x27a: {  	v29 =	vadd.f32 v63, v32;
	v0 =	vadd.f32 v52, v0;
	v52 =	vld [tilespmem:$0x1FED0]  }
0x27b: {  	v63 =	vmul.f32 v15, v54;
	v17 =	vadd.f32 v36, v17;
	v13 =	vadd.f32 v13, v21;
	v36 =	vld [tilespmem:$0x1FEB0]  }
0x27c: {  	v3 =	vmul.f32 v3, v40;
	v60 =	vmul.f32 v57, v14;
	v57 =	vld [tilespmem:$0x1FEE0]  }
0x27d: {  	v4 =	vmul.f32 v4, v40;
	v5 =	vadd.f32 v5, v10;
	v10 =	vadd.f32 v63, v13;
	v13 =	vld.idx.msk [tilespmem:v35+s16+$0x0], $0xffff  }
0x27e: {  	v62 =	vmul.f32 v19, v54;
	v59 =	vmul.f32 v41, v14;
	v15 =	vld.idx.msk [tilespmem:v30+s16+$0x0], $0xffff  }
0x27f: {  	v8 =	vmul.f32 v61, v40;
	v33 =	vmul.f32 v27, v40;
	v40 =	vld [tilespmem:$0x1FF20]  }
0x280: {  	v25 =	vmul.f32 v22, v54;
	v14 =	vadd.f32 v60, v17;
	v41 =	vld [tilespmem:$0x1FE80];
	v24 =	vadd.f32 v59, v29  }
0x281: {  	v29 =	vld.idx.msk [tilespmem:v45+s16+$0x0], $0xffff  }
0x282: {  	v28 =	vadd.f32 v25, v14;
	v45 =	vld [tilespmem:$0x1FE00];
	v9 =	vadd.f32 v62, v24  }
0x283: {  	v2 =	vmul.f32 v2, v54;
	v8 =	vadd.f32 v8, v10;
	v16 =	vld.idx.msk [tilespmem:v34+s16+$0x0], $0xffff  }
0x284: {  	v32 =	vmul.f32 v26, v23;
	v4 =	vadd.f32 v4, v28;
	v3 =	vadd.f32 v3, v9;
	v9 =	vld.idx.msk [tilespmem:v31+s16+$0x0], $0xffff  }
0x285: {  	v2 =	vadd.f32 v2, v20;
	v8 =	vadd.f32 v46, v8;
	v46 =	vld [tilespmem:$0x1FE90]  }
0x286: {  	v10 =	vld.idx.msk [tilespmem:v36+s16+$0x0], $0xffff;
	v4 =	vadd.f32 v32, v4;
	v14 =	vmul.f32 v29, v18;
	v3 =	vadd.f32 v48, v3  }
0x287: {  	v2 =	vadd.f32 v33, v2;
	v15 =	vmul.f32 v15, v23;
	v8 =	vadd.f32 v42, v8;
	v42 =	vld [tilespmem:$0x1FE70]  }
0x288: {  	v4 =	vadd.f32 v14, v4;
	v3 =	vadd.f32 v43, v3;
	v43 =	vld [tilespmem:$0x1FEA0]  }
0x289: {  	v2 =	vadd.f32 v15, v2;
	v14 =	vld.idx.msk [tilespmem:v38+s16+$0x0], $0xffff;
	v9 =	vmul.f32 v9, v18  }
0x28a: {  	v39 =	vmul.f32 v16, v23;
	v48 =	vld [tilespmem:$0x1FF30];
	v4 =	vadd.f32 v40, v4  }
0x28b: {  	v10 =	vmul.f32 v10, v23;
	v3 =	vadd.f32 v37, v3;
	v2 =	vadd.f32 v9, v2;
	v9 =	vld.idx.msk [tilespmem:v41+s16+$0x0], $0xffff  }
0x28c: {  	v60 =	vld [tilespmem:$0x1FEC0];
	v13 =	vmul.f32 v13, v18;
	v8 =	vadd.f32 v44, v8;
	v0 =	vadd.f32 v39, v0  }
0x28d: {  	v6 =	vadd.f32 v10, v6;
	v10 =	vld.idx.msk [tilespmem:v45+s16+$0x0], $0xffff;
	v3 =	vmul.f32 v3, v42;
	v4 =	vmul.f32 v4, v43  }
0x28e: {  	v5 =	vadd.f32 v53, v5;
	v61 =	vld [tilespmem:$0x1FE30];
	v0 =	vadd.f32 v13, v0;
	v49 =	vmul.f32 v14, v23  }
0x28f: {  	v13 =	vld.idx.msk [tilespmem:v50+s16+$0x0], $0xffff;
	v2 =	vadd.f32 v47, v2;
	v3 =	vadd.f32 v4, v3;
	v4 =	vmul.f32 v8, v46  }
0x290: {  	v59 =	vld [tilespmem:$0x1FE40];
	v6 =	vadd.f32 v48, v6;
	v0 =	vadd.f32 v52, v0;
	v9 =	vmul.f32 v9, v23  }
0x291: {  	v53 =	vadd.f32 v49, v5;
	v2 =	vmul.f32 v2, v51;
	v3 =	vadd.f32 v4, v3  }
0x292: {  	v54 =	vmul.f32 v10, v18;
	v4 =	vadd.f32 v57, v6;
	v1 =	vadd.f32 v9, v1  }
0x293: {  	v0 =	vmul.f32 v0, v55;
	v2 =	vadd.f32 v2, v3;
	v3 =	vadd.f32 v56, v53  }
0x294: {  	v62 =	vmul.f32 v12, v61;
	v58 =	vmul.f32 v13, v11;
	v1 =	vadd.f32 v54, v1  }
0x295: {  	v0 =	vadd.f32 v0, v2;
	v2 =	vmul.f32 v4, v59;
	v3 =	vadd.f32 v60, v3  }
0x296: {  	v6 =	vmul.f32 v7, v61  }
0x297: {  	v1 =	vadd.f32 v58, v1;
	v0 =	vadd.f32 v2, v0;
	v63 =	vmul.f32 v3, v62;
	_ =	sdelay $0x1  }
0x298: {  	v1 =	vmul.f32 v1, v6;
	v0 =	vadd.f32 v63, v0;
	_ =	sdelay $0x1  }
0x299: {  	s10 =	sshll.u32 s22, $0x9;
	v0 =	vadd.f32 v1, v0  }
0x29a: {  	s10 =	sadd.s32 s9, s10  }
0x29b: {  	s25 =	sadd.s32 $0x10, s25;
	p0 =	seq.s32 s22, $0x3F;
	s10 =	sshrl.u32 s10, $0x3;
	v0 =	vmax.f32 v0, $0.0e+00  }
.Ltmp3:
0x29c: {  	s10 =	sadd.s32 s4, s10;
	[tilespmem:s25+$0x0] =	vst v0;
	(pc) =	sbr.rel @p0 .LBB2_12-.Ltmp3, $4  }
0x29d: {  	[hbm4b:s10+s5] =	stream.linear.scatter [tilespmem:s20], [sflag:$0x3], $0x100, $0x38;
	[tilespmem:$0x12D60] =	vst v63  }
0x29e: {  	_ =	swait.ge [sflag:s12], $0x100  }
0x29f: {  	[sflag:s12] =	ssyncset.done $0x0  }
0x2a0: {  	v20 =	vld [tilespmem:$0x1FFF0];
	[sflag:s12] =	ssyncadd.s32 $0xFFFFFF00  }
0x2a1: {  	s10 =	rddreg [dreg:$0x6]  }
0x2a2: {  	s10 =	sadd.s32 s24, s10  }
0x2a3: {  	s10 =	smul.u32 $0xC0, s10;
	_ =	sdelay $0x1  }
0x2a4: {  	s10 =	sadd.s32 s1, s10  }
0x2a5: {  	[tilespmem:s13], [sflag:$0x3] =	stream.linear.gather [hbm4b:s10+s5], $0x600, $0x38;
	[tilespmem:$0x12D60] =	vst v63  }
0x2a6: {  	_ =	swait.ge [sflag:s12], $0x600  }
0x2a7: {  	v21 =	vld [tilespmem:$0x1FF90]  }
0x2a8: {  	v22 =	vld [tilespmem:$0x1FFA0]  }
0x2a9: {  	v24 =	vld [tilespmem:$0x1FFC0]  }
0x2aa: {  	[sflag:s12] =	ssyncset.done $0x0;
	v25 =	vld [tilespmem:$0x1FFD0]  }
0x2ab: {  	s24 =	simm.s32 $0xFFFFFF00;
	v23 =	vld [tilespmem:$0x1FFB0];
	[sflag:s12] =	ssyncadd.s32 $0xFFFFFA00  }
0x2ac: {  	v0 =	vld [tilespmem:s24+$0x160]  }
0x2ad: {  	v3 =	vld [tilespmem:s24+$0x260]  }
0x2ae: {  	v2 =	vld [tilespmem:s24+$0x660]  }
0x2af: {  	v4 =	vld [tilespmem:s24+$0x360];
	_ =	sdelay $0x1  }
0x2b0: {  	v26 =	vld [tilespmem:$0x1FFE0]  }
0x2b1: {  	v1 =	vld [tilespmem:s24+$0x460];
	v0 =	vmul.f32 v0, v21;
	v3 =	vmul.f32 v3, v22  }
0x2b2: {  	v5 =	vadd.f32 v2, v2  }
0x2b3: {  	v4 =	vmul.f32 v4, v23;
	v6 =	vadd.f32 v0, v24;
	v3 =	vadd.f32 v3, v25  }
0x2b4: {  	v8 =	vmul.f32 $4.886025190e-01, v2;
	v0 =	vld [tilespmem:s24+$0x560];
	v7 =	vmul.f32 v5, v2  }
0x2b5: {  	v5 =	vmax.f32 v6, $0.0e+00;
	v3 =	vmax.f32 v3, $0.0e+00;
	v6 =	vadd.f32 v4, v26  }
0x2b6: {  	v12 =	vmul.f32 v1, v1;
	v5 =	vmin.f32 v5, $1.270000000e+02;
	v4 =	vmin.f32 v3, $1.270000000e+02  }
0x2b7: {  	v3 =	vtrunc.f32 v5;
	v9 =	vtrunc.f32 v4;
	v6 =	vmax.f32 v6, $0.0e+00  }
0x2b8: {  	v3 =	vcvt.f32.s32 v3;
	v9 =	vcvt.f32.s32 v9;
	v6 =	vmin.f32 v6, $1.270000000e+02  }
0x2b9: {  	v7 =	vsub.f32 v7, v12;
	v14 =	vmul.f32 v0, v0;
	v10 =	vtrunc.f32 v6  }
0x2ba: {  	vm0 =	vlt.s32 v3, $0x7E;
	vm1 =	vlt.s32 v9, $0x7E;
	v11 =	vcvt.f32.s32 v10  }
0x2bb: {  	v7 =	vsub.f32 v7, v14;
	v3 =	vnsel vm0, $0x7E, v3;
	v9 =	vnsel vm1, $0x7E, v9  }
0x2bc: {  	vm15 =	vlt.s32 v11, $0x7E;
	v13 =	vshll.u32 v3, $0xE;
	v15 =	vshll.u32 v9, $0x7  }
0x2bd: {  	v10 =	vcvt.s32.f32 v3;
	v3 =	vnsel vm15, $0x7E, v11;
	v11 =	vadd.s32 v13, v15  }
0x2be: {  	s10 =	simm.s32 $0xFFFFFF10;
	[tilespmem:s24+$0xC60] =	vst v8;
	v13 =	vcvt.s32.f32 v9;
	v9 =	vcvt.s32.f32 v3;
	v3 =	vadd.s32 v3, v11  }
0x2bf: {  	s25 =	simm.s32 $0xFFFFFC80;
	v8 =	vld [tilespmem:s10+$0x160];
	v12 =	vsub.f32 v12, v14;
	v11 =	vmul.f32 v0, v1;
	[tilespmem:s24+$0x1E60] =	vst v3;
	v14 =	vadd.s32 $0x4081, v3  }
.LBB2_10:
0x2c0: {  	p0 =	sne.s32 s25, $0xFFFFFFC0;
	v15 =	vld [tilespmem:s10+$0x260];
	v5 =	vsub.f32 v5, v10;
	v10 =	vmul.f32 v2, v0;
	v16 =	vmul.f32 v2, v1;
	[tilespmem:s24+$0x2560] =	vst v14  }
0x2c1: {  	v4 =	vsub.f32 v4, v13;
	v6 =	vsub.f32 v6, v9;
	v7 =	vmul.f32 $3.153915700e-01, v7;
	v2 =	vld [tilespmem:s10+$0x660]  }
0x2c2: {  	v11 =	vmul.f32 $1.092548490e+00, v11;
	v12 =	vmul.f32 $5.462742450e-01, v12;
	v9 =	vld [tilespmem:s10+$0x360];
	[tilespmem:s24+$0x860] =	vst v5;
	v5 =	vadd.s32 $0x1, v3  }
0x2c3: {  	v10 =	vmul.f32 $-1.092548490e+00, v10;
	v14 =	vmul.f32 $-1.092548490e+00, v16;
	v13 =	vld [tilespmem:s10+$0x460];
	[tilespmem:s24+$0x960] =	vst v4;
	v4 =	vadd.s32 $0x80, v3  }
0x2c4: {  	v17 =	vmul.f32 $-4.886025190e-01, v1;
	v1 =	vadd.s32 $0x81, v3;
	v16 =	vmul.f32 $-4.886025190e-01, v0;
	[tilespmem:s24+$0xA60] =	vst v6;
	v0 =	vld [tilespmem:s10+$0x560]  }
0x2c5: {  	v6 =	vmul.f32 v8, v21;
	v8 =	vmul.f32 v15, v22;
	[tilespmem:s24+$0x1F60] =	vst v5;
	v5 =	vadd.s32 $0x4000, v3  }
0x2c6: {  	v15 =	vmul.f32 $4.886025190e-01, v2;
	v18 =	vadd.f32 v2, v2;
	[tilespmem:s24+$0x2060] =	vst v4;
	v4 =	vadd.s32 $0x4001, v3  }
0x2c7: {  	v6 =	vadd.f32 v6, v24;
	v8 =	vadd.f32 v8, v25;
	v9 =	vmul.f32 v9, v23;
	[tilespmem:s24+$0x2160] =	vst v1  }
0x2c8: {  	v3 =	vadd.s32 $0x4080, v3;
	v18 =	vmul.f32 v18, v2;
	v19 =	vmul.f32 v13, v13;
	[tilespmem:s24+$0x2260] =	vst v5;
	v1 =	vmovc v13  }
0x2c9: {  	v5 =	vmax.f32 v6, $0.0e+00;
	v6 =	vmax.f32 v8, $0.0e+00;
	v8 =	vadd.f32 v9, v26;
	[tilespmem:s24+$0x2360] =	vst v4  }
0x2ca: {  	v5 =	vmin.f32 v5, $1.270000000e+02;
	v4 =	vmin.f32 v6, $1.270000000e+02;
	v9 =	vsub.f32 v18, v19;
	[tilespmem:s24+$0x2460] =	vst v3  }
0x2cb: {  	v3 =	vtrunc.f32 v5;
	v6 =	vtrunc.f32 v4;
	v8 =	vmax.f32 v8, $0.0e+00;
	[tilespmem:s24+$0x1060] =	vst v7  }
0x2cc: {  	v3 =	vcvt.f32.s32 v3;
	v7 =	vcvt.f32.s32 v6;
	v6 =	vmin.f32 v8, $1.270000000e+02;
	[tilespmem:s24+$0x1260] =	vst v12  }
0x2cd: {  	v12 =	vmul.f32 v0, v0;
	v8 =	vtrunc.f32 v6;
	[tilespmem:s24+$0xE60] =	vst v11  }
0x2ce: {  	vm0 =	vlt.s32 v3, $0x7E;
	vm1 =	vlt.s32 v7, $0x7E;
	v8 =	vcvt.f32.s32 v8;
	[tilespmem:s24+$0xF60] =	vst v10  }
.Ltmp4:
0x2cf: {  	v3 =	vnsel vm0, $0x7E, v3;
	v11 =	vnsel vm1, $0x7E, v7;
	v7 =	vsub.f32 v9, v12;
	[tilespmem:s24+$0x1160] =	vst v14;
	(pc) =	sbr.rel @p0 .LBB2_10-.Ltmp4, $4  }
0x2d0: {  	v9 =	vshll.u32 v3, $0xE;
	vm0 =	vlt.s32 v8, $0x7E;
	v13 =	vshll.u32 v11, $0x7;
	[tilespmem:s24+$0xB60] =	vst v16  }
0x2d1: {  	v10 =	vcvt.s32.f32 v3;
	v3 =	vnsel vm0, $0x7E, v8;
	v8 =	vadd.s32 v9, v13;
	[tilespmem:s10+$0xC60] =	vst v15  }
0x2d2: {  	v13 =	vcvt.s32.f32 v11;
	v9 =	vcvt.s32.f32 v3;
	v3 =	vadd.s32 v3, v8;
	[tilespmem:s24+$0xD60] =	vst v17;
	s24 =	smov.u32 s10;
	s10 =	sshra.s32 s25, $0x2  }
0x2d3: {  	v12 =	vsub.f32 v19, v12;
	v11 =	vmul.f32 v0, v1;
	s25 =	sadd.s32 $0x40, s25;
	v8 =	vld [tilespmem:s10+$0x160];
	[tilespmem:s24+$0x1E60] =	vst v3;
	v14 =	vadd.s32 $0x4081, v3  }
0x2d4: {  	v15 =	vld [tilespmem:s10+$0x260];
	[tilespmem:s24+$0x2560] =	vst v14;
	v5 =	vsub.f32 v5, v10  }
0x2d5: {  	v4 =	vsub.f32 v4, v13;
	v10 =	vld [tilespmem:s10+$0x660]  }
0x2d6: {  	v6 =	vsub.f32 v6, v9;
	v14 =	vld [tilespmem:s10+$0x360];
	[tilespmem:s24+$0x860] =	vst v5  }
0x2d7: {  	v5 =	vld [tilespmem:s10+$0x460];
	[tilespmem:s24+$0x960] =	vst v4  }
0x2d8: {  	v58 =	vmul.f32 $3.153915700e-01, v7;
	v61 =	vadd.s32 $0x1, v3;
	v7 =	vld [tilespmem:s10+$0x560];
	[tilespmem:s24+$0xA60] =	vst v6  }
0x2d9: {  	v56 =	vmul.f32 v2, v0;
	v57 =	vmul.f32 v2, v1;
	v62 =	vadd.s32 $0x80, v3;
	[tilespmem:s24+$0x1F60] =	vst v61  }
0x2da: {  	v27 =	vadd.s32 $0x81, v3;
	v16 =	vadd.s32 $0x4000, v3;
	v32 =	vmul.f32 $-4.886025190e-01, v0;
	[tilespmem:s24+$0x2060] =	vst v62  }
0x2db: {  	v30 =	vadd.s32 $0x4001, v3;
	v37 =	vmul.f32 $-4.886025190e-01, v1;
	v8 =	vmul.f32 v8, v21;
	[tilespmem:s24+$0x2160] =	vst v27  }
0x2dc: {  	v31 =	vadd.s32 $0x4080, v3;
	v59 =	vmul.f32 $1.092548490e+00, v11;
	v60 =	vmul.f32 $5.462742450e-01, v12;
	[tilespmem:s24+$0x2260] =	vst v16  }
0x2dd: {  	v63 =	vmul.f32 $-1.092548490e+00, v56;
	[tilespmem:s24+$0x2360] =	vst v30;
	v15 =	vmul.f32 v15, v22;
	v28 =	vadd.f32 v8, v24  }
0x2de: {  	v2 =	vmul.f32 $-1.092548490e+00, v57;
	[tilespmem:s24+$0x2460] =	vst v31;
	v14 =	vmul.f32 v14, v23  }
0x2df: {  	[tilespmem:s24+$0xE60] =	vst v59;
	v40 =	vmul.f32 $4.886025190e-01, v10;
	v29 =	vadd.f32 v15, v25;
	v6 =	vmax.f32 v28, $0.0e+00  }
0x2e0: {  	[tilespmem:s24+$0xF60] =	vst v63;
	v14 =	vadd.f32 v14, v26;
	v59 =	vmul.f32 v10, v5;
	v63 =	vmul.f32 $-4.886025190e-01, v5  }
0x2e1: {  	[tilespmem:s24+$0x1060] =	vst v58;
	v8 =	vmax.f32 v29, $0.0e+00;
	v6 =	vmin.f32 v6, $1.270000000e+02;
	v57 =	vmul.f32 v7, v5  }
0x2e2: {  	[tilespmem:s24+$0x1260] =	vst v60;
	v58 =	vmul.f32 v10, v7;
	v62 =	vmul.f32 $-4.886025190e-01, v7;
	v8 =	vmin.f32 v8, $1.270000000e+02  }
0x2e3: {  	[tilespmem:s24+$0x1160] =	vst v2;
	v33 =	vtrunc.f32 v6;
	v14 =	vmax.f32 v14, $0.0e+00;
	v34 =	vtrunc.f32 v8  }
0x2e4: {  	[tilespmem:s24+$0xB60] =	vst v32;
	v3 =	vcvt.f32.s32 v33;
	v36 =	vmin.f32 v14, $1.270000000e+02;
	v35 =	vcvt.f32.s32 v34  }
0x2e5: {  	[tilespmem:s10+$0xC60] =	vst v40;
	v61 =	vmul.f32 $-1.092548490e+00, v59;
	v38 =	vtrunc.f32 v36  }
0x2e6: {  	[tilespmem:s24+$0xD60] =	vst v37;
	vm0 =	vlt.s32 v3, $0x7E;
	v39 =	vcvt.f32.s32 v38;
	vm1 =	vlt.s32 v35, $0x7E  }
0x2e7: {  	[tilespmem:s10+$0xD60] =	vst v63;
	v60 =	vmul.f32 $-1.092548490e+00, v58;
	v3 =	vnsel vm0, $0x7E, v3;
	v4 =	vnsel vm1, $0x7E, v35  }
0x2e8: {  	[tilespmem:s10+$0xB60] =	vst v62;
	vm15 =	vlt.s32 v39, $0x7E;
	v41 =	vshll.u32 v3, $0xE;
	v43 =	vcvt.s32.f32 v3  }
0x2e9: {  	[tilespmem:s10+$0x1160] =	vst v61;
	v42 =	vshll.u32 v4, $0x7;
	v45 =	vcvt.s32.f32 v4;
	v4 =	vmul.f32 $1.092548490e+00, v57  }
0x2ea: {  	[tilespmem:s10+$0xF60] =	vst v60;
	v44 =	vnsel vm15, $0x7E, v39;
	v2 =	vadd.s32 v41, v42  }
0x2eb: {  	v0 =	vsub.f32 v6, v43;
	v2 =	vadd.s32 v44, v2;
	[tilespmem:s10+$0xE60] =	vst v4  }
0x2ec: {  	[tilespmem:s10+$0x1E60] =	vst v2  }
0x2ed: {  	v1 =	vsub.f32 v8, v45;
	v46 =	vadd.s32 $0x4081, v2;
	[tilespmem:s10+$0x860] =	vst v0  }
0x2ee: {  	v47 =	vadd.f32 v10, v10;
	[tilespmem:s10+$0x2560] =	vst v46  }
0x2ef: {  	v50 =	vadd.s32 $0x1, v2;
	[tilespmem:s10+$0x960] =	vst v1  }
0x2f0: {  	v48 =	vmul.f32 v47, v10;
	v49 =	vmul.f32 v5, v5;
	v52 =	vadd.s32 $0x80, v2;
	[tilespmem:s10+$0x1F60] =	vst v50  }
0x2f1: {  	v51 =	vmul.f32 v7, v7;
	v53 =	vadd.s32 $0x81, v2;
	[tilespmem:s10+$0x2060] =	vst v52  }
0x2f2: {  	v3 =	vcvt.s32.f32 v44;
	v0 =	vsub.f32 v48, v49;
	v54 =	vadd.s32 $0x4000, v2;
	[tilespmem:s10+$0x2160] =	vst v53  }
0x2f3: {  	v55 =	vsub.f32 v49, v51;
	v56 =	vadd.s32 $0x4001, v2;
	[tilespmem:s10+$0x2260] =	vst v54  }
0x2f4: {  	v3 =	vsub.f32 v36, v3;
	v2 =	vadd.s32 $0x4080, v2;
	[tilespmem:s10+$0x2360] =	vst v56;
	v0 =	vsub.f32 v0, v51  }
0x2f5: {  	v1 =	vmul.f32 $5.462742450e-01, v55;
	[tilespmem:s10+$0x2460] =	vst v2  }
0x2f6: {  	[tilespmem:s10+$0xA60] =	vst v3;
	v0 =	vmul.f32 $3.153915700e-01, v0  }
0x2f7: {  	[tilespmem:s10+$0x1260] =	vst v1  }
0x2f8: {  	s26 =	simm.s32 $0x1D60;
	[tilespmem:s10+$0x1060] =	vst v0  }
0x2f9: {  	[tilespmem:s16], [sflag:$0x1] =	stream.indirect.gather [hbm4b:s6+s14], $0x9, s26, s14, $0xb8;
	[tilespmem:$0x12D60] =	vst v63  }
0x2fa: {  	s28 =	simm.s32 $0x1DE0;
	s30 =	simm.s32 $0x3560  }
0x2fb: {  	[tilespmem:s30], [sflag:$0x1] =	stream.indirect.gather [hbm4b:s6+s14], $0x9, s28, s14, $0xb8;
	[tilespmem:$0x12D60] =	vst v63  }
0x2fc: {  	s25 =	simm.s32 $0x1E60;
	s26 =	simm.s32 $0x3D60  }
0x2fd: {  	[tilespmem:s26], [sflag:$0x1] =	stream.indirect.gather [hbm4b:s6+s14], $0x9, s25, s14, $0xb8;
	[tilespmem:$0x12D60] =	vst v63  }
0x2fe: {  	s28 =	simm.s32 $0x1EE0;
	s30 =	simm.s32 $0x4560  }
0x2ff: {  	[tilespmem:s30], [sflag:$0x1] =	stream.indirect.gather [hbm4b:s6+s14], $0x9, s28, s14, $0xb8;
	[tilespmem:$0x12D60] =	vst v63  }
0x300: {  	s25 =	simm.s32 $0x1F60;
	s26 =	simm.s32 $0x4D60  }
0x301: {  	[tilespmem:s26], [sflag:$0x1] =	stream.indirect.gather [hbm4b:s6+s14], $0x9, s25, s14, $0xb8;
	[tilespmem:$0x12D60] =	vst v63  }
0x302: {  	s28 =	simm.s32 $0x1FE0;
	s30 =	simm.s32 $0x5560  }
0x303: {  	[tilespmem:s30], [sflag:$0x1] =	stream.indirect.gather [hbm4b:s6+s14], $0x9, s28, s14, $0xb8;
	[tilespmem:$0x12D60] =	vst v63  }
0x304: {  	s25 =	simm.s32 $0x2060;
	s26 =	simm.s32 $0x5D60  }
0x305: {  	[tilespmem:s26], [sflag:$0x1] =	stream.indirect.gather [hbm4b:s6+s14], $0x9, s25, s14, $0xb8;
	[tilespmem:$0x12D60] =	vst v63  }
0x306: {  	s28 =	simm.s32 $0x20E0;
	s30 =	simm.s32 $0x6560  }
0x307: {  	[tilespmem:s30], [sflag:$0x1] =	stream.indirect.gather [hbm4b:s6+s14], $0x9, s28, s14, $0xb8;
	[tilespmem:$0x12D60] =	vst v63  }
0x308: {  	s25 =	simm.s32 $0x2160;
	s26 =	simm.s32 $0x6D60  }
0x309: {  	[tilespmem:s26], [sflag:$0x1] =	stream.indirect.gather [hbm4b:s6+s14], $0x9, s25, s14, $0xb8;
	[tilespmem:$0x12D60] =	vst v63  }
0x30a: {  	s28 =	simm.s32 $0x21E0;
	s30 =	simm.s32 $0x7560  }
0x30b: {  	[tilespmem:s30], [sflag:$0x1] =	stream.indirect.gather [hbm4b:s6+s14], $0x9, s28, s14, $0xb8;
	[tilespmem:$0x12D60] =	vst v63  }
0x30c: {  	s25 =	simm.s32 $0x2260;
	s26 =	simm.s32 $0x7D60  }
0x30d: {  	[tilespmem:s26], [sflag:$0x1] =	stream.indirect.gather [hbm4b:s6+s14], $0x9, s25, s14, $0xb8;
	[tilespmem:$0x12D60] =	vst v63  }
0x30e: {  	s28 =	simm.s32 $0x22E0;
	s30 =	simm.s32 $0x8560  }
0x30f: {  	[tilespmem:s30], [sflag:$0x1] =	stream.indirect.gather [hbm4b:s6+s14], $0x9, s28, s14, $0xb8;
	[tilespmem:$0x12D60] =	vst v63  }
0x310: {  	s25 =	simm.s32 $0x2360;
	s26 =	simm.s32 $0x8D60  }
0x311: {  	[tilespmem:s26], [sflag:$0x1] =	stream.indirect.gather [hbm4b:s6+s14], $0x9, s25, s14, $0xb8;
	[tilespmem:$0x12D60] =	vst v63  }
0x312: {  	s28 =	simm.s32 $0x23E0;
	s30 =	simm.s32 $0x9560  }
0x313: {  	[tilespmem:s30], [sflag:$0x1] =	stream.indirect.gather [hbm4b:s6+s14], $0x9, s28, s14, $0xb8;
	[tilespmem:$0x12D60] =	vst v63  }
0x314: {  	s25 =	simm.s32 $0x2460;
	s26 =	simm.s32 $0x9D60  }
0x315: {  	[tilespmem:s26], [sflag:$0x1] =	stream.indirect.gather [hbm4b:s6+s14], $0x9, s25, s14, $0xb8;
	[tilespmem:$0x12D60] =	vst v63  }
0x316: {  	s28 =	simm.s32 $0x24E0;
	s30 =	simm.s32 $0xA560  }
0x317: {  	[tilespmem:s30], [sflag:$0x1] =	stream.indirect.gather [hbm4b:s6+s14], $0x9, s28, s14, $0xb8;
	[tilespmem:$0x12D60] =	vst v63  }
.LBB2_12:
0x318: {  	_ =	swait.ge [sflag:s21], $0x480  }
0x319: {  	[sflag:s21] =	ssyncset.done $0x0  }
0x31a: {  	[sflag:s21] =	ssyncadd.s32 $0xFFFFFB80  }
0x31b: {  	_ =	swait.ge [sflag:s21], $0x480  }
0x31c: {  	[sflag:s21] =	ssyncset.done $0x0  }
0x31d: {  	[sflag:s21] =	ssyncadd.s32 $0xFFFFFB80  }
0x31e: {  	_ =	swait.ge [sflag:s21], $0x480  }
0x31f: {  	[sflag:s21] =	ssyncset.done $0x0  }
0x320: {  	[sflag:s21] =	ssyncadd.s32 $0xFFFFFB80  }
0x321: {  	_ =	swait.ge [sflag:s21], $0x480  }
0x322: {  	[sflag:s21] =	ssyncset.done $0x0  }
0x323: {  	[sflag:s21] =	ssyncadd.s32 $0xFFFFFB80  }
0x324: {  	_ =	swait.ge [sflag:s21], $0x480  }
0x325: {  	[sflag:s21] =	ssyncset.done $0x0  }
0x326: {  	[sflag:s21] =	ssyncadd.s32 $0xFFFFFB80  }
0x327: {  	_ =	swait.ge [sflag:s21], $0x480  }
0x328: {  	[sflag:s21] =	ssyncset.done $0x0  }
0x329: {  	[sflag:s21] =	ssyncadd.s32 $0xFFFFFB80  }
0x32a: {  	_ =	swait.ge [sflag:s21], $0x480  }
0x32b: {  	[sflag:s21] =	ssyncset.done $0x0  }
0x32c: {  	[sflag:s21] =	ssyncadd.s32 $0xFFFFFB80  }
0x32d: {  	_ =	swait.ge [sflag:s21], $0x480  }
0x32e: {  	[sflag:s21] =	ssyncset.done $0x0  }
0x32f: {  	[sflag:s21] =	ssyncadd.s32 $0xFFFFFB80  }
0x330: {  	_ =	swait.ge [sflag:s21], $0x480  }
0x331: {  	[sflag:s21] =	ssyncset.done $0x0  }
0x332: {  	[sflag:s21] =	ssyncadd.s32 $0xFFFFFB80  }
0x333: {  	_ =	swait.ge [sflag:s21], $0x480  }
0x334: {  	[sflag:s21] =	ssyncset.done $0x0  }
0x335: {  	[sflag:s21] =	ssyncadd.s32 $0xFFFFFB80  }
0x336: {  	_ =	swait.ge [sflag:s21], $0x480  }
0x337: {  	[sflag:s21] =	ssyncset.done $0x0  }
0x338: {  	[sflag:s21] =	ssyncadd.s32 $0xFFFFFB80  }
0x339: {  	_ =	swait.ge [sflag:s21], $0x480  }
0x33a: {  	[sflag:s21] =	ssyncset.done $0x0  }
0x33b: {  	[sflag:s21] =	ssyncadd.s32 $0xFFFFFB80  }
0x33c: {  	_ =	swait.ge [sflag:s21], $0x480  }
0x33d: {  	[sflag:s21] =	ssyncset.done $0x0  }
0x33e: {  	[sflag:s21] =	ssyncadd.s32 $0xFFFFFB80  }
0x33f: {  	s10 =	simm.s32 $0x600;
	_ =	swait.ge [sflag:s21], $0x480  }
0x340: {  	s24 =	simm.s32 $0x500;
	v0 =	vmov s10;
	[sflag:s21] =	ssyncset.done $0x0  }
0x341: {  	v1 =	vmov s24;
	v0 =	vshll.u32 v0, $0x4;
	[sflag:s21] =	ssyncadd.s32 $0xFFFFFB80  }
0x342: {  	s24 =	simm.s32 $0x400;
	v1 =	vshll.u32 v1, $0x4;
	v4 =	vor.u32 v20, v0;
	_ =	swait.ge [sflag:s21], $0x480  }
0x343: {  	s25 =	simm.s32 $0x700;
	v0 =	vmov s24;
	v7 =	vor.u32 v20, v1;
	v1 =	vor.u32 $0x8, v4;
	[sflag:s21] =	ssyncset.done $0x0  }
0x344: {  	s26 =	simm.s32 $0x300;
	v2 =	vmov s25;
	v0 =	vshll.u32 v0, $0x4;
	v3 =	vor.u32 $0x8, v7;
	[sflag:s21] =	ssyncadd.s32 $0xFFFFFB80  }
0x345: {  	v5 =	vmov s26;
	v24 =	vor.u32 v20, v0;
	v0 =	vor.u32 $0x7, v4;
	_ =	swait.ge [sflag:s21], $0x480  }
0x346: {  	v2 =	vshll.u32 v2, $0x4;
	v5 =	vshll.u32 v5, $0x4;
	v9 =	vor.u32 $0x8, v24;
	[sflag:s21] =	ssyncset.done $0x0  }
0x347: {  	v11 =	vor.u32 v20, v2;
	v2 =	vor.u32 v20, v5;
	v10 =	vor.u32 $0x7, v7;
	[sflag:s21] =	ssyncadd.s32 $0xFFFFFB80  }
0x348: {  	v12 =	vor.u32 $0x8, v2;
	v29 =	vld.idx.msk [tilespmem:v1+s29+$0x0], $0xffff  }
0x349: {  	v14 =	vor.u32 $0x5, v7;
	v28 =	vld.idx.msk [tilespmem:v3+s29+$0x0], $0xffff  }
0x34a: {  	v8 =	vld.idx.msk [tilespmem:v0+s29+$0x0], $0xffff  }
0x34b: {  	v30 =	vld.idx.msk [tilespmem:v9+s29+$0x0], $0xffff  }
0x34c: {  	v15 =	vld.idx.msk [tilespmem:v10+s29+$0x0], $0xffff  }
0x34d: {  	v31 =	vld.idx.msk [tilespmem:v12+s29+$0x0], $0xffff  }
0x34e: {  	v14 =	vld.idx.msk [tilespmem:v14+s29+$0x0], $0xffff  }
0x34f: {  	v21 =	vor.u32 $0x1, v7;
	v26 =	vld.idx.msk [tilespmem:v7+s29+$0x0], $0xffff  }
0x350: {  	v32 =	vld.idx.msk [tilespmem:v24+s29+$0x0], $0xffff  }
0x351: {  	s25 =	simm.s32 $0x1760;
	v47 =	vor.u32 $0x1, v24;
	v40 =	vld.idx.msk [tilespmem:v2+s29+$0x0], $0xffff  }
0x352: {  	v49 =	vor.u32 $0x1, v2;
	v45 =	vld [tilespmem:s25+$0xFFFFFC00]  }
0x353: {  	v59 =	vor.u32 $0x2, v4;
	v46 =	vld [tilespmem:s25+$0xFFFFFB00]  }
0x354: {  	v63 =	vor.u32 $0x2, v2;
	v53 =	vld.idx.msk [tilespmem:v21+s29+$0x0], $0xffff  }
0x355: {  	s28 =	simm.s32 $0x200;
	v52 =	vor.u32 $0x3, v7;
	v56 =	vld [tilespmem:s25+$0xFFFFFE00]  }
0x356: {  	v5 =	vmov s28;
	v1 =	vor.u32 $0x5, v11;
	v47 =	vld.idx.msk [tilespmem:v47+s29+$0x0], $0xffff  }
0x357: {  	v3 =	vshll.u32 v5, $0x4;
	v5 =	vor.u32 $0x5, v4;
	v49 =	vld.idx.msk [tilespmem:v49+s29+$0x0], $0xffff  }
0x358: {  	v12 =	vor.u32 $0x4, v4;
	v59 =	vld.idx.msk [tilespmem:v59+s29+$0x0], $0xffff  }
0x359: {  	v0 =	vor.u32 $0x4, v11;
	v63 =	vld.idx.msk [tilespmem:v63+s29+$0x0], $0xffff;
	v6 =	vor.u32 v20, v3  }
0x35a: {  	v52 =	vld.idx.msk [tilespmem:v52+s29+$0x0], $0xffff;
	v3 =	vor.u32 $0x8, v6  }
0x35b: {  	s30 =	simm.s32 $0x0;
	v9 =	vld.idx.msk [tilespmem:v1+s29+$0x0], $0xffff  }
0x35c: {  	s24 =	simm.s32 $0x100;
	v10 =	vmov s30;
	v13 =	vld.idx.msk [tilespmem:v5+s29+$0x0], $0xffff;
	v5 =	vor.u32 $0x3, v11  }
0x35d: {  	v1 =	vshll.u32 v10, $0x4;
	v10 =	vmov s24;
	v16 =	vld.idx.msk [tilespmem:v12+s29+$0x0], $0xffff;
	v12 =	vor.u32 $0x2, v11  }
0x35e: {  	v18 =	vor.u32 v20, v1;
	v1 =	vshll.u32 v10, $0x4;
	v10 =	vld.idx.msk [tilespmem:v0+s29+$0x0], $0xffff  }
0x35f: {  	v17 =	vor.u32 $0x8, v18;
	v19 =	vor.u32 v20, v1;
	v37 =	vld.idx.msk [tilespmem:v3+s29+$0x0], $0xffff  }
0x360: {  	v25 =	vmov v20;
	v20 =	vld.idx.msk [tilespmem:v4+s29+$0x0], $0xffff;
	v0 =	vor.u32 $0x8, v19  }
0x361: {  	v3 =	vor.u32 $0x5, v24;
	v38 =	vld.idx.msk [tilespmem:v5+s29+$0x0], $0xffff  }
0x362: {  	v27 =	vld.idx.msk [tilespmem:v12+s29+$0x0], $0xffff  }
0x363: {  	v5 =	vor.u32 $0x3, v4;
	v42 =	vld.idx.msk [tilespmem:v18+s29+$0x0], $0xffff  }
0x364: {  	v12 =	vor.u32 $0x1, v4;
	v33 =	vld.idx.msk [tilespmem:v17+s29+$0x0], $0xffff  }
0x365: {  	v35 =	vld.idx.msk [tilespmem:v0+s29+$0x0], $0xffff;
	v0 =	vor.u32 $0x1, v11  }
0x366: {  	v39 =	vor.u32 $0x4, v7;
	v54 =	vor.u32 $0x1, v18;
	v23 =	vld.idx.msk [tilespmem:v3+s29+$0x0], $0xffff  }
0x367: {  	v34 =	vor.u32 $0x4, v24;
	v21 =	vor.u32 $0x6, v24;
	v55 =	vor.u32 $0x1, v19;
	v17 =	vld.idx.msk [tilespmem:v11+s29+$0x0], $0xffff  }
0x368: {  	v51 =	vor.u32 $0x1, v6;
	v26 =	vmul.f32 $2.820948060e-01, v26;
	v57 =	vsub.f32 $1.000000000e+00, v45;
	v36 =	vld.idx.msk [tilespmem:v5+s29+$0x0], $0xffff  }
0x369: {  	v40 =	vmul.f32 $2.820948060e-01, v40;
	v58 =	vsub.f32 $1.000000000e+00, v46;
	v60 =	vmul.f32 $2.820948060e-01, v32;
	v50 =	vld.idx.msk [tilespmem:v12+s29+$0x0], $0xffff  }
0x36a: {  	v53 =	vmul.f32 v53, v56;
	v1 =	vor.u32 $0x7, v6;
	v43 =	vor.u32 $0x7, v18;
	v48 =	vld.idx.msk [tilespmem:v0+s29+$0x0], $0xffff  }
0x36b: {  	v62 =	vmul.f32 v45, v58;
	v5 =	vor.u32 $0x6, v4;
	v4 =	vmul.f32 v45, v46;
	v45 =	vld.idx.msk [tilespmem:v54+s29+$0x0], $0xffff  }
0x36c: {  	v61 =	vmul.f32 v57, v46;
	v3 =	vor.u32 $0x7, v11;
	v20 =	vmul.f32 $2.820948060e-01, v20;
	v55 =	vld.idx.msk [tilespmem:v55+s29+$0x0], $0xffff  }
0x36d: {  	v41 =	vld.idx.msk [tilespmem:v6+s29+$0x0], $0xffff;
	v12 =	vor.u32 $0x6, v7;
	v46 =	vor.u32 $0x2, v7;
	v54 =	vmul.f32 v57, v58  }
0x36e: {  	v51 =	vld.idx.msk [tilespmem:v51+s29+$0x0], $0xffff;
	v58 =	vor.u32 $0x2, v24;
	v42 =	vmul.f32 $2.820948060e-01, v42;
	v50 =	vmul.f32 v50, v56  }
0x36f: {  	v57 =	vld.idx.msk [tilespmem:v19+s29+$0x0], $0xffff;
	v17 =	vmul.f32 $2.820948060e-01, v17;
	v0 =	vor.u32 $0x2, v6;
	v48 =	vmul.f32 v48, v56  }
0x370: {  	v7 =	vld [tilespmem:s25+$0xFFFFFD00];
	v45 =	vmul.f32 v45, v56;
	v50 =	vadd.f32 v50, v20;
	v20 =	vmul.f32 v49, v56  }
0x371: {  	v39 =	vld.idx.msk [tilespmem:v39+s29+$0x0], $0xffff;
	v49 =	vmul.f32 v55, v56;
	v55 =	vor.u32 $0x2, v19;
	v48 =	vadd.f32 v48, v17  }
0x372: {  	v46 =	vld.idx.msk [tilespmem:v46+s29+$0x0], $0xffff;
	v17 =	vmul.f32 v47, v56;
	v47 =	vadd.f32 v53, v26;
	v26 =	vor.u32 $0x2, v18  }
0x373: {  	v41 =	vmul.f32 $2.820948060e-01, v41;
	v51 =	vmul.f32 v51, v56;
	[tilespmem:$0x1FC30] =	vst v3;
	v3 =	vor.u32 $0x8, v11;
	v53 =	vld [tilespmem:s25+$0xFFFFFF00]  }
0x374: {  	[tilespmem:$0x1FC40] =	vst v3;
	v3 =	vor.u32 $0x6, v11;
	v58 =	vld.idx.msk [tilespmem:v58+s29+$0x0], $0xffff;
	v57 =	vmul.f32 $2.820948060e-01, v57;
	v42 =	vadd.f32 v45, v42  }
0x375: {  	v11 =	vor.u32 $0x7, v24;
	v45 =	vld.idx.msk [tilespmem:v0+s29+$0x0], $0xffff;
	v40 =	vadd.f32 v20, v40;
	v20 =	vsub.f32 $1.000000000e+00, v7  }
0x376: {  	v41 =	vadd.f32 v51, v41;
	v51 =	vor.u32 $0x3, v24;
	v49 =	vadd.f32 v49, v57;
	v55 =	vld.idx.msk [tilespmem:v55+s29+$0x0], $0xffff  }
0x377: {  	v24 =	vmul.f32 v20, v61;
	v60 =	vadd.f32 v17, v60;
	v17 =	vmul.f32 v61, v7;
	v26 =	vld.idx.msk [tilespmem:v26+s29+$0x0], $0xffff  }
0x378: {  	v34 =	vld.idx.msk [tilespmem:v34+s29+$0x0], $0xffff;
	v57 =	vor.u32 $0x3, v2;
	v27 =	vmul.f32 v27, v53;
	v46 =	vmul.f32 v46, v53  }
0x379: {  	v1 =	vld.idx.msk [tilespmem:v1+s29+$0x0], $0xffff;
	v59 =	vmul.f32 v59, v53;
	v61 =	vmul.f32 v63, v53;
	v63 =	vor.u32 $0x3, v19  }
0x37a: {  	v43 =	vld.idx.msk [tilespmem:v43+s29+$0x0], $0xffff;
	v58 =	vmul.f32 v58, v53;
	v46 =	vadd.f32 v46, v47;
	v47 =	vor.u32 $0x3, v6  }
0x37b: {  	v51 =	vld.idx.msk [tilespmem:v51+s29+$0x0], $0xffff;
	v45 =	vmul.f32 v45, v53;
	v50 =	vadd.f32 v59, v50;
	v59 =	vor.u32 $0x3, v18  }
0x37c: {  	v26 =	vmul.f32 v26, v53;
	v53 =	vmul.f32 v55, v53;
	v55 =	vld [tilespmem:s25+$0x0]  }
0x37d: {  	v22 =	vor.u32 $0x7, v2;
	v56 =	vor.u32 $0x6, v18;
	v57 =	vld.idx.msk [tilespmem:v57+s29+$0x0], $0xffff  }
0x37e: {  	v0 =	vmul.f32 v7, v62;
	v61 =	vadd.f32 v61, v40;
	v40 =	vmul.f32 v20, v62;
	v62 =	vld.idx.msk [tilespmem:v63+s29+$0x0], $0xffff  }
0x37f: {  	v44 =	vor.u32 $0x6, v6;
	v32 =	vor.u32 $0x7, v19;
	v48 =	vadd.f32 v27, v48;
	v47 =	vld.idx.msk [tilespmem:v47+s29+$0x0], $0xffff  }
0x380: {  	v58 =	vadd.f32 v58, v60;
	v60 =	vmul.f32 v20, v54;
	v41 =	vadd.f32 v45, v41;
	v59 =	vld.idx.msk [tilespmem:v59+s29+$0x0], $0xffff  }
0x381: {  	v11 =	vld.idx.msk [tilespmem:v11+s29+$0x0], $0xffff;
	v45 =	vor.u32 $0x4, v2;
	v38 =	vmul.f32 v38, v55;
	v52 =	vmul.f32 v52, v55  }
0x382: {  	v56 =	vld.idx.msk [tilespmem:v56+s29+$0x0], $0xffff;
	v49 =	vadd.f32 v53, v49;
	v36 =	vmul.f32 v36, v55;
	v51 =	vmul.f32 v51, v55  }
0x383: {  	v53 =	vld [tilespmem:s25+$0x400];
	v57 =	vmul.f32 v57, v55;
	v38 =	vadd.f32 v38, v48;
	v46 =	vadd.f32 v52, v46  }
0x384: {  	v48 =	vld [tilespmem:s25+$0x300];
	v52 =	vor.u32 $0x4, v6;
	v36 =	vadd.f32 v36, v50;
	v47 =	vmul.f32 v47, v55  }
0x385: {  	v50 =	vld [tilespmem:s25+$0x200];
	v59 =	vmul.f32 v59, v55;
	v55 =	vmul.f32 v62, v55;
	v62 =	vor.u32 $0x4, v18  }
0x386: {  	v44 =	vld.idx.msk [tilespmem:v44+s29+$0x0], $0xffff;
	v63 =	vor.u32 $0x5, v2;
	v51 =	vadd.f32 v51, v58;
	v58 =	vor.u32 $0x4, v19  }
0x387: {  	v26 =	vadd.f32 v26, v42;
	v57 =	vadd.f32 v57, v61;
	v61 =	vld [tilespmem:s25+$0x100];
	v18 =	vor.u32 $0x5, v18  }
0x388: {  	v42 =	vor.u32 $0x6, v19;
	v45 =	vld.idx.msk [tilespmem:v45+s29+$0x0], $0xffff;
	v43 =	vmul.f32 v43, v53;
	v19 =	vor.u32 $0x5, v19  }
0x389: {  	v1 =	vmul.f32 v1, v53;
	v6 =	vor.u32 $0x5, v6;
	v11 =	vmul.f32 v11, v53;
	v52 =	vld.idx.msk [tilespmem:v52+s29+$0x0], $0xffff  }
0x38a: {  	v2 =	vor.u32 $0x6, v2;
	v56 =	vmul.f32 v56, v48;
	v13 =	vmul.f32 v13, v50;
	v62 =	vld.idx.msk [tilespmem:v62+s29+$0x0], $0xffff  }
0x38b: {  	v26 =	vadd.f32 v59, v26;
	v9 =	vmul.f32 v9, v50;
	v14 =	vmul.f32 v14, v50;
	v58 =	vld.idx.msk [tilespmem:v58+s29+$0x0], $0xffff  }
0x38c: {  	v41 =	vadd.f32 v47, v41;
	v10 =	vmul.f32 v10, v61;
	v18 =	vld.idx.msk [tilespmem:v18+s29+$0x0], $0xffff;
	v39 =	vmul.f32 v39, v61  }
0x38d: {  	v47 =	vadd.f32 v55, v49;
	v16 =	vmul.f32 v16, v61;
	v19 =	vld.idx.msk [tilespmem:v19+s29+$0x0], $0xffff;
	v45 =	vmul.f32 v45, v61  }
0x38e: {  	v34 =	vmul.f32 v34, v61;
	v6 =	vld.idx.msk [tilespmem:v6+s29+$0x0], $0xffff;
	v10 =	vadd.f32 v10, v38;
	v39 =	vadd.f32 v39, v46  }
0x38f: {  	v16 =	vadd.f32 v16, v36;
	v45 =	vadd.f32 v45, v57;
	v55 =	vmul.f32 v62, v61;
	v62 =	vld.idx.msk [tilespmem:v63+s29+$0x0], $0xffff  }
0x390: {  	v2 =	vld.idx.msk [tilespmem:v2+s29+$0x0], $0xffff;
	v23 =	vmul.f32 v23, v50;
	v34 =	vadd.f32 v34, v51;
	v9 =	vadd.f32 v9, v10  }
0x391: {  	v10 =	vld.idx.msk [tilespmem:v22+s29+$0x0], $0xffff;
	v14 =	vadd.f32 v14, v39;
	v13 =	vadd.f32 v13, v16;
	v49 =	vmul.f32 v52, v61  }
0x392: {  	v23 =	vadd.f32 v23, v34;
	v52 =	vld.idx.msk [tilespmem:v42+s29+$0x0], $0xffff;
	v63 =	vmul.f32 v58, v61;
	v18 =	vmul.f32 v18, v50  }
0x393: {  	v16 =	vld.idx.msk [tilespmem:v21+s29+$0x0], $0xffff;
	v6 =	vmul.f32 v6, v50;
	v26 =	vadd.f32 v55, v26;
	v41 =	vadd.f32 v49, v41  }
0x394: {  	v32 =	vld.idx.msk [tilespmem:v32+s29+$0x0], $0xffff;
	v19 =	vmul.f32 v19, v50;
	v49 =	vadd.f32 v63, v47;
	v22 =	vmul.f32 v62, v50  }
0x395: {  	v12 =	vld.idx.msk [tilespmem:v12+s29+$0x0], $0xffff;
	v44 =	vmul.f32 v44, v48;
	v18 =	vadd.f32 v18, v26;
	v6 =	vadd.f32 v6, v41  }
0x396: {  	v27 =	vld [tilespmem:s25+$0x500];
	v2 =	vmul.f32 v2, v48;
	v19 =	vadd.f32 v19, v49;
	v22 =	vadd.f32 v22, v45  }
0x397: {  	v10 =	vmul.f32 v10, v53;
	v21 =	vmul.f32 v52, v48;
	v6 =	vadd.f32 v44, v6  }
0x398: {  	v16 =	vmul.f32 v16, v48;
	v18 =	vadd.f32 v56, v18;
	v2 =	vadd.f32 v2, v22  }
0x399: {  	v19 =	vadd.f32 v21, v19;
	v21 =	vmul.f32 v32, v53;
	v6 =	vadd.f32 v1, v6;
	v1 =	vld.idx.msk [tilespmem:v3+s29+$0x0], $0xffff  }
0x39a: {  	v12 =	vmul.f32 v12, v48;
	v3 =	vld [tilespmem:$0x1FC30];
	v2 =	vadd.f32 v10, v2;
	v10 =	vadd.f32 v16, v23  }
0x39b: {  	v5 =	vld.idx.msk [tilespmem:v5+s29+$0x0], $0xffff;
	v33 =	vmul.f32 v33, v27;
	v18 =	vadd.f32 v43, v18;
	v19 =	vadd.f32 v21, v19  }
0x39c: {  	v35 =	vmul.f32 v35, v27;
	v10 =	vadd.f32 v11, v10;
	v11 =	vadd.f32 v12, v14;
	v12 =	vld [tilespmem:$0x1FC40]  }
0x39d: {  	v54 =	vmul.f32 v54, v7;
	v30 =	vmul.f32 v30, v27  }
0x39e: {  	v37 =	vmul.f32 v37, v27;
	v18 =	vadd.f32 v33, v18;
	v19 =	vadd.f32 v35, v19  }
0x39f: {  	v28 =	vmul.f32 v28, v27;
	v31 =	vmul.f32 v31, v27  }
0x3a0: {  	v6 =	vadd.f32 v37, v6;
	v16 =	vmul.f32 v18, v60;
	v18 =	vmul.f32 v19, v54  }
0x3a1: {  	v15 =	vmul.f32 v15, v53;
	v5 =	vmul.f32 v5, v48  }
0x3a2: {  	v6 =	vmul.f32 v6, v40;
	v2 =	vadd.f32 v31, v2;
	v14 =	vadd.f32 v18, v16;
	v3 =	vld.idx.msk [tilespmem:v3+s29+$0x0], $0xffff  }
0x3a3: {  	v8 =	vmul.f32 v8, v53;
	v5 =	vadd.f32 v5, v13;
	v11 =	vadd.f32 v15, v11  }
0x3a4: {  	v0 =	vmul.f32 v2, v0;
	v2 =	vadd.f32 v30, v10;
	v6 =	vadd.f32 v6, v14;
	v12 =	vld.idx.msk [tilespmem:v12+s29+$0x0], $0xffff  }
0x3a5: {  	v29 =	vmul.f32 v29, v27;
	v5 =	vadd.f32 v8, v5;
	v1 =	vmul.f32 v1, v48  }
0x3a6: {  	v2 =	vmul.f32 v2, v24;
	v0 =	vadd.f32 v0, v6;
	v6 =	vadd.f32 v28, v11  }
0x3a7: {  	v8 =	vmul.f32 v20, v4;
	v1 =	vadd.f32 v1, v9;
	v3 =	vmul.f32 v3, v53  }
0x3a8: {  	v5 =	vadd.f32 v29, v5;
	v0 =	vadd.f32 v2, v0;
	v2 =	vmul.f32 v6, v17  }
0x3a9: {  	s28 =	simm.s32 $0x610;
	v1 =	vadd.f32 v3, v1;
	v3 =	vmul.f32 v12, v27  }
0x3aa: {  	v9 =	vmov s28;
	v0 =	vadd.f32 v2, v0;
	v2 =	vmul.f32 v5, v8  }
0x3ab: {  	s26 =	simm.s32 $0x510;
	v7 =	vmul.f32 v7, v4;
	v4 =	vshll.u32 v9, $0x4;
	v1 =	vadd.f32 v3, v1  }
0x3ac: {  	s24 =	simm.s32 $0x410;
	v4 =	vor.u32 v25, v4;
	v6 =	vmov s26;
	v0 =	vadd.f32 v2, v0  }
0x3ad: {  	v2 =	vmov s24;
	v3 =	vshll.u32 v6, $0x4;
	v1 =	vmul.f32 v1, v7  }
0x3ae: {  	v2 =	vshll.u32 v2, $0x4;
	v6 =	vor.u32 $0x8, v4;
	v3 =	vor.u32 v25, v3  }
0x3af: {  	s28 =	simm.s32 $0x10;
	v2 =	vor.u32 v25, v2;
	v7 =	vor.u32 $0x8, v3;
	v0 =	vadd.f32 v1, v0  }
0x3b0: {  	v15 =	vmov s28;
	v9 =	vor.u32 $0x8, v2  }
0x3b1: {  	v15 =	vshll.u32 v15, $0x4;
	s24 =	simm.s32 $0x660;
	v10 =	vor.u32 $0x7, v3;
	v0 =	vmax.f32 v0, $0.0e+00  }
0x3b2: {  	v34 =	vor.u32 v25, v15;
	v16 =	vor.u32 $0x5, v3;
	[tilespmem:s24+$0x0] =	vst v0  }
0x3b3: {  	s30 =	simm.s32 $0x710;
	v18 =	vor.u32 $0x8, v34;
	v6 =	vld.idx.msk [tilespmem:v6+s29+$0x0], $0xffff  }
0x3b4: {  	v5 =	vmov s30;
	s30 =	simm.s32 $0x110;
	v13 =	vld.idx.msk [tilespmem:v7+s29+$0x0], $0xffff  }
0x3b5: {  	v17 =	vmov s30;
	v9 =	vld.idx.msk [tilespmem:v9+s29+$0x0], $0xffff  }
0x3b6: {  	v15 =	vshll.u32 v17, $0x4;
	v10 =	vld.idx.msk [tilespmem:v10+s29+$0x0], $0xffff  }
0x3b7: {  	v5 =	vshll.u32 v5, $0x4;
	v33 =	vor.u32 v25, v15;
	v21 =	vld.idx.msk [tilespmem:v16+s29+$0x0], $0xffff  }
0x3b8: {  	s25 =	simm.s32 $0x310;
	v30 =	vor.u32 $0x3, v4;
	s26 =	simm.s32 $0x210;
	v5 =	vor.u32 v25, v5;
	v22 =	vld.idx.msk [tilespmem:v18+s29+$0x0], $0xffff  }
0x3b9: {  	v11 =	vmov s26;
	v8 =	vmov s25;
	s25 =	simm.s32 $0x1770;
	v51 =	vor.u32 $0x2, v5;
	v28 =	vld.idx.msk [tilespmem:v34+s29+$0x0], $0xffff  }
0x3ba: {  	v7 =	vshll.u32 v11, $0x4;
	v11 =	vor.u32 $0x5, v4;
	v31 =	vld [tilespmem:s25+$0xFFFFFC00]  }
0x3bb: {  	v8 =	vshll.u32 v8, $0x4;
	v35 =	vld [tilespmem:s25+$0xFFFFFB00]  }
0x3bc: {  	v1 =	vor.u32 $0x7, v4;
	v0 =	vor.u32 v25, v8;
	v54 =	vld.idx.msk [tilespmem:v33+s29+$0x0], $0xffff  }
0x3bd: {  	v12 =	vor.u32 $0x8, v0;
	v47 =	vld.idx.msk [tilespmem:v30+s29+$0x0], $0xffff;
	v29 =	vor.u32 v25, v7  }
0x3be: {  	v50 =	vld.idx.msk [tilespmem:v51+s29+$0x0], $0xffff;
	v7 =	vor.u32 $0x8, v29  }
0x3bf: {  	v17 =	vld.idx.msk [tilespmem:v11+s29+$0x0], $0xffff;
	v11 =	vor.u32 $0x3, v5  }
0x3c0: {  	v40 =	vld [tilespmem:s25+$0x200]  }
0x3c1: {  	v16 =	vor.u32 $0x5, v2;
	v14 =	vld.idx.msk [tilespmem:v1+s29+$0x0], $0xffff  }
0x3c2: {  	v19 =	vld.idx.msk [tilespmem:v12+s29+$0x0], $0xffff  }
0x3c3: {  	v20 =	vld.idx.msk [tilespmem:v7+s29+$0x0], $0xffff;
	v7 =	vor.u32 $0x7, v29  }
0x3c4: {  	v39 =	vld.idx.msk [tilespmem:v11+s29+$0x0], $0xffff  }
0x3c5: {  	v11 =	vld.idx.msk [tilespmem:v4+s29+$0x0], $0xffff  }
0x3c6: {  	v27 =	vld.idx.msk [tilespmem:v16+s29+$0x0], $0xffff  }
0x3c7: {  	v1 =	vor.u32 $0x4, v5;
	v16 =	vld.idx.msk [tilespmem:v2+s29+$0x0], $0xffff  }
0x3c8: {  	v26 =	vld.idx.msk [tilespmem:v7+s29+$0x0], $0xffff;
	v7 =	vor.u32 $0x4, v3  }
0x3c9: {  	v8 =	vor.u32 $0x5, v5;
	v23 =	vld.idx.msk [tilespmem:v29+s29+$0x0], $0xffff  }
0x3ca: {  	v12 =	vor.u32 $0x4, v4;
	v63 =	vmul.f32 $2.820948060e-01, v11;
	v11 =	vld [tilespmem:s25+$0x500]  }
0x3cb: {  	v18 =	vld.idx.msk [tilespmem:v0+s29+$0x0], $0xffff  }
0x3cc: {  	v15 =	vld.idx.msk [tilespmem:v1+s29+$0x0], $0xffff  }
0x3cd: {  	v52 =	vor.u32 $0x7, v34;
	v1 =	vor.u32 $0x8, v33;
	v45 =	vld.idx.msk [tilespmem:v7+s29+$0x0], $0xffff;
	v7 =	vor.u32 $0x7, v5  }
0x3ce: {  	v8 =	vld.idx.msk [tilespmem:v8+s29+$0x0], $0xffff;
	v58 =	vmul.f32 $2.820948060e-01, v16;
	v16 =	vsub.f32 $1.000000000e+00, v35;
	[tilespmem:$0x1FC50] =	vst v7;
	v7 =	vor.u32 $0x8, v5  }
0x3cf: {  	v24 =	vld.idx.msk [tilespmem:v12+s29+$0x0], $0xffff;
	v57 =	vmul.f32 $2.820948060e-01, v23;
	[tilespmem:$0x1FC60] =	vst v7;
	v7 =	vor.u32 $0x6, v4;
	v6 =	vmul.f32 v6, v11  }
0x3d0: {  	v30 =	vsub.f32 $1.000000000e+00, v31;
	v23 =	vmul.f32 v31, v16;
	v31 =	vmul.f32 v31, v35;
	[tilespmem:$0x1FC70] =	vst v7;
	v7 =	vld [tilespmem:s25+$0xFFFFFD00]  }
0x3d1: {  	v53 =	vor.u32 $0x6, v29;
	v12 =	vld.idx.msk [tilespmem:v3+s29+$0x0], $0xffff;
	[tilespmem:$0x1FD10] =	vst v6;
	v6 =	vmul.f32 v9, v11  }
0x3d2: {  	v55 =	vor.u32 $0x4, v2;
	v51 =	vor.u32 $0x1, v5;
	v60 =	vmul.f32 $2.820948060e-01, v18;
	v25 =	vld.idx.msk [tilespmem:v1+s29+$0x0], $0xffff;
	[tilespmem:$0x1FC80] =	vst v31  }
0x3d3: {  	v18 =	vmul.f32 v30, v35;
	v1 =	vld.idx.msk [tilespmem:v5+s29+$0x0], $0xffff;
	v5 =	vor.u32 $0x6, v5;
	[tilespmem:$0x1FD20] =	vst v6;
	v6 =	vmul.f32 v13, v11  }
0x3d4: {  	v49 =	vor.u32 $0x6, v34;
	v61 =	vmul.f32 $2.820948060e-01, v28;
	v28 =	vld.idx.msk [tilespmem:v52+s29+$0x0], $0xffff;
	[tilespmem:$0x1FCD0] =	vst v5;
	v13 =	vmul.f32 v19, v11  }
0x3d5: {  	v36 =	vor.u32 $0x1, v34;
	v59 =	vmul.f32 $2.820948060e-01, v54;
	v54 =	vld [tilespmem:s25+$0x100];
	v31 =	vmul.f32 v18, v7;
	[tilespmem:$0x1FD30] =	vst v6  }
0x3d6: {  	v37 =	vld.idx.msk [tilespmem:v53+s29+$0x0], $0xffff;
	v62 =	vmul.f32 $2.820948060e-01, v12;
	v12 =	vsub.f32 $1.000000000e+00, v7;
	v6 =	vmul.f32 v20, v11;
	[tilespmem:$0x1FD50] =	vst v13  }
0x3d7: {  	v44 =	vor.u32 $0x5, v0;
	v52 =	vmul.f32 v27, v40;
	v27 =	vld [tilespmem:s25+$0xFFFFFF00];
	[tilespmem:$0x1FC90] =	vst v31;
	v31 =	vmul.f32 v7, v23  }
0x3d8: {  	v32 =	vor.u32 $0x2, v0;
	v16 =	vmul.f32 v30, v16;
	v35 =	vld.idx.msk [tilespmem:v55+s29+$0x0], $0xffff;
	v18 =	vmul.f32 v12, v18;
	[tilespmem:$0x1FD40] =	vst v6  }
0x3d9: {  	v53 =	vmul.f32 v17, v40;
	v30 =	vor.u32 $0x3, v3;
	v5 =	vld.idx.msk [tilespmem:v49+s29+$0x0], $0xffff;
	v23 =	vmul.f32 v12, v23;
	[tilespmem:$0x1FCA0] =	vst v31  }
0x3da: {  	v9 =	vor.u32 $0x3, v2;
	v56 =	vmul.f32 v12, v16;
	v16 =	vmul.f32 v16, v7;
	[tilespmem:$0x1FCB0] =	vst v18;
	v18 =	vld [tilespmem:s25+$0x400]  }
0x3db: {  	v55 =	vmul.f32 v8, v40;
	v8 =	vmul.f32 v15, v54;
	v20 =	vor.u32 $0x2, v3;
	[tilespmem:$0x1FCE0] =	vst v23;
	v23 =	vld [tilespmem:s25+$0x300]  }
0x3dc: {  	v17 =	vld [tilespmem:s25+$0xFFFFFE00];
	v13 =	vmul.f32 v22, v11;
	v31 =	vor.u32 $0x2, v4;
	[tilespmem:$0x1FCF0] =	vst v16;
	v16 =	vor.u32 $0x6, v3  }
0x3dd: {  	v15 =	vor.u32 $0x4, v29;
	v19 =	vor.u32 $0x2, v2;
	v22 =	vld.idx.msk [tilespmem:v51+s29+$0x0], $0xffff;
	[tilespmem:$0x1FD00] =	vst v16;
	v16 =	vmul.f32 v25, v11  }
0x3de: {  	v1 =	vmul.f32 $2.820948060e-01, v1;
	v49 =	vor.u32 $0x6, v33;
	v6 =	vld.idx.msk [tilespmem:v30+s29+$0x0], $0xffff;
	[tilespmem:$0x1FD60] =	vst v13;
	v3 =	vor.u32 $0x1, v3  }
0x3df: {  	v51 =	vor.u32 $0x5, v29;
	[tilespmem:$0x1FD70] =	vst v16;
	v16 =	vld.idx.msk [tilespmem:v9+s29+$0x0], $0xffff;
	v9 =	vor.u32 $0x1, v2;
	v10 =	vmul.f32 v10, v18  }
0x3e0: {  	[tilespmem:$0x1FCC0] =	vst v56;
	v4 =	vor.u32 $0x1, v4;
	v25 =	vld.idx.msk [tilespmem:v20+s29+$0x0], $0xffff;
	v48 =	vmul.f32 v5, v23;
	v5 =	vor.u32 $0x7, v2  }
0x3e1: {  	v13 =	vld.idx.msk [tilespmem:v31+s29+$0x0], $0xffff;
	v2 =	vor.u32 $0x6, v2;
	[tilespmem:$0x1FD80] =	vst v10;
	v10 =	vmul.f32 v14, v18;
	v14 =	vor.u32 $0x1, v0  }
0x3e2: {  	v56 =	vmul.f32 v21, v40;
	v43 =	vmul.f32 v28, v18;
	v28 =	vld.idx.msk [tilespmem:v19+s29+$0x0], $0xffff;
	[tilespmem:$0x1FDB0] =	vst v2;
	v2 =	vor.u32 $0x7, v0  }
0x3e3: {  	v21 =	vor.u32 $0x2, v29;
	v20 =	vor.u32 $0x3, v0;
	v30 =	vld.idx.msk [tilespmem:v3+s29+$0x0], $0xffff;
	[tilespmem:$0x1FDC0] =	vst v2;
	v2 =	vor.u32 $0x6, v0  }
0x3e4: {  	v42 =	vmul.f32 v26, v18;
	v46 =	vmul.f32 v37, v23;
	v3 =	vor.u32 $0x5, v34;
	[tilespmem:$0x1FDD0] =	vst v2;
	v31 =	vld.idx.msk [tilespmem:v9+s29+$0x0], $0xffff  }
0x3e5: {  	v2 =	vor.u32 $0x4, v0;
	v0 =	vmul.f32 v35, v54;
	v35 =	vor.u32 $0x1, v29;
	[tilespmem:$0x1FD90] =	vst v10;
	v10 =	vld.idx.msk [tilespmem:v4+s29+$0x0], $0xffff  }
0x3e6: {  	v19 =	vor.u32 $0x4, v34;
	v37 =	vor.u32 $0x1, v33;
	[tilespmem:$0x1FDA0] =	vst v5;
	v5 =	vmul.f32 v24, v54;
	v26 =	vld.idx.msk [tilespmem:v14+s29+$0x0], $0xffff  }
0x3e7: {  	s10 =	simm.s32 $0x720;
	v9 =	vmul.f32 v45, v54;
	v45 =	vor.u32 $0x7, v33;
	v4 =	vor.u32 $0x5, v33;
	v14 =	vld [tilespmem:s25+$0x0]  }
.LBB2_13:
0x3e8: {  	_ = 	snop  }
0x3e9: {  	v24 =	vor.u32 $0x2, v34  }
0x3ea: {  	v35 =	vld.idx.msk [tilespmem:v35+s29+$0x0], $0xffff;
	v38 =	vor.u32 $0x2, v33  }
0x3eb: {  	v36 =	vld.idx.msk [tilespmem:v36+s29+$0x0], $0xffff  }
0x3ec: {  	v32 =	vld.idx.msk [tilespmem:v32+s29+$0x0], $0xffff;
	v16 =	vmul.f32 v16, v14  }
0x3ed: {  	v41 =	vor.u32 $0x4, v33;
	v21 =	vld.idx.msk [tilespmem:v21+s29+$0x0], $0xffff;
	v13 =	vmul.f32 v13, v27;
	v50 =	vmul.f32 v50, v27  }
0x3ee: {  	v29 =	vor.u32 $0x3, v29;
	v28 =	vmul.f32 v28, v27;
	v25 =	vmul.f32 v25, v27;
	v24 =	vld.idx.msk [tilespmem:v24+s29+$0x0], $0xffff  }
0x3ef: {  	v34 =	vor.u32 $0x3, v34;
	v10 =	vmul.f32 v10, v17;
	v22 =	vmul.f32 v22, v17;
	v38 =	vld.idx.msk [tilespmem:v38+s29+$0x0], $0xffff  }
0x3f0: {  	v37 =	vld.idx.msk [tilespmem:v37+s29+$0x0], $0xffff;
	v33 =	vor.u32 $0x3, v33;
	v31 =	vmul.f32 v31, v17;
	v30 =	vmul.f32 v30, v17  }
0x3f1: {  	v26 =	vmul.f32 v26, v17;
	v35 =	vmul.f32 v35, v17;
	v10 =	vadd.f32 v10, v63  }
0x3f2: {  	v20 =	vld.idx.msk [tilespmem:v20+s29+$0x0], $0xffff;
	v32 =	vmul.f32 v32, v27;
	v21 =	vmul.f32 v21, v27;
	v31 =	vadd.f32 v31, v58  }
0x3f3: {  	v15 =	vld.idx.msk [tilespmem:v15+s29+$0x0], $0xffff;
	v1 =	vadd.f32 v22, v1;
	v22 =	vmul.f32 v36, v17;
	v10 =	vadd.f32 v13, v10  }
0x3f4: {  	v29 =	vld.idx.msk [tilespmem:v29+s29+$0x0], $0xffff;
	v24 =	vmul.f32 v24, v27;
	v13 =	vmul.f32 v38, v27;
	v27 =	vadd.f32 v28, v31  }
0x3f5: {  	v34 =	vld.idx.msk [tilespmem:v34+s29+$0x0], $0xffff;
	v30 =	vadd.f32 v30, v62;
	v17 =	vmul.f32 v37, v17;
	v35 =	vadd.f32 v35, v57  }
0x3f6: {  	v47 =	vmul.f32 v47, v14;
	v33 =	vld.idx.msk [tilespmem:v33+s29+$0x0], $0xffff;
	v22 =	vadd.f32 v22, v61;
	v16 =	vadd.f32 v16, v27  }
0x3f7: {  	v19 =	vld.idx.msk [tilespmem:v19+s29+$0x0], $0xffff;
	v39 =	vmul.f32 v39, v14;
	v17 =	vadd.f32 v17, v59;
	v1 =	vadd.f32 v50, v1  }
0x3f8: {  	v6 =	vmul.f32 v6, v14;
	v25 =	vadd.f32 v25, v30;
	v0 =	vadd.f32 v0, v16;
	v16 =	vld [tilespmem:$0x1FDD0]  }
0x3f9: {  	v20 =	vmul.f32 v20, v14;
	v21 =	vadd.f32 v21, v35;
	v13 =	vadd.f32 v13, v17;
	v17 =	vld.idx.msk [tilespmem:v41+s29+$0x0], $0xffff  }
0x3fa: {  	v3 =	vld.idx.msk [tilespmem:v3+s29+$0x0], $0xffff;
	v1 =	vadd.f32 v39, v1;
	v22 =	vadd.f32 v24, v22;
	v24 =	vmul.f32 v29, v14  }
0x3fb: {  	v4 =	vld.idx.msk [tilespmem:v4+s29+$0x0], $0xffff;
	v28 =	vmul.f32 v34, v14;
	v6 =	vadd.f32 v6, v25;
	v14 =	vmul.f32 v33, v14  }
0x3fc: {  	v10 =	vadd.f32 v47, v10;
	v21 =	vadd.f32 v24, v21;
	v24 =	vld.idx.msk [tilespmem:v51+s29+$0x0], $0xffff  }
0x3fd: {  	v1 =	vadd.f32 v8, v1;
	v8 =	vmul.f32 v19, v54;
	v13 =	vadd.f32 v14, v13;
	v14 =	vld.idx.msk [tilespmem:v49+s29+$0x0], $0xffff  }
0x3fe: {  	v6 =	vadd.f32 v9, v6;
	v22 =	vadd.f32 v28, v22;
	v9 =	vmul.f32 v17, v54  }
0x3ff: {  	v15 =	vmul.f32 v15, v54;
	v3 =	vmul.f32 v3, v40;
	v5 =	vadd.f32 v5, v10;
	v10 =	vld.idx.msk [tilespmem:v45+s29+$0x0], $0xffff  }
0x400: {  	v4 =	vmul.f32 v4, v40;
	v8 =	vadd.f32 v8, v22;
	v9 =	vadd.f32 v9, v13;
	v16 =	vld.idx.msk [tilespmem:v16+s29+$0x0], $0xffff  }
0x401: {  	v15 =	vadd.f32 v15, v21;
	v17 =	vmul.f32 v24, v40  }
0x402: {  	v3 =	vadd.f32 v3, v8;
	v8 =	vmul.f32 v14, v23;
	v4 =	vadd.f32 v4, v9  }
0x403: {  	v14 =	vadd.f32 v17, v15  }
0x404: {  	v4 =	vadd.f32 v8, v4  }
0x405: {  	v8 =	vmul.f32 v10, v18;
	v10 =	vadd.f32 v46, v14;
	v14 =	vmul.f32 v16, v23;
	v16 =	vld [tilespmem:$0x1FD60]  }
0x406: {  	v3 =	vadd.f32 v48, v3;
	_ =	sdelay $0x1  }
0x407: {  	v3 =	vadd.f32 v43, v3;
	_ =	sdelay $0x1  }
0x408: {  	v3 =	vadd.f32 v16, v3;
	v16 =	vld [tilespmem:$0x1FD70];
	_ =	sdelay $0x2  }
0x409: {  	v4 =	vadd.f32 v8, v4;
	_ =	sdelay $0x1  }
0x40a: {  	v4 =	vadd.f32 v16, v4;
	v16 =	vld [tilespmem:$0x1FCC0];
	_ =	sdelay $0x1  }
0x40b: {  	v2 =	vld.idx.msk [tilespmem:v2+s29+$0x0], $0xffff  }
0x40c: {  	v26 =	vadd.f32 v26, v60  }
0x40d: {  	v13 =	vld [tilespmem:$0x1FDC0]  }
0x40e: {  	v26 =	vadd.f32 v32, v26;
	v3 =	vmul.f32 v3, v16;
	v16 =	vld [tilespmem:$0x1FCF0];
	_ =	sdelay $0x1  }
0x40f: {  	v2 =	vmul.f32 v2, v54;
	v20 =	vadd.f32 v20, v26  }
0x410: {  	v19 =	vld.idx.msk [tilespmem:v44+s29+$0x0], $0xffff  }
0x411: {  	v2 =	vadd.f32 v2, v20;
	v20 =	vld [tilespmem:$0x1FDB0]  }
0x412: {  	v4 =	vmul.f32 v4, v16;
	v16 =	vld [tilespmem:$0x1FD40]  }
0x413: {  	v9 =	vld [tilespmem:$0x1FDA0]  }
0x414: {  	v3 =	vadd.f32 v4, v3;
	v4 =	vld [tilespmem:$0x1FCE0]  }
0x415: {  	v10 =	vadd.f32 v42, v10;
	v13 =	vld.idx.msk [tilespmem:v13+s29+$0x0], $0xffff  }
0x416: {  	v15 =	vmul.f32 v19, v40;
	v17 =	vld [tilespmem:$0x1FD00]  }
0x417: {  	v10 =	vadd.f32 v16, v10  }
0x418: {  	v2 =	vadd.f32 v15, v2  }
0x419: {  	v4 =	vmul.f32 v10, v4;
	v10 =	vld [tilespmem:$0x1FD50]  }
0x41a: {  	v20 =	vld.idx.msk [tilespmem:v20+s29+$0x0], $0xffff;
	v2 =	vadd.f32 v14, v2;
	v8 =	vmul.f32 v13, v18  }
0x41b: {  	v3 =	vadd.f32 v4, v3;
	v4 =	vld [tilespmem:$0x1FCA0]  }
0x41c: {  	v9 =	vld.idx.msk [tilespmem:v9+s29+$0x0], $0xffff;
	v2 =	vadd.f32 v8, v2  }
0x41d: {  	v15 =	vld [tilespmem:$0x1FC70]  }
0x41e: {  	v17 =	vld.idx.msk [tilespmem:v17+s29+$0x0], $0xffff;
	v2 =	vadd.f32 v10, v2  }
0x41f: {  	v0 =	vadd.f32 v52, v0;
	v14 =	vld [tilespmem:$0x1FCD0];
	v13 =	vmul.f32 v20, v23  }
0x420: {  	v2 =	vmul.f32 v2, v4;
	v4 =	vld [tilespmem:$0x1FD20]  }
0x421: {  	v9 =	vmul.f32 v9, v18;
	v0 =	vadd.f32 v13, v0;
	v13 =	vld [tilespmem:$0x1FC50]  }
0x422: {  	v2 =	vadd.f32 v2, v3;
	v3 =	vld [tilespmem:$0x1FCB0]  }
0x423: {  	v0 =	vadd.f32 v9, v0  }
0x424: {  	v9 =	vld [tilespmem:$0x1FC60]  }
0x425: {  	v10 =	vld [tilespmem:$0x1FD80];
	v0 =	vadd.f32 v4, v0  }
0x426: {  	v6 =	vadd.f32 v56, v6;
	v15 =	vld.idx.msk [tilespmem:v15+s29+$0x0], $0xffff;
	v8 =	vmul.f32 v17, v23  }
0x427: {  	v0 =	vmul.f32 v0, v3;
	v3 =	vld [tilespmem:$0x1FD30]  }
0x428: {  	v6 =	vadd.f32 v8, v6;
	v14 =	vld.idx.msk [tilespmem:v14+s29+$0x0], $0xffff  }
0x429: {  	v0 =	vadd.f32 v0, v2;
	v2 =	vld [tilespmem:$0x1FC90]  }
0x42a: {  	v13 =	vld.idx.msk [tilespmem:v13+s29+$0x0], $0xffff;
	v6 =	vadd.f32 v10, v6  }
0x42b: {  	v4 =	vld [tilespmem:$0x1FD90]  }
0x42c: {  	v5 =	vadd.f32 v53, v5;
	v8 =	vmul.f32 v15, v23;
	v9 =	vld.idx.msk [tilespmem:v9+s29+$0x0], $0xffff;
	v3 =	vadd.f32 v3, v6  }
0x42d: {  	v1 =	vadd.f32 v55, v1;
	v10 =	vld [tilespmem:$0x1FC80]  }
0x42e: {  	v5 =	vadd.f32 v8, v5;
	v8 =	vmul.f32 v14, v23;
	v2 =	vmul.f32 v3, v2;
	v3 =	vld [tilespmem:$0x1FD10];
	_ =	sdelay $0x1  }
0x42f: {  	v1 =	vadd.f32 v8, v1;
	v4 =	vadd.f32 v4, v5;
	v5 =	vmul.f32 v13, v18;
	_ =	sdelay $0x1  }
0x430: {  	v13 =	vld [tilespmem:$0x1FFF0];
	v1 =	vadd.f32 v5, v1;
	v5 =	vmul.f32 v9, v11  }
0x431: {  	v6 =	vmul.f32 v12, v10;
	v3 =	vadd.f32 v3, v4  }
0x432: {  	s28 =	sadd.s32 $0xFFFFFF00, s10;
	v7 =	vmul.f32 v7, v10;
	v1 =	vadd.f32 v5, v1  }
0x433: {  	s26 =	sadd.s32 $0xFFFFFE00, s10;
	v8 =	vmov s28;
	v0 =	vadd.f32 v2, v0;
	v2 =	vmul.f32 v3, v6  }
0x434: {  	v1 =	vmul.f32 v1, v7;
	v4 =	vmov s26;
	v3 =	vshll.u32 v8, $0x4  }
0x435: {  	v4 =	vshll.u32 v4, $0x4;
	v3 =	vor.u32 v13, v3;
	v0 =	vadd.f32 v2, v0  }
0x436: {  	v8 =	vor.u32 v13, v4;
	v4 =	vor.u32 $0x8, v3  }
0x437: {  	v7 =	vor.u32 $0x8, v8;
	v0 =	vadd.f32 v1, v0  }
0x438: {  	s30 =	sadd.s32 $0xFFFFFD00, s10;
	v10 =	vor.u32 $0x7, v8  }
0x439: {  	s24 =	sadd.s32 $0x10, s24;
	v12 =	vor.u32 $0x5, v8;
	v2 =	vmov s30;
	v0 =	vmax.f32 v0, $0.0e+00  }
0x43a: {  	v2 =	vshll.u32 v2, $0x4;
	[tilespmem:s24+$0x0] =	vst v0  }
0x43b: {  	s28 =	sadd.s32 $0xFFFFFC00, s10;
	v6 =	vmov s10;
	v5 =	vor.u32 v13, v2;
	v15 =	vld.idx.msk [tilespmem:v4+s29+$0x0], $0xffff  }
0x43c: {  	v1 =	vor.u32 $0x7, v3;
	v2 =	vshll.u32 v6, $0x4;
	v6 =	vmov s28;
	v20 =	vld.idx.msk [tilespmem:v7+s29+$0x0], $0xffff  }
0x43d: {  	v9 =	vor.u32 $0x8, v5;
	v6 =	vshll.u32 v6, $0x4;
	v2 =	vor.u32 v13, v2;
	v19 =	vld.idx.msk [tilespmem:v10+s29+$0x0], $0xffff  }
0x43e: {  	s25 =	sadd.s32 $0x10, s25;
	v0 =	vor.u32 v13, v6;
	v4 =	vor.u32 $0x5, v2;
	v56 =	vld.idx.msk [tilespmem:v12+s29+$0x0], $0xffff  }
0x43f: {  	s30 =	sadd.s32 $0xFFFFFB00, s10;
	v11 =	vor.u32 $0x8, v0;
	v25 =	vld [tilespmem:s25+$0xFFFFFC00]  }
0x440: {  	v6 =	vmov s30;
	v7 =	vor.u32 $0x5, v3;
	v38 =	vld [tilespmem:s25+$0xFFFFFB00]  }
0x441: {  	v6 =	vshll.u32 v6, $0x4;
	v14 =	vld.idx.msk [tilespmem:v1+s29+$0x0], $0xffff;
	v1 =	vor.u32 $0x4, v2  }
0x442: {  	s28 =	sadd.s32 $0xFFFFF900, s10;
	v29 =	vor.u32 v13, v6;
	v27 =	vld.idx.msk [tilespmem:v9+s29+$0x0], $0xffff  }
0x443: {  	v10 =	vmov s28;
	v6 =	vor.u32 $0x8, v29;
	v9 =	vld.idx.msk [tilespmem:v4+s29+$0x0], $0xffff  }
0x444: {  	s30 =	sadd.s32 $0xFFFFFA00, s10;
	v4 =	vshll.u32 v10, $0x4;
	v28 =	vld.idx.msk [tilespmem:v11+s29+$0x0], $0xffff;
	v11 =	vor.u32 $0x4, v3  }
0x445: {  	v10 =	vmov s30;
	v52 =	vld.idx.msk [tilespmem:v7+s29+$0x0], $0xffff;
	v7 =	vor.u32 $0x3, v2;
	v34 =	vor.u32 v13, v4  }
0x446: {  	v4 =	vshll.u32 v10, $0x4;
	v17 =	vld.idx.msk [tilespmem:v1+s29+$0x0], $0xffff;
	v10 =	vor.u32 $0x8, v34  }
0x447: {  	v12 =	vld.idx.msk [tilespmem:v29+s29+$0x0], $0xffff;
	v33 =	vor.u32 v13, v4;
	v4 =	vor.u32 $0x7, v29  }
0x448: {  	v30 =	vld.idx.msk [tilespmem:v6+s29+$0x0], $0xffff;
	v6 =	vor.u32 $0x5, v5  }
0x449: {  	v21 =	vld.idx.msk [tilespmem:v11+s29+$0x0], $0xffff  }
0x44a: {  	v39 =	vld.idx.msk [tilespmem:v7+s29+$0x0], $0xffff  }
0x44b: {  	v1 =	vor.u32 $0x8, v33;
	v31 =	vld.idx.msk [tilespmem:v10+s29+$0x0], $0xffff  }
0x44c: {  	v11 =	vor.u32 $0x4, v8;
	v35 =	vld.idx.msk [tilespmem:v4+s29+$0x0], $0xffff  }
0x44d: {  	v7 =	vor.u32 $0x3, v3;
	v26 =	vld.idx.msk [tilespmem:v6+s29+$0x0], $0xffff  }
0x44e: {  	v6 =	vld.idx.msk [tilespmem:v8+s29+$0x0], $0xffff  }
0x44f: {  	v10 =	vor.u32 $0x7, v34;
	v23 =	vld.idx.msk [tilespmem:v33+s29+$0x0], $0xffff  }
0x450: {  	v4 =	vor.u32 $0x6, v29;
	v32 =	vld.idx.msk [tilespmem:v1+s29+$0x0], $0xffff  }
0x451: {  	v24 =	vld.idx.msk [tilespmem:v11+s29+$0x0], $0xffff  }
0x452: {  	v47 =	vld.idx.msk [tilespmem:v7+s29+$0x0], $0xffff  }
0x453: {  	v1 =	vor.u32 $0x2, v2;
	v11 =	vld.idx.msk [tilespmem:v0+s29+$0x0], $0xffff  }
0x454: {  	v36 =	vld.idx.msk [tilespmem:v10+s29+$0x0], $0xffff  }
0x455: {  	v7 =	vor.u32 $0x4, v5;
	v37 =	vld.idx.msk [tilespmem:v4+s29+$0x0], $0xffff  }
0x456: {  	v13 =	vor.u32 $0x7, v2;
	v4 =	vld.idx.msk [tilespmem:v3+s29+$0x0], $0xffff  }
0x457: {  	[tilespmem:$0x1FC50] =	vst v13;
	v13 =	vor.u32 $0x8, v2;
	v10 =	vld.idx.msk [tilespmem:v5+s29+$0x0], $0xffff  }
0x458: {  	[tilespmem:$0x1FC60] =	vst v13;
	v13 =	vor.u32 $0x6, v3;
	v50 =	vld.idx.msk [tilespmem:v1+s29+$0x0], $0xffff  }
0x459: {  	v53 =	vor.u32 $0x2, v8;
	[tilespmem:$0x1FC70] =	vst v13;
	v13 =	vor.u32 $0x3, v8;
	v1 =	vld.idx.msk [tilespmem:v2+s29+$0x0], $0xffff  }
0x45a: {  	v22 =	vor.u32 $0x2, v3;
	v55 =	vor.u32 $0x3, v5;
	v18 =	vor.u32 $0x1, v2;
	v41 =	vld.idx.msk [tilespmem:v7+s29+$0x0], $0xffff  }
0x45b: {  	v54 =	vor.u32 $0x6, v34;
	v62 =	vmul.f32 $2.820948060e-01, v6;
	v2 =	vor.u32 $0x6, v2;
	v7 =	vld [tilespmem:s25+$0xFFFFFD00]  }
0x45c: {  	v59 =	vmul.f32 $2.820948060e-01, v23;
	[tilespmem:$0x1FCD0] =	vst v2;
	v2 =	vor.u32 $0x7, v5;
	v60 =	vmul.f32 $2.820948060e-01, v11;
	v11 =	vld [tilespmem:s25+$0x500]  }
0x45d: {  	v16 =	vld.idx.msk [tilespmem:v34+s29+$0x0], $0xffff;
	v23 =	vor.u32 $0x1, v3;
	v3 =	vmul.f32 v25, v38;
	[tilespmem:$0x1FDA0] =	vst v2;
	v2 =	vor.u32 $0x6, v8  }
0x45e: {  	v6 =	vld.idx.msk [tilespmem:v13+s29+$0x0], $0xffff;
	[tilespmem:$0x1FD00] =	vst v2;
	v2 =	vor.u32 $0x7, v0;
	v63 =	vmul.f32 $2.820948060e-01, v4;
	v4 =	vsub.f32 $1.000000000e+00, v25  }
0x45f: {  	v13 =	vld.idx.msk [tilespmem:v22+s29+$0x0], $0xffff;
	[tilespmem:$0x1FDC0] =	vst v2;
	v2 =	vor.u32 $0x6, v5;
	v58 =	vmul.f32 $2.820948060e-01, v10;
	v10 =	vsub.f32 $1.000000000e+00, v38  }
0x460: {  	v57 =	vmul.f32 $2.820948060e-01, v12;
	v22 =	vld.idx.msk [tilespmem:v18+s29+$0x0], $0xffff;
	[tilespmem:$0x1FDB0] =	vst v2;
	v2 =	vor.u32 $0x6, v0;
	v18 =	vmul.f32 v4, v38  }
0x461: {  	v48 =	vld.idx.msk [tilespmem:v54+s29+$0x0], $0xffff;
	[tilespmem:$0x1FC80] =	vst v3;
	v54 =	vmul.f32 v25, v10;
	v12 =	vsub.f32 $1.000000000e+00, v7;
	v20 =	vmul.f32 v20, v11  }
0x462: {  	[tilespmem:$0x1FDD0] =	vst v2;
	v10 =	vmul.f32 v4, v10;
	v4 =	vmul.f32 v18, v7  }
0x463: {  	v8 =	vor.u32 $0x1, v8;
	v40 =	vmul.f32 v12, v54;
	[tilespmem:$0x1FD30] =	vst v20  }
0x464: {  	v61 =	vmul.f32 $2.820948060e-01, v16;
	v16 =	vld.idx.msk [tilespmem:v55+s29+$0x0], $0xffff;
	v20 =	vmul.f32 v30, v11;
	[tilespmem:$0x1FC90] =	vst v4  }
0x465: {  	v44 =	vor.u32 $0x5, v0;
	v55 =	vor.u32 $0x2, v5;
	v25 =	vld.idx.msk [tilespmem:v53+s29+$0x0], $0xffff;
	v4 =	vmul.f32 v7, v54;
	[tilespmem:$0x1FCE0] =	vst v40  }
0x466: {  	v51 =	vor.u32 $0x5, v29;
	v5 =	vor.u32 $0x1, v5;
	v54 =	vld [tilespmem:s25+$0x100];
	[tilespmem:$0x1FD40] =	vst v20;
	v20 =	vmul.f32 v28, v11  }
0x467: {  	v45 =	vor.u32 $0x7, v33;
	v1 =	vmul.f32 $2.820948060e-01, v1;
	v40 =	vld [tilespmem:s25+$0x200];
	[tilespmem:$0x1FCA0] =	vst v4;
	v4 =	vmul.f32 v12, v18  }
0x468: {  	v49 =	vor.u32 $0x6, v33;
	v15 =	vmul.f32 v15, v11;
	v30 =	vld.idx.msk [tilespmem:v8+s29+$0x0], $0xffff;
	[tilespmem:$0x1FD50] =	vst v20;
	v20 =	vmul.f32 v31, v11  }
0x469: {  	v3 =	vor.u32 $0x5, v34;
	v27 =	vmul.f32 v27, v11;
	v18 =	vld [tilespmem:s25+$0x400];
	[tilespmem:$0x1FCB0] =	vst v4;
	v4 =	vmul.f32 v12, v10  }
0x46a: {  	v2 =	vor.u32 $0x4, v0;
	v28 =	vld.idx.msk [tilespmem:v55+s29+$0x0], $0xffff;
	v10 =	vmul.f32 v10, v7;
	[tilespmem:$0x1FD60] =	vst v20;
	v20 =	vmul.f32 v32, v11  }
0x46b: {  	[tilespmem:$0x1FD10] =	vst v15;
	v15 =	vor.u32 $0x4, v29;
	v31 =	vld.idx.msk [tilespmem:v5+s29+$0x0], $0xffff;
	v5 =	vmul.f32 v21, v54;
	v8 =	vmul.f32 v17, v54  }
0x46c: {  	v32 =	vor.u32 $0x1, v0;
	[tilespmem:$0x1FCF0] =	vst v10;
	v10 =	vld.idx.msk [tilespmem:v23+s29+$0x0], $0xffff;
	v53 =	vmul.f32 v52, v40;
	v55 =	vmul.f32 v9, v40  }
0x46d: {  	p0 =	sne.s32 s10, $0x7F0;
	[tilespmem:$0x1FD20] =	vst v27;
	v21 =	vor.u32 $0x2, v29;
	v23 =	vld [tilespmem:s25+$0x300];
	v52 =	vmul.f32 v26, v40;
	v56 =	vmul.f32 v56, v40  }
.Ltmp5:
0x46e: {  	[tilespmem:$0x1FCC0] =	vst v4;
	v4 =	vor.u32 $0x5, v33;
	v9 =	vmul.f32 v24, v54;
	v19 =	vmul.f32 v19, v18;
	(pc) =	sbr.rel @p0 .LBB2_13-.Ltmp5, $4  }
0x46f: {  	v27 =	vld [tilespmem:s25+$0xFFFFFF00];
	[tilespmem:$0x1FD70] =	vst v20;
	v20 =	vor.u32 $0x3, v0;
	v14 =	vmul.f32 v14, v18;
	v43 =	vmul.f32 v36, v18  }
0x470: {  	v17 =	vld [tilespmem:s25+$0xFFFFFE00];
	v42 =	vmul.f32 v35, v18;
	v35 =	vor.u32 $0x1, v29;
	v36 =	vor.u32 $0x1, v34  }
0x471: {  	[tilespmem:$0x1FD80] =	vst v19;
	v19 =	vor.u32 $0x4, v34;
	v26 =	vld.idx.msk [tilespmem:v32+s29+$0x0], $0xffff;
	v32 =	vor.u32 $0x2, v0;
	v0 =	vmul.f32 v41, v54  }
0x472: {  	s10 =	sadd.s32 $0x10, s10;
	[tilespmem:$0x1FD90] =	vst v14;
	v14 =	vld [tilespmem:s25+$0x0];
	v48 =	vmul.f32 v48, v23;
	v46 =	vmul.f32 v37, v23;
	v37 =	vor.u32 $0x1, v33  }
0x473: {  	_ =	sdelay $0x3  }
0x474: {  	v24 =	vld.idx.msk [tilespmem:v35+s29+$0x0], $0xffff  }
0x475: {  	v41 =	vld.idx.msk [tilespmem:v36+s29+$0x0], $0xffff  }
0x476: {  	v36 =	vld.idx.msk [tilespmem:v37+s29+$0x0], $0xffff  }
0x477: {  	v21 =	vld.idx.msk [tilespmem:v21+s29+$0x0], $0xffff  }
0x478: {  	v20 =	vld.idx.msk [tilespmem:v20+s29+$0x0], $0xffff  }
0x479: {  	v2 =	vld.idx.msk [tilespmem:v2+s29+$0x0], $0xffff  }
0x47a: {  	v15 =	vld.idx.msk [tilespmem:v15+s29+$0x0], $0xffff  }
0x47b: {  	v37 =	vor.u32 $0x2, v34;
	v19 =	vld.idx.msk [tilespmem:v19+s29+$0x0], $0xffff  }
0x47c: {  	v34 =	vor.u32 $0x3, v34;
	v3 =	vld.idx.msk [tilespmem:v3+s29+$0x0], $0xffff  }
0x47d: {  	v4 =	vld.idx.msk [tilespmem:v4+s29+$0x0], $0xffff;
	v22 =	vmul.f32 v22, v17;
	v30 =	vmul.f32 v30, v17  }
0x47e: {  	v35 =	vld [tilespmem:$0x1FDA0];
	v10 =	vmul.f32 v10, v17  }
0x47f: {  	v31 =	vmul.f32 v31, v17;
	v1 =	vadd.f32 v22, v1;
	v22 =	vadd.f32 v30, v62;
	v30 =	vld.idx.msk [tilespmem:v32+s29+$0x0], $0xffff  }
0x480: {  	v38 =	vor.u32 $0x2, v33;
	v10 =	vadd.f32 v10, v63;
	v63 =	vld.idx.msk [tilespmem:v37+s29+$0x0], $0xffff  }
0x481: {  	v29 =	vor.u32 $0x3, v29;
	v31 =	vadd.f32 v31, v58;
	v58 =	vmul.f32 v50, v27;
	v37 =	vld.idx.msk [tilespmem:v34+s29+$0x0], $0xffff  }
0x482: {  	v34 =	vld [tilespmem:$0x1FDB0]  }
0x483: {  	v26 =	vmul.f32 v26, v17;
	v41 =	vmul.f32 v41, v17;
	v1 =	vadd.f32 v58, v1;
	v58 =	vld.idx.msk [tilespmem:v51+s29+$0x0], $0xffff  }
0x484: {  	v25 =	vmul.f32 v25, v27;
	v51 =	vld [tilespmem:$0x1FCA0]  }
0x485: {  	v24 =	vmul.f32 v24, v17;
	v26 =	vadd.f32 v26, v60;
	v32 =	vadd.f32 v41, v61;
	v41 =	vld.idx.msk [tilespmem:v38+s29+$0x0], $0xffff  }
0x486: {  	v60 =	vor.u32 $0x3, v33;
	v22 =	vadd.f32 v25, v22;
	v25 =	vmul.f32 v28, v27;
	v61 =	vld.idx.msk [tilespmem:v29+s29+$0x0], $0xffff  }
0x487: {  	v62 =	vmul.f32 v36, v17;
	v36 =	vor.u32 $0x4, v33;
	v38 =	vld [tilespmem:$0x1FC70]  }
0x488: {  	v21 =	vmul.f32 v21, v27;
	v24 =	vadd.f32 v24, v57;
	v25 =	vadd.f32 v25, v31;
	v31 =	vld [tilespmem:$0x1FDC0]  }
0x489: {  	v17 =	vadd.f32 v62, v59;
	v62 =	vmul.f32 v30, v27;
	v30 =	vld [tilespmem:$0x1FDD0]  }
0x48a: {  	v6 =	vmul.f32 v6, v14;
	v21 =	vadd.f32 v21, v24;
	v24 =	vmul.f32 v47, v14;
	v47 =	vld [tilespmem:$0x1FD50]  }
0x48b: {  	v13 =	vmul.f32 v13, v27;
	v50 =	vld.idx.msk [tilespmem:v60+s29+$0x0], $0xffff  }
0x48c: {  	v6 =	vadd.f32 v6, v22;
	v22 =	vld.idx.msk [tilespmem:v36+s29+$0x0], $0xffff  }
0x48d: {  	v10 =	vadd.f32 v13, v10;
	v36 =	vld [tilespmem:$0x1FD00]  }
0x48e: {  	v63 =	vmul.f32 v63, v27;
	v26 =	vadd.f32 v62, v26;
	v62 =	vld.idx.msk [tilespmem:v49+s29+$0x0], $0xffff  }
0x48f: {  	v16 =	vmul.f32 v16, v14;
	v10 =	vadd.f32 v24, v10;
	v24 =	vmul.f32 v37, v14;
	v37 =	vld [tilespmem:$0x1FD60]  }
0x490: {  	v6 =	vadd.f32 v9, v6;
	v29 =	vadd.f32 v63, v32;
	v63 =	vld.idx.msk [tilespmem:v44+s29+$0x0], $0xffff  }
0x491: {  	v16 =	vadd.f32 v16, v25;
	v44 =	vld [tilespmem:$0x1FD40]  }
0x492: {  	v6 =	vadd.f32 v56, v6;
	v56 =	vld [tilespmem:$0x1FD90]  }
0x493: {  	v27 =	vmul.f32 v41, v27;
	v41 =	vmul.f32 v39, v14;
	v0 =	vadd.f32 v0, v16;
	v16 =	vld.idx.msk [tilespmem:v34+s29+$0x0], $0xffff  }
0x494: {  	v24 =	vadd.f32 v24, v29;
	v29 =	vld.idx.msk [tilespmem:v45+s29+$0x0], $0xffff  }
0x495: {  	v13 =	vmul.f32 v61, v14;
	v1 =	vadd.f32 v41, v1;
	v41 =	vld [tilespmem:$0x1FCD0]  }
0x496: {  	v20 =	vmul.f32 v20, v14;
	v45 =	vld [tilespmem:$0x1FC50]  }
0x497: {  	v60 =	vmul.f32 v15, v54;
	v13 =	vadd.f32 v13, v21;
	v0 =	vadd.f32 v52, v0;
	v52 =	vld [tilespmem:$0x1FD20]  }
0x498: {  	v59 =	vmul.f32 v19, v54;
	v5 =	vadd.f32 v5, v10;
	v57 =	vmul.f32 v50, v14;
	v50 =	vld [tilespmem:$0x1FC60]  }
0x499: {  	v2 =	vmul.f32 v2, v54;
	v17 =	vadd.f32 v27, v17;
	v10 =	vadd.f32 v60, v13;
	v13 =	vld.idx.msk [tilespmem:v35+s29+$0x0], $0xffff  }
0x49a: {  	v3 =	vmul.f32 v3, v40;
	v61 =	vmul.f32 v22, v54;
	v9 =	vadd.f32 v59, v24;
	v59 =	vld [tilespmem:$0x1FC90]  }
0x49b: {  	v1 =	vadd.f32 v8, v1;
	v8 =	vmul.f32 v58, v40;
	v14 =	vadd.f32 v57, v17;
	v15 =	vld.idx.msk [tilespmem:v30+s29+$0x0], $0xffff  }
0x49c: {  	v4 =	vmul.f32 v4, v40;
	v20 =	vadd.f32 v20, v26;
	v33 =	vmul.f32 v63, v40;
	v40 =	vld [tilespmem:$0x1FD70]  }
0x49d: {  	v57 =	vld [tilespmem:$0x1FD30];
	v8 =	vadd.f32 v8, v10;
	v28 =	vadd.f32 v61, v14  }
0x49e: {  	v2 =	vadd.f32 v2, v20;
	v3 =	vadd.f32 v3, v9;
	v9 =	vld.idx.msk [tilespmem:v31+s29+$0x0], $0xffff  }
0x49f: {  	v32 =	vmul.f32 v62, v23;
	v10 =	vld.idx.msk [tilespmem:v36+s29+$0x0], $0xffff;
	v8 =	vadd.f32 v46, v8;
	v4 =	vadd.f32 v4, v28  }
0x4a0: {  	v2 =	vadd.f32 v33, v2;
	v14 =	vmul.f32 v29, v18;
	v3 =	vadd.f32 v48, v3;
	v46 =	vld [tilespmem:$0x1FCE0]  }
0x4a1: {  	v15 =	vmul.f32 v15, v23;
	v8 =	vadd.f32 v42, v8;
	v42 =	vld [tilespmem:$0x1FCC0];
	v4 =	vadd.f32 v32, v4  }
0x4a2: {  	v5 =	vadd.f32 v53, v5;
	v3 =	vadd.f32 v43, v3;
	v43 =	vld [tilespmem:$0x1FCF0]  }
0x4a3: {  	v48 =	vld [tilespmem:$0x1FD80];
	v9 =	vmul.f32 v9, v18;
	v2 =	vadd.f32 v15, v2;
	v4 =	vadd.f32 v14, v4  }
0x4a4: {  	v1 =	vadd.f32 v55, v1;
	v39 =	vmul.f32 v16, v23;
	v3 =	vadd.f32 v37, v3;
	v14 =	vld.idx.msk [tilespmem:v38+s29+$0x0], $0xffff  }
0x4a5: {  	v10 =	vmul.f32 v10, v23;
	v2 =	vadd.f32 v9, v2;
	v9 =	vld.idx.msk [tilespmem:v41+s29+$0x0], $0xffff;
	v4 =	vadd.f32 v40, v4  }
0x4a6: {  	v55 =	vld [tilespmem:$0x1FCB0];
	v0 =	vadd.f32 v39, v0;
	v13 =	vmul.f32 v13, v18;
	v8 =	vadd.f32 v44, v8  }
0x4a7: {  	v6 =	vadd.f32 v10, v6;
	v10 =	vld.idx.msk [tilespmem:v45+s29+$0x0], $0xffff;
	v3 =	vmul.f32 v3, v42;
	v4 =	vmul.f32 v4, v43  }
0x4a8: {  	v61 =	vld [tilespmem:$0x1FC80];
	v0 =	vadd.f32 v13, v0;
	v2 =	vadd.f32 v47, v2  }
0x4a9: {  	v13 =	vld.idx.msk [tilespmem:v50+s29+$0x0], $0xffff;
	v49 =	vmul.f32 v14, v23;
	v3 =	vadd.f32 v4, v3;
	v4 =	vmul.f32 v8, v46  }
0x4aa: {  	v60 =	vld [tilespmem:$0x1FD10];
	v0 =	vadd.f32 v52, v0;
	v6 =	vadd.f32 v48, v6;
	v9 =	vmul.f32 v9, v23  }
0x4ab: {  	v2 =	vmul.f32 v2, v51;
	v53 =	vadd.f32 v49, v5;
	v3 =	vadd.f32 v4, v3  }
0x4ac: {  	v54 =	vmul.f32 v10, v18;
	v1 =	vadd.f32 v9, v1;
	v4 =	vadd.f32 v57, v6  }
0x4ad: {  	v0 =	vmul.f32 v0, v55;
	v2 =	vadd.f32 v2, v3;
	v3 =	vadd.f32 v56, v53  }
0x4ae: {  	v62 =	vmul.f32 v12, v61;
	v58 =	vmul.f32 v13, v11;
	v1 =	vadd.f32 v54, v1  }
0x4af: {  	v0 =	vadd.f32 v0, v2;
	v2 =	vmul.f32 v4, v59;
	v3 =	vadd.f32 v60, v3  }
0x4b0: {  	v6 =	vmul.f32 v7, v61  }
0x4b1: {  	v1 =	vadd.f32 v58, v1;
	v0 =	vadd.f32 v2, v0;
	v63 =	vmul.f32 v3, v62;
	_ =	sdelay $0x1  }
0x4b2: {  	v1 =	vmul.f32 v1, v6;
	v0 =	vadd.f32 v63, v0;
	_ =	sdelay $0x1  }
0x4b3: {  	s10 =	sshll.u32 s23, $0x8;
	v0 =	vadd.f32 v1, v0  }
0x4b4: {  	s10 =	sadd.s32 s9, s10  }
0x4b5: {  	s30 =	sadd.s32 $0x10, s24;
	s10 =	sshrl.u32 s10, $0x3;
	v0 =	vmax.f32 v0, $0.0e+00  }
0x4b6: {  	s10 =	sadd.s32 s4, s10;
	[tilespmem:s30+$0x0] =	vst v0  }
0x4b7: {  	[hbm4b:s10+s5] =	stream.linear.scatter [tilespmem:s20], [sflag:$0x3], $0x100, $0x38;
	[tilespmem:$0x12D60] =	vst v63  }
0x4b8: {  	_ =	swait.ge [sflag:s12], $0x100  }
0x4b9: {  	s22 =	sadd.s32 $0x1, s22;
	v20 =	vld [tilespmem:$0x1FFF0]  }
0x4ba: {  	p0 =	sne.s32 s22, $0x40;
	v21 =	vld [tilespmem:$0x1FF90]  }
.Ltmp6:
0x4bb: {  	v22 =	vld [tilespmem:$0x1FFA0];
	(pc) =	sbr.rel @p0 .LBB2_4-.Ltmp6, $4  }
0x4bc: {  	v23 =	vld [tilespmem:$0x1FFB0]  }
0x4bd: {  	v24 =	vld [tilespmem:$0x1FFC0]  }
0x4be: {  	[sflag:s12] =	ssyncset.done $0x0;
	v25 =	vld [tilespmem:$0x1FFD0]  }
0x4bf: {  	v26 =	vld [tilespmem:$0x1FFE0];
	[sflag:s12] =	ssyncadd.s32 $0xFFFFFF00  }
0x4c0: {  	s22 =	rddreg [dreg:$0x8]  }
0x4c1: {  	s10 =	rddreg [dreg:$0x7];
	s22 =	sadd.s32 $0x1, s22  }
0x4c2: {  	p0 =	sne.s32 s22, s10  }
.Ltmp7:
0x4c3: {  	_ = 	snop;
	(pc) =	sbr.rel @p0 .LBB2_1-.Ltmp7, $1  }
0x4c4: {  	_ =	sdelay $0x3  }
0x4c5: {  	_ =	sfence.sel $0x180000  }
0x4c6: {  	[bflag:$0x0] =	sbarrier.arrive $0xFFFF  }
0x4c7: {  	_ =	strace $0x90000047  }
0x4c8: {  	s0 =	stileid.u32;
	[bflag:$0x2] =	sbarrier.arrive $0xFFFF  }
0x4c9: {  	p0 =	sne.s32 s0, $0x0;
	s0 =	rddreg [dreg:$0x4]  }
0x4ca: {  	s0 =	sadd.s32 @!p0 $0x100000, s0  }
0x4cb: {  	[sflag:s0] =	ssyncadd.tile.s32 @!p0 $0x1;
	_ =	shalt  }
.Lfunc_end2:
_tile_overlayer_lowered:
.L_overlay_start_2:
0x4cc: {  	(tag) =	ssettag $0x2  }
0x4cd: {  	s0 =	rddreg [dreg:$0x0];
	s2 =	stileid.u32  }
0x4ce: {  	s1 =	rddreg [dreg:$0x1];
	p0 =	sne.s32 s2, $0x0  }
0x4cf: {  	s3 =	rddreg [dreg:$0x2];
	[bflag:$0x3] =	sbarrier.arrive $0xFFFF;
	s2 =	simm.s32 @!p0 $0x1C03  }
0x4d0: {  	[timem:s3], [sflag:s2] =	dma.local @!p0 [hbm:s0], s1  }
0x4d1: {  	s0 =	simm.s32 @!p0 $0x3  }
0x4d2: {  	_ =	swait.ge @!p0 [sflag:s0], s1  }
0x4d3: {  	s1 =	ssub.s32 @!p0 $0x0, s1;
	[sflag:s0] =	ssyncset.done @!p0 $0x0  }
0x4d4: {  	[sflag:s0] =	ssyncadd.s32 @!p0 s1  }
0x4d5: {  	[bflag:$0x3] =	sbarrier.arrive $0xFFFF  }
0x4d6: {  	_ =	shalt  }

</sc_bundles>
